<compile_context>
chip_gen: v7x
topology: tpu7x:2x2x1
jax: 0.10.2.dev20260603
libtpu: 0.0.44.dev20260713+nightly
codegen_flags: <defaults>
</compile_context>

<pallas_src>
import functools

import jax
import jax.numpy as jnp
from jax import lax
from jax.experimental import pallas as pl
from jax.experimental.pallas import tpu as pltpu
from jax.experimental.pallas import tpu_sc as plsc

_NC = 2
_NS = 16
_NW = _NC * _NS
_L = 16
_G = 16
_R = 4


def _mf_kernel(B, F, u3, i3, u_bias1, i_bias1, u_idx, i_idx):
    b_per_w = B // _NW
    ng = b_per_w // _G
    nrow = b_per_w // 128
    nf1 = F // 8
    mesh = plsc.VectorSubcoreMesh(core_axis_name="c", subcore_axis_name="s")
    cp = pltpu.CompilerParams(needs_layout_passes=False)

    @functools.partial(
        pl.kernel,
        mesh=mesh,
        compiler_params=cp,
        out_type=jax.ShapeDtypeStruct((B,), jnp.float32),
        scratch_types=[
            pltpu.VMEM((b_per_w // 128, 128), jnp.int32),
            pltpu.VMEM((b_per_w // 128, 128), jnp.int32),
            pltpu.VMEM((_R, nf1, 8, 128), jnp.float32),
            pltpu.VMEM((_R, nf1, 8, 128), jnp.float32),
            pltpu.VMEM((b_per_w,), jnp.float32),
            pltpu.VMEM((b_per_w,), jnp.float32),
            pltpu.VMEM((128,), jnp.int32),
            pltpu.VMEM((b_per_w,), jnp.float32),
            pltpu.SemaphoreType.DMA,
            pltpu.SemaphoreType.DMA,
            pltpu.SemaphoreType.DMA,
            pltpu.SemaphoreType.DMA,
            pltpu.SemaphoreType.DMA,
        ],
    )
    def k(u3r, i3r, ub_hbm, ib_hbm, u_idx_hbm, i_idx_hbm,
          out_hbm, uidx_v, iidx_v, u_ring, i_ring, ub_v, ib_v, drain_v,
          out_v, sem0, sem1, sem2, sem3, bsem):
        sems = [sem0, sem1, sem2, sem3]
        wid = lax.axis_index("s") * _NC + lax.axis_index("c")
        base = wid * b_per_w

        for kk in range(nrow):
            pltpu.async_copy(u_idx_hbm.at[pl.ds(base + kk * 128, 128)],
                             uidx_v.at[kk], bsem)
            pltpu.async_copy(i_idx_hbm.at[pl.ds(base + kk * 128, 128)],
                             iidx_v.at[kk], bsem)
        for kk in range(2 * nrow):
            pltpu.make_async_copy(u_idx_hbm.at[pl.ds(0, 128)],
                                  uidx_v.at[0], bsem).wait()

        for kk in range(nrow):
            pltpu.async_copy(ub_hbm.at[uidx_v.at[kk]],
                             ub_v.at[pl.ds(kk * 128, 128)], bsem)
            pltpu.async_copy(ib_hbm.at[iidx_v.at[kk]],
                             ib_v.at[pl.ds(kk * 128, 128)], bsem)

        def idx_vecs(g):
            rb = g * _G
            uidx16 = uidx_v[rb // 128, pl.ds(rb % 128, _G)]
            iidx16 = iidx_v[rb // 128, pl.ds(rb % 128, _G)]
            return uidx16, iidx16

        def enqueue(uidx16, iidx16, j, slot):
            uc = pl.multiple_of(
                lax.shift_right_logical(uidx16[j], 7) * jnp.int32(128), 128)
            ic = pl.multiple_of(
                lax.shift_right_logical(iidx16[j], 7) * jnp.int32(128), 128)
            pltpu.async_copy(u3r.at[:, :, pl.ds(uc, 128)],
                             u_ring.at[slot], sems[slot])
            pltpu.async_copy(i3r.at[:, :, pl.ds(ic, 128)],
                             i_ring.at[slot], sems[slot])

        def wait_slot(slot):
            pltpu.make_async_copy(u3r.at[:, :, pl.ds(0, 128)],
                                  u_ring.at[slot], sems[slot]).wait()
            pltpu.make_async_copy(i3r.at[:, :, pl.ds(0, 128)],
                                  i_ring.at[slot], sems[slot]).wait()

        lane = lax.iota(jnp.int32, _L)
        f2v = lax.bitwise_and(lane, 7)
        f1v = lax.shift_right_logical(lane, 3)

        def compute(uidx16, iidx16, j, slot, out16):
            ucb = jnp.zeros((_L,), jnp.int32) + lax.bitwise_and(uidx16[j], 127)
            icb = jnp.zeros((_L,), jnp.int32) + lax.bitwise_and(iidx16[j], 127)
            acc = None
            for q in range(F // _L):
                f1q = f1v + (2 * q)
                uv = plsc.load_gather(u_ring.at[slot], [f1q, f2v, ucb])
                iv = plsc.load_gather(i_ring.at[slot], [f1q, f2v, icb])
                prod = uv * iv
                acc = prod if acc is None else acc + prod
            return out16 + jnp.where(lane == j, jnp.sum(acc), 0.0)

        u0, i0 = idx_vecs(0)
        enqueue(u0, i0, 0, 0)
        enqueue(u0, i0, 1, 1)
        enqueue(u0, i0, 2, 2)

        for kk in range(2 * nrow):
            pltpu.make_async_copy(
                u_idx_hbm.at[pl.ds(0, 128)],
                drain_v.at[pl.ds(0, 128)], bsem).wait()

        @pl.loop(0, ng)
        def _(g):
            uidx16, iidx16 = idx_vecs(g)
            un, inn = idx_vecs(jnp.minimum(g + 1, ng - 1))
            rb = g * _G
            out16 = ub_v[pl.ds(rb, _G)] + ib_v[pl.ds(rb, _G)]
            for j in range(_G):
                slot = (j + 3) % _R
                if j < _G - 3:
                    enqueue(uidx16, iidx16, j + 3, slot)
                else:
                    @pl.when(g + 1 < ng)
                    def _():
                        enqueue(un, inn, j + 3 - _G, slot)
                wait_slot(j % _R)
                out16 = compute(uidx16, iidx16, j, j % _R, out16)
            out_v[pl.ds(rb, _G)] = out16

        pltpu.sync_copy(out_v, out_hbm.at[pl.ds(base, b_per_w)])

    return k(u3, i3, u_bias1, i_bias1, u_idx, i_idx)


@jax.jit
def kernel(u_emb, i_emb, u_bias, i_bias, u_idx, i_idx):
    B = u_idx.shape[0]
    F = u_emb.shape[1]
    N = u_emb.shape[0]
    u3 = u_emb.T.reshape(F // 8, 8, N)
    i3 = i_emb.T.reshape(F // 8, 8, N)
    ub1 = u_bias.reshape(-1)
    ib1 = i_bias.reshape(-1)
    return _mf_kernel(
        B, F, u3, i3, ub1, ib1,
        u_idx.astype(jnp.int32), i_idx.astype(jnp.int32),
    )

# --- scband reference (transcript-rebuilt; emitter-appended) ---
"""Pipeline reference for scband-matrix-factorization-17093969838080 (READ-ONLY COPY).

The authoritative reference and input builder live on the scoring server;
editing this copy changes nothing except your own understanding.
"""

import jax, jax.numpy as jnp
import numpy as np

N_USERS = 1000000
N_ITEMS = 1000000
N_FACTORS = 64
BATCH = 16384


def setup_inputs(seed: int = 0) -> dict:
    key = jax.random.key(seed)
    k1, k2, k3, k4, k5, k6 = jax.random.split(key, 6)
    # xavier_normal for embeddings: std = sqrt(2/(fan_in+fan_out))
    std_emb = float(np.sqrt(2.0 / (N_USERS + N_FACTORS)))
    u_emb = jax.random.normal(k1, (N_USERS, N_FACTORS), dtype=jnp.float32) * std_emb
    std_emb_i = float(np.sqrt(2.0 / (N_ITEMS + N_FACTORS)))
    i_emb = jax.random.normal(k2, (N_ITEMS, N_FACTORS), dtype=jnp.float32) * std_emb_i
    # biases: standard normal init
    u_bias = jax.random.normal(k3, (N_USERS, 1), dtype=jnp.float32)
    i_bias = jax.random.normal(k4, (N_ITEMS, 1), dtype=jnp.float32)
    u_idx = jax.random.randint(k5, (BATCH,), 0, N_USERS, dtype=jnp.int64 if jax.config.jax_enable_x64 else jnp.int32)
    i_idx = jax.random.randint(k6, (BATCH,), 0, N_ITEMS, dtype=jnp.int64 if jax.config.jax_enable_x64 else jnp.int32)
    return {
        "u_emb": u_emb,
        "i_emb": i_emb,
        "u_bias": u_bias,
        "i_bias": i_bias,
        "u_idx": u_idx,
        "i_idx": i_idx,
    }


def reference(u_emb, i_emb, u_bias, i_bias, u_idx, i_idx):
    # Embedding lookups (gather rows)
    u_vec = jnp.take(u_emb, u_idx, axis=0)  # [B, F]
    i_vec = jnp.take(i_emb, i_idx, axis=0)  # [B, F]
    pred = jnp.sum(u_vec * i_vec, axis=1, keepdims=True)  # [B, 1]
    # biased=True branch
    pred = pred + jnp.take(u_bias, u_idx, axis=0) + jnp.take(i_bias, i_idx, axis=0)
    # normalize=False default -> return logits, squeezed
    return jnp.squeeze(pred)

if __name__ == "__main__":
    import jax
    _d = setup_inputs()
    print(jax.jit(kernel)(*tuple(_d.values())))

</pallas_src>

<mosaic_0001>
#map = affine_map<(d0, d1) -> (0, 0, 0)>
#map1 = affine_map<(d0, d1) -> (0)>
module attributes {stable_mosaic.version = 14 : i64} {
  func.func @k(%arg0: i32, %arg1: i32, %arg2: memref<8x8x1000000xf32, #tpu.memory_space<hbm>>, %arg3: memref<8x8x1000000xf32, #tpu.memory_space<hbm>>, %arg4: memref<1000000xf32, #tpu.memory_space<hbm>>, %arg5: memref<1000000xf32, #tpu.memory_space<hbm>>, %arg6: memref<16384xi32, #tpu.memory_space<hbm>>, %arg7: memref<16384xi32, #tpu.memory_space<hbm>>, %arg8: memref<16384xf32, #tpu.memory_space<hbm>>, %arg9: memref<4x128xi32, #tpu.memory_space<vmem>>, %arg10: memref<4x128xi32, #tpu.memory_space<vmem>>, %arg11: memref<4x8x8x128xf32, #tpu.memory_space<vmem>>, %arg12: memref<4x8x8x128xf32, #tpu.memory_space<vmem>>, %arg13: memref<512xf32, #tpu.memory_space<vmem>>, %arg14: memref<512xf32, #tpu.memory_space<vmem>>, %arg15: memref<128xi32, #tpu.memory_space<vmem>>, %arg16: memref<512xf32, #tpu.memory_space<vmem>>, %arg17: memref<!tpu.dma_semaphore, #tpu.memory_space<semaphore_mem>>, %arg18: memref<!tpu.dma_semaphore, #tpu.memory_space<semaphore_mem>>, %arg19: memref<!tpu.dma_semaphore, #tpu.memory_space<semaphore_mem>>, %arg20: memref<!tpu.dma_semaphore, #tpu.memory_space<semaphore_mem>>, %arg21: memref<!tpu.dma_semaphore, #tpu.memory_space<semaphore_mem>>) attributes {dimension_semantics = [#tpu.dimension_semantics<core_parallel>, #tpu.dimension_semantics<subcore_parallel>], iteration_bounds = array<i64: 2, 16>, scalar_prefetch = 0 : i64, scratch_operands = 13 : i64, tpu.core_type = #tpu.core_type<sc_vector_subcore>, window_params = [{transform_indices = #map}, {transform_indices = #map}, {transform_indices = #map1}, {transform_indices = #map1}, {transform_indices = #map1}, {transform_indices = #map1}, {transform_indices = #map1}]} {
    %mul3A = arith.constant 2 : i32
    %mul3A_0 = arith.muli %arg1, %mul3A : i32
    %add3A = arith.addi %mul3A_0, %arg0 : i32
    %mul3A_1 = arith.constant 512 : i32
    %mul3A_2 = arith.muli %add3A, %mul3A_1 : i32
    %add3A_3 = arith.constant 0 : i32
    %add3A_4 = arith.addi %mul3A_2, %add3A_3 : i32
    %dma_start3A = arith.constant 0 : i32
    %dma_start3A_5 = arith.constant 0 : i32
    %dma_start3A_6 = tpu.memref_slice %arg9[%dma_start3A, %dma_start3A_5] : memref<4x128xi32, #tpu.memory_space<vmem>> -> memref<1x128xi32, #tpu.memory_space<vmem>>
    %dma_start3A_7 = tpu.memref_squeeze %dma_start3A_6 : memref<1x128xi32, #tpu.memory_space<vmem>> -> memref<128xi32, #tpu.memory_space<vmem>>
    %dma_start3A_8 = tpu.memref_slice %arg6[%add3A_4] : memref<16384xi32, #tpu.memory_space<hbm>> -> memref<128xi32, #tpu.memory_space<hbm>>
    %dma_start3A_9 = arith.constant 0 : i32
    %dma_start3A_10 = tpu.memref_slice %arg9[%dma_start3A, %dma_start3A_9] : memref<4x128xi32, #tpu.memory_space<vmem>> -> memref<1x128xi32, #tpu.memory_space<vmem>>
    %dma_start3A_11 = tpu.memref_squeeze %dma_start3A_10 : memref<1x128xi32, #tpu.memory_space<vmem>> -> memref<128xi32, #tpu.memory_space<vmem>>
    %dma_start3A_12 = tpu.memref_slice %arg6[%add3A_4] : memref<16384xi32, #tpu.memory_space<hbm>> -> memref<128xi32, #tpu.memory_space<hbm>>
    tpu.enqueue_dma source(%dma_start3A_12 : memref<128xi32, #tpu.memory_space<hbm>>) target(%dma_start3A_11 : memref<128xi32, #tpu.memory_space<vmem>>) target_semaphore(%arg21 : memref<!tpu.dma_semaphore, #tpu.memory_space<semaphore_mem>>)
    %add3A_13 = arith.constant 0 : i32
    %add3A_14 = arith.addi %mul3A_2, %add3A_13 : i32
    %dma_start3A_15 = arith.constant 0 : i32
    %dma_start3A_16 = arith.constant 0 : i32
    %dma_start3A_17 = tpu.memref_slice %arg10[%dma_start3A_15, %dma_start3A_16] : memref<4x128xi32, #tpu.memory_space<vmem>> -> memref<1x128xi32, #tpu.memory_space<vmem>>
    %dma_start3A_18 = tpu.memref_squeeze %dma_start3A_17 : memref<1x128xi32, #tpu.memory_space<vmem>> -> memref<128xi32, #tpu.memory_space<vmem>>
    %dma_start3A_19 = tpu.memref_slice %arg7[%add3A_14] : memref<16384xi32, #tpu.memory_space<hbm>> -> memref<128xi32, #tpu.memory_space<hbm>>
    %dma_start3A_20 = arith.constant 0 : i32
    %dma_start3A_21 = tpu.memref_slice %arg10[%dma_start3A_15, %dma_start3A_20] : memref<4x128xi32, #tpu.memory_space<vmem>> -> memref<1x128xi32, #tpu.memory_space<vmem>>
    %dma_start3A_22 = tpu.memref_squeeze %dma_start3A_21 : memref<1x128xi32, #tpu.memory_space<vmem>> -> memref<128xi32, #tpu.memory_space<vmem>>
    %dma_start3A_23 = tpu.memref_slice %arg7[%add3A_14] : memref<16384xi32, #tpu.memory_space<hbm>> -> memref<128xi32, #tpu.memory_space<hbm>>
    tpu.enqueue_dma source(%dma_start3A_23 : memref<128xi32, #tpu.memory_space<hbm>>) target(%dma_start3A_22 : memref<128xi32, #tpu.memory_space<vmem>>) target_semaphore(%arg21 : memref<!tpu.dma_semaphore, #tpu.memory_space<semaphore_mem>>)
    %add3A_24 = arith.constant 128 : i32
    %add3A_25 = arith.addi %mul3A_2, %add3A_24 : i32
    %dma_start3A_26 = arith.constant 1 : i32
    %dma_start3A_27 = arith.constant 0 : i32
    %dma_start3A_28 = tpu.memref_slice %arg9[%dma_start3A_26, %dma_start3A_27] : memref<4x128xi32, #tpu.memory_space<vmem>> -> memref<1x128xi32, #tpu.memory_space<vmem>>
    %dma_start3A_29 = tpu.memref_squeeze %dma_start3A_28 : memref<1x128xi32, #tpu.memory_space<vmem>> -> memref<128xi32, #tpu.memory_space<vmem>>
    %dma_start3A_30 = tpu.memref_slice %arg6[%add3A_25] : memref<16384xi32, #tpu.memory_space<hbm>> -> memref<128xi32, #tpu.memory_space<hbm>>
    %dma_start3A_31 = arith.constant 0 : i32
    %dma_start3A_32 = tpu.memref_slice %arg9[%dma_start3A_26, %dma_start3A_31] : memref<4x128xi32, #tpu.memory_space<vmem>> -> memref<1x128xi32, #tpu.memory_space<vmem>>
    %dma_start3A_33 = tpu.memref_squeeze %dma_start3A_32 : memref<1x128xi32, #tpu.memory_space<vmem>> -> memref<128xi32, #tpu.memory_space<vmem>>
    %dma_start3A_34 = tpu.memref_slice %arg6[%add3A_25] : memref<16384xi32, #tpu.memory_space<hbm>> -> memref<128xi32, #tpu.memory_space<hbm>>
    tpu.enqueue_dma source(%dma_start3A_34 : memref<128xi32, #tpu.memory_space<hbm>>) target(%dma_start3A_33 : memref<128xi32, #tpu.memory_space<vmem>>) target_semaphore(%arg21 : memref<!tpu.dma_semaphore, #tpu.memory_space<semaphore_mem>>)
    %add3A_35 = arith.constant 128 : i32
    %add3A_36 = arith.addi %mul3A_2, %add3A_35 : i32
    %dma_start3A_37 = arith.constant 1 : i32
    %dma_start3A_38 = arith.constant 0 : i32
    %dma_start3A_39 = tpu.memref_slice %arg10[%dma_start3A_37, %dma_start3A_38] : memref<4x128xi32, #tpu.memory_space<vmem>> -> memref<1x128xi32, #tpu.memory_space<vmem>>
    %dma_start3A_40 = tpu.memref_squeeze %dma_start3A_39 : memref<1x128xi32, #tpu.memory_space<vmem>> -> memref<128xi32, #tpu.memory_space<vmem>>
    %dma_start3A_41 = tpu.memref_slice %arg7[%add3A_36] : memref<16384xi32, #tpu.memory_space<hbm>> -> memref<128xi32, #tpu.memory_space<hbm>>
    %dma_start3A_42 = arith.constant 0 : i32
    %dma_start3A_43 = tpu.memref_slice %arg10[%dma_start3A_37, %dma_start3A_42] : memref<4x128xi32, #tpu.memory_space<vmem>> -> memref<1x128xi32, #tpu.memory_space<vmem>>
    %dma_start3A_44 = tpu.memref_squeeze %dma_start3A_43 : memref<1x128xi32, #tpu.memory_space<vmem>> -> memref<128xi32, #tpu.memory_space<vmem>>
    %dma_start3A_45 = tpu.memref_slice %arg7[%add3A_36] : memref<16384xi32, #tpu.memory_space<hbm>> -> memref<128xi32, #tpu.memory_space<hbm>>
    tpu.enqueue_dma source(%dma_start3A_45 : memref<128xi32, #tpu.memory_space<hbm>>) target(%dma_start3A_44 : memref<128xi32, #tpu.memory_space<vmem>>) target_semaphore(%arg21 : memref<!tpu.dma_semaphore, #tpu.memory_space<semaphore_mem>>)
    %add3A_46 = arith.constant 256 : i32
    %add3A_47 = arith.addi %mul3A_2, %add3A_46 : i32
    %dma_start3A_48 = arith.constant 2 : i32
    %dma_start3A_49 = arith.constant 0 : i32
    %dma_start3A_50 = tpu.memref_slice %arg9[%dma_start3A_48, %dma_start3A_49] : memref<4x128xi32, #tpu.memory_space<vmem>> -> memref<1x128xi32, #tpu.memory_space<vmem>>
    %dma_start3A_51 = tpu.memref_squeeze %dma_start3A_50 : memref<1x128xi32, #tpu.memory_space<vmem>> -> memref<128xi32, #tpu.memory_space<vmem>>
    %dma_start3A_52 = tpu.memref_slice %arg6[%add3A_47] : memref<16384xi32, #tpu.memory_space<hbm>> -> memref<128xi32, #tpu.memory_space<hbm>>
    %dma_start3A_53 = arith.constant 0 : i32
    %dma_start3A_54 = tpu.memref_slice %arg9[%dma_start3A_48, %dma_start3A_53] : memref<4x128xi32, #tpu.memory_space<vmem>> -> memref<1x128xi32, #tpu.memory_space<vmem>>
    %dma_start3A_55 = tpu.memref_squeeze %dma_start3A_54 : memref<1x128xi32, #tpu.memory_space<vmem>> -> memref<128xi32, #tpu.memory_space<vmem>>
    %dma_start3A_56 = tpu.memref_slice %arg6[%add3A_47] : memref<16384xi32, #tpu.memory_space<hbm>> -> memref<128xi32, #tpu.memory_space<hbm>>
    tpu.enqueue_dma source(%dma_start3A_56 : memref<128xi32, #tpu.memory_space<hbm>>) target(%dma_start3A_55 : memref<128xi32, #tpu.memory_space<vmem>>) target_semaphore(%arg21 : memref<!tpu.dma_semaphore, #tpu.memory_space<semaphore_mem>>)
    %add3A_57 = arith.constant 256 : i32
    %add3A_58 = arith.addi %mul3A_2, %add3A_57 : i32
    %dma_start3A_59 = arith.constant 2 : i32
    %dma_start3A_60 = arith.constant 0 : i32
    %dma_start3A_61 = tpu.memref_slice %arg10[%dma_start3A_59, %dma_start3A_60] : memref<4x128xi32, #tpu.memory_space<vmem>> -> memref<1x128xi32, #tpu.memory_space<vmem>>
    %dma_start3A_62 = tpu.memref_squeeze %dma_start3A_61 : memref<1x128xi32, #tpu.memory_space<vmem>> -> memref<128xi32, #tpu.memory_space<vmem>>
    %dma_start3A_63 = tpu.memref_slice %arg7[%add3A_58] : memref<16384xi32, #tpu.memory_space<hbm>> -> memref<128xi32, #tpu.memory_space<hbm>>
    %dma_start3A_64 = arith.constant 0 : i32
    %dma_start3A_65 = tpu.memref_slice %arg10[%dma_start3A_59, %dma_start3A_64] : memref<4x128xi32, #tpu.memory_space<vmem>> -> memref<1x128xi32, #tpu.memory_space<vmem>>
    %dma_start3A_66 = tpu.memref_squeeze %dma_start3A_65 : memref<1x128xi32, #tpu.memory_space<vmem>> -> memref<128xi32, #tpu.memory_space<vmem>>
    %dma_start3A_67 = tpu.memref_slice %arg7[%add3A_58] : memref<16384xi32, #tpu.memory_space<hbm>> -> memref<128xi32, #tpu.memory_space<hbm>>
    tpu.enqueue_dma source(%dma_start3A_67 : memref<128xi32, #tpu.memory_space<hbm>>) target(%dma_start3A_66 : memref<128xi32, #tpu.memory_space<vmem>>) target_semaphore(%arg21 : memref<!tpu.dma_semaphore, #tpu.memory_space<semaphore_mem>>)
    %add3A_68 = arith.constant 384 : i32
    %add3A_69 = arith.addi %mul3A_2, %add3A_68 : i32
    %dma_start3A_70 = arith.constant 3 : i32
    %dma_start3A_71 = arith.constant 0 : i32
    %dma_start3A_72 = tpu.memref_slice %arg9[%dma_start3A_70, %dma_start3A_71] : memref<4x128xi32, #tpu.memory_space<vmem>> -> memref<1x128xi32, #tpu.memory_space<vmem>>
    %dma_start3A_73 = tpu.memref_squeeze %dma_start3A_72 : memref<1x128xi32, #tpu.memory_space<vmem>> -> memref<128xi32, #tpu.memory_space<vmem>>
    %dma_start3A_74 = tpu.memref_slice %arg6[%add3A_69] : memref<16384xi32, #tpu.memory_space<hbm>> -> memref<128xi32, #tpu.memory_space<hbm>>
    %dma_start3A_75 = arith.constant 0 : i32
    %dma_start3A_76 = tpu.memref_slice %arg9[%dma_start3A_70, %dma_start3A_75] : memref<4x128xi32, #tpu.memory_space<vmem>> -> memref<1x128xi32, #tpu.memory_space<vmem>>
    %dma_start3A_77 = tpu.memref_squeeze %dma_start3A_76 : memref<1x128xi32, #tpu.memory_space<vmem>> -> memref<128xi32, #tpu.memory_space<vmem>>
    %dma_start3A_78 = tpu.memref_slice %arg6[%add3A_69] : memref<16384xi32, #tpu.memory_space<hbm>> -> memref<128xi32, #tpu.memory_space<hbm>>
    tpu.enqueue_dma source(%dma_start3A_78 : memref<128xi32, #tpu.memory_space<hbm>>) target(%dma_start3A_77 : memref<128xi32, #tpu.memory_space<vmem>>) target_semaphore(%arg21 : memref<!tpu.dma_semaphore, #tpu.memory_space<semaphore_mem>>)
    %add3A_79 = arith.constant 384 : i32
    %add3A_80 = arith.addi %mul3A_2, %add3A_79 : i32
    %dma_start3A_81 = arith.constant 3 : i32
    %dma_start3A_82 = arith.constant 0 : i32
    %dma_start3A_83 = tpu.memref_slice %arg10[%dma_start3A_81, %dma_start3A_82] : memref<4x128xi32, #tpu.memory_space<vmem>> -> memref<1x128xi32, #tpu.memory_space<vmem>>
    %dma_start3A_84 = tpu.memref_squeeze %dma_start3A_83 : memref<1x128xi32, #tpu.memory_space<vmem>> -> memref<128xi32, #tpu.memory_space<vmem>>
    %dma_start3A_85 = tpu.memref_slice %arg7[%add3A_80] : memref<16384xi32, #tpu.memory_space<hbm>> -> memref<128xi32, #tpu.memory_space<hbm>>
    %dma_start3A_86 = arith.constant 0 : i32
    %dma_start3A_87 = tpu.memref_slice %arg10[%dma_start3A_81, %dma_start3A_86] : memref<4x128xi32, #tpu.memory_space<vmem>> -> memref<1x128xi32, #tpu.memory_space<vmem>>
    %dma_start3A_88 = tpu.memref_squeeze %dma_start3A_87 : memref<1x128xi32, #tpu.memory_space<vmem>> -> memref<128xi32, #tpu.memory_space<vmem>>
    %dma_start3A_89 = tpu.memref_slice %arg7[%add3A_80] : memref<16384xi32, #tpu.memory_space<hbm>> -> memref<128xi32, #tpu.memory_space<hbm>>
    tpu.enqueue_dma source(%dma_start3A_89 : memref<128xi32, #tpu.memory_space<hbm>>) target(%dma_start3A_88 : memref<128xi32, #tpu.memory_space<vmem>>) target_semaphore(%arg21 : memref<!tpu.dma_semaphore, #tpu.memory_space<semaphore_mem>>)
    %dma_wait3A = arith.constant 0 : i32
    %dma_wait3A_90 = arith.constant 0 : i32
    %dma_wait3A_91 = tpu.memref_slice %arg9[%dma_wait3A, %dma_wait3A_90] : memref<4x128xi32, #tpu.memory_space<vmem>> -> memref<1x128xi32, #tpu.memory_space<vmem>>
    %dma_wait3A_92 = tpu.memref_squeeze %dma_wait3A_91 : memref<1x128xi32, #tpu.memory_space<vmem>> -> memref<128xi32, #tpu.memory_space<vmem>>
    %dma_wait3A_93 = arith.constant 0 : i32
    %dma_wait3A_94 = tpu.memref_slice %arg6[%dma_wait3A_93] : memref<16384xi32, #tpu.memory_space<hbm>> -> memref<128xi32, #tpu.memory_space<hbm>>
    %dma_wait3A_95 = arith.constant 0 : i32
    %dma_wait3A_96 = tpu.memref_slice %arg9[%dma_wait3A, %dma_wait3A_95] : memref<4x128xi32, #tpu.memory_space<vmem>> -> memref<1x128xi32, #tpu.memory_space<vmem>>
    %dma_wait3A_97 = tpu.memref_squeeze %dma_wait3A_96 : memref<1x128xi32, #tpu.memory_space<vmem>> -> memref<128xi32, #tpu.memory_space<vmem>>
    %dma_wait3A_98 = arith.constant 0 : i32
    %dma_wait3A_99 = tpu.memref_slice %arg6[%dma_wait3A_98] : memref<16384xi32, #tpu.memory_space<hbm>> -> memref<128xi32, #tpu.memory_space<hbm>>
    tpu.wait_dma2 semaphore(%arg21 : memref<!tpu.dma_semaphore, #tpu.memory_space<semaphore_mem>>) src(%dma_wait3A_99 : memref<128xi32, #tpu.memory_space<hbm>>) dst(%dma_wait3A_97 : memref<128xi32, #tpu.memory_space<vmem>>)
    %dma_wait3A_100 = arith.constant 0 : i32
    %dma_wait3A_101 = arith.constant 0 : i32
    %dma_wait3A_102 = tpu.memref_slice %arg9[%dma_wait3A_100, %dma_wait3A_101] : memref<4x128xi32, #tpu.memory_space<vmem>> -> memref<1x128xi32, #tpu.memory_space<vmem>>
    %dma_wait3A_103 = tpu.memref_squeeze %dma_wait3A_102 : memref<1x128xi32, #tpu.memory_space<vmem>> -> memref<128xi32, #tpu.memory_space<vmem>>
    %dma_wait3A_104 = arith.constant 0 : i32
    %dma_wait3A_105 = tpu.memref_slice %arg6[%dma_wait3A_104] : memref<16384xi32, #tpu.memory_space<hbm>> -> memref<128xi32, #tpu.memory_space<hbm>>
    %dma_wait3A_106 = arith.constant 0 : i32
    %dma_wait3A_107 = tpu.memref_slice %arg9[%dma_wait3A_100, %dma_wait3A_106] : memref<4x128xi32, #tpu.memory_space<vmem>> -> memref<1x128xi32, #tpu.memory_space<vmem>>
    %dma_wait3A_108 = tpu.memref_squeeze %dma_wait3A_107 : memref<1x128xi32, #tpu.memory_space<vmem>> -> memref<128xi32, #tpu.memory_space<vmem>>
    %dma_wait3A_109 = arith.constant 0 : i32
    %dma_wait3A_110 = tpu.memref_slice %arg6[%dma_wait3A_109] : memref<16384xi32, #tpu.memory_space<hbm>> -> memref<128xi32, #tpu.memory_space<hbm>>
    tpu.wait_dma2 semaphore(%arg21 : memref<!tpu.dma_semaphore, #tpu.memory_space<semaphore_mem>>) src(%dma_wait3A_110 : memref<128xi32, #tpu.memory_space<hbm>>) dst(%dma_wait3A_108 : memref<128xi32, #tpu.memory_space<vmem>>)
    %dma_wait3A_111 = arith.constant 0 : i32
    %dma_wait3A_112 = arith.constant 0 : i32
    %dma_wait3A_113 = tpu.memref_slice %arg9[%dma_wait3A_111, %dma_wait3A_112] : memref<4x128xi32, #tpu.memory_space<vmem>> -> memref<1x128xi32, #tpu.memory_space<vmem>>
    %dma_wait3A_114 = tpu.memref_squeeze %dma_wait3A_113 : memref<1x128xi32, #tpu.memory_space<vmem>> -> memref<128xi32, #tpu.memory_space<vmem>>
    %dma_wait3A_115 = arith.constant 0 : i32
    %dma_wait3A_116 = tpu.memref_slice %arg6[%dma_wait3A_115] : memref<16384xi32, #tpu.memory_space<hbm>> -> memref<128xi32, #tpu.memory_space<hbm>>
    %dma_wait3A_117 = arith.constant 0 : i32
    %dma_wait3A_118 = tpu.memref_slice %arg9[%dma_wait3A_111, %dma_wait3A_117] : memref<4x128xi32, #tpu.memory_space<vmem>> -> memref<1x128xi32, #tpu.memory_space<vmem>>
    %dma_wait3A_119 = tpu.memref_squeeze %dma_wait3A_118 : memref<1x128xi32, #tpu.memory_space<vmem>> -> memref<128xi32, #tpu.memory_space<vmem>>
    %dma_wait3A_120 = arith.constant 0 : i32
    %dma_wait3A_121 = tpu.memref_slice %arg6[%dma_wait3A_120] : memref<16384xi32, #tpu.memory_space<hbm>> -> memref<128xi32, #tpu.memory_space<hbm>>
    tpu.wait_dma2 semaphore(%arg21 : memref<!tpu.dma_semaphore, #tpu.memory_space<semaphore_mem>>) src(%dma_wait3A_121 : memref<128xi32, #tpu.memory_space<hbm>>) dst(%dma_wait3A_119 : memref<128xi32, #tpu.memory_space<vmem>>)
    %dma_wait3A_122 = arith.constant 0 : i32
    %dma_wait3A_123 = arith.constant 0 : i32
    %dma_wait3A_124 = tpu.memref_slice %arg9[%dma_wait3A_122, %dma_wait3A_123] : memref<4x128xi32, #tpu.memory_space<vmem>> -> memref<1x128xi32, #tpu.memory_space<vmem>>
    %dma_wait3A_125 = tpu.memref_squeeze %dma_wait3A_124 : memref<1x128xi32, #tpu.memory_space<vmem>> -> memref<128xi32, #tpu.memory_space<vmem>>
    %dma_wait3A_126 = arith.constant 0 : i32
    %dma_wait3A_127 = tpu.memref_slice %arg6[%dma_wait3A_126] : memref<16384xi32, #tpu.memory_space<hbm>> -> memref<128xi32, #tpu.memory_space<hbm>>
    %dma_wait3A_128 = arith.constant 0 : i32
    %dma_wait3A_129 = tpu.memref_slice %arg9[%dma_wait3A_122, %dma_wait3A_128] : memref<4x128xi32, #tpu.memory_space<vmem>> -> memref<1x128xi32, #tpu.memory_space<vmem>>
    %dma_wait3A_130 = tpu.memref_squeeze %dma_wait3A_129 : memref<1x128xi32, #tpu.memory_space<vmem>> -> memref<128xi32, #tpu.memory_space<vmem>>
    %dma_wait3A_131 = arith.constant 0 : i32
    %dma_wait3A_132 = tpu.memref_slice %arg6[%dma_wait3A_131] : memref<16384xi32, #tpu.memory_space<hbm>> -> memref<128xi32, #tpu.memory_space<hbm>>
    tpu.wait_dma2 semaphore(%arg21 : memref<!tpu.dma_semaphore, #tpu.memory_space<semaphore_mem>>) src(%dma_wait3A_132 : memref<128xi32, #tpu.memory_space<hbm>>) dst(%dma_wait3A_130 : memref<128xi32, #tpu.memory_space<vmem>>)
    %dma_wait3A_133 = arith.constant 0 : i32
    %dma_wait3A_134 = arith.constant 0 : i32
    %dma_wait3A_135 = tpu.memref_slice %arg9[%dma_wait3A_133, %dma_wait3A_134] : memref<4x128xi32, #tpu.memory_space<vmem>> -> memref<1x128xi32, #tpu.memory_space<vmem>>
    %dma_wait3A_136 = tpu.memref_squeeze %dma_wait3A_135 : memref<1x128xi32, #tpu.memory_space<vmem>> -> memref<128xi32, #tpu.memory_space<vmem>>
    %dma_wait3A_137 = arith.constant 0 : i32
    %dma_wait3A_138 = tpu.memref_slice %arg6[%dma_wait3A_137] : memref<16384xi32, #tpu.memory_space<hbm>> -> memref<128xi32, #tpu.memory_space<hbm>>
    %dma_wait3A_139 = arith.constant 0 : i32
    %dma_wait3A_140 = tpu.memref_slice %arg9[%dma_wait3A_133, %dma_wait3A_139] : memref<4x128xi32, #tpu.memory_space<vmem>> -> memref<1x128xi32, #tpu.memory_space<vmem>>
    %dma_wait3A_141 = tpu.memref_squeeze %dma_wait3A_140 : memref<1x128xi32, #tpu.memory_space<vmem>> -> memref<128xi32, #tpu.memory_space<vmem>>
    %dma_wait3A_142 = arith.constant 0 : i32
    %dma_wait3A_143 = tpu.memref_slice %arg6[%dma_wait3A_142] : memref<16384xi32, #tpu.memory_space<hbm>> -> memref<128xi32, #tpu.memory_space<hbm>>
    tpu.wait_dma2 semaphore(%arg21 : memref<!tpu.dma_semaphore, #tpu.memory_space<semaphore_mem>>) src(%dma_wait3A_143 : memref<128xi32, #tpu.memory_space<hbm>>) dst(%dma_wait3A_141 : memref<128xi32, #tpu.memory_space<vmem>>)
    %dma_wait3A_144 = arith.constant 0 : i32
    %dma_wait3A_145 = arith.constant 0 : i32
    %dma_wait3A_146 = tpu.memref_slice %arg9[%dma_wait3A_144, %dma_wait3A_145] : memref<4x128xi32, #tpu.memory_space<vmem>> -> memref<1x128xi32, #tpu.memory_space<vmem>>
    %dma_wait3A_147 = tpu.memref_squeeze %dma_wait3A_146 : memref<1x128xi32, #tpu.memory_space<vmem>> -> memref<128xi32, #tpu.memory_space<vmem>>
    %dma_wait3A_148 = arith.constant 0 : i32
    %dma_wait3A_149 = tpu.memref_slice %arg6[%dma_wait3A_148] : memref<16384xi32, #tpu.memory_space<hbm>> -> memref<128xi32, #tpu.memory_space<hbm>>
    %dma_wait3A_150 = arith.constant 0 : i32
    %dma_wait3A_151 = tpu.memref_slice %arg9[%dma_wait3A_144, %dma_wait3A_150] : memref<4x128xi32, #tpu.memory_space<vmem>> -> memref<1x128xi32, #tpu.memory_space<vmem>>
    %dma_wait3A_152 = tpu.memref_squeeze %dma_wait3A_151 : memref<1x128xi32, #tpu.memory_space<vmem>> -> memref<128xi32, #tpu.memory_space<vmem>>
    %dma_wait3A_153 = arith.constant 0 : i32
    %dma_wait3A_154 = tpu.memref_slice %arg6[%dma_wait3A_153] : memref<16384xi32, #tpu.memory_space<hbm>> -> memref<128xi32, #tpu.memory_space<hbm>>
    tpu.wait_dma2 semaphore(%arg21 : memref<!tpu.dma_semaphore, #tpu.memory_space<semaphore_mem>>) src(%dma_wait3A_154 : memref<128xi32, #tpu.memory_space<hbm>>) dst(%dma_wait3A_152 : memref<128xi32, #tpu.memory_space<vmem>>)
    %dma_wait3A_155 = arith.constant 0 : i32
    %dma_wait3A_156 = arith.constant 0 : i32
    %dma_wait3A_157 = tpu.memref_slice %arg9[%dma_wait3A_155, %dma_wait3A_156] : memref<4x128xi32, #tpu.memory_space<vmem>> -> memref<1x128xi32, #tpu.memory_space<vmem>>
    %dma_wait3A_158 = tpu.memref_squeeze %dma_wait3A_157 : memref<1x128xi32, #tpu.memory_space<vmem>> -> memref<128xi32, #tpu.memory_space<vmem>>
    %dma_wait3A_159 = arith.constant 0 : i32
    %dma_wait3A_160 = tpu.memref_slice %arg6[%dma_wait3A_159] : memref<16384xi32, #tpu.memory_space<hbm>> -> memref<128xi32, #tpu.memory_space<hbm>>
    %dma_wait3A_161 = arith.constant 0 : i32
    %dma_wait3A_162 = tpu.memref_slice %arg9[%dma_wait3A_155, %dma_wait3A_161] : memref<4x128xi32, #tpu.memory_space<vmem>> -> memref<1x128xi32, #tpu.memory_space<vmem>>
    %dma_wait3A_163 = tpu.memref_squeeze %dma_wait3A_162 : memref<1x128xi32, #tpu.memory_space<vmem>> -> memref<128xi32, #tpu.memory_space<vmem>>
    %dma_wait3A_164 = arith.constant 0 : i32
    %dma_wait3A_165 = tpu.memref_slice %arg6[%dma_wait3A_164] : memref<16384xi32, #tpu.memory_space<hbm>> -> memref<128xi32, #tpu.memory_space<hbm>>
    tpu.wait_dma2 semaphore(%arg21 : memref<!tpu.dma_semaphore, #tpu.memory_space<semaphore_mem>>) src(%dma_wait3A_165 : memref<128xi32, #tpu.memory_space<hbm>>) dst(%dma_wait3A_163 : memref<128xi32, #tpu.memory_space<vmem>>)
    %dma_wait3A_166 = arith.constant 0 : i32
    %dma_wait3A_167 = arith.constant 0 : i32
    %dma_wait3A_168 = tpu.memref_slice %arg9[%dma_wait3A_166, %dma_wait3A_167] : memref<4x128xi32, #tpu.memory_space<vmem>> -> memref<1x128xi32, #tpu.memory_space<vmem>>
    %dma_wait3A_169 = tpu.memref_squeeze %dma_wait3A_168 : memref<1x128xi32, #tpu.memory_space<vmem>> -> memref<128xi32, #tpu.memory_space<vmem>>
    %dma_wait3A_170 = arith.constant 0 : i32
    %dma_wait3A_171 = tpu.memref_slice %arg6[%dma_wait3A_170] : memref<16384xi32, #tpu.memory_space<hbm>> -> memref<128xi32, #tpu.memory_space<hbm>>
    %dma_wait3A_172 = arith.constant 0 : i32
    %dma_wait3A_173 = tpu.memref_slice %arg9[%dma_wait3A_166, %dma_wait3A_172] : memref<4x128xi32, #tpu.memory_space<vmem>> -> memref<1x128xi32, #tpu.memory_space<vmem>>
    %dma_wait3A_174 = tpu.memref_squeeze %dma_wait3A_173 : memref<1x128xi32, #tpu.memory_space<vmem>> -> memref<128xi32, #tpu.memory_space<vmem>>
    %dma_wait3A_175 = arith.constant 0 : i32
    %dma_wait3A_176 = tpu.memref_slice %arg6[%dma_wait3A_175] : memref<16384xi32, #tpu.memory_space<hbm>> -> memref<128xi32, #tpu.memory_space<hbm>>
    tpu.wait_dma2 semaphore(%arg21 : memref<!tpu.dma_semaphore, #tpu.memory_space<semaphore_mem>>) src(%dma_wait3A_176 : memref<128xi32, #tpu.memory_space<hbm>>) dst(%dma_wait3A_174 : memref<128xi32, #tpu.memory_space<vmem>>)
    %dma_start3A_177 = arith.constant 0 : i32
    %dma_start3A_178 = arith.constant 0 : i32
    %dma_start3A_179 = tpu.memref_slice %arg13[%dma_start3A_178] : memref<512xf32, #tpu.memory_space<vmem>> -> memref<128xf32, #tpu.memory_space<vmem>>
    %dma_start3A_180 = arith.constant 0 : i32
    %dma_start3A_181 = tpu.memref_slice %arg9[%dma_start3A_177, %dma_start3A_180] : memref<4x128xi32, #tpu.memory_space<vmem>> -> memref<1x128xi32, #tpu.memory_space<vmem>>
    %dma_start3A_182 = tpu.memref_squeeze %dma_start3A_181 : memref<1x128xi32, #tpu.memory_space<vmem>> -> memref<128xi32, #tpu.memory_space<vmem>>
    %dma_start3A_183 = arith.constant 0 : i32
    %dma_start3A_184 = tpu.memref_slice %arg4[%dma_start3A_183] : memref<1000000xf32, #tpu.memory_space<hbm>> -> memref<1000000xf32, #tpu.memory_space<hbm>>
    tpu.enqueue_indirect_dma source(%dma_start3A_184 : memref<1000000xf32, #tpu.memory_space<hbm>>) target(%dma_start3A_179 : memref<128xf32, #tpu.memory_space<vmem>>) offsets(%dma_start3A_182 : memref<128xi32, #tpu.memory_space<vmem>>) semaphore(%arg21 : memref<!tpu.dma_semaphore, #tpu.memory_space<semaphore_mem>>)
    %dma_start3A_185 = arith.constant 0 : i32
    %dma_start3A_186 = arith.constant 0 : i32
    %dma_start3A_187 = tpu.memref_slice %arg14[%dma_start3A_186] : memref<512xf32, #tpu.memory_space<vmem>> -> memref<128xf32, #tpu.memory_space<vmem>>
    %dma_start3A_188 = arith.constant 0 : i32
    %dma_start3A_189 = tpu.memref_slice %arg10[%dma_start3A_185, %dma_start3A_188] : memref<4x128xi32, #tpu.memory_space<vmem>> -> memref<1x128xi32, #tpu.memory_space<vmem>>
    %dma_start3A_190 = tpu.memref_squeeze %dma_start3A_189 : memref<1x128xi32, #tpu.memory_space<vmem>> -> memref<128xi32, #tpu.memory_space<vmem>>
    %dma_start3A_191 = arith.constant 0 : i32
    %dma_start3A_192 = tpu.memref_slice %arg5[%dma_start3A_191] : memref<1000000xf32, #tpu.memory_space<hbm>> -> memref<1000000xf32, #tpu.memory_space<hbm>>
    tpu.enqueue_indirect_dma source(%dma_start3A_192 : memref<1000000xf32, #tpu.memory_space<hbm>>) target(%dma_start3A_187 : memref<128xf32, #tpu.memory_space<vmem>>) offsets(%dma_start3A_190 : memref<128xi32, #tpu.memory_space<vmem>>) semaphore(%arg21 : memref<!tpu.dma_semaphore, #tpu.memory_space<semaphore_mem>>)
    %dma_start3A_193 = arith.constant 1 : i32
    %dma_start3A_194 = arith.constant 128 : i32
    %dma_start3A_195 = tpu.memref_slice %arg13[%dma_start3A_194] : memref<512xf32, #tpu.memory_space<vmem>> -> memref<128xf32, #tpu.memory_space<vmem>>
    %dma_start3A_196 = arith.constant 0 : i32
    %dma_start3A_197 = tpu.memref_slice %arg9[%dma_start3A_193, %dma_start3A_196] : memref<4x128xi32, #tpu.memory_space<vmem>> -> memref<1x128xi32, #tpu.memory_space<vmem>>
    %dma_start3A_198 = tpu.memref_squeeze %dma_start3A_197 : memref<1x128xi32, #tpu.memory_space<vmem>> -> memref<128xi32, #tpu.memory_space<vmem>>
    %dma_start3A_199 = arith.constant 0 : i32
    %dma_start3A_200 = tpu.memref_slice %arg4[%dma_start3A_199] : memref<1000000xf32, #tpu.memory_space<hbm>> -> memref<1000000xf32, #tpu.memory_space<hbm>>
    tpu.enqueue_indirect_dma source(%dma_start3A_200 : memref<1000000xf32, #tpu.memory_space<hbm>>) target(%dma_start3A_195 : memref<128xf32, #tpu.memory_space<vmem>>) offsets(%dma_start3A_198 : memref<128xi32, #tpu.memory_space<vmem>>) semaphore(%arg21 : memref<!tpu.dma_semaphore, #tpu.memory_space<semaphore_mem>>)
    %dma_start3A_201 = arith.constant 1 : i32
    %dma_start3A_202 = arith.constant 128 : i32
    %dma_start3A_203 = tpu.memref_slice %arg14[%dma_start3A_202] : memref<512xf32, #tpu.memory_space<vmem>> -> memref<128xf32, #tpu.memory_space<vmem>>
    %dma_start3A_204 = arith.constant 0 : i32
    %dma_start3A_205 = tpu.memref_slice %arg10[%dma_start3A_201, %dma_start3A_204] : memref<4x128xi32, #tpu.memory_space<vmem>> -> memref<1x128xi32, #tpu.memory_space<vmem>>
    %dma_start3A_206 = tpu.memref_squeeze %dma_start3A_205 : memref<1x128xi32, #tpu.memory_space<vmem>> -> memref<128xi32, #tpu.memory_space<vmem>>
    %dma_start3A_207 = arith.constant 0 : i32
    %dma_start3A_208 = tpu.memref_slice %arg5[%dma_start3A_207] : memref<1000000xf32, #tpu.memory_space<hbm>> -> memref<1000000xf32, #tpu.memory_space<hbm>>
    tpu.enqueue_indirect_dma source(%dma_start3A_208 : memref<1000000xf32, #tpu.memory_space<hbm>>) target(%dma_start3A_203 : memref<128xf32, #tpu.memory_space<vmem>>) offsets(%dma_start3A_206 : memref<128xi32, #tpu.memory_space<vmem>>) semaphore(%arg21 : memref<!tpu.dma_semaphore, #tpu.memory_space<semaphore_mem>>)
    %dma_start3A_209 = arith.constant 2 : i32
    %dma_start3A_210 = arith.constant 256 : i32
    %dma_start3A_211 = tpu.memref_slice %arg13[%dma_start3A_210] : memref<512xf32, #tpu.memory_space<vmem>> -> memref<128xf32, #tpu.memory_space<vmem>>
    %dma_start3A_212 = arith.constant 0 : i32
    %dma_start3A_213 = tpu.memref_slice %arg9[%dma_start3A_209, %dma_start3A_212] : memref<4x128xi32, #tpu.memory_space<vmem>> -> memref<1x128xi32, #tpu.memory_space<vmem>>
    %dma_start3A_214 = tpu.memref_squeeze %dma_start3A_213 : memref<1x128xi32, #tpu.memory_space<vmem>> -> memref<128xi32, #tpu.memory_space<vmem>>
    %dma_start3A_215 = arith.constant 0 : i32
    %dma_start3A_216 = tpu.memref_slice %arg4[%dma_start3A_215] : memref<1000000xf32, #tpu.memory_space<hbm>> -> memref<1000000xf32, #tpu.memory_space<hbm>>
    tpu.enqueue_indirect_dma source(%dma_start3A_216 : memref<1000000xf32, #tpu.memory_space<hbm>>) target(%dma_start3A_211 : memref<128xf32, #tpu.memory_space<vmem>>) offsets(%dma_start3A_214 : memref<128xi32, #tpu.memory_space<vmem>>) semaphore(%arg21 : memref<!tpu.dma_semaphore, #tpu.memory_space<semaphore_mem>>)
    %dma_start3A_217 = arith.constant 2 : i32
    %dma_start3A_218 = arith.constant 256 : i32
    %dma_start3A_219 = tpu.memref_slice %arg14[%dma_start3A_218] : memref<512xf32, #tpu.memory_space<vmem>> -> memref<128xf32, #tpu.memory_space<vmem>>
    %dma_start3A_220 = arith.constant 0 : i32
    %dma_start3A_221 = tpu.memref_slice %arg10[%dma_start3A_217, %dma_start3A_220] : memref<4x128xi32, #tpu.memory_space<vmem>> -> memref<1x128xi32, #tpu.memory_space<vmem>>
    %dma_start3A_222 = tpu.memref_squeeze %dma_start3A_221 : memref<1x128xi32, #tpu.memory_space<vmem>> -> memref<128xi32, #tpu.memory_space<vmem>>
    %dma_start3A_223 = arith.constant 0 : i32
    %dma_start3A_224 = tpu.memref_slice %arg5[%dma_start3A_223] : memref<1000000xf32, #tpu.memory_space<hbm>> -> memref<1000000xf32, #tpu.memory_space<hbm>>
    tpu.enqueue_indirect_dma source(%dma_start3A_224 : memref<1000000xf32, #tpu.memory_space<hbm>>) target(%dma_start3A_219 : memref<128xf32, #tpu.memory_space<vmem>>) offsets(%dma_start3A_222 : memref<128xi32, #tpu.memory_space<vmem>>) semaphore(%arg21 : memref<!tpu.dma_semaphore, #tpu.memory_space<semaphore_mem>>)
    %dma_start3A_225 = arith.constant 3 : i32
    %dma_start3A_226 = arith.constant 384 : i32
    %dma_start3A_227 = tpu.memref_slice %arg13[%dma_start3A_226] : memref<512xf32, #tpu.memory_space<vmem>> -> memref<128xf32, #tpu.memory_space<vmem>>
    %dma_start3A_228 = arith.constant 0 : i32
    %dma_start3A_229 = tpu.memref_slice %arg9[%dma_start3A_225, %dma_start3A_228] : memref<4x128xi32, #tpu.memory_space<vmem>> -> memref<1x128xi32, #tpu.memory_space<vmem>>
    %dma_start3A_230 = tpu.memref_squeeze %dma_start3A_229 : memref<1x128xi32, #tpu.memory_space<vmem>> -> memref<128xi32, #tpu.memory_space<vmem>>
    %dma_start3A_231 = arith.constant 0 : i32
    %dma_start3A_232 = tpu.memref_slice %arg4[%dma_start3A_231] : memref<1000000xf32, #tpu.memory_space<hbm>> -> memref<1000000xf32, #tpu.memory_space<hbm>>
    tpu.enqueue_indirect_dma source(%dma_start3A_232 : memref<1000000xf32, #tpu.memory_space<hbm>>) target(%dma_start3A_227 : memref<128xf32, #tpu.memory_space<vmem>>) offsets(%dma_start3A_230 : memref<128xi32, #tpu.memory_space<vmem>>) semaphore(%arg21 : memref<!tpu.dma_semaphore, #tpu.memory_space<semaphore_mem>>)
    %dma_start3A_233 = arith.constant 3 : i32
    %dma_start3A_234 = arith.constant 384 : i32
    %dma_start3A_235 = tpu.memref_slice %arg14[%dma_start3A_234] : memref<512xf32, #tpu.memory_space<vmem>> -> memref<128xf32, #tpu.memory_space<vmem>>
    %dma_start3A_236 = arith.constant 0 : i32
    %dma_start3A_237 = tpu.memref_slice %arg10[%dma_start3A_233, %dma_start3A_236] : memref<4x128xi32, #tpu.memory_space<vmem>> -> memref<1x128xi32, #tpu.memory_space<vmem>>
    %dma_start3A_238 = tpu.memref_squeeze %dma_start3A_237 : memref<1x128xi32, #tpu.memory_space<vmem>> -> memref<128xi32, #tpu.memory_space<vmem>>
    %dma_start3A_239 = arith.constant 0 : i32
    %dma_start3A_240 = tpu.memref_slice %arg5[%dma_start3A_239] : memref<1000000xf32, #tpu.memory_space<hbm>> -> memref<1000000xf32, #tpu.memory_space<hbm>>
    tpu.enqueue_indirect_dma source(%dma_start3A_240 : memref<1000000xf32, #tpu.memory_space<hbm>>) target(%dma_start3A_235 : memref<128xf32, #tpu.memory_space<vmem>>) offsets(%dma_start3A_238 : memref<128xi32, #tpu.memory_space<vmem>>) semaphore(%arg21 : memref<!tpu.dma_semaphore, #tpu.memory_space<semaphore_mem>>)
    %iota3A = tpu.iota {dimensions = array<i32: 0>} : vector<16xi32>
    %and3A = arith.constant 7 : i32
    %and3A_241 = vector.broadcast %and3A : i32 to vector<16xi32>
    %and3A_242 = arith.andi %iota3A, %and3A_241 : vector<16xi32>
    %shift_right_logical3A = arith.constant 3 : i32
    %shift_right_logical3A_243 = vector.broadcast %shift_right_logical3A : i32 to vector<16xi32>
    %shift_right_logical3A_244 = arith.shrui %iota3A, %shift_right_logical3A_243 : vector<16xi32>
    %get3A = arith.constant 0 : i32
    %get3A_245 = arith.index_cast %get3A : i32 to index
    %get3A_246 = arith.constant 0 : index
    %get3A_247 = tpu.vector_load %arg9[%get3A_245, %get3A_246] {strides = array<i32>} : memref<4x128xi32, #tpu.memory_space<vmem>>, vector<16xi32>,
    %get3A_248 = arith.constant 0 : i32
    %get3A_249 = arith.index_cast %get3A_248 : i32 to index
    %get3A_250 = arith.constant 0 : index
    %get3A_251 = tpu.vector_load %arg10[%get3A_249, %get3A_250] {strides = array<i32>} : memref<4x128xi32, #tpu.memory_space<vmem>>, vector<16xi32>,
    %slice3A = vector.extract_strided_slice %get3A_247 {offsets = [0], sizes = [1], strides = [1]} : vector<16xi32> to vector<1xi32>
    %squeeze3A = vector.extract %slice3A[0] : i32 from vector<1xi32>
    %shift_right_logical3A_252 = arith.constant 7 : i32
    %shift_right_logical3A_253 = arith.shrui %squeeze3A, %shift_right_logical3A_252 : i32
    %mul3A_254 = arith.constant 128 : i32
    %mul3A_255 = arith.muli %shift_right_logical3A_253, %mul3A_254 : i32
    %multiple_of3A = tpu.assume_multiple %mul3A_255, 128 : i32
    %slice3A_256 = vector.extract_strided_slice %get3A_251 {offsets = [0], sizes = [1], strides = [1]} : vector<16xi32> to vector<1xi32>
    %squeeze3A_257 = vector.extract %slice3A_256[0] : i32 from vector<1xi32>
    %shift_right_logical3A_258 = arith.constant 7 : i32
    %shift_right_logical3A_259 = arith.shrui %squeeze3A_257, %shift_right_logical3A_258 : i32
    %mul3A_260 = arith.constant 128 : i32
    %mul3A_261 = arith.muli %shift_right_logical3A_259, %mul3A_260 : i32
    %multiple_of3A_262 = tpu.assume_multiple %mul3A_261, 128 : i32
    %dma_start3A_263 = arith.constant 0 : i32
    %dma_start3A_264 = arith.constant 0 : i32
    %dma_start3A_265 = arith.constant 0 : i32
    %dma_start3A_266 = arith.constant 0 : i32
    %dma_start3A_267 = tpu.memref_slice %arg11[%dma_start3A_263, %dma_start3A_264, %dma_start3A_265, %dma_start3A_266] : memref<4x8x8x128xf32, #tpu.memory_space<vmem>> -> memref<1x8x8x128xf32, #tpu.memory_space<vmem>>
    %dma_start3A_268 = tpu.memref_squeeze %dma_start3A_267 : memref<1x8x8x128xf32, #tpu.memory_space<vmem>> -> memref<8x8x128xf32, #tpu.memory_space<vmem>>
    %dma_start3A_269 = arith.constant 0 : i32
    %dma_start3A_270 = arith.constant 0 : i32
    %dma_start3A_271 = tpu.memref_slice %arg2[%dma_start3A_269, %dma_start3A_270, %multiple_of3A] : memref<8x8x1000000xf32, #tpu.memory_space<hbm>> -> memref<8x8x128xf32, #tpu.memory_space<hbm>>
    %dma_start3A_272 = arith.constant 0 : i32
    %dma_start3A_273 = arith.constant 0 : i32
    %dma_start3A_274 = arith.constant 0 : i32
    %dma_start3A_275 = tpu.memref_slice %arg11[%dma_start3A_263, %dma_start3A_272, %dma_start3A_273, %dma_start3A_274] : memref<4x8x8x128xf32, #tpu.memory_space<vmem>> -> memref<1x8x8x128xf32, #tpu.memory_space<vmem>>
    %dma_start3A_276 = tpu.memref_squeeze %dma_start3A_275 : memref<1x8x8x128xf32, #tpu.memory_space<vmem>> -> memref<8x8x128xf32, #tpu.memory_space<vmem>>
    %dma_start3A_277 = arith.constant 0 : i32
    %dma_start3A_278 = arith.constant 0 : i32
    %dma_start3A_279 = tpu.memref_slice %arg2[%dma_start3A_277, %dma_start3A_278, %multiple_of3A] : memref<8x8x1000000xf32, #tpu.memory_space<hbm>> -> memref<8x8x128xf32, #tpu.memory_space<hbm>>
    tpu.enqueue_dma source(%dma_start3A_279 : memref<8x8x128xf32, #tpu.memory_space<hbm>>) target(%dma_start3A_276 : memref<8x8x128xf32, #tpu.memory_space<vmem>>) target_semaphore(%arg17 : memref<!tpu.dma_semaphore, #tpu.memory_space<semaphore_mem>>)
    %dma_start3A_280 = arith.constant 0 : i32
    %dma_start3A_281 = arith.constant 0 : i32
    %dma_start3A_282 = arith.constant 0 : i32
    %dma_start3A_283 = arith.constant 0 : i32
    %dma_start3A_284 = tpu.memref_slice %arg12[%dma_start3A_280, %dma_start3A_281, %dma_start3A_282, %dma_start3A_283] : memref<4x8x8x128xf32, #tpu.memory_space<vmem>> -> memref<1x8x8x128xf32, #tpu.memory_space<vmem>>
    %dma_start3A_285 = tpu.memref_squeeze %dma_start3A_284 : memref<1x8x8x128xf32, #tpu.memory_space<vmem>> -> memref<8x8x128xf32, #tpu.memory_space<vmem>>
    %dma_start3A_286 = arith.constant 0 : i32
    %dma_start3A_287 = arith.constant 0 : i32
    %dma_start3A_288 = tpu.memref_slice %arg3[%dma_start3A_286, %dma_start3A_287, %multiple_of3A_262] : memref<8x8x1000000xf32, #tpu.memory_space<hbm>> -> memref<8x8x128xf32, #tpu.memory_space<hbm>>
    %dma_start3A_289 = arith.constant 0 : i32
    %dma_start3A_290 = arith.constant 0 : i32
    %dma_start3A_291 = arith.constant 0 : i32
    %dma_start3A_292 = tpu.memref_slice %arg12[%dma_start3A_280, %dma_start3A_289, %dma_start3A_290, %dma_start3A_291] : memref<4x8x8x128xf32, #tpu.memory_space<vmem>> -> memref<1x8x8x128xf32, #tpu.memory_space<vmem>>
    %dma_start3A_293 = tpu.memref_squeeze %dma_start3A_292 : memref<1x8x8x128xf32, #tpu.memory_space<vmem>> -> memref<8x8x128xf32, #tpu.memory_space<vmem>>
    %dma_start3A_294 = arith.constant 0 : i32
    %dma_start3A_295 = arith.constant 0 : i32
    %dma_start3A_296 = tpu.memref_slice %arg3[%dma_start3A_294, %dma_start3A_295, %multiple_of3A_262] : memref<8x8x1000000xf32, #tpu.memory_space<hbm>> -> memref<8x8x128xf32, #tpu.memory_space<hbm>>
    tpu.enqueue_dma source(%dma_start3A_296 : memref<8x8x128xf32, #tpu.memory_space<hbm>>) target(%dma_start3A_293 : memref<8x8x128xf32, #tpu.memory_space<vmem>>) target_semaphore(%arg17 : memref<!tpu.dma_semaphore, #tpu.memory_space<semaphore_mem>>)
    %slice3A_297 = vector.extract_strided_slice %get3A_247 {offsets = [1], sizes = [1], strides = [1]} : vector<16xi32> to vector<1xi32>
    %squeeze3A_298 = vector.extract %slice3A_297[0] : i32 from vector<1xi32>
    %shift_right_logical3A_299 = arith.constant 7 : i32
    %shift_right_logical3A_300 = arith.shrui %squeeze3A_298, %shift_right_logical3A_299 : i32
    %mul3A_301 = arith.constant 128 : i32
    %mul3A_302 = arith.muli %shift_right_logical3A_300, %mul3A_301 : i32
    %multiple_of3A_303 = tpu.assume_multiple %mul3A_302, 128 : i32
    %slice3A_304 = vector.extract_strided_slice %get3A_251 {offsets = [1], sizes = [1], strides = [1]} : vector<16xi32> to vector<1xi32>
    %squeeze3A_305 = vector.extract %slice3A_304[0] : i32 from vector<1xi32>
    %shift_right_logical3A_306 = arith.constant 7 : i32
    %shift_right_logical3A_307 = arith.shrui %squeeze3A_305, %shift_right_logical3A_306 : i32
    %mul3A_308 = arith.constant 128 : i32
    %mul3A_309 = arith.muli %shift_right_logical3A_307, %mul3A_308 : i32
    %multiple_of3A_310 = tpu.assume_multiple %mul3A_309, 128 : i32
    %dma_start3A_311 = arith.constant 1 : i32
    %dma_start3A_312 = arith.constant 0 : i32
    %dma_start3A_313 = arith.constant 0 : i32
    %dma_start3A_314 = arith.constant 0 : i32
    %dma_start3A_315 = tpu.memref_slice %arg11[%dma_start3A_311, %dma_start3A_312, %dma_start3A_313, %dma_start3A_314] : memref<4x8x8x128xf32, #tpu.memory_space<vmem>> -> memref<1x8x8x128xf32, #tpu.memory_space<vmem>>
    %dma_start3A_316 = tpu.memref_squeeze %dma_start3A_315 : memref<1x8x8x128xf32, #tpu.memory_space<vmem>> -> memref<8x8x128xf32, #tpu.memory_space<vmem>>
    %dma_start3A_317 = arith.constant 0 : i32
    %dma_start3A_318 = arith.constant 0 : i32
    %dma_start3A_319 = tpu.memref_slice %arg2[%dma_start3A_317, %dma_start3A_318, %multiple_of3A_303] : memref<8x8x1000000xf32, #tpu.memory_space<hbm>> -> memref<8x8x128xf32, #tpu.memory_space<hbm>>
    %dma_start3A_320 = arith.constant 0 : i32
    %dma_start3A_321 = arith.constant 0 : i32
    %dma_start3A_322 = arith.constant 0 : i32
    %dma_start3A_323 = tpu.memref_slice %arg11[%dma_start3A_311, %dma_start3A_320, %dma_start3A_321, %dma_start3A_322] : memref<4x8x8x128xf32, #tpu.memory_space<vmem>> -> memref<1x8x8x128xf32, #tpu.memory_space<vmem>>
    %dma_start3A_324 = tpu.memref_squeeze %dma_start3A_323 : memref<1x8x8x128xf32, #tpu.memory_space<vmem>> -> memref<8x8x128xf32, #tpu.memory_space<vmem>>
    %dma_start3A_325 = arith.constant 0 : i32
    %dma_start3A_326 = arith.constant 0 : i32
    %dma_start3A_327 = tpu.memref_slice %arg2[%dma_start3A_325, %dma_start3A_326, %multiple_of3A_303] : memref<8x8x1000000xf32, #tpu.memory_space<hbm>> -> memref<8x8x128xf32, #tpu.memory_space<hbm>>
    tpu.enqueue_dma source(%dma_start3A_327 : memref<8x8x128xf32, #tpu.memory_space<hbm>>) target(%dma_start3A_324 : memref<8x8x128xf32, #tpu.memory_space<vmem>>) target_semaphore(%arg18 : memref<!tpu.dma_semaphore, #tpu.memory_space<semaphore_mem>>)
    %dma_start3A_328 = arith.constant 1 : i32
    %dma_start3A_329 = arith.constant 0 : i32
    %dma_start3A_330 = arith.constant 0 : i32
    %dma_start3A_331 = arith.constant 0 : i32
    %dma_start3A_332 = tpu.memref_slice %arg12[%dma_start3A_328, %dma_start3A_329, %dma_start3A_330, %dma_start3A_331] : memref<4x8x8x128xf32, #tpu.memory_space<vmem>> -> memref<1x8x8x128xf32, #tpu.memory_space<vmem>>
    %dma_start3A_333 = tpu.memref_squeeze %dma_start3A_332 : memref<1x8x8x128xf32, #tpu.memory_space<vmem>> -> memref<8x8x128xf32, #tpu.memory_space<vmem>>
    %dma_start3A_334 = arith.constant 0 : i32
    %dma_start3A_335 = arith.constant 0 : i32
    %dma_start3A_336 = tpu.memref_slice %arg3[%dma_start3A_334, %dma_start3A_335, %multiple_of3A_310] : memref<8x8x1000000xf32, #tpu.memory_space<hbm>> -> memref<8x8x128xf32, #tpu.memory_space<hbm>>
    %dma_start3A_337 = arith.constant 0 : i32
    %dma_start3A_338 = arith.constant 0 : i32
    %dma_start3A_339 = arith.constant 0 : i32
    %dma_start3A_340 = tpu.memref_slice %arg12[%dma_start3A_328, %dma_start3A_337, %dma_start3A_338, %dma_start3A_339] : memref<4x8x8x128xf32, #tpu.memory_space<vmem>> -> memref<1x8x8x128xf32, #tpu.memory_space<vmem>>
    %dma_start3A_341 = tpu.memref_squeeze %dma_start3A_340 : memref<1x8x8x128xf32, #tpu.memory_space<vmem>> -> memref<8x8x128xf32, #tpu.memory_space<vmem>>
    %dma_start3A_342 = arith.constant 0 : i32
    %dma_start3A_343 = arith.constant 0 : i32
    %dma_start3A_344 = tpu.memref_slice %arg3[%dma_start3A_342, %dma_start3A_343, %multiple_of3A_310] : memref<8x8x1000000xf32, #tpu.memory_space<hbm>> -> memref<8x8x128xf32, #tpu.memory_space<hbm>>
    tpu.enqueue_dma source(%dma_start3A_344 : memref<8x8x128xf32, #tpu.memory_space<hbm>>) target(%dma_start3A_341 : memref<8x8x128xf32, #tpu.memory_space<vmem>>) target_semaphore(%arg18 : memref<!tpu.dma_semaphore, #tpu.memory_space<semaphore_mem>>)
    %slice3A_345 = vector.extract_strided_slice %get3A_247 {offsets = [2], sizes = [1], strides = [1]} : vector<16xi32> to vector<1xi32>
    %squeeze3A_346 = vector.extract %slice3A_345[0] : i32 from vector<1xi32>
    %shift_right_logical3A_347 = arith.constant 7 : i32
    %shift_right_logical3A_348 = arith.shrui %squeeze3A_346, %shift_right_logical3A_347 : i32
    %mul3A_349 = arith.constant 128 : i32
    %mul3A_350 = arith.muli %shift_right_logical3A_348, %mul3A_349 : i32
    %multiple_of3A_351 = tpu.assume_multiple %mul3A_350, 128 : i32
    %slice3A_352 = vector.extract_strided_slice %get3A_251 {offsets = [2], sizes = [1], strides = [1]} : vector<16xi32> to vector<1xi32>
    %squeeze3A_353 = vector.extract %slice3A_352[0] : i32 from vector<1xi32>
    %shift_right_logical3A_354 = arith.constant 7 : i32
    %shift_right_logical3A_355 = arith.shrui %squeeze3A_353, %shift_right_logical3A_354 : i32
    %mul3A_356 = arith.constant 128 : i32
    %mul3A_357 = arith.muli %shift_right_logical3A_355, %mul3A_356 : i32
    %multiple_of3A_358 = tpu.assume_multiple %mul3A_357, 128 : i32
    %dma_start3A_359 = arith.constant 2 : i32
    %dma_start3A_360 = arith.constant 0 : i32
    %dma_start3A_361 = arith.constant 0 : i32
    %dma_start3A_362 = arith.constant 0 : i32
    %dma_start3A_363 = tpu.memref_slice %arg11[%dma_start3A_359, %dma_start3A_360, %dma_start3A_361, %dma_start3A_362] : memref<4x8x8x128xf32, #tpu.memory_space<vmem>> -> memref<1x8x8x128xf32, #tpu.memory_space<vmem>>
    %dma_start3A_364 = tpu.memref_squeeze %dma_start3A_363 : memref<1x8x8x128xf32, #tpu.memory_space<vmem>> -> memref<8x8x128xf32, #tpu.memory_space<vmem>>
    %dma_start3A_365 = arith.constant 0 : i32
    %dma_start3A_366 = arith.constant 0 : i32
    %dma_start3A_367 = tpu.memref_slice %arg2[%dma_start3A_365, %dma_start3A_366, %multiple_of3A_351] : memref<8x8x1000000xf32, #tpu.memory_space<hbm>> -> memref<8x8x128xf32, #tpu.memory_space<hbm>>
    %dma_start3A_368 = arith.constant 0 : i32
    %dma_start3A_369 = arith.constant 0 : i32
    %dma_start3A_370 = arith.constant 0 : i32
    %dma_start3A_371 = tpu.memref_slice %arg11[%dma_start3A_359, %dma_start3A_368, %dma_start3A_369, %dma_start3A_370] : memref<4x8x8x128xf32, #tpu.memory_space<vmem>> -> memref<1x8x8x128xf32, #tpu.memory_space<vmem>>
    %dma_start3A_372 = tpu.memref_squeeze %dma_start3A_371 : memref<1x8x8x128xf32, #tpu.memory_space<vmem>> -> memref<8x8x128xf32, #tpu.memory_space<vmem>>
    %dma_start3A_373 = arith.constant 0 : i32
    %dma_start3A_374 = arith.constant 0 : i32
    %dma_start3A_375 = tpu.memref_slice %arg2[%dma_start3A_373, %dma_start3A_374, %multiple_of3A_351] : memref<8x8x1000000xf32, #tpu.memory_space<hbm>> -> memref<8x8x128xf32, #tpu.memory_space<hbm>>
    tpu.enqueue_dma source(%dma_start3A_375 : memref<8x8x128xf32, #tpu.memory_space<hbm>>) target(%dma_start3A_372 : memref<8x8x128xf32, #tpu.memory_space<vmem>>) target_semaphore(%arg19 : memref<!tpu.dma_semaphore, #tpu.memory_space<semaphore_mem>>)
    %dma_start3A_376 = arith.constant 2 : i32
    %dma_start3A_377 = arith.constant 0 : i32
    %dma_start3A_378 = arith.constant 0 : i32
    %dma_start3A_379 = arith.constant 0 : i32
    %dma_start3A_380 = tpu.memref_slice %arg12[%dma_start3A_376, %dma_start3A_377, %dma_start3A_378, %dma_start3A_379] : memref<4x8x8x128xf32, #tpu.memory_space<vmem>> -> memref<1x8x8x128xf32, #tpu.memory_space<vmem>>
    %dma_start3A_381 = tpu.memref_squeeze %dma_start3A_380 : memref<1x8x8x128xf32, #tpu.memory_space<vmem>> -> memref<8x8x128xf32, #tpu.memory_space<vmem>>
    %dma_start3A_382 = arith.constant 0 : i32
    %dma_start3A_383 = arith.constant 0 : i32
    %dma_start3A_384 = tpu.memref_slice %arg3[%dma_start3A_382, %dma_start3A_383, %multiple_of3A_358] : memref<8x8x1000000xf32, #tpu.memory_space<hbm>> -> memref<8x8x128xf32, #tpu.memory_space<hbm>>
    %dma_start3A_385 = arith.constant 0 : i32
    %dma_start3A_386 = arith.constant 0 : i32
    %dma_start3A_387 = arith.constant 0 : i32
    %dma_start3A_388 = tpu.memref_slice %arg12[%dma_start3A_376, %dma_start3A_385, %dma_start3A_386, %dma_start3A_387] : memref<4x8x8x128xf32, #tpu.memory_space<vmem>> -> memref<1x8x8x128xf32, #tpu.memory_space<vmem>>
    %dma_start3A_389 = tpu.memref_squeeze %dma_start3A_388 : memref<1x8x8x128xf32, #tpu.memory_space<vmem>> -> memref<8x8x128xf32, #tpu.memory_space<vmem>>
    %dma_start3A_390 = arith.constant 0 : i32
    %dma_start3A_391 = arith.constant 0 : i32
    %dma_start3A_392 = tpu.memref_slice %arg3[%dma_start3A_390, %dma_start3A_391, %multiple_of3A_358] : memref<8x8x1000000xf32, #tpu.memory_space<hbm>> -> memref<8x8x128xf32, #tpu.memory_space<hbm>>
    tpu.enqueue_dma source(%dma_start3A_392 : memref<8x8x128xf32, #tpu.memory_space<hbm>>) target(%dma_start3A_389 : memref<8x8x128xf32, #tpu.memory_space<vmem>>) target_semaphore(%arg19 : memref<!tpu.dma_semaphore, #tpu.memory_space<semaphore_mem>>)
    %dma_wait3A_393 = arith.constant 0 : i32
    %dma_wait3A_394 = tpu.memref_slice %arg15[%dma_wait3A_393] : memref<128xi32, #tpu.memory_space<vmem>> -> memref<128xi32, #tpu.memory_space<vmem>>
    %dma_wait3A_395 = arith.constant 0 : i32
    %dma_wait3A_396 = tpu.memref_slice %arg6[%dma_wait3A_395] : memref<16384xi32, #tpu.memory_space<hbm>> -> memref<128xi32, #tpu.memory_space<hbm>>
    %dma_wait3A_397 = arith.constant 0 : i32
    %dma_wait3A_398 = tpu.memref_slice %arg15[%dma_wait3A_397] : memref<128xi32, #tpu.memory_space<vmem>> -> memref<128xi32, #tpu.memory_space<vmem>>
    %dma_wait3A_399 = arith.constant 0 : i32
    %dma_wait3A_400 = tpu.memref_slice %arg6[%dma_wait3A_399] : memref<16384xi32, #tpu.memory_space<hbm>> -> memref<128xi32, #tpu.memory_space<hbm>>
    tpu.wait_dma2 semaphore(%arg21 : memref<!tpu.dma_semaphore, #tpu.memory_space<semaphore_mem>>) src(%dma_wait3A_400 : memref<128xi32, #tpu.memory_space<hbm>>) dst(%dma_wait3A_398 : memref<128xi32, #tpu.memory_space<vmem>>)
    %dma_wait3A_401 = arith.constant 0 : i32
    %dma_wait3A_402 = tpu.memref_slice %arg15[%dma_wait3A_401] : memref<128xi32, #tpu.memory_space<vmem>> -> memref<128xi32, #tpu.memory_space<vmem>>
    %dma_wait3A_403 = arith.constant 0 : i32
    %dma_wait3A_404 = tpu.memref_slice %arg6[%dma_wait3A_403] : memref<16384xi32, #tpu.memory_space<hbm>> -> memref<128xi32, #tpu.memory_space<hbm>>
    %dma_wait3A_405 = arith.constant 0 : i32
    %dma_wait3A_406 = tpu.memref_slice %arg15[%dma_wait3A_405] : memref<128xi32, #tpu.memory_space<vmem>> -> memref<128xi32, #tpu.memory_space<vmem>>
    %dma_wait3A_407 = arith.constant 0 : i32
    %dma_wait3A_408 = tpu.memref_slice %arg6[%dma_wait3A_407] : memref<16384xi32, #tpu.memory_space<hbm>> -> memref<128xi32, #tpu.memory_space<hbm>>
    tpu.wait_dma2 semaphore(%arg21 : memref<!tpu.dma_semaphore, #tpu.memory_space<semaphore_mem>>) src(%dma_wait3A_408 : memref<128xi32, #tpu.memory_space<hbm>>) dst(%dma_wait3A_406 : memref<128xi32, #tpu.memory_space<vmem>>)
    %dma_wait3A_409 = arith.constant 0 : i32
    %dma_wait3A_410 = tpu.memref_slice %arg15[%dma_wait3A_409] : memref<128xi32, #tpu.memory_space<vmem>> -> memref<128xi32, #tpu.memory_space<vmem>>
    %dma_wait3A_411 = arith.constant 0 : i32
    %dma_wait3A_412 = tpu.memref_slice %arg6[%dma_wait3A_411] : memref<16384xi32, #tpu.memory_space<hbm>> -> memref<128xi32, #tpu.memory_space<hbm>>
    %dma_wait3A_413 = arith.constant 0 : i32
    %dma_wait3A_414 = tpu.memref_slice %arg15[%dma_wait3A_413] : memref<128xi32, #tpu.memory_space<vmem>> -> memref<128xi32, #tpu.memory_space<vmem>>
    %dma_wait3A_415 = arith.constant 0 : i32
    %dma_wait3A_416 = tpu.memref_slice %arg6[%dma_wait3A_415] : memref<16384xi32, #tpu.memory_space<hbm>> -> memref<128xi32, #tpu.memory_space<hbm>>
    tpu.wait_dma2 semaphore(%arg21 : memref<!tpu.dma_semaphore, #tpu.memory_space<semaphore_mem>>) src(%dma_wait3A_416 : memref<128xi32, #tpu.memory_space<hbm>>) dst(%dma_wait3A_414 : memref<128xi32, #tpu.memory_space<vmem>>)
    %dma_wait3A_417 = arith.constant 0 : i32
    %dma_wait3A_418 = tpu.memref_slice %arg15[%dma_wait3A_417] : memref<128xi32, #tpu.memory_space<vmem>> -> memref<128xi32, #tpu.memory_space<vmem>>
    %dma_wait3A_419 = arith.constant 0 : i32
    %dma_wait3A_420 = tpu.memref_slice %arg6[%dma_wait3A_419] : memref<16384xi32, #tpu.memory_space<hbm>> -> memref<128xi32, #tpu.memory_space<hbm>>
    %dma_wait3A_421 = arith.constant 0 : i32
    %dma_wait3A_422 = tpu.memref_slice %arg15[%dma_wait3A_421] : memref<128xi32, #tpu.memory_space<vmem>> -> memref<128xi32, #tpu.memory_space<vmem>>
    %dma_wait3A_423 = arith.constant 0 : i32
    %dma_wait3A_424 = tpu.memref_slice %arg6[%dma_wait3A_423] : memref<16384xi32, #tpu.memory_space<hbm>> -> memref<128xi32, #tpu.memory_space<hbm>>
    tpu.wait_dma2 semaphore(%arg21 : memref<!tpu.dma_semaphore, #tpu.memory_space<semaphore_mem>>) src(%dma_wait3A_424 : memref<128xi32, #tpu.memory_space<hbm>>) dst(%dma_wait3A_422 : memref<128xi32, #tpu.memory_space<vmem>>)
    %dma_wait3A_425 = arith.constant 0 : i32
    %dma_wait3A_426 = tpu.memref_slice %arg15[%dma_wait3A_425] : memref<128xi32, #tpu.memory_space<vmem>> -> memref<128xi32, #tpu.memory_space<vmem>>
    %dma_wait3A_427 = arith.constant 0 : i32
    %dma_wait3A_428 = tpu.memref_slice %arg6[%dma_wait3A_427] : memref<16384xi32, #tpu.memory_space<hbm>> -> memref<128xi32, #tpu.memory_space<hbm>>
    %dma_wait3A_429 = arith.constant 0 : i32
    %dma_wait3A_430 = tpu.memref_slice %arg15[%dma_wait3A_429] : memref<128xi32, #tpu.memory_space<vmem>> -> memref<128xi32, #tpu.memory_space<vmem>>
    %dma_wait3A_431 = arith.constant 0 : i32
    %dma_wait3A_432 = tpu.memref_slice %arg6[%dma_wait3A_431] : memref<16384xi32, #tpu.memory_space<hbm>> -> memref<128xi32, #tpu.memory_space<hbm>>
    tpu.wait_dma2 semaphore(%arg21 : memref<!tpu.dma_semaphore, #tpu.memory_space<semaphore_mem>>) src(%dma_wait3A_432 : memref<128xi32, #tpu.memory_space<hbm>>) dst(%dma_wait3A_430 : memref<128xi32, #tpu.memory_space<vmem>>)
    %dma_wait3A_433 = arith.constant 0 : i32
    %dma_wait3A_434 = tpu.memref_slice %arg15[%dma_wait3A_433] : memref<128xi32, #tpu.memory_space<vmem>> -> memref<128xi32, #tpu.memory_space<vmem>>
    %dma_wait3A_435 = arith.constant 0 : i32
    %dma_wait3A_436 = tpu.memref_slice %arg6[%dma_wait3A_435] : memref<16384xi32, #tpu.memory_space<hbm>> -> memref<128xi32, #tpu.memory_space<hbm>>
    %dma_wait3A_437 = arith.constant 0 : i32
    %dma_wait3A_438 = tpu.memref_slice %arg15[%dma_wait3A_437] : memref<128xi32, #tpu.memory_space<vmem>> -> memref<128xi32, #tpu.memory_space<vmem>>
    %dma_wait3A_439 = arith.constant 0 : i32
    %dma_wait3A_440 = tpu.memref_slice %arg6[%dma_wait3A_439] : memref<16384xi32, #tpu.memory_space<hbm>> -> memref<128xi32, #tpu.memory_space<hbm>>
    tpu.wait_dma2 semaphore(%arg21 : memref<!tpu.dma_semaphore, #tpu.memory_space<semaphore_mem>>) src(%dma_wait3A_440 : memref<128xi32, #tpu.memory_space<hbm>>) dst(%dma_wait3A_438 : memref<128xi32, #tpu.memory_space<vmem>>)
    %dma_wait3A_441 = arith.constant 0 : i32
    %dma_wait3A_442 = tpu.memref_slice %arg15[%dma_wait3A_441] : memref<128xi32, #tpu.memory_space<vmem>> -> memref<128xi32, #tpu.memory_space<vmem>>
    %dma_wait3A_443 = arith.constant 0 : i32
    %dma_wait3A_444 = tpu.memref_slice %arg6[%dma_wait3A_443] : memref<16384xi32, #tpu.memory_space<hbm>> -> memref<128xi32, #tpu.memory_space<hbm>>
    %dma_wait3A_445 = arith.constant 0 : i32
    %dma_wait3A_446 = tpu.memref_slice %arg15[%dma_wait3A_445] : memref<128xi32, #tpu.memory_space<vmem>> -> memref<128xi32, #tpu.memory_space<vmem>>
    %dma_wait3A_447 = arith.constant 0 : i32
    %dma_wait3A_448 = tpu.memref_slice %arg6[%dma_wait3A_447] : memref<16384xi32, #tpu.memory_space<hbm>> -> memref<128xi32, #tpu.memory_space<hbm>>
    tpu.wait_dma2 semaphore(%arg21 : memref<!tpu.dma_semaphore, #tpu.memory_space<semaphore_mem>>) src(%dma_wait3A_448 : memref<128xi32, #tpu.memory_space<hbm>>) dst(%dma_wait3A_446 : memref<128xi32, #tpu.memory_space<vmem>>)
    %dma_wait3A_449 = arith.constant 0 : i32
    %dma_wait3A_450 = tpu.memref_slice %arg15[%dma_wait3A_449] : memref<128xi32, #tpu.memory_space<vmem>> -> memref<128xi32, #tpu.memory_space<vmem>>
    %dma_wait3A_451 = arith.constant 0 : i32
    %dma_wait3A_452 = tpu.memref_slice %arg6[%dma_wait3A_451] : memref<16384xi32, #tpu.memory_space<hbm>> -> memref<128xi32, #tpu.memory_space<hbm>>
    %dma_wait3A_453 = arith.constant 0 : i32
    %dma_wait3A_454 = tpu.memref_slice %arg15[%dma_wait3A_453] : memref<128xi32, #tpu.memory_space<vmem>> -> memref<128xi32, #tpu.memory_space<vmem>>
    %dma_wait3A_455 = arith.constant 0 : i32
    %dma_wait3A_456 = tpu.memref_slice %arg6[%dma_wait3A_455] : memref<16384xi32, #tpu.memory_space<hbm>> -> memref<128xi32, #tpu.memory_space<hbm>>
    tpu.wait_dma2 semaphore(%arg21 : memref<!tpu.dma_semaphore, #tpu.memory_space<semaphore_mem>>) src(%dma_wait3A_456 : memref<128xi32, #tpu.memory_space<hbm>>) dst(%dma_wait3A_454 : memref<128xi32, #tpu.memory_space<vmem>>)
    %scan3A = arith.constant 0 : i32
    %scan3A_457 = arith.constant 32 : i32
    %scan3A_458 = arith.addi %scan3A, %scan3A_457 : i32
    %scan3A_459 = arith.constant 1 : i32
    scf.for %scan3A_461 = %scan3A to %scan3A_458 step %scan3A_459  : i32 {
      %mul3A_462 = arith.constant 1 : i32
      %mul3A_463 = arith.muli %scan3A_461, %mul3A_462 : i32
      %add3A_464 = arith.constant 0 : i32
      %add3A_465 = arith.addi %add3A_464, %mul3A_463 : i32
      %mul3A_466 = arith.constant 16 : i32
      %mul3A_467 = arith.muli %add3A_465, %mul3A_466 : i32
      %jit3A = arith.constant 128 : i32
      %div3A = arith.divsi %mul3A_467, %jit3A : i32
      %sign3A = arith.constant 0 : i32
      %sign3A_468 = arith.cmpi sgt, %mul3A_467, %sign3A : i32
      %sign3A_469 = arith.extui %sign3A_468 : i1 to i32
      %sign3A_470 = arith.constant 0 : i32
      %sign3A_471 = arith.cmpi slt, %mul3A_467, %sign3A_470 : i32
      %sign3A_472 = arith.extui %sign3A_471 : i1 to i32
      %sign3A_473 = arith.subi %sign3A_469, %sign3A_472 : i32
      %sign3A_474 = arith.constant 0 : i32
      %sign3A_475 = arith.cmpi sgt, %jit3A, %sign3A_474 : i32
      %sign3A_476 = arith.extui %sign3A_475 : i1 to i32
      %sign3A_477 = arith.constant 0 : i32
      %sign3A_478 = arith.cmpi slt, %jit3A, %sign3A_477 : i32
      %sign3A_479 = arith.extui %sign3A_478 : i1 to i32
      %sign3A_480 = arith.subi %sign3A_476, %sign3A_479 : i32
      %ne3A = arith.cmpi ne, %sign3A_473, %sign3A_480 : i32
      %rem3A = arith.remsi %mul3A_467, %jit3A : i32
      %ne3A_481 = arith.constant 0 : i32
      %ne3A_482 = arith.cmpi ne, %rem3A, %ne3A_481 : i32
      %and3A_483 = arith.andi %ne3A, %ne3A_482 : i1
      %sub3A = arith.constant 1 : i32
      %sub3A_484 = arith.subi %div3A, %sub3A : i32
      %select_n3A = arith.select %and3A_483, %sub3A_484, %div3A : i32
      %jit3A_485 = arith.constant 128 : i32
      %eq3A = arith.constant 0 : i32
      %eq3A_486 = arith.cmpi eq, %jit3A_485, %eq3A : i32
      %jit3A_487 = arith.constant 1 : i32
      %select_n3A_488 = arith.select %eq3A_486, %jit3A_487, %jit3A_485 : i32
      %rem3A_489 = arith.remsi %mul3A_467, %select_n3A_488 : i32
      %ne3A_490 = arith.constant 0 : i32
      %ne3A_491 = arith.cmpi ne, %rem3A_489, %ne3A_490 : i32
      %lt3A = arith.constant 0 : i32
      %lt3A_492 = arith.cmpi slt, %rem3A_489, %lt3A : i32
      %lt3A_493 = arith.constant 0 : i32
      %lt3A_494 = arith.cmpi slt, %select_n3A_488, %lt3A_493 : i32
      %ne3A_495 = arith.xori %lt3A_492, %lt3A_494 : i1
      %and3A_496 = arith.andi %ne3A_495, %ne3A_491 : i1
      %add3A_497 = arith.addi %rem3A_489, %select_n3A_488 : i32
      %select_n3A_498 = arith.select %and3A_496, %add3A_497, %rem3A_489 : i32
      %get3A_499 = arith.index_cast %select_n3A : i32 to index
      %get3A_500 = arith.index_cast %select_n3A_498 : i32 to index
      %get3A_501 = tpu.vector_load %arg9[%get3A_499, %get3A_500] {strides = array<i32>} : memref<4x128xi32, #tpu.memory_space<vmem>>, vector<16xi32>,
      %jit3A_502 = arith.constant 128 : i32
      %div3A_503 = arith.divsi %mul3A_467, %jit3A_502 : i32
      %sign3A_504 = arith.constant 0 : i32
      %sign3A_505 = arith.cmpi sgt, %mul3A_467, %sign3A_504 : i32
      %sign3A_506 = arith.extui %sign3A_505 : i1 to i32
      %sign3A_507 = arith.constant 0 : i32
      %sign3A_508 = arith.cmpi slt, %mul3A_467, %sign3A_507 : i32
      %sign3A_509 = arith.extui %sign3A_508 : i1 to i32
      %sign3A_510 = arith.subi %sign3A_506, %sign3A_509 : i32
      %sign3A_511 = arith.constant 0 : i32
      %sign3A_512 = arith.cmpi sgt, %jit3A_502, %sign3A_511 : i32
      %sign3A_513 = arith.extui %sign3A_512 : i1 to i32
      %sign3A_514 = arith.constant 0 : i32
      %sign3A_515 = arith.cmpi slt, %jit3A_502, %sign3A_514 : i32
      %sign3A_516 = arith.extui %sign3A_515 : i1 to i32
      %sign3A_517 = arith.subi %sign3A_513, %sign3A_516 : i32
      %ne3A_518 = arith.cmpi ne, %sign3A_510, %sign3A_517 : i32
      %rem3A_519 = arith.remsi %mul3A_467, %jit3A_502 : i32
      %ne3A_520 = arith.constant 0 : i32
      %ne3A_521 = arith.cmpi ne, %rem3A_519, %ne3A_520 : i32
      %and3A_522 = arith.andi %ne3A_518, %ne3A_521 : i1
      %sub3A_523 = arith.constant 1 : i32
      %sub3A_524 = arith.subi %div3A_503, %sub3A_523 : i32
      %select_n3A_525 = arith.select %and3A_522, %sub3A_524, %div3A_503 : i32
      %jit3A_526 = arith.constant 128 : i32
      %eq3A_527 = arith.constant 0 : i32
      %eq3A_528 = arith.cmpi eq, %jit3A_526, %eq3A_527 : i32
      %jit3A_529 = arith.constant 1 : i32
      %select_n3A_530 = arith.select %eq3A_528, %jit3A_529, %jit3A_526 : i32
      %rem3A_531 = arith.remsi %mul3A_467, %select_n3A_530 : i32
      %ne3A_532 = arith.constant 0 : i32
      %ne3A_533 = arith.cmpi ne, %rem3A_531, %ne3A_532 : i32
      %lt3A_534 = arith.constant 0 : i32
      %lt3A_535 = arith.cmpi slt, %rem3A_531, %lt3A_534 : i32
      %lt3A_536 = arith.constant 0 : i32
      %lt3A_537 = arith.cmpi slt, %select_n3A_530, %lt3A_536 : i32
      %ne3A_538 = arith.xori %lt3A_535, %lt3A_537 : i1
      %and3A_539 = arith.andi %ne3A_538, %ne3A_533 : i1
      %add3A_540 = arith.addi %rem3A_531, %select_n3A_530 : i32
      %select_n3A_541 = arith.select %and3A_539, %add3A_540, %rem3A_531 : i32
      %get3A_542 = arith.index_cast %select_n3A_525 : i32 to index
      %get3A_543 = arith.index_cast %select_n3A_541 : i32 to index
      %get3A_544 = tpu.vector_load %arg10[%get3A_542, %get3A_543] {strides = array<i32>} : memref<4x128xi32, #tpu.memory_space<vmem>>, vector<16xi32>,
      %add3A_545 = arith.constant 1 : i32
      %add3A_546 = arith.addi %add3A_465, %add3A_545 : i32
      %min3A = arith.constant 31 : i32
      %min3A_547 = arith.minsi %add3A_546, %min3A : i32
      %mul3A_548 = arith.constant 16 : i32
      %mul3A_549 = arith.muli %min3A_547, %mul3A_548 : i32
      %jit3A_550 = arith.constant 128 : i32
      %div3A_551 = arith.divsi %mul3A_549, %jit3A_550 : i32
      %sign3A_552 = arith.constant 0 : i32
      %sign3A_553 = arith.cmpi sgt, %mul3A_549, %sign3A_552 : i32
      %sign3A_554 = arith.extui %sign3A_553 : i1 to i32
      %sign3A_555 = arith.constant 0 : i32
      %sign3A_556 = arith.cmpi slt, %mul3A_549, %sign3A_555 : i32
      %sign3A_557 = arith.extui %sign3A_556 : i1 to i32
      %sign3A_558 = arith.subi %sign3A_554, %sign3A_557 : i32
      %sign3A_559 = arith.constant 0 : i32
      %sign3A_560 = arith.cmpi sgt, %jit3A_550, %sign3A_559 : i32
      %sign3A_561 = arith.extui %sign3A_560 : i1 to i32
      %sign3A_562 = arith.constant 0 : i32
      %sign3A_563 = arith.cmpi slt, %jit3A_550, %sign3A_562 : i32
      %sign3A_564 = arith.extui %sign3A_563 : i1 to i32
      %sign3A_565 = arith.subi %sign3A_561, %sign3A_564 : i32
      %ne3A_566 = arith.cmpi ne, %sign3A_558, %sign3A_565 : i32
      %rem3A_567 = arith.remsi %mul3A_549, %jit3A_550 : i32
      %ne3A_568 = arith.constant 0 : i32
      %ne3A_569 = arith.cmpi ne, %rem3A_567, %ne3A_568 : i32
      %and3A_570 = arith.andi %ne3A_566, %ne3A_569 : i1
      %sub3A_571 = arith.constant 1 : i32
      %sub3A_572 = arith.subi %div3A_551, %sub3A_571 : i32
      %select_n3A_573 = arith.select %and3A_570, %sub3A_572, %div3A_551 : i32
      %jit3A_574 = arith.constant 128 : i32
      %eq3A_575 = arith.constant 0 : i32
      %eq3A_576 = arith.cmpi eq, %jit3A_574, %eq3A_575 : i32
      %jit3A_577 = arith.constant 1 : i32
      %select_n3A_578 = arith.select %eq3A_576, %jit3A_577, %jit3A_574 : i32
      %rem3A_579 = arith.remsi %mul3A_549, %select_n3A_578 : i32
      %ne3A_580 = arith.constant 0 : i32
      %ne3A_581 = arith.cmpi ne, %rem3A_579, %ne3A_580 : i32
      %lt3A_582 = arith.constant 0 : i32
      %lt3A_583 = arith.cmpi slt, %rem3A_579, %lt3A_582 : i32
      %lt3A_584 = arith.constant 0 : i32
      %lt3A_585 = arith.cmpi slt, %select_n3A_578, %lt3A_584 : i32
      %ne3A_586 = arith.xori %lt3A_583, %lt3A_585 : i1
      %and3A_587 = arith.andi %ne3A_586, %ne3A_581 : i1
      %add3A_588 = arith.addi %rem3A_579, %select_n3A_578 : i32
      %select_n3A_589 = arith.select %and3A_587, %add3A_588, %rem3A_579 : i32
      %get3A_590 = arith.index_cast %select_n3A_573 : i32 to index
      %get3A_591 = arith.index_cast %select_n3A_589 : i32 to index
      %get3A_592 = tpu.vector_load %arg9[%get3A_590, %get3A_591] {strides = array<i32>} : memref<4x128xi32, #tpu.memory_space<vmem>>, vector<16xi32>,
      %jit3A_593 = arith.constant 128 : i32
      %div3A_594 = arith.divsi %mul3A_549, %jit3A_593 : i32
      %sign3A_595 = arith.constant 0 : i32
      %sign3A_596 = arith.cmpi sgt, %mul3A_549, %sign3A_595 : i32
      %sign3A_597 = arith.extui %sign3A_596 : i1 to i32
      %sign3A_598 = arith.constant 0 : i32
      %sign3A_599 = arith.cmpi slt, %mul3A_549, %sign3A_598 : i32
      %sign3A_600 = arith.extui %sign3A_599 : i1 to i32
      %sign3A_601 = arith.subi %sign3A_597, %sign3A_600 : i32
      %sign3A_602 = arith.constant 0 : i32
      %sign3A_603 = arith.cmpi sgt, %jit3A_593, %sign3A_602 : i32
      %sign3A_604 = arith.extui %sign3A_603 : i1 to i32
      %sign3A_605 = arith.constant 0 : i32
      %sign3A_606 = arith.cmpi slt, %jit3A_593, %sign3A_605 : i32
      %sign3A_607 = arith.extui %sign3A_606 : i1 to i32
      %sign3A_608 = arith.subi %sign3A_604, %sign3A_607 : i32
      %ne3A_609 = arith.cmpi ne, %sign3A_601, %sign3A_608 : i32
      %rem3A_610 = arith.remsi %mul3A_549, %jit3A_593 : i32
      %ne3A_611 = arith.constant 0 : i32
      %ne3A_612 = arith.cmpi ne, %rem3A_610, %ne3A_611 : i32
      %and3A_613 = arith.andi %ne3A_609, %ne3A_612 : i1
      %sub3A_614 = arith.constant 1 : i32
      %sub3A_615 = arith.subi %div3A_594, %sub3A_614 : i32
      %select_n3A_616 = arith.select %and3A_613, %sub3A_615, %div3A_594 : i32
      %jit3A_617 = arith.constant 128 : i32
      %eq3A_618 = arith.constant 0 : i32
      %eq3A_619 = arith.cmpi eq, %jit3A_617, %eq3A_618 : i32
      %jit3A_620 = arith.constant 1 : i32
      %select_n3A_621 = arith.select %eq3A_619, %jit3A_620, %jit3A_617 : i32
      %rem3A_622 = arith.remsi %mul3A_549, %select_n3A_621 : i32
      %ne3A_623 = arith.constant 0 : i32
      %ne3A_624 = arith.cmpi ne, %rem3A_622, %ne3A_623 : i32
      %lt3A_625 = arith.constant 0 : i32
      %lt3A_626 = arith.cmpi slt, %rem3A_622, %lt3A_625 : i32
      %lt3A_627 = arith.constant 0 : i32
      %lt3A_628 = arith.cmpi slt, %select_n3A_621, %lt3A_627 : i32
      %ne3A_629 = arith.xori %lt3A_626, %lt3A_628 : i1
      %and3A_630 = arith.andi %ne3A_629, %ne3A_624 : i1
      %add3A_631 = arith.addi %rem3A_622, %select_n3A_621 : i32
      %select_n3A_632 = arith.select %and3A_630, %add3A_631, %rem3A_622 : i32
      %get3A_633 = arith.index_cast %select_n3A_616 : i32 to index
      %get3A_634 = arith.index_cast %select_n3A_632 : i32 to index
      %get3A_635 = tpu.vector_load %arg10[%get3A_633, %get3A_634] {strides = array<i32>} : memref<4x128xi32, #tpu.memory_space<vmem>>, vector<16xi32>,
      %mul3A_636 = arith.constant 16 : i32
      %mul3A_637 = arith.muli %add3A_465, %mul3A_636 : i32
      %get3A_638 = arith.index_cast %mul3A_637 : i32 to index
      %get3A_639 = tpu.vector_load %arg13[%get3A_638] {strides = array<i32>} : memref<512xf32, #tpu.memory_space<vmem>>, vector<16xf32>,
      %get3A_640 = arith.index_cast %mul3A_637 : i32 to index
      %get3A_641 = tpu.vector_load %arg14[%get3A_640] {strides = array<i32>} : memref<512xf32, #tpu.memory_space<vmem>>, vector<16xf32>,
      %add3A_642 = arith.addf %get3A_639, %get3A_641 : vector<16xf32>
      %slice3A_643 = vector.extract_strided_slice %get3A_501 {offsets = [3], sizes = [1], strides = [1]} : vector<16xi32> to vector<1xi32>
      %squeeze3A_644 = vector.extract %slice3A_643[0] : i32 from vector<1xi32>
      %shift_right_logical3A_645 = arith.constant 7 : i32
      %shift_right_logical3A_646 = arith.shrui %squeeze3A_644, %shift_right_logical3A_645 : i32
      %mul3A_647 = arith.constant 128 : i32
      %mul3A_648 = arith.muli %shift_right_logical3A_646, %mul3A_647 : i32
      %multiple_of3A_649 = tpu.assume_multiple %mul3A_648, 128 : i32
      %slice3A_650 = vector.extract_strided_slice %get3A_544 {offsets = [3], sizes = [1], strides = [1]} : vector<16xi32> to vector<1xi32>
      %squeeze3A_651 = vector.extract %slice3A_650[0] : i32 from vector<1xi32>
      %shift_right_logical3A_652 = arith.constant 7 : i32
      %shift_right_logical3A_653 = arith.shrui %squeeze3A_651, %shift_right_logical3A_652 : i32
      %mul3A_654 = arith.constant 128 : i32
      %mul3A_655 = arith.muli %shift_right_logical3A_653, %mul3A_654 : i32
      %multiple_of3A_656 = tpu.assume_multiple %mul3A_655, 128 : i32
      %dma_start3A_657 = arith.constant 3 : i32
      %dma_start3A_658 = arith.constant 0 : i32
      %dma_start3A_659 = arith.constant 0 : i32
      %dma_start3A_660 = arith.constant 0 : i32
      %dma_start3A_661 = tpu.memref_slice %arg11[%dma_start3A_657, %dma_start3A_658, %dma_start3A_659, %dma_start3A_660] : memref<4x8x8x128xf32, #tpu.memory_space<vmem>> -> memref<1x8x8x128xf32, #tpu.memory_space<vmem>>
      %dma_start3A_662 = tpu.memref_squeeze %dma_start3A_661 : memref<1x8x8x128xf32, #tpu.memory_space<vmem>> -> memref<8x8x128xf32, #tpu.memory_space<vmem>>
      %dma_start3A_663 = arith.constant 0 : i32
      %dma_start3A_664 = arith.constant 0 : i32
      %dma_start3A_665 = tpu.memref_slice %arg2[%dma_start3A_663, %dma_start3A_664, %multiple_of3A_649] : memref<8x8x1000000xf32, #tpu.memory_space<hbm>> -> memref<8x8x128xf32, #tpu.memory_space<hbm>>
      %dma_start3A_666 = arith.constant 0 : i32
      %dma_start3A_667 = arith.constant 0 : i32
      %dma_start3A_668 = arith.constant 0 : i32
      %dma_start3A_669 = tpu.memref_slice %arg11[%dma_start3A_657, %dma_start3A_666, %dma_start3A_667, %dma_start3A_668] : memref<4x8x8x128xf32, #tpu.memory_space<vmem>> -> memref<1x8x8x128xf32, #tpu.memory_space<vmem>>
      %dma_start3A_670 = tpu.memref_squeeze %dma_start3A_669 : memref<1x8x8x128xf32, #tpu.memory_space<vmem>> -> memref<8x8x128xf32, #tpu.memory_space<vmem>>
      %dma_start3A_671 = arith.constant 0 : i32
      %dma_start3A_672 = arith.constant 0 : i32
      %dma_start3A_673 = tpu.memref_slice %arg2[%dma_start3A_671, %dma_start3A_672, %multiple_of3A_649] : memref<8x8x1000000xf32, #tpu.memory_space<hbm>> -> memref<8x8x128xf32, #tpu.memory_space<hbm>>
      tpu.enqueue_dma source(%dma_start3A_673 : memref<8x8x128xf32, #tpu.memory_space<hbm>>) target(%dma_start3A_670 : memref<8x8x128xf32, #tpu.memory_space<vmem>>) target_semaphore(%arg20 : memref<!tpu.dma_semaphore, #tpu.memory_space<semaphore_mem>>)
      %dma_start3A_674 = arith.constant 3 : i32
      %dma_start3A_675 = arith.constant 0 : i32
      %dma_start3A_676 = arith.constant 0 : i32
      %dma_start3A_677 = arith.constant 0 : i32
      %dma_start3A_678 = tpu.memref_slice %arg12[%dma_start3A_674, %dma_start3A_675, %dma_start3A_676, %dma_start3A_677] : memref<4x8x8x128xf32, #tpu.memory_space<vmem>> -> memref<1x8x8x128xf32, #tpu.memory_space<vmem>>
      %dma_start3A_679 = tpu.memref_squeeze %dma_start3A_678 : memref<1x8x8x128xf32, #tpu.memory_space<vmem>> -> memref<8x8x128xf32, #tpu.memory_space<vmem>>
      %dma_start3A_680 = arith.constant 0 : i32
      %dma_start3A_681 = arith.constant 0 : i32
      %dma_start3A_682 = tpu.memref_slice %arg3[%dma_start3A_680, %dma_start3A_681, %multiple_of3A_656] : memref<8x8x1000000xf32, #tpu.memory_space<hbm>> -> memref<8x8x128xf32, #tpu.memory_space<hbm>>
      %dma_start3A_683 = arith.constant 0 : i32
      %dma_start3A_684 = arith.constant 0 : i32
      %dma_start3A_685 = arith.constant 0 : i32
      %dma_start3A_686 = tpu.memref_slice %arg12[%dma_start3A_674, %dma_start3A_683, %dma_start3A_684, %dma_start3A_685] : memref<4x8x8x128xf32, #tpu.memory_space<vmem>> -> memref<1x8x8x128xf32, #tpu.memory_space<vmem>>
      %dma_start3A_687 = tpu.memref_squeeze %dma_start3A_686 : memref<1x8x8x128xf32, #tpu.memory_space<vmem>> -> memref<8x8x128xf32, #tpu.memory_space<vmem>>
      %dma_start3A_688 = arith.constant 0 : i32
      %dma_start3A_689 = arith.constant 0 : i32
      %dma_start3A_690 = tpu.memref_slice %arg3[%dma_start3A_688, %dma_start3A_689, %multiple_of3A_656] : memref<8x8x1000000xf32, #tpu.memory_space<hbm>> -> memref<8x8x128xf32, #tpu.memory_space<hbm>>
      tpu.enqueue_dma source(%dma_start3A_690 : memref<8x8x128xf32, #tpu.memory_space<hbm>>) target(%dma_start3A_687 : memref<8x8x128xf32, #tpu.memory_space<vmem>>) target_semaphore(%arg20 : memref<!tpu.dma_semaphore, #tpu.memory_space<semaphore_mem>>)
      %dma_wait3A_691 = arith.constant 0 : i32
      %dma_wait3A_692 = arith.constant 0 : i32
      %dma_wait3A_693 = arith.constant 0 : i32
      %dma_wait3A_694 = arith.constant 0 : i32
      %dma_wait3A_695 = tpu.memref_slice %arg11[%dma_wait3A_691, %dma_wait3A_692, %dma_wait3A_693, %dma_wait3A_694] : memref<4x8x8x128xf32, #tpu.memory_space<vmem>> -> memref<1x8x8x128xf32, #tpu.memory_space<vmem>>
      %dma_wait3A_696 = tpu.memref_squeeze %dma_wait3A_695 : memref<1x8x8x128xf32, #tpu.memory_space<vmem>> -> memref<8x8x128xf32, #tpu.memory_space<vmem>>
      %dma_wait3A_697 = arith.constant 0 : i32
      %dma_wait3A_698 = arith.constant 0 : i32
      %dma_wait3A_699 = arith.constant 0 : i32
      %dma_wait3A_700 = tpu.memref_slice %arg2[%dma_wait3A_697, %dma_wait3A_698, %dma_wait3A_699] : memref<8x8x1000000xf32, #tpu.memory_space<hbm>> -> memref<8x8x128xf32, #tpu.memory_space<hbm>>
      %dma_wait3A_701 = arith.constant 0 : i32
      %dma_wait3A_702 = arith.constant 0 : i32
      %dma_wait3A_703 = arith.constant 0 : i32
      %dma_wait3A_704 = tpu.memref_slice %arg11[%dma_wait3A_691, %dma_wait3A_701, %dma_wait3A_702, %dma_wait3A_703] : memref<4x8x8x128xf32, #tpu.memory_space<vmem>> -> memref<1x8x8x128xf32, #tpu.memory_space<vmem>>
      %dma_wait3A_705 = tpu.memref_squeeze %dma_wait3A_704 : memref<1x8x8x128xf32, #tpu.memory_space<vmem>> -> memref<8x8x128xf32, #tpu.memory_space<vmem>>
      %dma_wait3A_706 = arith.constant 0 : i32
      %dma_wait3A_707 = arith.constant 0 : i32
      %dma_wait3A_708 = arith.constant 0 : i32
      %dma_wait3A_709 = tpu.memref_slice %arg2[%dma_wait3A_706, %dma_wait3A_707, %dma_wait3A_708] : memref<8x8x1000000xf32, #tpu.memory_space<hbm>> -> memref<8x8x128xf32, #tpu.memory_space<hbm>>
      tpu.wait_dma2 semaphore(%arg17 : memref<!tpu.dma_semaphore, #tpu.memory_space<semaphore_mem>>) src(%dma_wait3A_709 : memref<8x8x128xf32, #tpu.memory_space<hbm>>) dst(%dma_wait3A_705 : memref<8x8x128xf32, #tpu.memory_space<vmem>>)
      %dma_wait3A_710 = arith.constant 0 : i32
      %dma_wait3A_711 = arith.constant 0 : i32
      %dma_wait3A_712 = arith.constant 0 : i32
      %dma_wait3A_713 = arith.constant 0 : i32
      %dma_wait3A_714 = tpu.memref_slice %arg12[%dma_wait3A_710, %dma_wait3A_711, %dma_wait3A_712, %dma_wait3A_713] : memref<4x8x8x128xf32, #tpu.memory_space<vmem>> -> memref<1x8x8x128xf32, #tpu.memory_space<vmem>>
      %dma_wait3A_715 = tpu.memref_squeeze %dma_wait3A_714 : memref<1x8x8x128xf32, #tpu.memory_space<vmem>> -> memref<8x8x128xf32, #tpu.memory_space<vmem>>
      %dma_wait3A_716 = arith.constant 0 : i32
      %dma_wait3A_717 = arith.constant 0 : i32
      %dma_wait3A_718 = arith.constant 0 : i32
      %dma_wait3A_719 = tpu.memref_slice %arg3[%dma_wait3A_716, %dma_wait3A_717, %dma_wait3A_718] : memref<8x8x1000000xf32, #tpu.memory_space<hbm>> -> memref<8x8x128xf32, #tpu.memory_space<hbm>>
      %dma_wait3A_720 = arith.constant 0 : i32
      %dma_wait3A_721 = arith.constant 0 : i32
      %dma_wait3A_722 = arith.constant 0 : i32
      %dma_wait3A_723 = tpu.memref_slice %arg12[%dma_wait3A_710, %dma_wait3A_720, %dma_wait3A_721, %dma_wait3A_722] : memref<4x8x8x128xf32, #tpu.memory_space<vmem>> -> memref<1x8x8x128xf32, #tpu.memory_space<vmem>>
      %dma_wait3A_724 = tpu.memref_squeeze %dma_wait3A_723 : memref<1x8x8x128xf32, #tpu.memory_space<vmem>> -> memref<8x8x128xf32, #tpu.memory_space<vmem>>
      %dma_wait3A_725 = arith.constant 0 : i32
      %dma_wait3A_726 = arith.constant 0 : i32
      %dma_wait3A_727 = arith.constant 0 : i32
      %dma_wait3A_728 = tpu.memref_slice %arg3[%dma_wait3A_725, %dma_wait3A_726, %dma_wait3A_727] : memref<8x8x1000000xf32, #tpu.memory_space<hbm>> -> memref<8x8x128xf32, #tpu.memory_space<hbm>>
      tpu.wait_dma2 semaphore(%arg17 : memref<!tpu.dma_semaphore, #tpu.memory_space<semaphore_mem>>) src(%dma_wait3A_728 : memref<8x8x128xf32, #tpu.memory_space<hbm>>) dst(%dma_wait3A_724 : memref<8x8x128xf32, #tpu.memory_space<vmem>>)
      %broadcast_in_dim3A = arith.constant 0 : i32
      %broadcast_in_dim3A_729 = vector.broadcast %broadcast_in_dim3A : i32 to vector<16xi32>
      %slice3A_730 = vector.extract_strided_slice %get3A_501 {offsets = [0], sizes = [1], strides = [1]} : vector<16xi32> to vector<1xi32>
      %squeeze3A_731 = vector.extract %slice3A_730[0] : i32 from vector<1xi32>
      %and3A_732 = arith.constant 127 : i32
      %and3A_733 = arith.andi %squeeze3A_731, %and3A_732 : i32
      %add3A_734 = vector.broadcast %and3A_733 : i32 to vector<16xi32>
      %add3A_735 = arith.addi %broadcast_in_dim3A_729, %add3A_734 : vector<16xi32>
      %broadcast_in_dim3A_736 = arith.constant 0 : i32
      %broadcast_in_dim3A_737 = vector.broadcast %broadcast_in_dim3A_736 : i32 to vector<16xi32>
      %slice3A_738 = vector.extract_strided_slice %get3A_544 {offsets = [0], sizes = [1], strides = [1]} : vector<16xi32> to vector<1xi32>
      %squeeze3A_739 = vector.extract %slice3A_738[0] : i32 from vector<1xi32>
      %and3A_740 = arith.constant 127 : i32
      %and3A_741 = arith.andi %squeeze3A_739, %and3A_740 : i32
      %add3A_742 = vector.broadcast %and3A_741 : i32 to vector<16xi32>
      %add3A_743 = arith.addi %broadcast_in_dim3A_737, %add3A_742 : vector<16xi32>
      %add3A_744 = arith.constant 0 : i32
      %add3A_745 = vector.broadcast %add3A_744 : i32 to vector<16xi32>
      %add3A_746 = arith.addi %shift_right_logical3A_244, %add3A_745 : vector<16xi32>
      %gather3A = arith.constant 0 : i32
      %gather3A_747 = arith.constant 0 : i32
      %gather3A_748 = arith.constant 0 : i32
      %gather3A_749 = arith.constant 0 : i32
      %gather3A_750 = tpu.memref_slice %arg11[%gather3A, %gather3A_747, %gather3A_748, %gather3A_749] : memref<4x8x8x128xf32, #tpu.memory_space<vmem>> -> memref<1x8x8x128xf32, #tpu.memory_space<vmem>>
      %gather3A_751 = tpu.memref_squeeze %gather3A_750 : memref<1x8x8x128xf32, #tpu.memory_space<vmem>> -> memref<8x8x128xf32, #tpu.memory_space<vmem>>
      %gather3A_752 = tpu.vector_load_idx %gather3A_751[%add3A_746, %and3A_242, %add3A_735] : memref<8x8x128xf32, #tpu.memory_space<vmem>>[vector<16xi32>, vector<16xi32>, vector<16xi32>], vector<16xf32>,
      %gather3A_753 = arith.constant 0 : i32
      %gather3A_754 = arith.constant 0 : i32
      %gather3A_755 = arith.constant 0 : i32
      %gather3A_756 = arith.constant 0 : i32
      %gather3A_757 = tpu.memref_slice %arg12[%gather3A_753, %gather3A_754, %gather3A_755, %gather3A_756] : memref<4x8x8x128xf32, #tpu.memory_space<vmem>> -> memref<1x8x8x128xf32, #tpu.memory_space<vmem>>
      %gather3A_758 = tpu.memref_squeeze %gather3A_757 : memref<1x8x8x128xf32, #tpu.memory_space<vmem>> -> memref<8x8x128xf32, #tpu.memory_space<vmem>>
      %gather3A_759 = tpu.vector_load_idx %gather3A_758[%add3A_746, %and3A_242, %add3A_743] : memref<8x8x128xf32, #tpu.memory_space<vmem>>[vector<16xi32>, vector<16xi32>, vector<16xi32>], vector<16xf32>,
      %mul3A_760 = arith.mulf %gather3A_752, %gather3A_759 : vector<16xf32>
      %add3A_761 = arith.constant 2 : i32
      %add3A_762 = vector.broadcast %add3A_761 : i32 to vector<16xi32>
      %add3A_763 = arith.addi %shift_right_logical3A_244, %add3A_762 : vector<16xi32>
      %gather3A_764 = arith.constant 0 : i32
      %gather3A_765 = arith.constant 0 : i32
      %gather3A_766 = arith.constant 0 : i32
      %gather3A_767 = arith.constant 0 : i32
      %gather3A_768 = tpu.memref_slice %arg11[%gather3A_764, %gather3A_765, %gather3A_766, %gather3A_767] : memref<4x8x8x128xf32, #tpu.memory_space<vmem>> -> memref<1x8x8x128xf32, #tpu.memory_space<vmem>>
      %gather3A_769 = tpu.memref_squeeze %gather3A_768 : memref<1x8x8x128xf32, #tpu.memory_space<vmem>> -> memref<8x8x128xf32, #tpu.memory_space<vmem>>
      %gather3A_770 = tpu.vector_load_idx %gather3A_769[%add3A_763, %and3A_242, %add3A_735] : memref<8x8x128xf32, #tpu.memory_space<vmem>>[vector<16xi32>, vector<16xi32>, vector<16xi32>], vector<16xf32>,
      %gather3A_771 = arith.constant 0 : i32
      %gather3A_772 = arith.constant 0 : i32
      %gather3A_773 = arith.constant 0 : i32
      %gather3A_774 = arith.constant 0 : i32
      %gather3A_775 = tpu.memref_slice %arg12[%gather3A_771, %gather3A_772, %gather3A_773, %gather3A_774] : memref<4x8x8x128xf32, #tpu.memory_space<vmem>> -> memref<1x8x8x128xf32, #tpu.memory_space<vmem>>
      %gather3A_776 = tpu.memref_squeeze %gather3A_775 : memref<1x8x8x128xf32, #tpu.memory_space<vmem>> -> memref<8x8x128xf32, #tpu.memory_space<vmem>>
      %gather3A_777 = tpu.vector_load_idx %gather3A_776[%add3A_763, %and3A_242, %add3A_743] : memref<8x8x128xf32, #tpu.memory_space<vmem>>[vector<16xi32>, vector<16xi32>, vector<16xi32>], vector<16xf32>,
      %mul3A_778 = arith.mulf %gather3A_770, %gather3A_777 : vector<16xf32>
      %add3A_779 = arith.addf %mul3A_760, %mul3A_778 : vector<16xf32>
      %add3A_780 = arith.constant 4 : i32
      %add3A_781 = vector.broadcast %add3A_780 : i32 to vector<16xi32>
      %add3A_782 = arith.addi %shift_right_logical3A_244, %add3A_781 : vector<16xi32>
      %gather3A_783 = arith.constant 0 : i32
      %gather3A_784 = arith.constant 0 : i32
      %gather3A_785 = arith.constant 0 : i32
      %gather3A_786 = arith.constant 0 : i32
      %gather3A_787 = tpu.memref_slice %arg11[%gather3A_783, %gather3A_784, %gather3A_785, %gather3A_786] : memref<4x8x8x128xf32, #tpu.memory_space<vmem>> -> memref<1x8x8x128xf32, #tpu.memory_space<vmem>>
      %gather3A_788 = tpu.memref_squeeze %gather3A_787 : memref<1x8x8x128xf32, #tpu.memory_space<vmem>> -> memref<8x8x128xf32, #tpu.memory_space<vmem>>
      %gather3A_789 = tpu.vector_load_idx %gather3A_788[%add3A_782, %and3A_242, %add3A_735] : memref<8x8x128xf32, #tpu.memory_space<vmem>>[vector<16xi32>, vector<16xi32>, vector<16xi32>], vector<16xf32>,
      %gather3A_790 = arith.constant 0 : i32
      %gather3A_791 = arith.constant 0 : i32
      %gather3A_792 = arith.constant 0 : i32
      %gather3A_793 = arith.constant 0 : i32
      %gather3A_794 = tpu.memref_slice %arg12[%gather3A_790, %gather3A_791, %gather3A_792, %gather3A_793] : memref<4x8x8x128xf32, #tpu.memory_space<vmem>> -> memref<1x8x8x128xf32, #tpu.memory_space<vmem>>
      %gather3A_795 = tpu.memref_squeeze %gather3A_794 : memref<1x8x8x128xf32, #tpu.memory_space<vmem>> -> memref<8x8x128xf32, #tpu.memory_space<vmem>>
      %gather3A_796 = tpu.vector_load_idx %gather3A_795[%add3A_782, %and3A_242, %add3A_743] : memref<8x8x128xf32, #tpu.memory_space<vmem>>[vector<16xi32>, vector<16xi32>, vector<16xi32>], vector<16xf32>,
      %mul3A_797 = arith.mulf %gather3A_789, %gather3A_796 : vector<16xf32>
      %add3A_798 = arith.addf %add3A_779, %mul3A_797 : vector<16xf32>
      %add3A_799 = arith.constant 6 : i32
      %add3A_800 = vector.broadcast %add3A_799 : i32 to vector<16xi32>
      %add3A_801 = arith.addi %shift_right_logical3A_244, %add3A_800 : vector<16xi32>
      %gather3A_802 = arith.constant 0 : i32
      %gather3A_803 = arith.constant 0 : i32
      %gather3A_804 = arith.constant 0 : i32
      %gather3A_805 = arith.constant 0 : i32
      %gather3A_806 = tpu.memref_slice %arg11[%gather3A_802, %gather3A_803, %gather3A_804, %gather3A_805] : memref<4x8x8x128xf32, #tpu.memory_space<vmem>> -> memref<1x8x8x128xf32, #tpu.memory_space<vmem>>
      %gather3A_807 = tpu.memref_squeeze %gather3A_806 : memref<1x8x8x128xf32, #tpu.memory_space<vmem>> -> memref<8x8x128xf32, #tpu.memory_space<vmem>>
      %gather3A_808 = tpu.vector_load_idx %gather3A_807[%add3A_801, %and3A_242, %add3A_735] : memref<8x8x128xf32, #tpu.memory_space<vmem>>[vector<16xi32>, vector<16xi32>, vector<16xi32>], vector<16xf32>,
      %gather3A_809 = arith.constant 0 : i32
      %gather3A_810 = arith.constant 0 : i32
      %gather3A_811 = arith.constant 0 : i32
      %gather3A_812 = arith.constant 0 : i32
      %gather3A_813 = tpu.memref_slice %arg12[%gather3A_809, %gather3A_810, %gather3A_811, %gather3A_812] : memref<4x8x8x128xf32, #tpu.memory_space<vmem>> -> memref<1x8x8x128xf32, #tpu.memory_space<vmem>>
      %gather3A_814 = tpu.memref_squeeze %gather3A_813 : memref<1x8x8x128xf32, #tpu.memory_space<vmem>> -> memref<8x8x128xf32, #tpu.memory_space<vmem>>
      %gather3A_815 = tpu.vector_load_idx %gather3A_814[%add3A_801, %and3A_242, %add3A_743] : memref<8x8x128xf32, #tpu.memory_space<vmem>>[vector<16xi32>, vector<16xi32>, vector<16xi32>], vector<16xf32>,
      %mul3A_816 = arith.mulf %gather3A_808, %gather3A_815 : vector<16xf32>
      %add3A_817 = arith.addf %add3A_798, %mul3A_816 : vector<16xf32>
      %eq3A_818 = arith.constant 0 : i32
      %eq3A_819 = vector.broadcast %eq3A_818 : i32 to vector<16xi32>
      %eq3A_820 = arith.cmpi eq, %iota3A, %eq3A_819 : vector<16xi32>
      %reduce_sum3A = arith.constant true
      %reduce_sum3A_821 = vector.broadcast %reduce_sum3A : i1 to vector<16xi1>
      %reduce_sum3A_822 = tpu.scan <sum>, %add3A_817 masked %reduce_sum3A_821 : vector<16xf32>, vector<16xi1> -> vector<16xf32>
      %reduce_sum3A_823 = vector.extract %reduce_sum3A_822[15] : f32 from vector<16xf32>
      %jit3A_824 = arith.constant 0.000000e+00 : f32
      %broadcast_in_dim3A_825 = vector.broadcast %reduce_sum3A_823 : f32 to vector<16xf32>
      %broadcast_in_dim3A_826 = vector.broadcast %jit3A_824 : f32 to vector<16xf32>
      %select_n3A_827 = arith.select %eq3A_820, %broadcast_in_dim3A_825, %broadcast_in_dim3A_826 : vector<16xi1>, vector<16xf32>
      %add3A_828 = arith.addf %add3A_642, %select_n3A_827 : vector<16xf32>
      %slice3A_829 = vector.extract_strided_slice %get3A_501 {offsets = [4], sizes = [1], strides = [1]} : vector<16xi32> to vector<1xi32>
      %squeeze3A_830 = vector.extract %slice3A_829[0] : i32 from vector<1xi32>
      %shift_right_logical3A_831 = arith.constant 7 : i32
      %shift_right_logical3A_832 = arith.shrui %squeeze3A_830, %shift_right_logical3A_831 : i32
      %mul3A_833 = arith.constant 128 : i32
      %mul3A_834 = arith.muli %shift_right_logical3A_832, %mul3A_833 : i32
      %multiple_of3A_835 = tpu.assume_multiple %mul3A_834, 128 : i32
      %slice3A_836 = vector.extract_strided_slice %get3A_544 {offsets = [4], sizes = [1], strides = [1]} : vector<16xi32> to vector<1xi32>
      %squeeze3A_837 = vector.extract %slice3A_836[0] : i32 from vector<1xi32>
      %shift_right_logical3A_838 = arith.constant 7 : i32
      %shift_right_logical3A_839 = arith.shrui %squeeze3A_837, %shift_right_logical3A_838 : i32
      %mul3A_840 = arith.constant 128 : i32
      %mul3A_841 = arith.muli %shift_right_logical3A_839, %mul3A_840 : i32
      %multiple_of3A_842 = tpu.assume_multiple %mul3A_841, 128 : i32
      %dma_start3A_843 = arith.constant 0 : i32
      %dma_start3A_844 = arith.constant 0 : i32
      %dma_start3A_845 = arith.constant 0 : i32
      %dma_start3A_846 = arith.constant 0 : i32
      %dma_start3A_847 = tpu.memref_slice %arg11[%dma_start3A_843, %dma_start3A_844, %dma_start3A_845, %dma_start3A_846] : memref<4x8x8x128xf32, #tpu.memory_space<vmem>> -> memref<1x8x8x128xf32, #tpu.memory_space<vmem>>
      %dma_start3A_848 = tpu.memref_squeeze %dma_start3A_847 : memref<1x8x8x128xf32, #tpu.memory_space<vmem>> -> memref<8x8x128xf32, #tpu.memory_space<vmem>>
      %dma_start3A_849 = arith.constant 0 : i32
      %dma_start3A_850 = arith.constant 0 : i32
      %dma_start3A_851 = tpu.memref_slice %arg2[%dma_start3A_849, %dma_start3A_850, %multiple_of3A_835] : memref<8x8x1000000xf32, #tpu.memory_space<hbm>> -> memref<8x8x128xf32, #tpu.memory_space<hbm>>
      %dma_start3A_852 = arith.constant 0 : i32
      %dma_start3A_853 = arith.constant 0 : i32
      %dma_start3A_854 = arith.constant 0 : i32
      %dma_start3A_855 = tpu.memref_slice %arg11[%dma_start3A_843, %dma_start3A_852, %dma_start3A_853, %dma_start3A_854] : memref<4x8x8x128xf32, #tpu.memory_space<vmem>> -> memref<1x8x8x128xf32, #tpu.memory_space<vmem>>
      %dma_start3A_856 = tpu.memref_squeeze %dma_start3A_855 : memref<1x8x8x128xf32, #tpu.memory_space<vmem>> -> memref<8x8x128xf32, #tpu.memory_space<vmem>>
      %dma_start3A_857 = arith.constant 0 : i32
      %dma_start3A_858 = arith.constant 0 : i32
      %dma_start3A_859 = tpu.memref_slice %arg2[%dma_start3A_857, %dma_start3A_858, %multiple_of3A_835] : memref<8x8x1000000xf32, #tpu.memory_space<hbm>> -> memref<8x8x128xf32, #tpu.memory_space<hbm>>
      tpu.enqueue_dma source(%dma_start3A_859 : memref<8x8x128xf32, #tpu.memory_space<hbm>>) target(%dma_start3A_856 : memref<8x8x128xf32, #tpu.memory_space<vmem>>) target_semaphore(%arg17 : memref<!tpu.dma_semaphore, #tpu.memory_space<semaphore_mem>>)
      %dma_start3A_860 = arith.constant 0 : i32
      %dma_start3A_861 = arith.constant 0 : i32
      %dma_start3A_862 = arith.constant 0 : i32
      %dma_start3A_863 = arith.constant 0 : i32
      %dma_start3A_864 = tpu.memref_slice %arg12[%dma_start3A_860, %dma_start3A_861, %dma_start3A_862, %dma_start3A_863] : memref<4x8x8x128xf32, #tpu.memory_space<vmem>> -> memref<1x8x8x128xf32, #tpu.memory_space<vmem>>
      %dma_start3A_865 = tpu.memref_squeeze %dma_start3A_864 : memref<1x8x8x128xf32, #tpu.memory_space<vmem>> -> memref<8x8x128xf32, #tpu.memory_space<vmem>>
      %dma_start3A_866 = arith.constant 0 : i32
      %dma_start3A_867 = arith.constant 0 : i32
      %dma_start3A_868 = tpu.memref_slice %arg3[%dma_start3A_866, %dma_start3A_867, %multiple_of3A_842] : memref<8x8x1000000xf32, #tpu.memory_space<hbm>> -> memref<8x8x128xf32, #tpu.memory_space<hbm>>
      %dma_start3A_869 = arith.constant 0 : i32
      %dma_start3A_870 = arith.constant 0 : i32
      %dma_start3A_871 = arith.constant 0 : i32
      %dma_start3A_872 = tpu.memref_slice %arg12[%dma_start3A_860, %dma_start3A_869, %dma_start3A_870, %dma_start3A_871] : memref<4x8x8x128xf32, #tpu.memory_space<vmem>> -> memref<1x8x8x128xf32, #tpu.memory_space<vmem>>
      %dma_start3A_873 = tpu.memref_squeeze %dma_start3A_872 : memref<1x8x8x128xf32, #tpu.memory_space<vmem>> -> memref<8x8x128xf32, #tpu.memory_space<vmem>>
      %dma_start3A_874 = arith.constant 0 : i32
      %dma_start3A_875 = arith.constant 0 : i32
      %dma_start3A_876 = tpu.memref_slice %arg3[%dma_start3A_874, %dma_start3A_875, %multiple_of3A_842] : memref<8x8x1000000xf32, #tpu.memory_space<hbm>> -> memref<8x8x128xf32, #tpu.memory_space<hbm>>
      tpu.enqueue_dma source(%dma_start3A_876 : memref<8x8x128xf32, #tpu.memory_space<hbm>>) target(%dma_start3A_873 : memref<8x8x128xf32, #tpu.memory_space<vmem>>) target_semaphore(%arg17 : memref<!tpu.dma_semaphore, #tpu.memory_space<semaphore_mem>>)
      %dma_wait3A_877 = arith.constant 1 : i32
      %dma_wait3A_878 = arith.constant 0 : i32
      %dma_wait3A_879 = arith.constant 0 : i32
      %dma_wait3A_880 = arith.constant 0 : i32
      %dma_wait3A_881 = tpu.memref_slice %arg11[%dma_wait3A_877, %dma_wait3A_878, %dma_wait3A_879, %dma_wait3A_880] : memref<4x8x8x128xf32, #tpu.memory_space<vmem>> -> memref<1x8x8x128xf32, #tpu.memory_space<vmem>>
      %dma_wait3A_882 = tpu.memref_squeeze %dma_wait3A_881 : memref<1x8x8x128xf32, #tpu.memory_space<vmem>> -> memref<8x8x128xf32, #tpu.memory_space<vmem>>
      %dma_wait3A_883 = arith.constant 0 : i32
      %dma_wait3A_884 = arith.constant 0 : i32
      %dma_wait3A_885 = arith.constant 0 : i32
      %dma_wait3A_886 = tpu.memref_slice %arg2[%dma_wait3A_883, %dma_wait3A_884, %dma_wait3A_885] : memref<8x8x1000000xf32, #tpu.memory_space<hbm>> -> memref<8x8x128xf32, #tpu.memory_space<hbm>>
      %dma_wait3A_887 = arith.constant 0 : i32
      %dma_wait3A_888 = arith.constant 0 : i32
      %dma_wait3A_889 = arith.constant 0 : i32
      %dma_wait3A_890 = tpu.memref_slice %arg11[%dma_wait3A_877, %dma_wait3A_887, %dma_wait3A_888, %dma_wait3A_889] : memref<4x8x8x128xf32, #tpu.memory_space<vmem>> -> memref<1x8x8x128xf32, #tpu.memory_space<vmem>>
      %dma_wait3A_891 = tpu.memref_squeeze %dma_wait3A_890 : memref<1x8x8x128xf32, #tpu.memory_space<vmem>> -> memref<8x8x128xf32, #tpu.memory_space<vmem>>
      %dma_wait3A_892 = arith.constant 0 : i32
      %dma_wait3A_893 = arith.constant 0 : i32
      %dma_wait3A_894 = arith.constant 0 : i32
      %dma_wait3A_895 = tpu.memref_slice %arg2[%dma_wait3A_892, %dma_wait3A_893, %dma_wait3A_894] : memref<8x8x1000000xf32, #tpu.memory_space<hbm>> -> memref<8x8x128xf32, #tpu.memory_space<hbm>>
      tpu.wait_dma2 semaphore(%arg18 : memref<!tpu.dma_semaphore, #tpu.memory_space<semaphore_mem>>) src(%dma_wait3A_895 : memref<8x8x128xf32, #tpu.memory_space<hbm>>) dst(%dma_wait3A_891 : memref<8x8x128xf32, #tpu.memory_space<vmem>>)
      %dma_wait3A_896 = arith.constant 1 : i32
      %dma_wait3A_897 = arith.constant 0 : i32
      %dma_wait3A_898 = arith.constant 0 : i32
      %dma_wait3A_899 = arith.constant 0 : i32
      %dma_wait3A_900 = tpu.memref_slice %arg12[%dma_wait3A_896, %dma_wait3A_897, %dma_wait3A_898, %dma_wait3A_899] : memref<4x8x8x128xf32, #tpu.memory_space<vmem>> -> memref<1x8x8x128xf32, #tpu.memory_space<vmem>>
      %dma_wait3A_901 = tpu.memref_squeeze %dma_wait3A_900 : memref<1x8x8x128xf32, #tpu.memory_space<vmem>> -> memref<8x8x128xf32, #tpu.memory_space<vmem>>
      %dma_wait3A_902 = arith.constant 0 : i32
      %dma_wait3A_903 = arith.constant 0 : i32
      %dma_wait3A_904 = arith.constant 0 : i32
      %dma_wait3A_905 = tpu.memref_slice %arg3[%dma_wait3A_902, %dma_wait3A_903, %dma_wait3A_904] : memref<8x8x1000000xf32, #tpu.memory_space<hbm>> -> memref<8x8x128xf32, #tpu.memory_space<hbm>>
      %dma_wait3A_906 = arith.constant 0 : i32
      %dma_wait3A_907 = arith.constant 0 : i32
      %dma_wait3A_908 = arith.constant 0 : i32
      %dma_wait3A_909 = tpu.memref_slice %arg12[%dma_wait3A_896, %dma_wait3A_906, %dma_wait3A_907, %dma_wait3A_908] : memref<4x8x8x128xf32, #tpu.memory_space<vmem>> -> memref<1x8x8x128xf32, #tpu.memory_space<vmem>>
      %dma_wait3A_910 = tpu.memref_squeeze %dma_wait3A_909 : memref<1x8x8x128xf32, #tpu.memory_space<vmem>> -> memref<8x8x128xf32, #tpu.memory_space<vmem>>
      %dma_wait3A_911 = arith.constant 0 : i32
      %dma_wait3A_912 = arith.constant 0 : i32
      %dma_wait3A_913 = arith.constant 0 : i32
      %dma_wait3A_914 = tpu.memref_slice %arg3[%dma_wait3A_911, %dma_wait3A_912, %dma_wait3A_913] : memref<8x8x1000000xf32, #tpu.memory_space<hbm>> -> memref<8x8x128xf32, #tpu.memory_space<hbm>>
      tpu.wait_dma2 semaphore(%arg18 : memref<!tpu.dma_semaphore, #tpu.memory_space<semaphore_mem>>) src(%dma_wait3A_914 : memref<8x8x128xf32, #tpu.memory_space<hbm>>) dst(%dma_wait3A_910 : memref<8x8x128xf32, #tpu.memory_space<vmem>>)
      %broadcast_in_dim3A_915 = arith.constant 0 : i32
      %broadcast_in_dim3A_916 = vector.broadcast %broadcast_in_dim3A_915 : i32 to vector<16xi32>
      %slice3A_917 = vector.extract_strided_slice %get3A_501 {offsets = [1], sizes = [1], strides = [1]} : vector<16xi32> to vector<1xi32>
      %squeeze3A_918 = vector.extract %slice3A_917[0] : i32 from vector<1xi32>
      %and3A_919 = arith.constant 127 : i32
      %and3A_920 = arith.andi %squeeze3A_918, %and3A_919 : i32
      %add3A_921 = vector.broadcast %and3A_920 : i32 to vector<16xi32>
      %add3A_922 = arith.addi %broadcast_in_dim3A_916, %add3A_921 : vector<16xi32>
      %broadcast_in_dim3A_923 = arith.constant 0 : i32
      %broadcast_in_dim3A_924 = vector.broadcast %broadcast_in_dim3A_923 : i32 to vector<16xi32>
      %slice3A_925 = vector.extract_strided_slice %get3A_544 {offsets = [1], sizes = [1], strides = [1]} : vector<16xi32> to vector<1xi32>
      %squeeze3A_926 = vector.extract %slice3A_925[0] : i32 from vector<1xi32>
      %and3A_927 = arith.constant 127 : i32
      %and3A_928 = arith.andi %squeeze3A_926, %and3A_927 : i32
      %add3A_929 = vector.broadcast %and3A_928 : i32 to vector<16xi32>
      %add3A_930 = arith.addi %broadcast_in_dim3A_924, %add3A_929 : vector<16xi32>
      %add3A_931 = arith.constant 0 : i32
      %add3A_932 = vector.broadcast %add3A_931 : i32 to vector<16xi32>
      %add3A_933 = arith.addi %shift_right_logical3A_244, %add3A_932 : vector<16xi32>
      %gather3A_934 = arith.constant 1 : i32
      %gather3A_935 = arith.constant 0 : i32
      %gather3A_936 = arith.constant 0 : i32
      %gather3A_937 = arith.constant 0 : i32
      %gather3A_938 = tpu.memref_slice %arg11[%gather3A_934, %gather3A_935, %gather3A_936, %gather3A_937] : memref<4x8x8x128xf32, #tpu.memory_space<vmem>> -> memref<1x8x8x128xf32, #tpu.memory_space<vmem>>
      %gather3A_939 = tpu.memref_squeeze %gather3A_938 : memref<1x8x8x128xf32, #tpu.memory_space<vmem>> -> memref<8x8x128xf32, #tpu.memory_space<vmem>>
      %gather3A_940 = tpu.vector_load_idx %gather3A_939[%add3A_933, %and3A_242, %add3A_922] : memref<8x8x128xf32, #tpu.memory_space<vmem>>[vector<16xi32>, vector<16xi32>, vector<16xi32>], vector<16xf32>,
      %gather3A_941 = arith.constant 1 : i32
      %gather3A_942 = arith.constant 0 : i32
      %gather3A_943 = arith.constant 0 : i32
      %gather3A_944 = arith.constant 0 : i32
      %gather3A_945 = tpu.memref_slice %arg12[%gather3A_941, %gather3A_942, %gather3A_943, %gather3A_944] : memref<4x8x8x128xf32, #tpu.memory_space<vmem>> -> memref<1x8x8x128xf32, #tpu.memory_space<vmem>>
      %gather3A_946 = tpu.memref_squeeze %gather3A_945 : memref<1x8x8x128xf32, #tpu.memory_space<vmem>> -> memref<8x8x128xf32, #tpu.memory_space<vmem>>
      %gather3A_947 = tpu.vector_load_idx %gather3A_946[%add3A_933, %and3A_242, %add3A_930] : memref<8x8x128xf32, #tpu.memory_space<vmem>>[vector<16xi32>, vector<16xi32>, vector<16xi32>], vector<16xf32>,
      %mul3A_948 = arith.mulf %gather3A_940, %gather3A_947 : vector<16xf32>
      %add3A_949 = arith.constant 2 : i32
      %add3A_950 = vector.broadcast %add3A_949 : i32 to vector<16xi32>
      %add3A_951 = arith.addi %shift_right_logical3A_244, %add3A_950 : vector<16xi32>
      %gather3A_952 = arith.constant 1 : i32
      %gather3A_953 = arith.constant 0 : i32
      %gather3A_954 = arith.constant 0 : i32
      %gather3A_955 = arith.constant 0 : i32
      %gather3A_956 = tpu.memref_slice %arg11[%gather3A_952, %gather3A_953, %gather3A_954, %gather3A_955] : memref<4x8x8x128xf32, #tpu.memory_space<vmem>> -> memref<1x8x8x128xf32, #tpu.memory_space<vmem>>
      %gather3A_957 = tpu.memref_squeeze %gather3A_956 : memref<1x8x8x128xf32, #tpu.memory_space<vmem>> -> memref<8x8x128xf32, #tpu.memory_space<vmem>>
      %gather3A_958 = tpu.vector_load_idx %gather3A_957[%add3A_951, %and3A_242, %add3A_922] : memref<8x8x128xf32, #tpu.memory_space<vmem>>[vector<16xi32>, vector<16xi32>, vector<16xi32>], vector<16xf32>,
      %gather3A_959 = arith.constant 1 : i32
      %gather3A_960 = arith.constant 0 : i32
      %gather3A_961 = arith.constant 0 : i32
      %gather3A_962 = arith.constant 0 : i32
      %gather3A_963 = tpu.memref_slice %arg12[%gather3A_959, %gather3A_960, %gather3A_961, %gather3A_962] : memref<4x8x8x128xf32, #tpu.memory_space<vmem>> -> memref<1x8x8x128xf32, #tpu.memory_space<vmem>>
      %gather3A_964 = tpu.memref_squeeze %gather3A_963 : memref<1x8x8x128xf32, #tpu.memory_space<vmem>> -> memref<8x8x128xf32, #tpu.memory_space<vmem>>
      %gather3A_965 = tpu.vector_load_idx %gather3A_964[%add3A_951, %and3A_242, %add3A_930] : memref<8x8x128xf32, #tpu.memory_space<vmem>>[vector<16xi32>, vector<16xi32>, vector<16xi32>], vector<16xf32>,
      %mul3A_966 = arith.mulf %gather3A_958, %gather3A_965 : vector<16xf32>
      %add3A_967 = arith.addf %mul3A_948, %mul3A_966 : vector<16xf32>
      %add3A_968 = arith.constant 4 : i32
      %add3A_969 = vector.broadcast %add3A_968 : i32 to vector<16xi32>
      %add3A_970 = arith.addi %shift_right_logical3A_244, %add3A_969 : vector<16xi32>
      %gather3A_971 = arith.constant 1 : i32
      %gather3A_972 = arith.constant 0 : i32
      %gather3A_973 = arith.constant 0 : i32
      %gather3A_974 = arith.constant 0 : i32
      %gather3A_975 = tpu.memref_slice %arg11[%gather3A_971, %gather3A_972, %gather3A_973, %gather3A_974] : memref<4x8x8x128xf32, #tpu.memory_space<vmem>> -> memref<1x8x8x128xf32, #tpu.memory_space<vmem>>
      %gather3A_976 = tpu.memref_squeeze %gather3A_975 : memref<1x8x8x128xf32, #tpu.memory_space<vmem>> -> memref<8x8x128xf32, #tpu.memory_space<vmem>>
      %gather3A_977 = tpu.vector_load_idx %gather3A_976[%add3A_970, %and3A_242, %add3A_922] : memref<8x8x128xf32, #tpu.memory_space<vmem>>[vector<16xi32>, vector<16xi32>, vector<16xi32>], vector<16xf32>,
      %gather3A_978 = arith.constant 1 : i32
      %gather3A_979 = arith.constant 0 : i32
      %gather3A_980 = arith.constant 0 : i32
      %gather3A_981 = arith.constant 0 : i32
      %gather3A_982 = tpu.memref_slice %arg12[%gather3A_978, %gather3A_979, %gather3A_980, %gather3A_981] : memref<4x8x8x128xf32, #tpu.memory_space<vmem>> -> memref<1x8x8x128xf32, #tpu.memory_space<vmem>>
      %gather3A_983 = tpu.memref_squeeze %gather3A_982 : memref<1x8x8x128xf32, #tpu.memory_space<vmem>> -> memref<8x8x128xf32, #tpu.memory_space<vmem>>
      %gather3A_984 = tpu.vector_load_idx %gather3A_983[%add3A_970, %and3A_242, %add3A_930] : memref<8x8x128xf32, #tpu.memory_space<vmem>>[vector<16xi32>, vector<16xi32>, vector<16xi32>], vector<16xf32>,
      %mul3A_985 = arith.mulf %gather3A_977, %gather3A_984 : vector<16xf32>
      %add3A_986 = arith.addf %add3A_967, %mul3A_985 : vector<16xf32>
      %add3A_987 = arith.constant 6 : i32
      %add3A_988 = vector.broadcast %add3A_987 : i32 to vector<16xi32>
      %add3A_989 = arith.addi %shift_right_logical3A_244, %add3A_988 : vector<16xi32>
      %gather3A_990 = arith.constant 1 : i32
      %gather3A_991 = arith.constant 0 : i32
      %gather3A_992 = arith.constant 0 : i32
      %gather3A_993 = arith.constant 0 : i32
      %gather3A_994 = tpu.memref_slice %arg11[%gather3A_990, %gather3A_991, %gather3A_992, %gather3A_993] : memref<4x8x8x128xf32, #tpu.memory_space<vmem>> -> memref<1x8x8x128xf32, #tpu.memory_space<vmem>>
      %gather3A_995 = tpu.memref_squeeze %gather3A_994 : memref<1x8x8x128xf32, #tpu.memory_space<vmem>> -> memref<8x8x128xf32, #tpu.memory_space<vmem>>
      %gather3A_996 = tpu.vector_load_idx %gather3A_995[%add3A_989, %and3A_242, %add3A_922] : memref<8x8x128xf32, #tpu.memory_space<vmem>>[vector<16xi32>, vector<16xi32>, vector<16xi32>], vector<16xf32>,
      %gather3A_997 = arith.constant 1 : i32
      %gather3A_998 = arith.constant 0 : i32
      %gather3A_999 = arith.constant 0 : i32
      %gather3A_1000 = arith.constant 0 : i32
      %gather3A_1001 = tpu.memref_slice %arg12[%gather3A_997, %gather3A_998, %gather3A_999, %gather3A_1000] : memref<4x8x8x128xf32, #tpu.memory_space<vmem>> -> memref<1x8x8x128xf32, #tpu.memory_space<vmem>>
      %gather3A_1002 = tpu.memref_squeeze %gather3A_1001 : memref<1x8x8x128xf32, #tpu.memory_space<vmem>> -> memref<8x8x128xf32, #tpu.memory_space<vmem>>
      %gather3A_1003 = tpu.vector_load_idx %gather3A_1002[%add3A_989, %and3A_242, %add3A_930] : memref<8x8x128xf32, #tpu.memory_space<vmem>>[vector<16xi32>, vector<16xi32>, vector<16xi32>], vector<16xf32>,
      %mul3A_1004 = arith.mulf %gather3A_996, %gather3A_1003 : vector<16xf32>
      %add3A_1005 = arith.addf %add3A_986, %mul3A_1004 : vector<16xf32>
      %eq3A_1006 = arith.constant 1 : i32
      %eq3A_1007 = vector.broadcast %eq3A_1006 : i32 to vector<16xi32>
      %eq3A_1008 = arith.cmpi eq, %iota3A, %eq3A_1007 : vector<16xi32>
      %reduce_sum3A_1009 = arith.constant true
      %reduce_sum3A_1010 = vector.broadcast %reduce_sum3A_1009 : i1 to vector<16xi1>
      %reduce_sum3A_1011 = tpu.scan <sum>, %add3A_1005 masked %reduce_sum3A_1010 : vector<16xf32>, vector<16xi1> -> vector<16xf32>
      %reduce_sum3A_1012 = vector.extract %reduce_sum3A_1011[15] : f32 from vector<16xf32>
      %jit3A_1013 = arith.constant 0.000000e+00 : f32
      %broadcast_in_dim3A_1014 = vector.broadcast %reduce_sum3A_1012 : f32 to vector<16xf32>
      %broadcast_in_dim3A_1015 = vector.broadcast %jit3A_1013 : f32 to vector<16xf32>
      %select_n3A_1016 = arith.select %eq3A_1008, %broadcast_in_dim3A_1014, %broadcast_in_dim3A_1015 : vector<16xi1>, vector<16xf32>
      %add3A_1017 = arith.addf %add3A_828, %select_n3A_1016 : vector<16xf32>
      %slice3A_1018 = vector.extract_strided_slice %get3A_501 {offsets = [5], sizes = [1], strides = [1]} : vector<16xi32> to vector<1xi32>
      %squeeze3A_1019 = vector.extract %slice3A_1018[0] : i32 from vector<1xi32>
      %shift_right_logical3A_1020 = arith.constant 7 : i32
      %shift_right_logical3A_1021 = arith.shrui %squeeze3A_1019, %shift_right_logical3A_1020 : i32
      %mul3A_1022 = arith.constant 128 : i32
      %mul3A_1023 = arith.muli %shift_right_logical3A_1021, %mul3A_1022 : i32
      %multiple_of3A_1024 = tpu.assume_multiple %mul3A_1023, 128 : i32
      %slice3A_1025 = vector.extract_strided_slice %get3A_544 {offsets = [5], sizes = [1], strides = [1]} : vector<16xi32> to vector<1xi32>
      %squeeze3A_1026 = vector.extract %slice3A_1025[0] : i32 from vector<1xi32>
      %shift_right_logical3A_1027 = arith.constant 7 : i32
      %shift_right_logical3A_1028 = arith.shrui %squeeze3A_1026, %shift_right_logical3A_1027 : i32
      %mul3A_1029 = arith.constant 128 : i32
      %mul3A_1030 = arith.muli %shift_right_logical3A_1028, %mul3A_1029 : i32
      %multiple_of3A_1031 = tpu.assume_multiple %mul3A_1030, 128 : i32
      %dma_start3A_1032 = arith.constant 1 : i32
      %dma_start3A_1033 = arith.constant 0 : i32
      %dma_start3A_1034 = arith.constant 0 : i32
      %dma_start3A_1035 = arith.constant 0 : i32
      %dma_start3A_1036 = tpu.memref_slice %arg11[%dma_start3A_1032, %dma_start3A_1033, %dma_start3A_1034, %dma_start3A_1035] : memref<4x8x8x128xf32, #tpu.memory_space<vmem>> -> memref<1x8x8x128xf32, #tpu.memory_space<vmem>>
      %dma_start3A_1037 = tpu.memref_squeeze %dma_start3A_1036 : memref<1x8x8x128xf32, #tpu.memory_space<vmem>> -> memref<8x8x128xf32, #tpu.memory_space<vmem>>
      %dma_start3A_1038 = arith.constant 0 : i32
      %dma_start3A_1039 = arith.constant 0 : i32
      %dma_start3A_1040 = tpu.memref_slice %arg2[%dma_start3A_1038, %dma_start3A_1039, %multiple_of3A_1024] : memref<8x8x1000000xf32, #tpu.memory_space<hbm>> -> memref<8x8x128xf32, #tpu.memory_space<hbm>>
      %dma_start3A_1041 = arith.constant 0 : i32
      %dma_start3A_1042 = arith.constant 0 : i32
      %dma_start3A_1043 = arith.constant 0 : i32
      %dma_start3A_1044 = tpu.memref_slice %arg11[%dma_start3A_1032, %dma_start3A_1041, %dma_start3A_1042, %dma_start3A_1043] : memref<4x8x8x128xf32, #tpu.memory_space<vmem>> -> memref<1x8x8x128xf32, #tpu.memory_space<vmem>>
      %dma_start3A_1045 = tpu.memref_squeeze %dma_start3A_1044 : memref<1x8x8x128xf32, #tpu.memory_space<vmem>> -> memref<8x8x128xf32, #tpu.memory_space<vmem>>
      %dma_start3A_1046 = arith.constant 0 : i32
      %dma_start3A_1047 = arith.constant 0 : i32
      %dma_start3A_1048 = tpu.memref_slice %arg2[%dma_start3A_1046, %dma_start3A_1047, %multiple_of3A_1024] : memref<8x8x1000000xf32, #tpu.memory_space<hbm>> -> memref<8x8x128xf32, #tpu.memory_space<hbm>>
      tpu.enqueue_dma source(%dma_start3A_1048 : memref<8x8x128xf32, #tpu.memory_space<hbm>>) target(%dma_start3A_1045 : memref<8x8x128xf32, #tpu.memory_space<vmem>>) target_semaphore(%arg18 : memref<!tpu.dma_semaphore, #tpu.memory_space<semaphore_mem>>)
      %dma_start3A_1049 = arith.constant 1 : i32
      %dma_start3A_1050 = arith.constant 0 : i32
      %dma_start3A_1051 = arith.constant 0 : i32
      %dma_start3A_1052 = arith.constant 0 : i32
      %dma_start3A_1053 = tpu.memref_slice %arg12[%dma_start3A_1049, %dma_start3A_1050, %dma_start3A_1051, %dma_start3A_1052] : memref<4x8x8x128xf32, #tpu.memory_space<vmem>> -> memref<1x8x8x128xf32, #tpu.memory_space<vmem>>
      %dma_start3A_1054 = tpu.memref_squeeze %dma_start3A_1053 : memref<1x8x8x128xf32, #tpu.memory_space<vmem>> -> memref<8x8x128xf32, #tpu.memory_space<vmem>>
      %dma_start3A_1055 = arith.constant 0 : i32
      %dma_start3A_1056 = arith.constant 0 : i32
      %dma_start3A_1057 = tpu.memref_slice %arg3[%dma_start3A_1055, %dma_start3A_1056, %multiple_of3A_1031] : memref<8x8x1000000xf32, #tpu.memory_space<hbm>> -> memref<8x8x128xf32, #tpu.memory_space<hbm>>
      %dma_start3A_1058 = arith.constant 0 : i32
      %dma_start3A_1059 = arith.constant 0 : i32
      %dma_start3A_1060 = arith.constant 0 : i32
      %dma_start3A_1061 = tpu.memref_slice %arg12[%dma_start3A_1049, %dma_start3A_1058, %dma_start3A_1059, %dma_start3A_1060] : memref<4x8x8x128xf32, #tpu.memory_space<vmem>> -> memref<1x8x8x128xf32, #tpu.memory_space<vmem>>
      %dma_start3A_1062 = tpu.memref_squeeze %dma_start3A_1061 : memref<1x8x8x128xf32, #tpu.memory_space<vmem>> -> memref<8x8x128xf32, #tpu.memory_space<vmem>>
      %dma_start3A_1063 = arith.constant 0 : i32
      %dma_start3A_1064 = arith.constant 0 : i32
      %dma_start3A_1065 = tpu.memref_slice %arg3[%dma_start3A_1063, %dma_start3A_1064, %multiple_of3A_1031] : memref<8x8x1000000xf32, #tpu.memory_space<hbm>> -> memref<8x8x128xf32, #tpu.memory_space<hbm>>
      tpu.enqueue_dma source(%dma_start3A_1065 : memref<8x8x128xf32, #tpu.memory_space<hbm>>) target(%dma_start3A_1062 : memref<8x8x128xf32, #tpu.memory_space<vmem>>) target_semaphore(%arg18 : memref<!tpu.dma_semaphore, #tpu.memory_space<semaphore_mem>>)
      %dma_wait3A_1066 = arith.constant 2 : i32
      %dma_wait3A_1067 = arith.constant 0 : i32
      %dma_wait3A_1068 = arith.constant 0 : i32
      %dma_wait3A_1069 = arith.constant 0 : i32
      %dma_wait3A_1070 = tpu.memref_slice %arg11[%dma_wait3A_1066, %dma_wait3A_1067, %dma_wait3A_1068, %dma_wait3A_1069] : memref<4x8x8x128xf32, #tpu.memory_space<vmem>> -> memref<1x8x8x128xf32, #tpu.memory_space<vmem>>
      %dma_wait3A_1071 = tpu.memref_squeeze %dma_wait3A_1070 : memref<1x8x8x128xf32, #tpu.memory_space<vmem>> -> memref<8x8x128xf32, #tpu.memory_space<vmem>>
      %dma_wait3A_1072 = arith.constant 0 : i32
      %dma_wait3A_1073 = arith.constant 0 : i32
      %dma_wait3A_1074 = arith.constant 0 : i32
      %dma_wait3A_1075 = tpu.memref_slice %arg2[%dma_wait3A_1072, %dma_wait3A_1073, %dma_wait3A_1074] : memref<8x8x1000000xf32, #tpu.memory_space<hbm>> -> memref<8x8x128xf32, #tpu.memory_space<hbm>>
      %dma_wait3A_1076 = arith.constant 0 : i32
      %dma_wait3A_1077 = arith.constant 0 : i32
      %dma_wait3A_1078 = arith.constant 0 : i32
      %dma_wait3A_1079 = tpu.memref_slice %arg11[%dma_wait3A_1066, %dma_wait3A_1076, %dma_wait3A_1077, %dma_wait3A_1078] : memref<4x8x8x128xf32, #tpu.memory_space<vmem>> -> memref<1x8x8x128xf32, #tpu.memory_space<vmem>>
      %dma_wait3A_1080 = tpu.memref_squeeze %dma_wait3A_1079 : memref<1x8x8x128xf32, #tpu.memory_space<vmem>> -> memref<8x8x128xf32, #tpu.memory_space<vmem>>
      %dma_wait3A_1081 = arith.constant 0 : i32
      %dma_wait3A_1082 = arith.constant 0 : i32
      %dma_wait3A_1083 = arith.constant 0 : i32
      %dma_wait3A_1084 = tpu.memref_slice %arg2[%dma_wait3A_1081, %dma_wait3A_1082, %dma_wait3A_1083] : memref<8x8x1000000xf32, #tpu.memory_space<hbm>> -> memref<8x8x128xf32, #tpu.memory_space<hbm>>
      tpu.wait_dma2 semaphore(%arg19 : memref<!tpu.dma_semaphore, #tpu.memory_space<semaphore_mem>>) src(%dma_wait3A_1084 : memref<8x8x128xf32, #tpu.memory_space<hbm>>) dst(%dma_wait3A_1080 : memref<8x8x128xf32, #tpu.memory_space<vmem>>)
      %dma_wait3A_1085 = arith.constant 2 : i32
      %dma_wait3A_1086 = arith.constant 0 : i32
      %dma_wait3A_1087 = arith.constant 0 : i32
      %dma_wait3A_1088 = arith.constant 0 : i32
      %dma_wait3A_1089 = tpu.memref_slice %arg12[%dma_wait3A_1085, %dma_wait3A_1086, %dma_wait3A_1087, %dma_wait3A_1088] : memref<4x8x8x128xf32, #tpu.memory_space<vmem>> -> memref<1x8x8x128xf32, #tpu.memory_space<vmem>>
      %dma_wait3A_1090 = tpu.memref_squeeze %dma_wait3A_1089 : memref<1x8x8x128xf32, #tpu.memory_space<vmem>> -> memref<8x8x128xf32, #tpu.memory_space<vmem>>
      %dma_wait3A_1091 = arith.constant 0 : i32
      %dma_wait3A_1092 = arith.constant 0 : i32
      %dma_wait3A_1093 = arith.constant 0 : i32
      %dma_wait3A_1094 = tpu.memref_slice %arg3[%dma_wait3A_1091, %dma_wait3A_1092, %dma_wait3A_1093] : memref<8x8x1000000xf32, #tpu.memory_space<hbm>> -> memref<8x8x128xf32, #tpu.memory_space<hbm>>
      %dma_wait3A_1095 = arith.constant 0 : i32
      %dma_wait3A_1096 = arith.constant 0 : i32
      %dma_wait3A_1097 = arith.constant 0 : i32
      %dma_wait3A_1098 = tpu.memref_slice %arg12[%dma_wait3A_1085, %dma_wait3A_1095, %dma_wait3A_1096, %dma_wait3A_1097] : memref<4x8x8x128xf32, #tpu.memory_space<vmem>> -> memref<1x8x8x128xf32, #tpu.memory_space<vmem>>
      %dma_wait3A_1099 = tpu.memref_squeeze %dma_wait3A_1098 : memref<1x8x8x128xf32, #tpu.memory_space<vmem>> -> memref<8x8x128xf32, #tpu.memory_space<vmem>>
      %dma_wait3A_1100 = arith.constant 0 : i32
      %dma_wait3A_1101 = arith.constant 0 : i32
      %dma_wait3A_1102 = arith.constant 0 : i32
      %dma_wait3A_1103 = tpu.memref_slice %arg3[%dma_wait3A_1100, %dma_wait3A_1101, %dma_wait3A_1102] : memref<8x8x1000000xf32, #tpu.memory_space<hbm>> -> memref<8x8x128xf32, #tpu.memory_space<hbm>>
      tpu.wait_dma2 semaphore(%arg19 : memref<!tpu.dma_semaphore, #tpu.memory_space<semaphore_mem>>) src(%dma_wait3A_1103 : memref<8x8x128xf32, #tpu.memory_space<hbm>>) dst(%dma_wait3A_1099 : memref<8x8x128xf32, #tpu.memory_space<vmem>>)
      %broadcast_in_dim3A_1104 = arith.constant 0 : i32
      %broadcast_in_dim3A_1105 = vector.broadcast %broadcast_in_dim3A_1104 : i32 to vector<16xi32>
      %slice3A_1106 = vector.extract_strided_slice %get3A_501 {offsets = [2], sizes = [1], strides = [1]} : vector<16xi32> to vector<1xi32>
      %squeeze3A_1107 = vector.extract %slice3A_1106[0] : i32 from vector<1xi32>
      %and3A_1108 = arith.constant 127 : i32
      %and3A_1109 = arith.andi %squeeze3A_1107, %and3A_1108 : i32
      %add3A_1110 = vector.broadcast %and3A_1109 : i32 to vector<16xi32>
      %add3A_1111 = arith.addi %broadcast_in_dim3A_1105, %add3A_1110 : vector<16xi32>
      %broadcast_in_dim3A_1112 = arith.constant 0 : i32
      %broadcast_in_dim3A_1113 = vector.broadcast %broadcast_in_dim3A_1112 : i32 to vector<16xi32>
      %slice3A_1114 = vector.extract_strided_slice %get3A_544 {offsets = [2], sizes = [1], strides = [1]} : vector<16xi32> to vector<1xi32>
      %squeeze3A_1115 = vector.extract %slice3A_1114[0] : i32 from vector<1xi32>
      %and3A_1116 = arith.constant 127 : i32
      %and3A_1117 = arith.andi %squeeze3A_1115, %and3A_1116 : i32
      %add3A_1118 = vector.broadcast %and3A_1117 : i32 to vector<16xi32>
      %add3A_1119 = arith.addi %broadcast_in_dim3A_1113, %add3A_1118 : vector<16xi32>
      %add3A_1120 = arith.constant 0 : i32
      %add3A_1121 = vector.broadcast %add3A_1120 : i32 to vector<16xi32>
      %add3A_1122 = arith.addi %shift_right_logical3A_244, %add3A_1121 : vector<16xi32>
      %gather3A_1123 = arith.constant 2 : i32
      %gather3A_1124 = arith.constant 0 : i32
      %gather3A_1125 = arith.constant 0 : i32
      %gather3A_1126 = arith.constant 0 : i32
      %gather3A_1127 = tpu.memref_slice %arg11[%gather3A_1123, %gather3A_1124, %gather3A_1125, %gather3A_1126] : memref<4x8x8x128xf32, #tpu.memory_space<vmem>> -> memref<1x8x8x128xf32, #tpu.memory_space<vmem>>
      %gather3A_1128 = tpu.memref_squeeze %gather3A_1127 : memref<1x8x8x128xf32, #tpu.memory_space<vmem>> -> memref<8x8x128xf32, #tpu.memory_space<vmem>>
      %gather3A_1129 = tpu.vector_load_idx %gather3A_1128[%add3A_1122, %and3A_242, %add3A_1111] : memref<8x8x128xf32, #tpu.memory_space<vmem>>[vector<16xi32>, vector<16xi32>, vector<16xi32>], vector<16xf32>,
      %gather3A_1130 = arith.constant 2 : i32
      %gather3A_1131 = arith.constant 0 : i32
      %gather3A_1132 = arith.constant 0 : i32
      %gather3A_1133 = arith.constant 0 : i32
      %gather3A_1134 = tpu.memref_slice %arg12[%gather3A_1130, %gather3A_1131, %gather3A_1132, %gather3A_1133] : memref<4x8x8x128xf32, #tpu.memory_space<vmem>> -> memref<1x8x8x128xf32, #tpu.memory_space<vmem>>
      %gather3A_1135 = tpu.memref_squeeze %gather3A_1134 : memref<1x8x8x128xf32, #tpu.memory_space<vmem>> -> memref<8x8x128xf32, #tpu.memory_space<vmem>>
      %gather3A_1136 = tpu.vector_load_idx %gather3A_1135[%add3A_1122, %and3A_242, %add3A_1119] : memref<8x8x128xf32, #tpu.memory_space<vmem>>[vector<16xi32>, vector<16xi32>, vector<16xi32>], vector<16xf32>,
      %mul3A_1137 = arith.mulf %gather3A_1129, %gather3A_1136 : vector<16xf32>
      %add3A_1138 = arith.constant 2 : i32
      %add3A_1139 = vector.broadcast %add3A_1138 : i32 to vector<16xi32>
      %add3A_1140 = arith.addi %shift_right_logical3A_244, %add3A_1139 : vector<16xi32>
      %gather3A_1141 = arith.constant 2 : i32
      %gather3A_1142 = arith.constant 0 : i32
      %gather3A_1143 = arith.constant 0 : i32
      %gather3A_1144 = arith.constant 0 : i32
      %gather3A_1145 = tpu.memref_slice %arg11[%gather3A_1141, %gather3A_1142, %gather3A_1143, %gather3A_1144] : memref<4x8x8x128xf32, #tpu.memory_space<vmem>> -> memref<1x8x8x128xf32, #tpu.memory_space<vmem>>
      %gather3A_1146 = tpu.memref_squeeze %gather3A_1145 : memref<1x8x8x128xf32, #tpu.memory_space<vmem>> -> memref<8x8x128xf32, #tpu.memory_space<vmem>>
      %gather3A_1147 = tpu.vector_load_idx %gather3A_1146[%add3A_1140, %and3A_242, %add3A_1111] : memref<8x8x128xf32, #tpu.memory_space<vmem>>[vector<16xi32>, vector<16xi32>, vector<16xi32>], vector<16xf32>,
      %gather3A_1148 = arith.constant 2 : i32
      %gather3A_1149 = arith.constant 0 : i32
      %gather3A_1150 = arith.constant 0 : i32
      %gather3A_1151 = arith.constant 0 : i32
      %gather3A_1152 = tpu.memref_slice %arg12[%gather3A_1148, %gather3A_1149, %gather3A_1150, %gather3A_1151] : memref<4x8x8x128xf32, #tpu.memory_space<vmem>> -> memref<1x8x8x128xf32, #tpu.memory_space<vmem>>
      %gather3A_1153 = tpu.memref_squeeze %gather3A_1152 : memref<1x8x8x128xf32, #tpu.memory_space<vmem>> -> memref<8x8x128xf32, #tpu.memory_space<vmem>>
      %gather3A_1154 = tpu.vector_load_idx %gather3A_1153[%add3A_1140, %and3A_242, %add3A_1119] : memref<8x8x128xf32, #tpu.memory_space<vmem>>[vector<16xi32>, vector<16xi32>, vector<16xi32>], vector<16xf32>,
      %mul3A_1155 = arith.mulf %gather3A_1147, %gather3A_1154 : vector<16xf32>
      %add3A_1156 = arith.addf %mul3A_1137, %mul3A_1155 : vector<16xf32>
      %add3A_1157 = arith.constant 4 : i32
      %add3A_1158 = vector.broadcast %add3A_1157 : i32 to vector<16xi32>
      %add3A_1159 = arith.addi %shift_right_logical3A_244, %add3A_1158 : vector<16xi32>
      %gather3A_1160 = arith.constant 2 : i32
      %gather3A_1161 = arith.constant 0 : i32
      %gather3A_1162 = arith.constant 0 : i32
      %gather3A_1163 = arith.constant 0 : i32
      %gather3A_1164 = tpu.memref_slice %arg11[%gather3A_1160, %gather3A_1161, %gather3A_1162, %gather3A_1163] : memref<4x8x8x128xf32, #tpu.memory_space<vmem>> -> memref<1x8x8x128xf32, #tpu.memory_space<vmem>>
      %gather3A_1165 = tpu.memref_squeeze %gather3A_1164 : memref<1x8x8x128xf32, #tpu.memory_space<vmem>> -> memref<8x8x128xf32, #tpu.memory_space<vmem>>
      %gather3A_1166 = tpu.vector_load_idx %gather3A_1165[%add3A_1159, %and3A_242, %add3A_1111] : memref<8x8x128xf32, #tpu.memory_space<vmem>>[vector<16xi32>, vector<16xi32>, vector<16xi32>], vector<16xf32>,
      %gather3A_1167 = arith.constant 2 : i32
      %gather3A_1168 = arith.constant 0 : i32
      %gather3A_1169 = arith.constant 0 : i32
      %gather3A_1170 = arith.constant 0 : i32
      %gather3A_1171 = tpu.memref_slice %arg12[%gather3A_1167, %gather3A_1168, %gather3A_1169, %gather3A_1170] : memref<4x8x8x128xf32, #tpu.memory_space<vmem>> -> memref<1x8x8x128xf32, #tpu.memory_space<vmem>>
      %gather3A_1172 = tpu.memref_squeeze %gather3A_1171 : memref<1x8x8x128xf32, #tpu.memory_space<vmem>> -> memref<8x8x128xf32, #tpu.memory_space<vmem>>
      %gather3A_1173 = tpu.vector_load_idx %gather3A_1172[%add3A_1159, %and3A_242, %add3A_1119] : memref<8x8x128xf32, #tpu.memory_space<vmem>>[vector<16xi32>, vector<16xi32>, vector<16xi32>], vector<16xf32>,
      %mul3A_1174 = arith.mulf %gather3A_1166, %gather3A_1173 : vector<16xf32>
      %add3A_1175 = arith.addf %add3A_1156, %mul3A_1174 : vector<16xf32>
      %add3A_1176 = arith.constant 6 : i32
      %add3A_1177 = vector.broadcast %add3A_1176 : i32 to vector<16xi32>
      %add3A_1178 = arith.addi %shift_right_logical3A_244, %add3A_1177 : vector<16xi32>
      %gather3A_1179 = arith.constant 2 : i32
      %gather3A_1180 = arith.constant 0 : i32
      %gather3A_1181 = arith.constant 0 : i32
      %gather3A_1182 = arith.constant 0 : i32
      %gather3A_1183 = tpu.memref_slice %arg11[%gather3A_1179, %gather3A_1180, %gather3A_1181, %gather3A_1182] : memref<4x8x8x128xf32, #tpu.memory_space<vmem>> -> memref<1x8x8x128xf32, #tpu.memory_space<vmem>>
      %gather3A_1184 = tpu.memref_squeeze %gather3A_1183 : memref<1x8x8x128xf32, #tpu.memory_space<vmem>> -> memref<8x8x128xf32, #tpu.memory_space<vmem>>
      %gather3A_1185 = tpu.vector_load_idx %gather3A_1184[%add3A_1178, %and3A_242, %add3A_1111] : memref<8x8x128xf32, #tpu.memory_space<vmem>>[vector<16xi32>, vector<16xi32>, vector<16xi32>], vector<16xf32>,
      %gather3A_1186 = arith.constant 2 : i32
      %gather3A_1187 = arith.constant 0 : i32
      %gather3A_1188 = arith.constant 0 : i32
      %gather3A_1189 = arith.constant 0 : i32
      %gather3A_1190 = tpu.memref_slice %arg12[%gather3A_1186, %gather3A_1187, %gather3A_1188, %gather3A_1189] : memref<4x8x8x128xf32, #tpu.memory_space<vmem>> -> memref<1x8x8x128xf32, #tpu.memory_space<vmem>>
      %gather3A_1191 = tpu.memref_squeeze %gather3A_1190 : memref<1x8x8x128xf32, #tpu.memory_space<vmem>> -> memref<8x8x128xf32, #tpu.memory_space<vmem>>
      %gather3A_1192 = tpu.vector_load_idx %gather3A_1191[%add3A_1178, %and3A_242, %add3A_1119] : memref<8x8x128xf32, #tpu.memory_space<vmem>>[vector<16xi32>, vector<16xi32>, vector<16xi32>], vector<16xf32>,
      %mul3A_1193 = arith.mulf %gather3A_1185, %gather3A_1192 : vector<16xf32>
      %add3A_1194 = arith.addf %add3A_1175, %mul3A_1193 : vector<16xf32>
      %eq3A_1195 = arith.constant 2 : i32
      %eq3A_1196 = vector.broadcast %eq3A_1195 : i32 to vector<16xi32>
      %eq3A_1197 = arith.cmpi eq, %iota3A, %eq3A_1196 : vector<16xi32>
      %reduce_sum3A_1198 = arith.constant true
      %reduce_sum3A_1199 = vector.broadcast %reduce_sum3A_1198 : i1 to vector<16xi1>
      %reduce_sum3A_1200 = tpu.scan <sum>, %add3A_1194 masked %reduce_sum3A_1199 : vector<16xf32>, vector<16xi1> -> vector<16xf32>
      %reduce_sum3A_1201 = vector.extract %reduce_sum3A_1200[15] : f32 from vector<16xf32>
      %jit3A_1202 = arith.constant 0.000000e+00 : f32
      %broadcast_in_dim3A_1203 = vector.broadcast %reduce_sum3A_1201 : f32 to vector<16xf32>
      %broadcast_in_dim3A_1204 = vector.broadcast %jit3A_1202 : f32 to vector<16xf32>
      %select_n3A_1205 = arith.select %eq3A_1197, %broadcast_in_dim3A_1203, %broadcast_in_dim3A_1204 : vector<16xi1>, vector<16xf32>
      %add3A_1206 = arith.addf %add3A_1017, %select_n3A_1205 : vector<16xf32>
      %slice3A_1207 = vector.extract_strided_slice %get3A_501 {offsets = [6], sizes = [1], strides = [1]} : vector<16xi32> to vector<1xi32>
      %squeeze3A_1208 = vector.extract %slice3A_1207[0] : i32 from vector<1xi32>
      %shift_right_logical3A_1209 = arith.constant 7 : i32
      %shift_right_logical3A_1210 = arith.shrui %squeeze3A_1208, %shift_right_logical3A_1209 : i32
      %mul3A_1211 = arith.constant 128 : i32
      %mul3A_1212 = arith.muli %shift_right_logical3A_1210, %mul3A_1211 : i32
      %multiple_of3A_1213 = tpu.assume_multiple %mul3A_1212, 128 : i32
      %slice3A_1214 = vector.extract_strided_slice %get3A_544 {offsets = [6], sizes = [1], strides = [1]} : vector<16xi32> to vector<1xi32>
      %squeeze3A_1215 = vector.extract %slice3A_1214[0] : i32 from vector<1xi32>
      %shift_right_logical3A_1216 = arith.constant 7 : i32
      %shift_right_logical3A_1217 = arith.shrui %squeeze3A_1215, %shift_right_logical3A_1216 : i32
      %mul3A_1218 = arith.constant 128 : i32
      %mul3A_1219 = arith.muli %shift_right_logical3A_1217, %mul3A_1218 : i32
      %multiple_of3A_1220 = tpu.assume_multiple %mul3A_1219, 128 : i32
      %dma_start3A_1221 = arith.constant 2 : i32
      %dma_start3A_1222 = arith.constant 0 : i32
      %dma_start3A_1223 = arith.constant 0 : i32
      %dma_start3A_1224 = arith.constant 0 : i32
      %dma_start3A_1225 = tpu.memref_slice %arg11[%dma_start3A_1221, %dma_start3A_1222, %dma_start3A_1223, %dma_start3A_1224] : memref<4x8x8x128xf32, #tpu.memory_space<vmem>> -> memref<1x8x8x128xf32, #tpu.memory_space<vmem>>
      %dma_start3A_1226 = tpu.memref_squeeze %dma_start3A_1225 : memref<1x8x8x128xf32, #tpu.memory_space<vmem>> -> memref<8x8x128xf32, #tpu.memory_space<vmem>>
      %dma_start3A_1227 = arith.constant 0 : i32
      %dma_start3A_1228 = arith.constant 0 : i32
      %dma_start3A_1229 = tpu.memref_slice %arg2[%dma_start3A_1227, %dma_start3A_1228, %multiple_of3A_1213] : memref<8x8x1000000xf32, #tpu.memory_space<hbm>> -> memref<8x8x128xf32, #tpu.memory_space<hbm>>
      %dma_start3A_1230 = arith.constant 0 : i32
      %dma_start3A_1231 = arith.constant 0 : i32
      %dma_start3A_1232 = arith.constant 0 : i32
      %dma_start3A_1233 = tpu.memref_slice %arg11[%dma_start3A_1221, %dma_start3A_1230, %dma_start3A_1231, %dma_start3A_1232] : memref<4x8x8x128xf32, #tpu.memory_space<vmem>> -> memref<1x8x8x128xf32, #tpu.memory_space<vmem>>
      %dma_start3A_1234 = tpu.memref_squeeze %dma_start3A_1233 : memref<1x8x8x128xf32, #tpu.memory_space<vmem>> -> memref<8x8x128xf32, #tpu.memory_space<vmem>>
      %dma_start3A_1235 = arith.constant 0 : i32
      %dma_start3A_1236 = arith.constant 0 : i32
      %dma_start3A_1237 = tpu.memref_slice %arg2[%dma_start3A_1235, %dma_start3A_1236, %multiple_of3A_1213] : memref<8x8x1000000xf32, #tpu.memory_space<hbm>> -> memref<8x8x128xf32, #tpu.memory_space<hbm>>
      tpu.enqueue_dma source(%dma_start3A_1237 : memref<8x8x128xf32, #tpu.memory_space<hbm>>) target(%dma_start3A_1234 : memref<8x8x128xf32, #tpu.memory_space<vmem>>) target_semaphore(%arg19 : memref<!tpu.dma_semaphore, #tpu.memory_space<semaphore_mem>>)
      %dma_start3A_1238 = arith.constant 2 : i32
      %dma_start3A_1239 = arith.constant 0 : i32
      %dma_start3A_1240 = arith.constant 0 : i32
      %dma_start3A_1241 = arith.constant 0 : i32
      %dma_start3A_1242 = tpu.memref_slice %arg12[%dma_start3A_1238, %dma_start3A_1239, %dma_start3A_1240, %dma_start3A_1241] : memref<4x8x8x128xf32, #tpu.memory_space<vmem>> -> memref<1x8x8x128xf32, #tpu.memory_space<vmem>>
      %dma_start3A_1243 = tpu.memref_squeeze %dma_start3A_1242 : memref<1x8x8x128xf32, #tpu.memory_space<vmem>> -> memref<8x8x128xf32, #tpu.memory_space<vmem>>
      %dma_start3A_1244 = arith.constant 0 : i32
      %dma_start3A_1245 = arith.constant 0 : i32
      %dma_start3A_1246 = tpu.memref_slice %arg3[%dma_start3A_1244, %dma_start3A_1245, %multiple_of3A_1220] : memref<8x8x1000000xf32, #tpu.memory_space<hbm>> -> memref<8x8x128xf32, #tpu.memory_space<hbm>>
      %dma_start3A_1247 = arith.constant 0 : i32
      %dma_start3A_1248 = arith.constant 0 : i32
      %dma_start3A_1249 = arith.constant 0 : i32
      %dma_start3A_1250 = tpu.memref_slice %arg12[%dma_start3A_1238, %dma_start3A_1247, %dma_start3A_1248, %dma_start3A_1249] : memref<4x8x8x128xf32, #tpu.memory_space<vmem>> -> memref<1x8x8x128xf32, #tpu.memory_space<vmem>>
      %dma_start3A_1251 = tpu.memref_squeeze %dma_start3A_1250 : memref<1x8x8x128xf32, #tpu.memory_space<vmem>> -> memref<8x8x128xf32, #tpu.memory_space<vmem>>
      %dma_start3A_1252 = arith.constant 0 : i32
      %dma_start3A_1253 = arith.constant 0 : i32
      %dma_start3A_1254 = tpu.memref_slice %arg3[%dma_start3A_1252, %dma_start3A_1253, %multiple_of3A_1220] : memref<8x8x1000000xf32, #tpu.memory_space<hbm>> -> memref<8x8x128xf32, #tpu.memory_space<hbm>>
      tpu.enqueue_dma source(%dma_start3A_1254 : memref<8x8x128xf32, #tpu.memory_space<hbm>>) target(%dma_start3A_1251 : memref<8x8x128xf32, #tpu.memory_space<vmem>>) target_semaphore(%arg19 : memref<!tpu.dma_semaphore, #tpu.memory_space<semaphore_mem>>)
      %dma_wait3A_1255 = arith.constant 3 : i32
      %dma_wait3A_1256 = arith.constant 0 : i32
      %dma_wait3A_1257 = arith.constant 0 : i32
      %dma_wait3A_1258 = arith.constant 0 : i32
      %dma_wait3A_1259 = tpu.memref_slice %arg11[%dma_wait3A_1255, %dma_wait3A_1256, %dma_wait3A_1257, %dma_wait3A_1258] : memref<4x8x8x128xf32, #tpu.memory_space<vmem>> -> memref<1x8x8x128xf32, #tpu.memory_space<vmem>>
      %dma_wait3A_1260 = tpu.memref_squeeze %dma_wait3A_1259 : memref<1x8x8x128xf32, #tpu.memory_space<vmem>> -> memref<8x8x128xf32, #tpu.memory_space<vmem>>
      %dma_wait3A_1261 = arith.constant 0 : i32
      %dma_wait3A_1262 = arith.constant 0 : i32
      %dma_wait3A_1263 = arith.constant 0 : i32
      %dma_wait3A_1264 = tpu.memref_slice %arg2[%dma_wait3A_1261, %dma_wait3A_1262, %dma_wait3A_1263] : memref<8x8x1000000xf32, #tpu.memory_space<hbm>> -> memref<8x8x128xf32, #tpu.memory_space<hbm>>
      %dma_wait3A_1265 = arith.constant 0 : i32
      %dma_wait3A_1266 = arith.constant 0 : i32
      %dma_wait3A_1267 = arith.constant 0 : i32
      %dma_wait3A_1268 = tpu.memref_slice %arg11[%dma_wait3A_1255, %dma_wait3A_1265, %dma_wait3A_1266, %dma_wait3A_1267] : memref<4x8x8x128xf32, #tpu.memory_space<vmem>> -> memref<1x8x8x128xf32, #tpu.memory_space<vmem>>
      %dma_wait3A_1269 = tpu.memref_squeeze %dma_wait3A_1268 : memref<1x8x8x128xf32, #tpu.memory_space<vmem>> -> memref<8x8x128xf32, #tpu.memory_space<vmem>>
      %dma_wait3A_1270 = arith.constant 0 : i32
      %dma_wait3A_1271 = arith.constant 0 : i32
      %dma_wait3A_1272 = arith.constant 0 : i32
      %dma_wait3A_1273 = tpu.memref_slice %arg2[%dma_wait3A_1270, %dma_wait3A_1271, %dma_wait3A_1272] : memref<8x8x1000000xf32, #tpu.memory_space<hbm>> -> memref<8x8x128xf32, #tpu.memory_space<hbm>>
      tpu.wait_dma2 semaphore(%arg20 : memref<!tpu.dma_semaphore, #tpu.memory_space<semaphore_mem>>) src(%dma_wait3A_1273 : memref<8x8x128xf32, #tpu.memory_space<hbm>>) dst(%dma_wait3A_1269 : memref<8x8x128xf32, #tpu.memory_space<vmem>>)
      %dma_wait3A_1274 = arith.constant 3 : i32
      %dma_wait3A_1275 = arith.constant 0 : i32
      %dma_wait3A_1276 = arith.constant 0 : i32
      %dma_wait3A_1277 = arith.constant 0 : i32
      %dma_wait3A_1278 = tpu.memref_slice %arg12[%dma_wait3A_1274, %dma_wait3A_1275, %dma_wait3A_1276, %dma_wait3A_1277] : memref<4x8x8x128xf32, #tpu.memory_space<vmem>> -> memref<1x8x8x128xf32, #tpu.memory_space<vmem>>
      %dma_wait3A_1279 = tpu.memref_squeeze %dma_wait3A_1278 : memref<1x8x8x128xf32, #tpu.memory_space<vmem>> -> memref<8x8x128xf32, #tpu.memory_space<vmem>>
      %dma_wait3A_1280 = arith.constant 0 : i32
      %dma_wait3A_1281 = arith.constant 0 : i32
      %dma_wait3A_1282 = arith.constant 0 : i32
      %dma_wait3A_1283 = tpu.memref_slice %arg3[%dma_wait3A_1280, %dma_wait3A_1281, %dma_wait3A_1282] : memref<8x8x1000000xf32, #tpu.memory_space<hbm>> -> memref<8x8x128xf32, #tpu.memory_space<hbm>>
      %dma_wait3A_1284 = arith.constant 0 : i32
      %dma_wait3A_1285 = arith.constant 0 : i32
      %dma_wait3A_1286 = arith.constant 0 : i32
      %dma_wait3A_1287 = tpu.memref_slice %arg12[%dma_wait3A_1274, %dma_wait3A_1284, %dma_wait3A_1285, %dma_wait3A_1286] : memref<4x8x8x128xf32, #tpu.memory_space<vmem>> -> memref<1x8x8x128xf32, #tpu.memory_space<vmem>>
      %dma_wait3A_1288 = tpu.memref_squeeze %dma_wait3A_1287 : memref<1x8x8x128xf32, #tpu.memory_space<vmem>> -> memref<8x8x128xf32, #tpu.memory_space<vmem>>
      %dma_wait3A_1289 = arith.constant 0 : i32
      %dma_wait3A_1290 = arith.constant 0 : i32
      %dma_wait3A_1291 = arith.constant 0 : i32
      %dma_wait3A_1292 = tpu.memref_slice %arg3[%dma_wait3A_1289, %dma_wait3A_1290, %dma_wait3A_1291] : memref<8x8x1000000xf32, #tpu.memory_space<hbm>> -> memref<8x8x128xf32, #tpu.memory_space<hbm>>
      tpu.wait_dma2 semaphore(%arg20 : memref<!tpu.dma_semaphore, #tpu.memory_space<semaphore_mem>>) src(%dma_wait3A_1292 : memref<8x8x128xf32, #tpu.memory_space<hbm>>) dst(%dma_wait3A_1288 : memref<8x8x128xf32, #tpu.memory_space<vmem>>)
      %broadcast_in_dim3A_1293 = arith.constant 0 : i32
      %broadcast_in_dim3A_1294 = vector.broadcast %broadcast_in_dim3A_1293 : i32 to vector<16xi32>
      %slice3A_1295 = vector.extract_strided_slice %get3A_501 {offsets = [3], sizes = [1], strides = [1]} : vector<16xi32> to vector<1xi32>
      %squeeze3A_1296 = vector.extract %slice3A_1295[0] : i32 from vector<1xi32>
      %and3A_1297 = arith.constant 127 : i32
      %and3A_1298 = arith.andi %squeeze3A_1296, %and3A_1297 : i32
      %add3A_1299 = vector.broadcast %and3A_1298 : i32 to vector<16xi32>
      %add3A_1300 = arith.addi %broadcast_in_dim3A_1294, %add3A_1299 : vector<16xi32>
      %broadcast_in_dim3A_1301 = arith.constant 0 : i32
      %broadcast_in_dim3A_1302 = vector.broadcast %broadcast_in_dim3A_1301 : i32 to vector<16xi32>
      %slice3A_1303 = vector.extract_strided_slice %get3A_544 {offsets = [3], sizes = [1], strides = [1]} : vector<16xi32> to vector<1xi32>
      %squeeze3A_1304 = vector.extract %slice3A_1303[0] : i32 from vector<1xi32>
      %and3A_1305 = arith.constant 127 : i32
      %and3A_1306 = arith.andi %squeeze3A_1304, %and3A_1305 : i32
      %add3A_1307 = vector.broadcast %and3A_1306 : i32 to vector<16xi32>
      %add3A_1308 = arith.addi %broadcast_in_dim3A_1302, %add3A_1307 : vector<16xi32>
      %add3A_1309 = arith.constant 0 : i32
      %add3A_1310 = vector.broadcast %add3A_1309 : i32 to vector<16xi32>
      %add3A_1311 = arith.addi %shift_right_logical3A_244, %add3A_1310 : vector<16xi32>
      %gather3A_1312 = arith.constant 3 : i32
      %gather3A_1313 = arith.constant 0 : i32
      %gather3A_1314 = arith.constant 0 : i32
      %gather3A_1315 = arith.constant 0 : i32
      %gather3A_1316 = tpu.memref_slice %arg11[%gather3A_1312, %gather3A_1313, %gather3A_1314, %gather3A_1315] : memref<4x8x8x128xf32, #tpu.memory_space<vmem>> -> memref<1x8x8x128xf32, #tpu.memory_space<vmem>>
      %gather3A_1317 = tpu.memref_squeeze %gather3A_1316 : memref<1x8x8x128xf32, #tpu.memory_space<vmem>> -> memref<8x8x128xf32, #tpu.memory_space<vmem>>
      %gather3A_1318 = tpu.vector_load_idx %gather3A_1317[%add3A_1311, %and3A_242, %add3A_1300] : memref<8x8x128xf32, #tpu.memory_space<vmem>>[vector<16xi32>, vector<16xi32>, vector<16xi32>], vector<16xf32>,
      %gather3A_1319 = arith.constant 3 : i32
      %gather3A_1320 = arith.constant 0 : i32
      %gather3A_1321 = arith.constant 0 : i32
      %gather3A_1322 = arith.constant 0 : i32
      %gather3A_1323 = tpu.memref_slice %arg12[%gather3A_1319, %gather3A_1320, %gather3A_1321, %gather3A_1322] : memref<4x8x8x128xf32, #tpu.memory_space<vmem>> -> memref<1x8x8x128xf32, #tpu.memory_space<vmem>>
      %gather3A_1324 = tpu.memref_squeeze %gather3A_1323 : memref<1x8x8x128xf32, #tpu.memory_space<vmem>> -> memref<8x8x128xf32, #tpu.memory_space<vmem>>
      %gather3A_1325 = tpu.vector_load_idx %gather3A_1324[%add3A_1311, %and3A_242, %add3A_1308] : memref<8x8x128xf32, #tpu.memory_space<vmem>>[vector<16xi32>, vector<16xi32>, vector<16xi32>], vector<16xf32>,
      %mul3A_1326 = arith.mulf %gather3A_1318, %gather3A_1325 : vector<16xf32>
      %add3A_1327 = arith.constant 2 : i32
      %add3A_1328 = vector.broadcast %add3A_1327 : i32 to vector<16xi32>
      %add3A_1329 = arith.addi %shift_right_logical3A_244, %add3A_1328 : vector<16xi32>
      %gather3A_1330 = arith.constant 3 : i32
      %gather3A_1331 = arith.constant 0 : i32
      %gather3A_1332 = arith.constant 0 : i32
      %gather3A_1333 = arith.constant 0 : i32
      %gather3A_1334 = tpu.memref_slice %arg11[%gather3A_1330, %gather3A_1331, %gather3A_1332, %gather3A_1333] : memref<4x8x8x128xf32, #tpu.memory_space<vmem>> -> memref<1x8x8x128xf32, #tpu.memory_space<vmem>>
      %gather3A_1335 = tpu.memref_squeeze %gather3A_1334 : memref<1x8x8x128xf32, #tpu.memory_space<vmem>> -> memref<8x8x128xf32, #tpu.memory_space<vmem>>
      %gather3A_1336 = tpu.vector_load_idx %gather3A_1335[%add3A_1329, %and3A_242, %add3A_1300] : memref<8x8x128xf32, #tpu.memory_space<vmem>>[vector<16xi32>, vector<16xi32>, vector<16xi32>], vector<16xf32>,
      %gather3A_1337 = arith.constant 3 : i32
      %gather3A_1338 = arith.constant 0 : i32
      %gather3A_1339 = arith.constant 0 : i32
      %gather3A_1340 = arith.constant 0 : i32
      %gather3A_1341 = tpu.memref_slice %arg12[%gather3A_1337, %gather3A_1338, %gather3A_1339, %gather3A_1340] : memref<4x8x8x128xf32, #tpu.memory_space<vmem>> -> memref<1x8x8x128xf32, #tpu.memory_space<vmem>>
      %gather3A_1342 = tpu.memref_squeeze %gather3A_1341 : memref<1x8x8x128xf32, #tpu.memory_space<vmem>> -> memref<8x8x128xf32, #tpu.memory_space<vmem>>
      %gather3A_1343 = tpu.vector_load_idx %gather3A_1342[%add3A_1329, %and3A_242, %add3A_1308] : memref<8x8x128xf32, #tpu.memory_space<vmem>>[vector<16xi32>, vector<16xi32>, vector<16xi32>], vector<16xf32>,
      %mul3A_1344 = arith.mulf %gather3A_1336, %gather3A_1343 : vector<16xf32>
      %add3A_1345 = arith.addf %mul3A_1326, %mul3A_1344 : vector<16xf32>
      %add3A_1346 = arith.constant 4 : i32
      %add3A_1347 = vector.broadcast %add3A_1346 : i32 to vector<16xi32>
      %add3A_1348 = arith.addi %shift_right_logical3A_244, %add3A_1347 : vector<16xi32>
      %gather3A_1349 = arith.constant 3 : i32
      %gather3A_1350 = arith.constant 0 : i32
      %gather3A_1351 = arith.constant 0 : i32
      %gather3A_1352 = arith.constant 0 : i32
      %gather3A_1353 = tpu.memref_slice %arg11[%gather3A_1349, %gather3A_1350, %gather3A_1351, %gather3A_1352] : memref<4x8x8x128xf32, #tpu.memory_space<vmem>> -> memref<1x8x8x128xf32, #tpu.memory_space<vmem>>
      %gather3A_1354 = tpu.memref_squeeze %gather3A_1353 : memref<1x8x8x128xf32, #tpu.memory_space<vmem>> -> memref<8x8x128xf32, #tpu.memory_space<vmem>>
      %gather3A_1355 = tpu.vector_load_idx %gather3A_1354[%add3A_1348, %and3A_242, %add3A_1300] : memref<8x8x128xf32, #tpu.memory_space<vmem>>[vector<16xi32>, vector<16xi32>, vector<16xi32>], vector<16xf32>,
      %gather3A_1356 = arith.constant 3 : i32
      %gather3A_1357 = arith.constant 0 : i32
      %gather3A_1358 = arith.constant 0 : i32
      %gather3A_1359 = arith.constant 0 : i32
      %gather3A_1360 = tpu.memref_slice %arg12[%gather3A_1356, %gather3A_1357, %gather3A_1358, %gather3A_1359] : memref<4x8x8x128xf32, #tpu.memory_space<vmem>> -> memref<1x8x8x128xf32, #tpu.memory_space<vmem>>
      %gather3A_1361 = tpu.memref_squeeze %gather3A_1360 : memref<1x8x8x128xf32, #tpu.memory_space<vmem>> -> memref<8x8x128xf32, #tpu.memory_space<vmem>>
      %gather3A_1362 = tpu.vector_load_idx %gather3A_1361[%add3A_1348, %and3A_242, %add3A_1308] : memref<8x8x128xf32, #tpu.memory_space<vmem>>[vector<16xi32>, vector<16xi32>, vector<16xi32>], vector<16xf32>,
      %mul3A_1363 = arith.mulf %gather3A_1355, %gather3A_1362 : vector<16xf32>
      %add3A_1364 = arith.addf %add3A_1345, %mul3A_1363 : vector<16xf32>
      %add3A_1365 = arith.constant 6 : i32
      %add3A_1366 = vector.broadcast %add3A_1365 : i32 to vector<16xi32>
      %add3A_1367 = arith.addi %shift_right_logical3A_244, %add3A_1366 : vector<16xi32>
      %gather3A_1368 = arith.constant 3 : i32
      %gather3A_1369 = arith.constant 0 : i32
      %gather3A_1370 = arith.constant 0 : i32
      %gather3A_1371 = arith.constant 0 : i32
      %gather3A_1372 = tpu.memref_slice %arg11[%gather3A_1368, %gather3A_1369, %gather3A_1370, %gather3A_1371] : memref<4x8x8x128xf32, #tpu.memory_space<vmem>> -> memref<1x8x8x128xf32, #tpu.memory_space<vmem>>
      %gather3A_1373 = tpu.memref_squeeze %gather3A_1372 : memref<1x8x8x128xf32, #tpu.memory_space<vmem>> -> memref<8x8x128xf32, #tpu.memory_space<vmem>>
      %gather3A_1374 = tpu.vector_load_idx %gather3A_1373[%add3A_1367, %and3A_242, %add3A_1300] : memref<8x8x128xf32, #tpu.memory_space<vmem>>[vector<16xi32>, vector<16xi32>, vector<16xi32>], vector<16xf32>,
      %gather3A_1375 = arith.constant 3 : i32
      %gather3A_1376 = arith.constant 0 : i32
      %gather3A_1377 = arith.constant 0 : i32
      %gather3A_1378 = arith.constant 0 : i32
      %gather3A_1379 = tpu.memref_slice %arg12[%gather3A_1375, %gather3A_1376, %gather3A_1377, %gather3A_1378] : memref<4x8x8x128xf32, #tpu.memory_space<vmem>> -> memref<1x8x8x128xf32, #tpu.memory_space<vmem>>
      %gather3A_1380 = tpu.memref_squeeze %gather3A_1379 : memref<1x8x8x128xf32, #tpu.memory_space<vmem>> -> memref<8x8x128xf32, #tpu.memory_space<vmem>>
      %gather3A_1381 = tpu.vector_load_idx %gather3A_1380[%add3A_1367, %and3A_242, %add3A_1308] : memref<8x8x128xf32, #tpu.memory_space<vmem>>[vector<16xi32>, vector<16xi32>, vector<16xi32>], vector<16xf32>,
      %mul3A_1382 = arith.mulf %gather3A_1374, %gather3A_1381 : vector<16xf32>
      %add3A_1383 = arith.addf %add3A_1364, %mul3A_1382 : vector<16xf32>
      %eq3A_1384 = arith.constant 3 : i32
      %eq3A_1385 = vector.broadcast %eq3A_1384 : i32 to vector<16xi32>
      %eq3A_1386 = arith.cmpi eq, %iota3A, %eq3A_1385 : vector<16xi32>
      %reduce_sum3A_1387 = arith.constant true
      %reduce_sum3A_1388 = vector.broadcast %reduce_sum3A_1387 : i1 to vector<16xi1>
      %reduce_sum3A_1389 = tpu.scan <sum>, %add3A_1383 masked %reduce_sum3A_1388 : vector<16xf32>, vector<16xi1> -> vector<16xf32>
      %reduce_sum3A_1390 = vector.extract %reduce_sum3A_1389[15] : f32 from vector<16xf32>
      %jit3A_1391 = arith.constant 0.000000e+00 : f32
      %broadcast_in_dim3A_1392 = vector.broadcast %reduce_sum3A_1390 : f32 to vector<16xf32>
      %broadcast_in_dim3A_1393 = vector.broadcast %jit3A_1391 : f32 to vector<16xf32>
      %select_n3A_1394 = arith.select %eq3A_1386, %broadcast_in_dim3A_1392, %broadcast_in_dim3A_1393 : vector<16xi1>, vector<16xf32>
      %add3A_1395 = arith.addf %add3A_1206, %select_n3A_1394 : vector<16xf32>
      %slice3A_1396 = vector.extract_strided_slice %get3A_501 {offsets = [7], sizes = [1], strides = [1]} : vector<16xi32> to vector<1xi32>
      %squeeze3A_1397 = vector.extract %slice3A_1396[0] : i32 from vector<1xi32>
      %shift_right_logical3A_1398 = arith.constant 7 : i32
      %shift_right_logical3A_1399 = arith.shrui %squeeze3A_1397, %shift_right_logical3A_1398 : i32
      %mul3A_1400 = arith.constant 128 : i32
      %mul3A_1401 = arith.muli %shift_right_logical3A_1399, %mul3A_1400 : i32
      %multiple_of3A_1402 = tpu.assume_multiple %mul3A_1401, 128 : i32
      %slice3A_1403 = vector.extract_strided_slice %get3A_544 {offsets = [7], sizes = [1], strides = [1]} : vector<16xi32> to vector<1xi32>
      %squeeze3A_1404 = vector.extract %slice3A_1403[0] : i32 from vector<1xi32>
      %shift_right_logical3A_1405 = arith.constant 7 : i32
      %shift_right_logical3A_1406 = arith.shrui %squeeze3A_1404, %shift_right_logical3A_1405 : i32
      %mul3A_1407 = arith.constant 128 : i32
      %mul3A_1408 = arith.muli %shift_right_logical3A_1406, %mul3A_1407 : i32
      %multiple_of3A_1409 = tpu.assume_multiple %mul3A_1408, 128 : i32
      %dma_start3A_1410 = arith.constant 3 : i32
      %dma_start3A_1411 = arith.constant 0 : i32
      %dma_start3A_1412 = arith.constant 0 : i32
      %dma_start3A_1413 = arith.constant 0 : i32
      %dma_start3A_1414 = tpu.memref_slice %arg11[%dma_start3A_1410, %dma_start3A_1411, %dma_start3A_1412, %dma_start3A_1413] : memref<4x8x8x128xf32, #tpu.memory_space<vmem>> -> memref<1x8x8x128xf32, #tpu.memory_space<vmem>>
      %dma_start3A_1415 = tpu.memref_squeeze %dma_start3A_1414 : memref<1x8x8x128xf32, #tpu.memory_space<vmem>> -> memref<8x8x128xf32, #tpu.memory_space<vmem>>
      %dma_start3A_1416 = arith.constant 0 : i32
      %dma_start3A_1417 = arith.constant 0 : i32
      %dma_start3A_1418 = tpu.memref_slice %arg2[%dma_start3A_1416, %dma_start3A_1417, %multiple_of3A_1402] : memref<8x8x1000000xf32, #tpu.memory_space<hbm>> -> memref<8x8x128xf32, #tpu.memory_space<hbm>>
      %dma_start3A_1419 = arith.constant 0 : i32
      %dma_start3A_1420 = arith.constant 0 : i32
      %dma_start3A_1421 = arith.constant 0 : i32
      %dma_start3A_1422 = tpu.memref_slice %arg11[%dma_start3A_1410, %dma_start3A_1419, %dma_start3A_1420, %dma_start3A_1421] : memref<4x8x8x128xf32, #tpu.memory_space<vmem>> -> memref<1x8x8x128xf32, #tpu.memory_space<vmem>>
      %dma_start3A_1423 = tpu.memref_squeeze %dma_start3A_1422 : memref<1x8x8x128xf32, #tpu.memory_space<vmem>> -> memref<8x8x128xf32, #tpu.memory_space<vmem>>
      %dma_start3A_1424 = arith.constant 0 : i32
      %dma_start3A_1425 = arith.constant 0 : i32
      %dma_start3A_1426 = tpu.memref_slice %arg2[%dma_start3A_1424, %dma_start3A_1425, %multiple_of3A_1402] : memref<8x8x1000000xf32, #tpu.memory_space<hbm>> -> memref<8x8x128xf32, #tpu.memory_space<hbm>>
      tpu.enqueue_dma source(%dma_start3A_1426 : memref<8x8x128xf32, #tpu.memory_space<hbm>>) target(%dma_start3A_1423 : memref<8x8x128xf32, #tpu.memory_space<vmem>>) target_semaphore(%arg20 : memref<!tpu.dma_semaphore, #tpu.memory_space<semaphore_mem>>)
      %dma_start3A_1427 = arith.constant 3 : i32
      %dma_start3A_1428 = arith.constant 0 : i32
      %dma_start3A_1429 = arith.constant 0 : i32
      %dma_start3A_1430 = arith.constant 0 : i32
      %dma_start3A_1431 = tpu.memref_slice %arg12[%dma_start3A_1427, %dma_start3A_1428, %dma_start3A_1429, %dma_start3A_1430] : memref<4x8x8x128xf32, #tpu.memory_space<vmem>> -> memref<1x8x8x128xf32, #tpu.memory_space<vmem>>
      %dma_start3A_1432 = tpu.memref_squeeze %dma_start3A_1431 : memref<1x8x8x128xf32, #tpu.memory_space<vmem>> -> memref<8x8x128xf32, #tpu.memory_space<vmem>>
      %dma_start3A_1433 = arith.constant 0 : i32
      %dma_start3A_1434 = arith.constant 0 : i32
      %dma_start3A_1435 = tpu.memref_slice %arg3[%dma_start3A_1433, %dma_start3A_1434, %multiple_of3A_1409] : memref<8x8x1000000xf32, #tpu.memory_space<hbm>> -> memref<8x8x128xf32, #tpu.memory_space<hbm>>
      %dma_start3A_1436 = arith.constant 0 : i32
      %dma_start3A_1437 = arith.constant 0 : i32
      %dma_start3A_1438 = arith.constant 0 : i32
      %dma_start3A_1439 = tpu.memref_slice %arg12[%dma_start3A_1427, %dma_start3A_1436, %dma_start3A_1437, %dma_start3A_1438] : memref<4x8x8x128xf32, #tpu.memory_space<vmem>> -> memref<1x8x8x128xf32, #tpu.memory_space<vmem>>
      %dma_start3A_1440 = tpu.memref_squeeze %dma_start3A_1439 : memref<1x8x8x128xf32, #tpu.memory_space<vmem>> -> memref<8x8x128xf32, #tpu.memory_space<vmem>>
      %dma_start3A_1441 = arith.constant 0 : i32
      %dma_start3A_1442 = arith.constant 0 : i32
      %dma_start3A_1443 = tpu.memref_slice %arg3[%dma_start3A_1441, %dma_start3A_1442, %multiple_of3A_1409] : memref<8x8x1000000xf32, #tpu.memory_space<hbm>> -> memref<8x8x128xf32, #tpu.memory_space<hbm>>
      tpu.enqueue_dma source(%dma_start3A_1443 : memref<8x8x128xf32, #tpu.memory_space<hbm>>) target(%dma_start3A_1440 : memref<8x8x128xf32, #tpu.memory_space<vmem>>) target_semaphore(%arg20 : memref<!tpu.dma_semaphore, #tpu.memory_space<semaphore_mem>>)
      %dma_wait3A_1444 = arith.constant 0 : i32
      %dma_wait3A_1445 = arith.constant 0 : i32
      %dma_wait3A_1446 = arith.constant 0 : i32
      %dma_wait3A_1447 = arith.constant 0 : i32
      %dma_wait3A_1448 = tpu.memref_slice %arg11[%dma_wait3A_1444, %dma_wait3A_1445, %dma_wait3A_1446, %dma_wait3A_1447] : memref<4x8x8x128xf32, #tpu.memory_space<vmem>> -> memref<1x8x8x128xf32, #tpu.memory_space<vmem>>
      %dma_wait3A_1449 = tpu.memref_squeeze %dma_wait3A_1448 : memref<1x8x8x128xf32, #tpu.memory_space<vmem>> -> memref<8x8x128xf32, #tpu.memory_space<vmem>>
      %dma_wait3A_1450 = arith.constant 0 : i32
      %dma_wait3A_1451 = arith.constant 0 : i32
      %dma_wait3A_1452 = arith.constant 0 : i32
      %dma_wait3A_1453 = tpu.memref_slice %arg2[%dma_wait3A_1450, %dma_wait3A_1451, %dma_wait3A_1452] : memref<8x8x1000000xf32, #tpu.memory_space<hbm>> -> memref<8x8x128xf32, #tpu.memory_space<hbm>>
      %dma_wait3A_1454 = arith.constant 0 : i32
      %dma_wait3A_1455 = arith.constant 0 : i32
      %dma_wait3A_1456 = arith.constant 0 : i32
      %dma_wait3A_1457 = tpu.memref_slice %arg11[%dma_wait3A_1444, %dma_wait3A_1454, %dma_wait3A_1455, %dma_wait3A_1456] : memref<4x8x8x128xf32, #tpu.memory_space<vmem>> -> memref<1x8x8x128xf32, #tpu.memory_space<vmem>>
      %dma_wait3A_1458 = tpu.memref_squeeze %dma_wait3A_1457 : memref<1x8x8x128xf32, #tpu.memory_space<vmem>> -> memref<8x8x128xf32, #tpu.memory_space<vmem>>
      %dma_wait3A_1459 = arith.constant 0 : i32
      %dma_wait3A_1460 = arith.constant 0 : i32
      %dma_wait3A_1461 = arith.constant 0 : i32
      %dma_wait3A_1462 = tpu.memref_slice %arg2[%dma_wait3A_1459, %dma_wait3A_1460, %dma_wait3A_1461] : memref<8x8x1000000xf32, #tpu.memory_space<hbm>> -> memref<8x8x128xf32, #tpu.memory_space<hbm>>
      tpu.wait_dma2 semaphore(%arg17 : memref<!tpu.dma_semaphore, #tpu.memory_space<semaphore_mem>>) src(%dma_wait3A_1462 : memref<8x8x128xf32, #tpu.memory_space<hbm>>) dst(%dma_wait3A_1458 : memref<8x8x128xf32, #tpu.memory_space<vmem>>)
      %dma_wait3A_1463 = arith.constant 0 : i32
      %dma_wait3A_1464 = arith.constant 0 : i32
      %dma_wait3A_1465 = arith.constant 0 : i32
      %dma_wait3A_1466 = arith.constant 0 : i32
      %dma_wait3A_1467 = tpu.memref_slice %arg12[%dma_wait3A_1463, %dma_wait3A_1464, %dma_wait3A_1465, %dma_wait3A_1466] : memref<4x8x8x128xf32, #tpu.memory_space<vmem>> -> memref<1x8x8x128xf32, #tpu.memory_space<vmem>>
      %dma_wait3A_1468 = tpu.memref_squeeze %dma_wait3A_1467 : memref<1x8x8x128xf32, #tpu.memory_space<vmem>> -> memref<8x8x128xf32, #tpu.memory_space<vmem>>
      %dma_wait3A_1469 = arith.constant 0 : i32
      %dma_wait3A_1470 = arith.constant 0 : i32
      %dma_wait3A_1471 = arith.constant 0 : i32
      %dma_wait3A_1472 = tpu.memref_slice %arg3[%dma_wait3A_1469, %dma_wait3A_1470, %dma_wait3A_1471] : memref<8x8x1000000xf32, #tpu.memory_space<hbm>> -> memref<8x8x128xf32, #tpu.memory_space<hbm>>
      %dma_wait3A_1473 = arith.constant 0 : i32
      %dma_wait3A_1474 = arith.constant 0 : i32
      %dma_wait3A_1475 = arith.constant 0 : i32
      %dma_wait3A_1476 = tpu.memref_slice %arg12[%dma_wait3A_1463, %dma_wait3A_1473, %dma_wait3A_1474, %dma_wait3A_1475] : memref<4x8x8x128xf32, #tpu.memory_space<vmem>> -> memref<1x8x8x128xf32, #tpu.memory_space<vmem>>
      %dma_wait3A_1477 = tpu.memref_squeeze %dma_wait3A_1476 : memref<1x8x8x128xf32, #tpu.memory_space<vmem>> -> memref<8x8x128xf32, #tpu.memory_space<vmem>>
      %dma_wait3A_1478 = arith.constant 0 : i32
      %dma_wait3A_1479 = arith.constant 0 : i32
      %dma_wait3A_1480 = arith.constant 0 : i32
      %dma_wait3A_1481 = tpu.memref_slice %arg3[%dma_wait3A_1478, %dma_wait3A_1479, %dma_wait3A_1480] : memref<8x8x1000000xf32, #tpu.memory_space<hbm>> -> memref<8x8x128xf32, #tpu.memory_space<hbm>>
      tpu.wait_dma2 semaphore(%arg17 : memref<!tpu.dma_semaphore, #tpu.memory_space<semaphore_mem>>) src(%dma_wait3A_1481 : memref<8x8x128xf32, #tpu.memory_space<hbm>>) dst(%dma_wait3A_1477 : memref<8x8x128xf32, #tpu.memory_space<vmem>>)
      %broadcast_in_dim3A_1482 = arith.constant 0 : i32
      %broadcast_in_dim3A_1483 = vector.broadcast %broadcast_in_dim3A_1482 : i32 to vector<16xi32>
      %slice3A_1484 = vector.extract_strided_slice %get3A_501 {offsets = [4], sizes = [1], strides = [1]} : vector<16xi32> to vector<1xi32>
      %squeeze3A_1485 = vector.extract %slice3A_1484[0] : i32 from vector<1xi32>
      %and3A_1486 = arith.constant 127 : i32
      %and3A_1487 = arith.andi %squeeze3A_1485, %and3A_1486 : i32
      %add3A_1488 = vector.broadcast %and3A_1487 : i32 to vector<16xi32>
      %add3A_1489 = arith.addi %broadcast_in_dim3A_1483, %add3A_1488 : vector<16xi32>
      %broadcast_in_dim3A_1490 = arith.constant 0 : i32
      %broadcast_in_dim3A_1491 = vector.broadcast %broadcast_in_dim3A_1490 : i32 to vector<16xi32>
      %slice3A_1492 = vector.extract_strided_slice %get3A_544 {offsets = [4], sizes = [1], strides = [1]} : vector<16xi32> to vector<1xi32>
      %squeeze3A_1493 = vector.extract %slice3A_1492[0] : i32 from vector<1xi32>
      %and3A_1494 = arith.constant 127 : i32
      %and3A_1495 = arith.andi %squeeze3A_1493, %and3A_1494 : i32
      %add3A_1496 = vector.broadcast %and3A_1495 : i32 to vector<16xi32>
      %add3A_1497 = arith.addi %broadcast_in_dim3A_1491, %add3A_1496 : vector<16xi32>
      %add3A_1498 = arith.constant 0 : i32
      %add3A_1499 = vector.broadcast %add3A_1498 : i32 to vector<16xi32>
      %add3A_1500 = arith.addi %shift_right_logical3A_244, %add3A_1499 : vector<16xi32>
      %gather3A_1501 = arith.constant 0 : i32
      %gather3A_1502 = arith.constant 0 : i32
      %gather3A_1503 = arith.constant 0 : i32
      %gather3A_1504 = arith.constant 0 : i32
      %gather3A_1505 = tpu.memref_slice %arg11[%gather3A_1501, %gather3A_1502, %gather3A_1503, %gather3A_1504] : memref<4x8x8x128xf32, #tpu.memory_space<vmem>> -> memref<1x8x8x128xf32, #tpu.memory_space<vmem>>
      %gather3A_1506 = tpu.memref_squeeze %gather3A_1505 : memref<1x8x8x128xf32, #tpu.memory_space<vmem>> -> memref<8x8x128xf32, #tpu.memory_space<vmem>>
      %gather3A_1507 = tpu.vector_load_idx %gather3A_1506[%add3A_1500, %and3A_242, %add3A_1489] : memref<8x8x128xf32, #tpu.memory_space<vmem>>[vector<16xi32>, vector<16xi32>, vector<16xi32>], vector<16xf32>,
      %gather3A_1508 = arith.constant 0 : i32
      %gather3A_1509 = arith.constant 0 : i32
      %gather3A_1510 = arith.constant 0 : i32
      %gather3A_1511 = arith.constant 0 : i32
      %gather3A_1512 = tpu.memref_slice %arg12[%gather3A_1508, %gather3A_1509, %gather3A_1510, %gather3A_1511] : memref<4x8x8x128xf32, #tpu.memory_space<vmem>> -> memref<1x8x8x128xf32, #tpu.memory_space<vmem>>
      %gather3A_1513 = tpu.memref_squeeze %gather3A_1512 : memref<1x8x8x128xf32, #tpu.memory_space<vmem>> -> memref<8x8x128xf32, #tpu.memory_space<vmem>>
      %gather3A_1514 = tpu.vector_load_idx %gather3A_1513[%add3A_1500, %and3A_242, %add3A_1497] : memref<8x8x128xf32, #tpu.memory_space<vmem>>[vector<16xi32>, vector<16xi32>, vector<16xi32>], vector<16xf32>,
      %mul3A_1515 = arith.mulf %gather3A_1507, %gather3A_1514 : vector<16xf32>
      %add3A_1516 = arith.constant 2 : i32
      %add3A_1517 = vector.broadcast %add3A_1516 : i32 to vector<16xi32>
      %add3A_1518 = arith.addi %shift_right_logical3A_244, %add3A_1517 : vector<16xi32>
      %gather3A_1519 = arith.constant 0 : i32
      %gather3A_1520 = arith.constant 0 : i32
      %gather3A_1521 = arith.constant 0 : i32
      %gather3A_1522 = arith.constant 0 : i32
      %gather3A_1523 = tpu.memref_slice %arg11[%gather3A_1519, %gather3A_1520, %gather3A_1521, %gather3A_1522] : memref<4x8x8x128xf32, #tpu.memory_space<vmem>> -> memref<1x8x8x128xf32, #tpu.memory_space<vmem>>
      %gather3A_1524 = tpu.memref_squeeze %gather3A_1523 : memref<1x8x8x128xf32, #tpu.memory_space<vmem>> -> memref<8x8x128xf32, #tpu.memory_space<vmem>>
      %gather3A_1525 = tpu.vector_load_idx %gather3A_1524[%add3A_1518, %and3A_242, %add3A_1489] : memref<8x8x128xf32, #tpu.memory_space<vmem>>[vector<16xi32>, vector<16xi32>, vector<16xi32>], vector<16xf32>,
      %gather3A_1526 = arith.constant 0 : i32
      %gather3A_1527 = arith.constant 0 : i32
      %gather3A_1528 = arith.constant 0 : i32
      %gather3A_1529 = arith.constant 0 : i32
      %gather3A_1530 = tpu.memref_slice %arg12[%gather3A_1526, %gather3A_1527, %gather3A_1528, %gather3A_1529] : memref<4x8x8x128xf32, #tpu.memory_space<vmem>> -> memref<1x8x8x128xf32, #tpu.memory_space<vmem>>
      %gather3A_1531 = tpu.memref_squeeze %gather3A_1530 : memref<1x8x8x128xf32, #tpu.memory_space<vmem>> -> memref<8x8x128xf32, #tpu.memory_space<vmem>>
      %gather3A_1532 = tpu.vector_load_idx %gather3A_1531[%add3A_1518, %and3A_242, %add3A_1497] : memref<8x8x128xf32, #tpu.memory_space<vmem>>[vector<16xi32>, vector<16xi32>, vector<16xi32>], vector<16xf32>,
      %mul3A_1533 = arith.mulf %gather3A_1525, %gather3A_1532 : vector<16xf32>
      %add3A_1534 = arith.addf %mul3A_1515, %mul3A_1533 : vector<16xf32>
      %add3A_1535 = arith.constant 4 : i32
      %add3A_1536 = vector.broadcast %add3A_1535 : i32 to vector<16xi32>
      %add3A_1537 = arith.addi %shift_right_logical3A_244, %add3A_1536 : vector<16xi32>
      %gather3A_1538 = arith.constant 0 : i32
      %gather3A_1539 = arith.constant 0 : i32
      %gather3A_1540 = arith.constant 0 : i32
      %gather3A_1541 = arith.constant 0 : i32
      %gather3A_1542 = tpu.memref_slice %arg11[%gather3A_1538, %gather3A_1539, %gather3A_1540, %gather3A_1541] : memref<4x8x8x128xf32, #tpu.memory_space<vmem>> -> memref<1x8x8x128xf32, #tpu.memory_space<vmem>>
      %gather3A_1543 = tpu.memref_squeeze %gather3A_1542 : memref<1x8x8x128xf32, #tpu.memory_space<vmem>> -> memref<8x8x128xf32, #tpu.memory_space<vmem>>
      %gather3A_1544 = tpu.vector_load_idx %gather3A_1543[%add3A_1537, %and3A_242, %add3A_1489] : memref<8x8x128xf32, #tpu.memory_space<vmem>>[vector<16xi32>, vector<16xi32>, vector<16xi32>], vector<16xf32>,
      %gather3A_1545 = arith.constant 0 : i32
      %gather3A_1546 = arith.constant 0 : i32
      %gather3A_1547 = arith.constant 0 : i32
      %gather3A_1548 = arith.constant 0 : i32
      %gather3A_1549 = tpu.memref_slice %arg12[%gather3A_1545, %gather3A_1546, %gather3A_1547, %gather3A_1548] : memref<4x8x8x128xf32, #tpu.memory_space<vmem>> -> memref<1x8x8x128xf32, #tpu.memory_space<vmem>>
      %gather3A_1550 = tpu.memref_squeeze %gather3A_1549 : memref<1x8x8x128xf32, #tpu.memory_space<vmem>> -> memref<8x8x128xf32, #tpu.memory_space<vmem>>
      %gather3A_1551 = tpu.vector_load_idx %gather3A_1550[%add3A_1537, %and3A_242, %add3A_1497] : memref<8x8x128xf32, #tpu.memory_space<vmem>>[vector<16xi32>, vector<16xi32>, vector<16xi32>], vector<16xf32>,
      %mul3A_1552 = arith.mulf %gather3A_1544, %gather3A_1551 : vector<16xf32>
      %add3A_1553 = arith.addf %add3A_1534, %mul3A_1552 : vector<16xf32>
      %add3A_1554 = arith.constant 6 : i32
      %add3A_1555 = vector.broadcast %add3A_1554 : i32 to vector<16xi32>
      %add3A_1556 = arith.addi %shift_right_logical3A_244, %add3A_1555 : vector<16xi32>
      %gather3A_1557 = arith.constant 0 : i32
      %gather3A_1558 = arith.constant 0 : i32
      %gather3A_1559 = arith.constant 0 : i32
      %gather3A_1560 = arith.constant 0 : i32
      %gather3A_1561 = tpu.memref_slice %arg11[%gather3A_1557, %gather3A_1558, %gather3A_1559, %gather3A_1560] : memref<4x8x8x128xf32, #tpu.memory_space<vmem>> -> memref<1x8x8x128xf32, #tpu.memory_space<vmem>>
      %gather3A_1562 = tpu.memref_squeeze %gather3A_1561 : memref<1x8x8x128xf32, #tpu.memory_space<vmem>> -> memref<8x8x128xf32, #tpu.memory_space<vmem>>
      %gather3A_1563 = tpu.vector_load_idx %gather3A_1562[%add3A_1556, %and3A_242, %add3A_1489] : memref<8x8x128xf32, #tpu.memory_space<vmem>>[vector<16xi32>, vector<16xi32>, vector<16xi32>], vector<16xf32>,
      %gather3A_1564 = arith.constant 0 : i32
      %gather3A_1565 = arith.constant 0 : i32
      %gather3A_1566 = arith.constant 0 : i32
      %gather3A_1567 = arith.constant 0 : i32
      %gather3A_1568 = tpu.memref_slice %arg12[%gather3A_1564, %gather3A_1565, %gather3A_1566, %gather3A_1567] : memref<4x8x8x128xf32, #tpu.memory_space<vmem>> -> memref<1x8x8x128xf32, #tpu.memory_space<vmem>>
      %gather3A_1569 = tpu.memref_squeeze %gather3A_1568 : memref<1x8x8x128xf32, #tpu.memory_space<vmem>> -> memref<8x8x128xf32, #tpu.memory_space<vmem>>
      %gather3A_1570 = tpu.vector_load_idx %gather3A_1569[%add3A_1556, %and3A_242, %add3A_1497] : memref<8x8x128xf32, #tpu.memory_space<vmem>>[vector<16xi32>, vector<16xi32>, vector<16xi32>], vector<16xf32>,
      %mul3A_1571 = arith.mulf %gather3A_1563, %gather3A_1570 : vector<16xf32>
      %add3A_1572 = arith.addf %add3A_1553, %mul3A_1571 : vector<16xf32>
      %eq3A_1573 = arith.constant 4 : i32
      %eq3A_1574 = vector.broadcast %eq3A_1573 : i32 to vector<16xi32>
      %eq3A_1575 = arith.cmpi eq, %iota3A, %eq3A_1574 : vector<16xi32>
      %reduce_sum3A_1576 = arith.constant true
      %reduce_sum3A_1577 = vector.broadcast %reduce_sum3A_1576 : i1 to vector<16xi1>
      %reduce_sum3A_1578 = tpu.scan <sum>, %add3A_1572 masked %reduce_sum3A_1577 : vector<16xf32>, vector<16xi1> -> vector<16xf32>
      %reduce_sum3A_1579 = vector.extract %reduce_sum3A_1578[15] : f32 from vector<16xf32>
      %jit3A_1580 = arith.constant 0.000000e+00 : f32
      %broadcast_in_dim3A_1581 = vector.broadcast %reduce_sum3A_1579 : f32 to vector<16xf32>
      %broadcast_in_dim3A_1582 = vector.broadcast %jit3A_1580 : f32 to vector<16xf32>
      %select_n3A_1583 = arith.select %eq3A_1575, %broadcast_in_dim3A_1581, %broadcast_in_dim3A_1582 : vector<16xi1>, vector<16xf32>
      %add3A_1584 = arith.addf %add3A_1395, %select_n3A_1583 : vector<16xf32>
      %slice3A_1585 = vector.extract_strided_slice %get3A_501 {offsets = [8], sizes = [1], strides = [1]} : vector<16xi32> to vector<1xi32>
      %squeeze3A_1586 = vector.extract %slice3A_1585[0] : i32 from vector<1xi32>
      %shift_right_logical3A_1587 = arith.constant 7 : i32
      %shift_right_logical3A_1588 = arith.shrui %squeeze3A_1586, %shift_right_logical3A_1587 : i32
      %mul3A_1589 = arith.constant 128 : i32
      %mul3A_1590 = arith.muli %shift_right_logical3A_1588, %mul3A_1589 : i32
      %multiple_of3A_1591 = tpu.assume_multiple %mul3A_1590, 128 : i32
      %slice3A_1592 = vector.extract_strided_slice %get3A_544 {offsets = [8], sizes = [1], strides = [1]} : vector<16xi32> to vector<1xi32>
      %squeeze3A_1593 = vector.extract %slice3A_1592[0] : i32 from vector<1xi32>
      %shift_right_logical3A_1594 = arith.constant 7 : i32
      %shift_right_logical3A_1595 = arith.shrui %squeeze3A_1593, %shift_right_logical3A_1594 : i32
      %mul3A_1596 = arith.constant 128 : i32
      %mul3A_1597 = arith.muli %shift_right_logical3A_1595, %mul3A_1596 : i32
      %multiple_of3A_1598 = tpu.assume_multiple %mul3A_1597, 128 : i32
      %dma_start3A_1599 = arith.constant 0 : i32
      %dma_start3A_1600 = arith.constant 0 : i32
      %dma_start3A_1601 = arith.constant 0 : i32
      %dma_start3A_1602 = arith.constant 0 : i32
      %dma_start3A_1603 = tpu.memref_slice %arg11[%dma_start3A_1599, %dma_start3A_1600, %dma_start3A_1601, %dma_start3A_1602] : memref<4x8x8x128xf32, #tpu.memory_space<vmem>> -> memref<1x8x8x128xf32, #tpu.memory_space<vmem>>
      %dma_start3A_1604 = tpu.memref_squeeze %dma_start3A_1603 : memref<1x8x8x128xf32, #tpu.memory_space<vmem>> -> memref<8x8x128xf32, #tpu.memory_space<vmem>>
      %dma_start3A_1605 = arith.constant 0 : i32
      %dma_start3A_1606 = arith.constant 0 : i32
      %dma_start3A_1607 = tpu.memref_slice %arg2[%dma_start3A_1605, %dma_start3A_1606, %multiple_of3A_1591] : memref<8x8x1000000xf32, #tpu.memory_space<hbm>> -> memref<8x8x128xf32, #tpu.memory_space<hbm>>
      %dma_start3A_1608 = arith.constant 0 : i32
      %dma_start3A_1609 = arith.constant 0 : i32
      %dma_start3A_1610 = arith.constant 0 : i32
      %dma_start3A_1611 = tpu.memref_slice %arg11[%dma_start3A_1599, %dma_start3A_1608, %dma_start3A_1609, %dma_start3A_1610] : memref<4x8x8x128xf32, #tpu.memory_space<vmem>> -> memref<1x8x8x128xf32, #tpu.memory_space<vmem>>
      %dma_start3A_1612 = tpu.memref_squeeze %dma_start3A_1611 : memref<1x8x8x128xf32, #tpu.memory_space<vmem>> -> memref<8x8x128xf32, #tpu.memory_space<vmem>>
      %dma_start3A_1613 = arith.constant 0 : i32
      %dma_start3A_1614 = arith.constant 0 : i32
      %dma_start3A_1615 = tpu.memref_slice %arg2[%dma_start3A_1613, %dma_start3A_1614, %multiple_of3A_1591] : memref<8x8x1000000xf32, #tpu.memory_space<hbm>> -> memref<8x8x128xf32, #tpu.memory_space<hbm>>
      tpu.enqueue_dma source(%dma_start3A_1615 : memref<8x8x128xf32, #tpu.memory_space<hbm>>) target(%dma_start3A_1612 : memref<8x8x128xf32, #tpu.memory_space<vmem>>) target_semaphore(%arg17 : memref<!tpu.dma_semaphore, #tpu.memory_space<semaphore_mem>>)
      %dma_start3A_1616 = arith.constant 0 : i32
      %dma_start3A_1617 = arith.constant 0 : i32
      %dma_start3A_1618 = arith.constant 0 : i32
      %dma_start3A_1619 = arith.constant 0 : i32
      %dma_start3A_1620 = tpu.memref_slice %arg12[%dma_start3A_1616, %dma_start3A_1617, %dma_start3A_1618, %dma_start3A_1619] : memref<4x8x8x128xf32, #tpu.memory_space<vmem>> -> memref<1x8x8x128xf32, #tpu.memory_space<vmem>>
      %dma_start3A_1621 = tpu.memref_squeeze %dma_start3A_1620 : memref<1x8x8x128xf32, #tpu.memory_space<vmem>> -> memref<8x8x128xf32, #tpu.memory_space<vmem>>
      %dma_start3A_1622 = arith.constant 0 : i32
      %dma_start3A_1623 = arith.constant 0 : i32
      %dma_start3A_1624 = tpu.memref_slice %arg3[%dma_start3A_1622, %dma_start3A_1623, %multiple_of3A_1598] : memref<8x8x1000000xf32, #tpu.memory_space<hbm>> -> memref<8x8x128xf32, #tpu.memory_space<hbm>>
      %dma_start3A_1625 = arith.constant 0 : i32
      %dma_start3A_1626 = arith.constant 0 : i32
      %dma_start3A_1627 = arith.constant 0 : i32
      %dma_start3A_1628 = tpu.memref_slice %arg12[%dma_start3A_1616, %dma_start3A_1625, %dma_start3A_1626, %dma_start3A_1627] : memref<4x8x8x128xf32, #tpu.memory_space<vmem>> -> memref<1x8x8x128xf32, #tpu.memory_space<vmem>>
      %dma_start3A_1629 = tpu.memref_squeeze %dma_start3A_1628 : memref<1x8x8x128xf32, #tpu.memory_space<vmem>> -> memref<8x8x128xf32, #tpu.memory_space<vmem>>
      %dma_start3A_1630 = arith.constant 0 : i32
      %dma_start3A_1631 = arith.constant 0 : i32
      %dma_start3A_1632 = tpu.memref_slice %arg3[%dma_start3A_1630, %dma_start3A_1631, %multiple_of3A_1598] : memref<8x8x1000000xf32, #tpu.memory_space<hbm>> -> memref<8x8x128xf32, #tpu.memory_space<hbm>>
      tpu.enqueue_dma source(%dma_start3A_1632 : memref<8x8x128xf32, #tpu.memory_space<hbm>>) target(%dma_start3A_1629 : memref<8x8x128xf32, #tpu.memory_space<vmem>>) target_semaphore(%arg17 : memref<!tpu.dma_semaphore, #tpu.memory_space<semaphore_mem>>)
      %dma_wait3A_1633 = arith.constant 1 : i32
      %dma_wait3A_1634 = arith.constant 0 : i32
      %dma_wait3A_1635 = arith.constant 0 : i32
      %dma_wait3A_1636 = arith.constant 0 : i32
      %dma_wait3A_1637 = tpu.memref_slice %arg11[%dma_wait3A_1633, %dma_wait3A_1634, %dma_wait3A_1635, %dma_wait3A_1636] : memref<4x8x8x128xf32, #tpu.memory_space<vmem>> -> memref<1x8x8x128xf32, #tpu.memory_space<vmem>>
      %dma_wait3A_1638 = tpu.memref_squeeze %dma_wait3A_1637 : memref<1x8x8x128xf32, #tpu.memory_space<vmem>> -> memref<8x8x128xf32, #tpu.memory_space<vmem>>
      %dma_wait3A_1639 = arith.constant 0 : i32
      %dma_wait3A_1640 = arith.constant 0 : i32
      %dma_wait3A_1641 = arith.constant 0 : i32
      %dma_wait3A_1642 = tpu.memref_slice %arg2[%dma_wait3A_1639, %dma_wait3A_1640, %dma_wait3A_1641] : memref<8x8x1000000xf32, #tpu.memory_space<hbm>> -> memref<8x8x128xf32, #tpu.memory_space<hbm>>
      %dma_wait3A_1643 = arith.constant 0 : i32
      %dma_wait3A_1644 = arith.constant 0 : i32
      %dma_wait3A_1645 = arith.constant 0 : i32
      %dma_wait3A_1646 = tpu.memref_slice %arg11[%dma_wait3A_1633, %dma_wait3A_1643, %dma_wait3A_1644, %dma_wait3A_1645] : memref<4x8x8x128xf32, #tpu.memory_space<vmem>> -> memref<1x8x8x128xf32, #tpu.memory_space<vmem>>
      %dma_wait3A_1647 = tpu.memref_squeeze %dma_wait3A_1646 : memref<1x8x8x128xf32, #tpu.memory_space<vmem>> -> memref<8x8x128xf32, #tpu.memory_space<vmem>>
      %dma_wait3A_1648 = arith.constant 0 : i32
      %dma_wait3A_1649 = arith.constant 0 : i32
      %dma_wait3A_1650 = arith.constant 0 : i32
      %dma_wait3A_1651 = tpu.memref_slice %arg2[%dma_wait3A_1648, %dma_wait3A_1649, %dma_wait3A_1650] : memref<8x8x1000000xf32, #tpu.memory_space<hbm>> -> memref<8x8x128xf32, #tpu.memory_space<hbm>>
      tpu.wait_dma2 semaphore(%arg18 : memref<!tpu.dma_semaphore, #tpu.memory_space<semaphore_mem>>) src(%dma_wait3A_1651 : memref<8x8x128xf32, #tpu.memory_space<hbm>>) dst(%dma_wait3A_1647 : memref<8x8x128xf32, #tpu.memory_space<vmem>>)
      %dma_wait3A_1652 = arith.constant 1 : i32
      %dma_wait3A_1653 = arith.constant 0 : i32
      %dma_wait3A_1654 = arith.constant 0 : i32
      %dma_wait3A_1655 = arith.constant 0 : i32
      %dma_wait3A_1656 = tpu.memref_slice %arg12[%dma_wait3A_1652, %dma_wait3A_1653, %dma_wait3A_1654, %dma_wait3A_1655] : memref<4x8x8x128xf32, #tpu.memory_space<vmem>> -> memref<1x8x8x128xf32, #tpu.memory_space<vmem>>
      %dma_wait3A_1657 = tpu.memref_squeeze %dma_wait3A_1656 : memref<1x8x8x128xf32, #tpu.memory_space<vmem>> -> memref<8x8x128xf32, #tpu.memory_space<vmem>>
      %dma_wait3A_1658 = arith.constant 0 : i32
      %dma_wait3A_1659 = arith.constant 0 : i32
      %dma_wait3A_1660 = arith.constant 0 : i32
      %dma_wait3A_1661 = tpu.memref_slice %arg3[%dma_wait3A_1658, %dma_wait3A_1659, %dma_wait3A_1660] : memref<8x8x1000000xf32, #tpu.memory_space<hbm>> -> memref<8x8x128xf32, #tpu.memory_space<hbm>>
      %dma_wait3A_1662 = arith.constant 0 : i32
      %dma_wait3A_1663 = arith.constant 0 : i32
      %dma_wait3A_1664 = arith.constant 0 : i32
      %dma_wait3A_1665 = tpu.memref_slice %arg12[%dma_wait3A_1652, %dma_wait3A_1662, %dma_wait3A_1663, %dma_wait3A_1664] : memref<4x8x8x128xf32, #tpu.memory_space<vmem>> -> memref<1x8x8x128xf32, #tpu.memory_space<vmem>>
      %dma_wait3A_1666 = tpu.memref_squeeze %dma_wait3A_1665 : memref<1x8x8x128xf32, #tpu.memory_space<vmem>> -> memref<8x8x128xf32, #tpu.memory_space<vmem>>
      %dma_wait3A_1667 = arith.constant 0 : i32
      %dma_wait3A_1668 = arith.constant 0 : i32
      %dma_wait3A_1669 = arith.constant 0 : i32
      %dma_wait3A_1670 = tpu.memref_slice %arg3[%dma_wait3A_1667, %dma_wait3A_1668, %dma_wait3A_1669] : memref<8x8x1000000xf32, #tpu.memory_space<hbm>> -> memref<8x8x128xf32, #tpu.memory_space<hbm>>
      tpu.wait_dma2 semaphore(%arg18 : memref<!tpu.dma_semaphore, #tpu.memory_space<semaphore_mem>>) src(%dma_wait3A_1670 : memref<8x8x128xf32, #tpu.memory_space<hbm>>) dst(%dma_wait3A_1666 : memref<8x8x128xf32, #tpu.memory_space<vmem>>)
      %broadcast_in_dim3A_1671 = arith.constant 0 : i32
      %broadcast_in_dim3A_1672 = vector.broadcast %broadcast_in_dim3A_1671 : i32 to vector<16xi32>
      %slice3A_1673 = vector.extract_strided_slice %get3A_501 {offsets = [5], sizes = [1], strides = [1]} : vector<16xi32> to vector<1xi32>
      %squeeze3A_1674 = vector.extract %slice3A_1673[0] : i32 from vector<1xi32>
      %and3A_1675 = arith.constant 127 : i32
      %and3A_1676 = arith.andi %squeeze3A_1674, %and3A_1675 : i32
      %add3A_1677 = vector.broadcast %and3A_1676 : i32 to vector<16xi32>
      %add3A_1678 = arith.addi %broadcast_in_dim3A_1672, %add3A_1677 : vector<16xi32>
      %broadcast_in_dim3A_1679 = arith.constant 0 : i32
      %broadcast_in_dim3A_1680 = vector.broadcast %broadcast_in_dim3A_1679 : i32 to vector<16xi32>
      %slice3A_1681 = vector.extract_strided_slice %get3A_544 {offsets = [5], sizes = [1], strides = [1]} : vector<16xi32> to vector<1xi32>
      %squeeze3A_1682 = vector.extract %slice3A_1681[0] : i32 from vector<1xi32>
      %and3A_1683 = arith.constant 127 : i32
      %and3A_1684 = arith.andi %squeeze3A_1682, %and3A_1683 : i32
      %add3A_1685 = vector.broadcast %and3A_1684 : i32 to vector<16xi32>
      %add3A_1686 = arith.addi %broadcast_in_dim3A_1680, %add3A_1685 : vector<16xi32>
      %add3A_1687 = arith.constant 0 : i32
      %add3A_1688 = vector.broadcast %add3A_1687 : i32 to vector<16xi32>
      %add3A_1689 = arith.addi %shift_right_logical3A_244, %add3A_1688 : vector<16xi32>
      %gather3A_1690 = arith.constant 1 : i32
      %gather3A_1691 = arith.constant 0 : i32
      %gather3A_1692 = arith.constant 0 : i32
      %gather3A_1693 = arith.constant 0 : i32
      %gather3A_1694 = tpu.memref_slice %arg11[%gather3A_1690, %gather3A_1691, %gather3A_1692, %gather3A_1693] : memref<4x8x8x128xf32, #tpu.memory_space<vmem>> -> memref<1x8x8x128xf32, #tpu.memory_space<vmem>>
      %gather3A_1695 = tpu.memref_squeeze %gather3A_1694 : memref<1x8x8x128xf32, #tpu.memory_space<vmem>> -> memref<8x8x128xf32, #tpu.memory_space<vmem>>
      %gather3A_1696 = tpu.vector_load_idx %gather3A_1695[%add3A_1689, %and3A_242, %add3A_1678] : memref<8x8x128xf32, #tpu.memory_space<vmem>>[vector<16xi32>, vector<16xi32>, vector<16xi32>], vector<16xf32>,
      %gather3A_1697 = arith.constant 1 : i32
      %gather3A_1698 = arith.constant 0 : i32
      %gather3A_1699 = arith.constant 0 : i32
      %gather3A_1700 = arith.constant 0 : i32
      %gather3A_1701 = tpu.memref_slice %arg12[%gather3A_1697, %gather3A_1698, %gather3A_1699, %gather3A_1700] : memref<4x8x8x128xf32, #tpu.memory_space<vmem>> -> memref<1x8x8x128xf32, #tpu.memory_space<vmem>>
      %gather3A_1702 = tpu.memref_squeeze %gather3A_1701 : memref<1x8x8x128xf32, #tpu.memory_space<vmem>> -> memref<8x8x128xf32, #tpu.memory_space<vmem>>
      %gather3A_1703 = tpu.vector_load_idx %gather3A_1702[%add3A_1689, %and3A_242, %add3A_1686] : memref<8x8x128xf32, #tpu.memory_space<vmem>>[vector<16xi32>, vector<16xi32>, vector<16xi32>], vector<16xf32>,
      %mul3A_1704 = arith.mulf %gather3A_1696, %gather3A_1703 : vector<16xf32>
      %add3A_1705 = arith.constant 2 : i32
      %add3A_1706 = vector.broadcast %add3A_1705 : i32 to vector<16xi32>
      %add3A_1707 = arith.addi %shift_right_logical3A_244, %add3A_1706 : vector<16xi32>
      %gather3A_1708 = arith.constant 1 : i32
      %gather3A_1709 = arith.constant 0 : i32
      %gather3A_1710 = arith.constant 0 : i32
      %gather3A_1711 = arith.constant 0 : i32
      %gather3A_1712 = tpu.memref_slice %arg11[%gather3A_1708, %gather3A_1709, %gather3A_1710, %gather3A_1711] : memref<4x8x8x128xf32, #tpu.memory_space<vmem>> -> memref<1x8x8x128xf32, #tpu.memory_space<vmem>>
      %gather3A_1713 = tpu.memref_squeeze %gather3A_1712 : memref<1x8x8x128xf32, #tpu.memory_space<vmem>> -> memref<8x8x128xf32, #tpu.memory_space<vmem>>
      %gather3A_1714 = tpu.vector_load_idx %gather3A_1713[%add3A_1707, %and3A_242, %add3A_1678] : memref<8x8x128xf32, #tpu.memory_space<vmem>>[vector<16xi32>, vector<16xi32>, vector<16xi32>], vector<16xf32>,
      %gather3A_1715 = arith.constant 1 : i32
      %gather3A_1716 = arith.constant 0 : i32
      %gather3A_1717 = arith.constant 0 : i32
      %gather3A_1718 = arith.constant 0 : i32
      %gather3A_1719 = tpu.memref_slice %arg12[%gather3A_1715, %gather3A_1716, %gather3A_1717, %gather3A_1718] : memref<4x8x8x128xf32, #tpu.memory_space<vmem>> -> memref<1x8x8x128xf32, #tpu.memory_space<vmem>>
      %gather3A_1720 = tpu.memref_squeeze %gather3A_1719 : memref<1x8x8x128xf32, #tpu.memory_space<vmem>> -> memref<8x8x128xf32, #tpu.memory_space<vmem>>
      %gather3A_1721 = tpu.vector_load_idx %gather3A_1720[%add3A_1707, %and3A_242, %add3A_1686] : memref<8x8x128xf32, #tpu.memory_space<vmem>>[vector<16xi32>, vector<16xi32>, vector<16xi32>], vector<16xf32>,
      %mul3A_1722 = arith.mulf %gather3A_1714, %gather3A_1721 : vector<16xf32>
      %add3A_1723 = arith.addf %mul3A_1704, %mul3A_1722 : vector<16xf32>
      %add3A_1724 = arith.constant 4 : i32
      %add3A_1725 = vector.broadcast %add3A_1724 : i32 to vector<16xi32>
      %add3A_1726 = arith.addi %shift_right_logical3A_244, %add3A_1725 : vector<16xi32>
      %gather3A_1727 = arith.constant 1 : i32
      %gather3A_1728 = arith.constant 0 : i32
      %gather3A_1729 = arith.constant 0 : i32
      %gather3A_1730 = arith.constant 0 : i32
      %gather3A_1731 = tpu.memref_slice %arg11[%gather3A_1727, %gather3A_1728, %gather3A_1729, %gather3A_1730] : memref<4x8x8x128xf32, #tpu.memory_space<vmem>> -> memref<1x8x8x128xf32, #tpu.memory_space<vmem>>
      %gather3A_1732 = tpu.memref_squeeze %gather3A_1731 : memref<1x8x8x128xf32, #tpu.memory_space<vmem>> -> memref<8x8x128xf32, #tpu.memory_space<vmem>>
      %gather3A_1733 = tpu.vector_load_idx %gather3A_1732[%add3A_1726, %and3A_242, %add3A_1678] : memref<8x8x128xf32, #tpu.memory_space<vmem>>[vector<16xi32>, vector<16xi32>, vector<16xi32>], vector<16xf32>,
      %gather3A_1734 = arith.constant 1 : i32
      %gather3A_1735 = arith.constant 0 : i32
      %gather3A_1736 = arith.constant 0 : i32
      %gather3A_1737 = arith.constant 0 : i32
      %gather3A_1738 = tpu.memref_slice %arg12[%gather3A_1734, %gather3A_1735, %gather3A_1736, %gather3A_1737] : memref<4x8x8x128xf32, #tpu.memory_space<vmem>> -> memref<1x8x8x128xf32, #tpu.memory_space<vmem>>
      %gather3A_1739 = tpu.memref_squeeze %gather3A_1738 : memref<1x8x8x128xf32, #tpu.memory_space<vmem>> -> memref<8x8x128xf32, #tpu.memory_space<vmem>>
      %gather3A_1740 = tpu.vector_load_idx %gather3A_1739[%add3A_1726, %and3A_242, %add3A_1686] : memref<8x8x128xf32, #tpu.memory_space<vmem>>[vector<16xi32>, vector<16xi32>, vector<16xi32>], vector<16xf32>,
      %mul3A_1741 = arith.mulf %gather3A_1733, %gather3A_1740 : vector<16xf32>
      %add3A_1742 = arith.addf %add3A_1723, %mul3A_1741 : vector<16xf32>
      %add3A_1743 = arith.constant 6 : i32
      %add3A_1744 = vector.broadcast %add3A_1743 : i32 to vector<16xi32>
      %add3A_1745 = arith.addi %shift_right_logical3A_244, %add3A_1744 : vector<16xi32>
      %gather3A_1746 = arith.constant 1 : i32
      %gather3A_1747 = arith.constant 0 : i32
      %gather3A_1748 = arith.constant 0 : i32
      %gather3A_1749 = arith.constant 0 : i32
      %gather3A_1750 = tpu.memref_slice %arg11[%gather3A_1746, %gather3A_1747, %gather3A_1748, %gather3A_1749] : memref<4x8x8x128xf32, #tpu.memory_space<vmem>> -> memref<1x8x8x128xf32, #tpu.memory_space<vmem>>
      %gather3A_1751 = tpu.memref_squeeze %gather3A_1750 : memref<1x8x8x128xf32, #tpu.memory_space<vmem>> -> memref<8x8x128xf32, #tpu.memory_space<vmem>>
      %gather3A_1752 = tpu.vector_load_idx %gather3A_1751[%add3A_1745, %and3A_242, %add3A_1678] : memref<8x8x128xf32, #tpu.memory_space<vmem>>[vector<16xi32>, vector<16xi32>, vector<16xi32>], vector<16xf32>,
      %gather3A_1753 = arith.constant 1 : i32
      %gather3A_1754 = arith.constant 0 : i32
      %gather3A_1755 = arith.constant 0 : i32
      %gather3A_1756 = arith.constant 0 : i32
      %gather3A_1757 = tpu.memref_slice %arg12[%gather3A_1753, %gather3A_1754, %gather3A_1755, %gather3A_1756] : memref<4x8x8x128xf32, #tpu.memory_space<vmem>> -> memref<1x8x8x128xf32, #tpu.memory_space<vmem>>
      %gather3A_1758 = tpu.memref_squeeze %gather3A_1757 : memref<1x8x8x128xf32, #tpu.memory_space<vmem>> -> memref<8x8x128xf32, #tpu.memory_space<vmem>>
      %gather3A_1759 = tpu.vector_load_idx %gather3A_1758[%add3A_1745, %and3A_242, %add3A_1686] : memref<8x8x128xf32, #tpu.memory_space<vmem>>[vector<16xi32>, vector<16xi32>, vector<16xi32>], vector<16xf32>,
      %mul3A_1760 = arith.mulf %gather3A_1752, %gather3A_1759 : vector<16xf32>
      %add3A_1761 = arith.addf %add3A_1742, %mul3A_1760 : vector<16xf32>
      %eq3A_1762 = arith.constant 5 : i32
      %eq3A_1763 = vector.broadcast %eq3A_1762 : i32 to vector<16xi32>
      %eq3A_1764 = arith.cmpi eq, %iota3A, %eq3A_1763 : vector<16xi32>
      %reduce_sum3A_1765 = arith.constant true
      %reduce_sum3A_1766 = vector.broadcast %reduce_sum3A_1765 : i1 to vector<16xi1>
      %reduce_sum3A_1767 = tpu.scan <sum>, %add3A_1761 masked %reduce_sum3A_1766 : vector<16xf32>, vector<16xi1> -> vector<16xf32>
      %reduce_sum3A_1768 = vector.extract %reduce_sum3A_1767[15] : f32 from vector<16xf32>
      %jit3A_1769 = arith.constant 0.000000e+00 : f32
      %broadcast_in_dim3A_1770 = vector.broadcast %reduce_sum3A_1768 : f32 to vector<16xf32>
      %broadcast_in_dim3A_1771 = vector.broadcast %jit3A_1769 : f32 to vector<16xf32>
      %select_n3A_1772 = arith.select %eq3A_1764, %broadcast_in_dim3A_1770, %broadcast_in_dim3A_1771 : vector<16xi1>, vector<16xf32>
      %add3A_1773 = arith.addf %add3A_1584, %select_n3A_1772 : vector<16xf32>
      %slice3A_1774 = vector.extract_strided_slice %get3A_501 {offsets = [9], sizes = [1], strides = [1]} : vector<16xi32> to vector<1xi32>
      %squeeze3A_1775 = vector.extract %slice3A_1774[0] : i32 from vector<1xi32>
      %shift_right_logical3A_1776 = arith.constant 7 : i32
      %shift_right_logical3A_1777 = arith.shrui %squeeze3A_1775, %shift_right_logical3A_1776 : i32
      %mul3A_1778 = arith.constant 128 : i32
      %mul3A_1779 = arith.muli %shift_right_logical3A_1777, %mul3A_1778 : i32
      %multiple_of3A_1780 = tpu.assume_multiple %mul3A_1779, 128 : i32
      %slice3A_1781 = vector.extract_strided_slice %get3A_544 {offsets = [9], sizes = [1], strides = [1]} : vector<16xi32> to vector<1xi32>
      %squeeze3A_1782 = vector.extract %slice3A_1781[0] : i32 from vector<1xi32>
      %shift_right_logical3A_1783 = arith.constant 7 : i32
      %shift_right_logical3A_1784 = arith.shrui %squeeze3A_1782, %shift_right_logical3A_1783 : i32
      %mul3A_1785 = arith.constant 128 : i32
      %mul3A_1786 = arith.muli %shift_right_logical3A_1784, %mul3A_1785 : i32
      %multiple_of3A_1787 = tpu.assume_multiple %mul3A_1786, 128 : i32
      %dma_start3A_1788 = arith.constant 1 : i32
      %dma_start3A_1789 = arith.constant 0 : i32
      %dma_start3A_1790 = arith.constant 0 : i32
      %dma_start3A_1791 = arith.constant 0 : i32
      %dma_start3A_1792 = tpu.memref_slice %arg11[%dma_start3A_1788, %dma_start3A_1789, %dma_start3A_1790, %dma_start3A_1791] : memref<4x8x8x128xf32, #tpu.memory_space<vmem>> -> memref<1x8x8x128xf32, #tpu.memory_space<vmem>>
      %dma_start3A_1793 = tpu.memref_squeeze %dma_start3A_1792 : memref<1x8x8x128xf32, #tpu.memory_space<vmem>> -> memref<8x8x128xf32, #tpu.memory_space<vmem>>
      %dma_start3A_1794 = arith.constant 0 : i32
      %dma_start3A_1795 = arith.constant 0 : i32
      %dma_start3A_1796 = tpu.memref_slice %arg2[%dma_start3A_1794, %dma_start3A_1795, %multiple_of3A_1780] : memref<8x8x1000000xf32, #tpu.memory_space<hbm>> -> memref<8x8x128xf32, #tpu.memory_space<hbm>>
      %dma_start3A_1797 = arith.constant 0 : i32
      %dma_start3A_1798 = arith.constant 0 : i32
      %dma_start3A_1799 = arith.constant 0 : i32
      %dma_start3A_1800 = tpu.memref_slice %arg11[%dma_start3A_1788, %dma_start3A_1797, %dma_start3A_1798, %dma_start3A_1799] : memref<4x8x8x128xf32, #tpu.memory_space<vmem>> -> memref<1x8x8x128xf32, #tpu.memory_space<vmem>>
      %dma_start3A_1801 = tpu.memref_squeeze %dma_start3A_1800 : memref<1x8x8x128xf32, #tpu.memory_space<vmem>> -> memref<8x8x128xf32, #tpu.memory_space<vmem>>
      %dma_start3A_1802 = arith.constant 0 : i32
      %dma_start3A_1803 = arith.constant 0 : i32
      %dma_start3A_1804 = tpu.memref_slice %arg2[%dma_start3A_1802, %dma_start3A_1803, %multiple_of3A_1780] : memref<8x8x1000000xf32, #tpu.memory_space<hbm>> -> memref<8x8x128xf32, #tpu.memory_space<hbm>>
      tpu.enqueue_dma source(%dma_start3A_1804 : memref<8x8x128xf32, #tpu.memory_space<hbm>>) target(%dma_start3A_1801 : memref<8x8x128xf32, #tpu.memory_space<vmem>>) target_semaphore(%arg18 : memref<!tpu.dma_semaphore, #tpu.memory_space<semaphore_mem>>)
      %dma_start3A_1805 = arith.constant 1 : i32
      %dma_start3A_1806 = arith.constant 0 : i32
      %dma_start3A_1807 = arith.constant 0 : i32
      %dma_start3A_1808 = arith.constant 0 : i32
      %dma_start3A_1809 = tpu.memref_slice %arg12[%dma_start3A_1805, %dma_start3A_1806, %dma_start3A_1807, %dma_start3A_1808] : memref<4x8x8x128xf32, #tpu.memory_space<vmem>> -> memref<1x8x8x128xf32, #tpu.memory_space<vmem>>
      %dma_start3A_1810 = tpu.memref_squeeze %dma_start3A_1809 : memref<1x8x8x128xf32, #tpu.memory_space<vmem>> -> memref<8x8x128xf32, #tpu.memory_space<vmem>>
      %dma_start3A_1811 = arith.constant 0 : i32
      %dma_start3A_1812 = arith.constant 0 : i32
      %dma_start3A_1813 = tpu.memref_slice %arg3[%dma_start3A_1811, %dma_start3A_1812, %multiple_of3A_1787] : memref<8x8x1000000xf32, #tpu.memory_space<hbm>> -> memref<8x8x128xf32, #tpu.memory_space<hbm>>
      %dma_start3A_1814 = arith.constant 0 : i32
      %dma_start3A_1815 = arith.constant 0 : i32
      %dma_start3A_1816 = arith.constant 0 : i32
      %dma_start3A_1817 = tpu.memref_slice %arg12[%dma_start3A_1805, %dma_start3A_1814, %dma_start3A_1815, %dma_start3A_1816] : memref<4x8x8x128xf32, #tpu.memory_space<vmem>> -> memref<1x8x8x128xf32, #tpu.memory_space<vmem>>
      %dma_start3A_1818 = tpu.memref_squeeze %dma_start3A_1817 : memref<1x8x8x128xf32, #tpu.memory_space<vmem>> -> memref<8x8x128xf32, #tpu.memory_space<vmem>>
      %dma_start3A_1819 = arith.constant 0 : i32
      %dma_start3A_1820 = arith.constant 0 : i32
      %dma_start3A_1821 = tpu.memref_slice %arg3[%dma_start3A_1819, %dma_start3A_1820, %multiple_of3A_1787] : memref<8x8x1000000xf32, #tpu.memory_space<hbm>> -> memref<8x8x128xf32, #tpu.memory_space<hbm>>
      tpu.enqueue_dma source(%dma_start3A_1821 : memref<8x8x128xf32, #tpu.memory_space<hbm>>) target(%dma_start3A_1818 : memref<8x8x128xf32, #tpu.memory_space<vmem>>) target_semaphore(%arg18 : memref<!tpu.dma_semaphore, #tpu.memory_space<semaphore_mem>>)
      %dma_wait3A_1822 = arith.constant 2 : i32
      %dma_wait3A_1823 = arith.constant 0 : i32
      %dma_wait3A_1824 = arith.constant 0 : i32
      %dma_wait3A_1825 = arith.constant 0 : i32
      %dma_wait3A_1826 = tpu.memref_slice %arg11[%dma_wait3A_1822, %dma_wait3A_1823, %dma_wait3A_1824, %dma_wait3A_1825] : memref<4x8x8x128xf32, #tpu.memory_space<vmem>> -> memref<1x8x8x128xf32, #tpu.memory_space<vmem>>
      %dma_wait3A_1827 = tpu.memref_squeeze %dma_wait3A_1826 : memref<1x8x8x128xf32, #tpu.memory_space<vmem>> -> memref<8x8x128xf32, #tpu.memory_space<vmem>>
      %dma_wait3A_1828 = arith.constant 0 : i32
      %dma_wait3A_1829 = arith.constant 0 : i32
      %dma_wait3A_1830 = arith.constant 0 : i32
      %dma_wait3A_1831 = tpu.memref_slice %arg2[%dma_wait3A_1828, %dma_wait3A_1829, %dma_wait3A_1830] : memref<8x8x1000000xf32, #tpu.memory_space<hbm>> -> memref<8x8x128xf32, #tpu.memory_space<hbm>>
      %dma_wait3A_1832 = arith.constant 0 : i32
      %dma_wait3A_1833 = arith.constant 0 : i32
      %dma_wait3A_1834 = arith.constant 0 : i32
      %dma_wait3A_1835 = tpu.memref_slice %arg11[%dma_wait3A_1822, %dma_wait3A_1832, %dma_wait3A_1833, %dma_wait3A_1834] : memref<4x8x8x128xf32, #tpu.memory_space<vmem>> -> memref<1x8x8x128xf32, #tpu.memory_space<vmem>>
      %dma_wait3A_1836 = tpu.memref_squeeze %dma_wait3A_1835 : memref<1x8x8x128xf32, #tpu.memory_space<vmem>> -> memref<8x8x128xf32, #tpu.memory_space<vmem>>
      %dma_wait3A_1837 = arith.constant 0 : i32
      %dma_wait3A_1838 = arith.constant 0 : i32
      %dma_wait3A_1839 = arith.constant 0 : i32
      %dma_wait3A_1840 = tpu.memref_slice %arg2[%dma_wait3A_1837, %dma_wait3A_1838, %dma_wait3A_1839] : memref<8x8x1000000xf32, #tpu.memory_space<hbm>> -> memref<8x8x128xf32, #tpu.memory_space<hbm>>
      tpu.wait_dma2 semaphore(%arg19 : memref<!tpu.dma_semaphore, #tpu.memory_space<semaphore_mem>>) src(%dma_wait3A_1840 : memref<8x8x128xf32, #tpu.memory_space<hbm>>) dst(%dma_wait3A_1836 : memref<8x8x128xf32, #tpu.memory_space<vmem>>)
      %dma_wait3A_1841 = arith.constant 2 : i32
      %dma_wait3A_1842 = arith.constant 0 : i32
      %dma_wait3A_1843 = arith.constant 0 : i32
      %dma_wait3A_1844 = arith.constant 0 : i32
      %dma_wait3A_1845 = tpu.memref_slice %arg12[%dma_wait3A_1841, %dma_wait3A_1842, %dma_wait3A_1843, %dma_wait3A_1844] : memref<4x8x8x128xf32, #tpu.memory_space<vmem>> -> memref<1x8x8x128xf32, #tpu.memory_space<vmem>>
      %dma_wait3A_1846 = tpu.memref_squeeze %dma_wait3A_1845 : memref<1x8x8x128xf32, #tpu.memory_space<vmem>> -> memref<8x8x128xf32, #tpu.memory_space<vmem>>
      %dma_wait3A_1847 = arith.constant 0 : i32
      %dma_wait3A_1848 = arith.constant 0 : i32
      %dma_wait3A_1849 = arith.constant 0 : i32
      %dma_wait3A_1850 = tpu.memref_slice %arg3[%dma_wait3A_1847, %dma_wait3A_1848, %dma_wait3A_1849] : memref<8x8x1000000xf32, #tpu.memory_space<hbm>> -> memref<8x8x128xf32, #tpu.memory_space<hbm>>
      %dma_wait3A_1851 = arith.constant 0 : i32
      %dma_wait3A_1852 = arith.constant 0 : i32
      %dma_wait3A_1853 = arith.constant 0 : i32
      %dma_wait3A_1854 = tpu.memref_slice %arg12[%dma_wait3A_1841, %dma_wait3A_1851, %dma_wait3A_1852, %dma_wait3A_1853] : memref<4x8x8x128xf32, #tpu.memory_space<vmem>> -> memref<1x8x8x128xf32, #tpu.memory_space<vmem>>
      %dma_wait3A_1855 = tpu.memref_squeeze %dma_wait3A_1854 : memref<1x8x8x128xf32, #tpu.memory_space<vmem>> -> memref<8x8x128xf32, #tpu.memory_space<vmem>>
      %dma_wait3A_1856 = arith.constant 0 : i32
      %dma_wait3A_1857 = arith.constant 0 : i32
      %dma_wait3A_1858 = arith.constant 0 : i32
      %dma_wait3A_1859 = tpu.memref_slice %arg3[%dma_wait3A_1856, %dma_wait3A_1857, %dma_wait3A_1858] : memref<8x8x1000000xf32, #tpu.memory_space<hbm>> -> memref<8x8x128xf32, #tpu.memory_space<hbm>>
      tpu.wait_dma2 semaphore(%arg19 : memref<!tpu.dma_semaphore, #tpu.memory_space<semaphore_mem>>) src(%dma_wait3A_1859 : memref<8x8x128xf32, #tpu.memory_space<hbm>>) dst(%dma_wait3A_1855 : memref<8x8x128xf32, #tpu.memory_space<vmem>>)
      %broadcast_in_dim3A_1860 = arith.constant 0 : i32
      %broadcast_in_dim3A_1861 = vector.broadcast %broadcast_in_dim3A_1860 : i32 to vector<16xi32>
      %slice3A_1862 = vector.extract_strided_slice %get3A_501 {offsets = [6], sizes = [1], strides = [1]} : vector<16xi32> to vector<1xi32>
      %squeeze3A_1863 = vector.extract %slice3A_1862[0] : i32 from vector<1xi32>
      %and3A_1864 = arith.constant 127 : i32
      %and3A_1865 = arith.andi %squeeze3A_1863, %and3A_1864 : i32
      %add3A_1866 = vector.broadcast %and3A_1865 : i32 to vector<16xi32>
      %add3A_1867 = arith.addi %broadcast_in_dim3A_1861, %add3A_1866 : vector<16xi32>
      %broadcast_in_dim3A_1868 = arith.constant 0 : i32
      %broadcast_in_dim3A_1869 = vector.broadcast %broadcast_in_dim3A_1868 : i32 to vector<16xi32>
      %slice3A_1870 = vector.extract_strided_slice %get3A_544 {offsets = [6], sizes = [1], strides = [1]} : vector<16xi32> to vector<1xi32>
      %squeeze3A_1871 = vector.extract %slice3A_1870[0] : i32 from vector<1xi32>
      %and3A_1872 = arith.constant 127 : i32
      %and3A_1873 = arith.andi %squeeze3A_1871, %and3A_1872 : i32
      %add3A_1874 = vector.broadcast %and3A_1873 : i32 to vector<16xi32>
      %add3A_1875 = arith.addi %broadcast_in_dim3A_1869, %add3A_1874 : vector<16xi32>
      %add3A_1876 = arith.constant 0 : i32
      %add3A_1877 = vector.broadcast %add3A_1876 : i32 to vector<16xi32>
      %add3A_1878 = arith.addi %shift_right_logical3A_244, %add3A_1877 : vector<16xi32>
      %gather3A_1879 = arith.constant 2 : i32
      %gather3A_1880 = arith.constant 0 : i32
      %gather3A_1881 = arith.constant 0 : i32
      %gather3A_1882 = arith.constant 0 : i32
      %gather3A_1883 = tpu.memref_slice %arg11[%gather3A_1879, %gather3A_1880, %gather3A_1881, %gather3A_1882] : memref<4x8x8x128xf32, #tpu.memory_space<vmem>> -> memref<1x8x8x128xf32, #tpu.memory_space<vmem>>
      %gather3A_1884 = tpu.memref_squeeze %gather3A_1883 : memref<1x8x8x128xf32, #tpu.memory_space<vmem>> -> memref<8x8x128xf32, #tpu.memory_space<vmem>>
      %gather3A_1885 = tpu.vector_load_idx %gather3A_1884[%add3A_1878, %and3A_242, %add3A_1867] : memref<8x8x128xf32, #tpu.memory_space<vmem>>[vector<16xi32>, vector<16xi32>, vector<16xi32>], vector<16xf32>,
      %gather3A_1886 = arith.constant 2 : i32
      %gather3A_1887 = arith.constant 0 : i32
      %gather3A_1888 = arith.constant 0 : i32
      %gather3A_1889 = arith.constant 0 : i32
      %gather3A_1890 = tpu.memref_slice %arg12[%gather3A_1886, %gather3A_1887, %gather3A_1888, %gather3A_1889] : memref<4x8x8x128xf32, #tpu.memory_space<vmem>> -> memref<1x8x8x128xf32, #tpu.memory_space<vmem>>
      %gather3A_1891 = tpu.memref_squeeze %gather3A_1890 : memref<1x8x8x128xf32, #tpu.memory_space<vmem>> -> memref<8x8x128xf32, #tpu.memory_space<vmem>>
      %gather3A_1892 = tpu.vector_load_idx %gather3A_1891[%add3A_1878, %and3A_242, %add3A_1875] : memref<8x8x128xf32, #tpu.memory_space<vmem>>[vector<16xi32>, vector<16xi32>, vector<16xi32>], vector<16xf32>,
      %mul3A_1893 = arith.mulf %gather3A_1885, %gather3A_1892 : vector<16xf32>
      %add3A_1894 = arith.constant 2 : i32
      %add3A_1895 = vector.broadcast %add3A_1894 : i32 to vector<16xi32>
      %add3A_1896 = arith.addi %shift_right_logical3A_244, %add3A_1895 : vector<16xi32>
      %gather3A_1897 = arith.constant 2 : i32
      %gather3A_1898 = arith.constant 0 : i32
      %gather3A_1899 = arith.constant 0 : i32
      %gather3A_1900 = arith.constant 0 : i32
      %gather3A_1901 = tpu.memref_slice %arg11[%gather3A_1897, %gather3A_1898, %gather3A_1899, %gather3A_1900] : memref<4x8x8x128xf32, #tpu.memory_space<vmem>> -> memref<1x8x8x128xf32, #tpu.memory_space<vmem>>
      %gather3A_1902 = tpu.memref_squeeze %gather3A_1901 : memref<1x8x8x128xf32, #tpu.memory_space<vmem>> -> memref<8x8x128xf32, #tpu.memory_space<vmem>>
      %gather3A_1903 = tpu.vector_load_idx %gather3A_1902[%add3A_1896, %and3A_242, %add3A_1867] : memref<8x8x128xf32, #tpu.memory_space<vmem>>[vector<16xi32>, vector<16xi32>, vector<16xi32>], vector<16xf32>,
      %gather3A_1904 = arith.constant 2 : i32
      %gather3A_1905 = arith.constant 0 : i32
      %gather3A_1906 = arith.constant 0 : i32
      %gather3A_1907 = arith.constant 0 : i32
      %gather3A_1908 = tpu.memref_slice %arg12[%gather3A_1904, %gather3A_1905, %gather3A_1906, %gather3A_1907] : memref<4x8x8x128xf32, #tpu.memory_space<vmem>> -> memref<1x8x8x128xf32, #tpu.memory_space<vmem>>
      %gather3A_1909 = tpu.memref_squeeze %gather3A_1908 : memref<1x8x8x128xf32, #tpu.memory_space<vmem>> -> memref<8x8x128xf32, #tpu.memory_space<vmem>>
      %gather3A_1910 = tpu.vector_load_idx %gather3A_1909[%add3A_1896, %and3A_242, %add3A_1875] : memref<8x8x128xf32, #tpu.memory_space<vmem>>[vector<16xi32>, vector<16xi32>, vector<16xi32>], vector<16xf32>,
      %mul3A_1911 = arith.mulf %gather3A_1903, %gather3A_1910 : vector<16xf32>
      %add3A_1912 = arith.addf %mul3A_1893, %mul3A_1911 : vector<16xf32>
      %add3A_1913 = arith.constant 4 : i32
      %add3A_1914 = vector.broadcast %add3A_1913 : i32 to vector<16xi32>
      %add3A_1915 = arith.addi %shift_right_logical3A_244, %add3A_1914 : vector<16xi32>
      %gather3A_1916 = arith.constant 2 : i32
      %gather3A_1917 = arith.constant 0 : i32
      %gather3A_1918 = arith.constant 0 : i32
      %gather3A_1919 = arith.constant 0 : i32
      %gather3A_1920 = tpu.memref_slice %arg11[%gather3A_1916, %gather3A_1917, %gather3A_1918, %gather3A_1919] : memref<4x8x8x128xf32, #tpu.memory_space<vmem>> -> memref<1x8x8x128xf32, #tpu.memory_space<vmem>>
      %gather3A_1921 = tpu.memref_squeeze %gather3A_1920 : memref<1x8x8x128xf32, #tpu.memory_space<vmem>> -> memref<8x8x128xf32, #tpu.memory_space<vmem>>
      %gather3A_1922 = tpu.vector_load_idx %gather3A_1921[%add3A_1915, %and3A_242, %add3A_1867] : memref<8x8x128xf32, #tpu.memory_space<vmem>>[vector<16xi32>, vector<16xi32>, vector<16xi32>], vector<16xf32>,
      %gather3A_1923 = arith.constant 2 : i32
      %gather3A_1924 = arith.constant 0 : i32
      %gather3A_1925 = arith.constant 0 : i32
      %gather3A_1926 = arith.constant 0 : i32
      %gather3A_1927 = tpu.memref_slice %arg12[%gather3A_1923, %gather3A_1924, %gather3A_1925, %gather3A_1926] : memref<4x8x8x128xf32, #tpu.memory_space<vmem>> -> memref<1x8x8x128xf32, #tpu.memory_space<vmem>>
      %gather3A_1928 = tpu.memref_squeeze %gather3A_1927 : memref<1x8x8x128xf32, #tpu.memory_space<vmem>> -> memref<8x8x128xf32, #tpu.memory_space<vmem>>
      %gather3A_1929 = tpu.vector_load_idx %gather3A_1928[%add3A_1915, %and3A_242, %add3A_1875] : memref<8x8x128xf32, #tpu.memory_space<vmem>>[vector<16xi32>, vector<16xi32>, vector<16xi32>], vector<16xf32>,
      %mul3A_1930 = arith.mulf %gather3A_1922, %gather3A_1929 : vector<16xf32>
      %add3A_1931 = arith.addf %add3A_1912, %mul3A_1930 : vector<16xf32>
      %add3A_1932 = arith.constant 6 : i32
      %add3A_1933 = vector.broadcast %add3A_1932 : i32 to vector<16xi32>
      %add3A_1934 = arith.addi %shift_right_logical3A_244, %add3A_1933 : vector<16xi32>
      %gather3A_1935 = arith.constant 2 : i32
      %gather3A_1936 = arith.constant 0 : i32
      %gather3A_1937 = arith.constant 0 : i32
      %gather3A_1938 = arith.constant 0 : i32
      %gather3A_1939 = tpu.memref_slice %arg11[%gather3A_1935, %gather3A_1936, %gather3A_1937, %gather3A_1938] : memref<4x8x8x128xf32, #tpu.memory_space<vmem>> -> memref<1x8x8x128xf32, #tpu.memory_space<vmem>>
      %gather3A_1940 = tpu.memref_squeeze %gather3A_1939 : memref<1x8x8x128xf32, #tpu.memory_space<vmem>> -> memref<8x8x128xf32, #tpu.memory_space<vmem>>
      %gather3A_1941 = tpu.vector_load_idx %gather3A_1940[%add3A_1934, %and3A_242, %add3A_1867] : memref<8x8x128xf32, #tpu.memory_space<vmem>>[vector<16xi32>, vector<16xi32>, vector<16xi32>], vector<16xf32>,
      %gather3A_1942 = arith.constant 2 : i32
      %gather3A_1943 = arith.constant 0 : i32
      %gather3A_1944 = arith.constant 0 : i32
      %gather3A_1945 = arith.constant 0 : i32
      %gather3A_1946 = tpu.memref_slice %arg12[%gather3A_1942, %gather3A_1943, %gather3A_1944, %gather3A_1945] : memref<4x8x8x128xf32, #tpu.memory_space<vmem>> -> memref<1x8x8x128xf32, #tpu.memory_space<vmem>>
      %gather3A_1947 = tpu.memref_squeeze %gather3A_1946 : memref<1x8x8x128xf32, #tpu.memory_space<vmem>> -> memref<8x8x128xf32, #tpu.memory_space<vmem>>
      %gather3A_1948 = tpu.vector_load_idx %gather3A_1947[%add3A_1934, %and3A_242, %add3A_1875] : memref<8x8x128xf32, #tpu.memory_space<vmem>>[vector<16xi32>, vector<16xi32>, vector<16xi32>], vector<16xf32>,
      %mul3A_1949 = arith.mulf %gather3A_1941, %gather3A_1948 : vector<16xf32>
      %add3A_1950 = arith.addf %add3A_1931, %mul3A_1949 : vector<16xf32>
      %eq3A_1951 = arith.constant 6 : i32
      %eq3A_1952 = vector.broadcast %eq3A_1951 : i32 to vector<16xi32>
      %eq3A_1953 = arith.cmpi eq, %iota3A, %eq3A_1952 : vector<16xi32>
      %reduce_sum3A_1954 = arith.constant true
      %reduce_sum3A_1955 = vector.broadcast %reduce_sum3A_1954 : i1 to vector<16xi1>
      %reduce_sum3A_1956 = tpu.scan <sum>, %add3A_1950 masked %reduce_sum3A_1955 : vector<16xf32>, vector<16xi1> -> vector<16xf32>
      %reduce_sum3A_1957 = vector.extract %reduce_sum3A_1956[15] : f32 from vector<16xf32>
      %jit3A_1958 = arith.constant 0.000000e+00 : f32
      %broadcast_in_dim3A_1959 = vector.broadcast %reduce_sum3A_1957 : f32 to vector<16xf32>
      %broadcast_in_dim3A_1960 = vector.broadcast %jit3A_1958 : f32 to vector<16xf32>
      %select_n3A_1961 = arith.select %eq3A_1953, %broadcast_in_dim3A_1959, %broadcast_in_dim3A_1960 : vector<16xi1>, vector<16xf32>
      %add3A_1962 = arith.addf %add3A_1773, %select_n3A_1961 : vector<16xf32>
      %slice3A_1963 = vector.extract_strided_slice %get3A_501 {offsets = [10], sizes = [1], strides = [1]} : vector<16xi32> to vector<1xi32>
      %squeeze3A_1964 = vector.extract %slice3A_1963[0] : i32 from vector<1xi32>
      %shift_right_logical3A_1965 = arith.constant 7 : i32
      %shift_right_logical3A_1966 = arith.shrui %squeeze3A_1964, %shift_right_logical3A_1965 : i32
      %mul3A_1967 = arith.constant 128 : i32
      %mul3A_1968 = arith.muli %shift_right_logical3A_1966, %mul3A_1967 : i32
      %multiple_of3A_1969 = tpu.assume_multiple %mul3A_1968, 128 : i32
      %slice3A_1970 = vector.extract_strided_slice %get3A_544 {offsets = [10], sizes = [1], strides = [1]} : vector<16xi32> to vector<1xi32>
      %squeeze3A_1971 = vector.extract %slice3A_1970[0] : i32 from vector<1xi32>
      %shift_right_logical3A_1972 = arith.constant 7 : i32
      %shift_right_logical3A_1973 = arith.shrui %squeeze3A_1971, %shift_right_logical3A_1972 : i32
      %mul3A_1974 = arith.constant 128 : i32
      %mul3A_1975 = arith.muli %shift_right_logical3A_1973, %mul3A_1974 : i32
      %multiple_of3A_1976 = tpu.assume_multiple %mul3A_1975, 128 : i32
      %dma_start3A_1977 = arith.constant 2 : i32
      %dma_start3A_1978 = arith.constant 0 : i32
      %dma_start3A_1979 = arith.constant 0 : i32
      %dma_start3A_1980 = arith.constant 0 : i32
      %dma_start3A_1981 = tpu.memref_slice %arg11[%dma_start3A_1977, %dma_start3A_1978, %dma_start3A_1979, %dma_start3A_1980] : memref<4x8x8x128xf32, #tpu.memory_space<vmem>> -> memref<1x8x8x128xf32, #tpu.memory_space<vmem>>
      %dma_start3A_1982 = tpu.memref_squeeze %dma_start3A_1981 : memref<1x8x8x128xf32, #tpu.memory_space<vmem>> -> memref<8x8x128xf32, #tpu.memory_space<vmem>>
      %dma_start3A_1983 = arith.constant 0 : i32
      %dma_start3A_1984 = arith.constant 0 : i32
      %dma_start3A_1985 = tpu.memref_slice %arg2[%dma_start3A_1983, %dma_start3A_1984, %multiple_of3A_1969] : memref<8x8x1000000xf32, #tpu.memory_space<hbm>> -> memref<8x8x128xf32, #tpu.memory_space<hbm>>
      %dma_start3A_1986 = arith.constant 0 : i32
      %dma_start3A_1987 = arith.constant 0 : i32
      %dma_start3A_1988 = arith.constant 0 : i32
      %dma_start3A_1989 = tpu.memref_slice %arg11[%dma_start3A_1977, %dma_start3A_1986, %dma_start3A_1987, %dma_start3A_1988] : memref<4x8x8x128xf32, #tpu.memory_space<vmem>> -> memref<1x8x8x128xf32, #tpu.memory_space<vmem>>
      %dma_start3A_1990 = tpu.memref_squeeze %dma_start3A_1989 : memref<1x8x8x128xf32, #tpu.memory_space<vmem>> -> memref<8x8x128xf32, #tpu.memory_space<vmem>>
      %dma_start3A_1991 = arith.constant 0 : i32
      %dma_start3A_1992 = arith.constant 0 : i32
      %dma_start3A_1993 = tpu.memref_slice %arg2[%dma_start3A_1991, %dma_start3A_1992, %multiple_of3A_1969] : memref<8x8x1000000xf32, #tpu.memory_space<hbm>> -> memref<8x8x128xf32, #tpu.memory_space<hbm>>
      tpu.enqueue_dma source(%dma_start3A_1993 : memref<8x8x128xf32, #tpu.memory_space<hbm>>) target(%dma_start3A_1990 : memref<8x8x128xf32, #tpu.memory_space<vmem>>) target_semaphore(%arg19 : memref<!tpu.dma_semaphore, #tpu.memory_space<semaphore_mem>>)
      %dma_start3A_1994 = arith.constant 2 : i32
      %dma_start3A_1995 = arith.constant 0 : i32
      %dma_start3A_1996 = arith.constant 0 : i32
      %dma_start3A_1997 = arith.constant 0 : i32
      %dma_start3A_1998 = tpu.memref_slice %arg12[%dma_start3A_1994, %dma_start3A_1995, %dma_start3A_1996, %dma_start3A_1997] : memref<4x8x8x128xf32, #tpu.memory_space<vmem>> -> memref<1x8x8x128xf32, #tpu.memory_space<vmem>>
      %dma_start3A_1999 = tpu.memref_squeeze %dma_start3A_1998 : memref<1x8x8x128xf32, #tpu.memory_space<vmem>> -> memref<8x8x128xf32, #tpu.memory_space<vmem>>
      %dma_start3A_2000 = arith.constant 0 : i32
      %dma_start3A_2001 = arith.constant 0 : i32
      %dma_start3A_2002 = tpu.memref_slice %arg3[%dma_start3A_2000, %dma_start3A_2001, %multiple_of3A_1976] : memref<8x8x1000000xf32, #tpu.memory_space<hbm>> -> memref<8x8x128xf32, #tpu.memory_space<hbm>>
      %dma_start3A_2003 = arith.constant 0 : i32
      %dma_start3A_2004 = arith.constant 0 : i32
      %dma_start3A_2005 = arith.constant 0 : i32
      %dma_start3A_2006 = tpu.memref_slice %arg12[%dma_start3A_1994, %dma_start3A_2003, %dma_start3A_2004, %dma_start3A_2005] : memref<4x8x8x128xf32, #tpu.memory_space<vmem>> -> memref<1x8x8x128xf32, #tpu.memory_space<vmem>>
      %dma_start3A_2007 = tpu.memref_squeeze %dma_start3A_2006 : memref<1x8x8x128xf32, #tpu.memory_space<vmem>> -> memref<8x8x128xf32, #tpu.memory_space<vmem>>
      %dma_start3A_2008 = arith.constant 0 : i32
      %dma_start3A_2009 = arith.constant 0 : i32
      %dma_start3A_2010 = tpu.memref_slice %arg3[%dma_start3A_2008, %dma_start3A_2009, %multiple_of3A_1976] : memref<8x8x1000000xf32, #tpu.memory_space<hbm>> -> memref<8x8x128xf32, #tpu.memory_space<hbm>>
      tpu.enqueue_dma source(%dma_start3A_2010 : memref<8x8x128xf32, #tpu.memory_space<hbm>>) target(%dma_start3A_2007 : memref<8x8x128xf32, #tpu.memory_space<vmem>>) target_semaphore(%arg19 : memref<!tpu.dma_semaphore, #tpu.memory_space<semaphore_mem>>)
      %dma_wait3A_2011 = arith.constant 3 : i32
      %dma_wait3A_2012 = arith.constant 0 : i32
      %dma_wait3A_2013 = arith.constant 0 : i32
      %dma_wait3A_2014 = arith.constant 0 : i32
      %dma_wait3A_2015 = tpu.memref_slice %arg11[%dma_wait3A_2011, %dma_wait3A_2012, %dma_wait3A_2013, %dma_wait3A_2014] : memref<4x8x8x128xf32, #tpu.memory_space<vmem>> -> memref<1x8x8x128xf32, #tpu.memory_space<vmem>>
      %dma_wait3A_2016 = tpu.memref_squeeze %dma_wait3A_2015 : memref<1x8x8x128xf32, #tpu.memory_space<vmem>> -> memref<8x8x128xf32, #tpu.memory_space<vmem>>
      %dma_wait3A_2017 = arith.constant 0 : i32
      %dma_wait3A_2018 = arith.constant 0 : i32
      %dma_wait3A_2019 = arith.constant 0 : i32
      %dma_wait3A_2020 = tpu.memref_slice %arg2[%dma_wait3A_2017, %dma_wait3A_2018, %dma_wait3A_2019] : memref<8x8x1000000xf32, #tpu.memory_space<hbm>> -> memref<8x8x128xf32, #tpu.memory_space<hbm>>
      %dma_wait3A_2021 = arith.constant 0 : i32
      %dma_wait3A_2022 = arith.constant 0 : i32
      %dma_wait3A_2023 = arith.constant 0 : i32
      %dma_wait3A_2024 = tpu.memref_slice %arg11[%dma_wait3A_2011, %dma_wait3A_2021, %dma_wait3A_2022, %dma_wait3A_2023] : memref<4x8x8x128xf32, #tpu.memory_space<vmem>> -> memref<1x8x8x128xf32, #tpu.memory_space<vmem>>
      %dma_wait3A_2025 = tpu.memref_squeeze %dma_wait3A_2024 : memref<1x8x8x128xf32, #tpu.memory_space<vmem>> -> memref<8x8x128xf32, #tpu.memory_space<vmem>>
      %dma_wait3A_2026 = arith.constant 0 : i32
      %dma_wait3A_2027 = arith.constant 0 : i32
      %dma_wait3A_2028 = arith.constant 0 : i32
      %dma_wait3A_2029 = tpu.memref_slice %arg2[%dma_wait3A_2026, %dma_wait3A_2027, %dma_wait3A_2028] : memref<8x8x1000000xf32, #tpu.memory_space<hbm>> -> memref<8x8x128xf32, #tpu.memory_space<hbm>>
      tpu.wait_dma2 semaphore(%arg20 : memref<!tpu.dma_semaphore, #tpu.memory_space<semaphore_mem>>) src(%dma_wait3A_2029 : memref<8x8x128xf32, #tpu.memory_space<hbm>>) dst(%dma_wait3A_2025 : memref<8x8x128xf32, #tpu.memory_space<vmem>>)
      %dma_wait3A_2030 = arith.constant 3 : i32
      %dma_wait3A_2031 = arith.constant 0 : i32
      %dma_wait3A_2032 = arith.constant 0 : i32
      %dma_wait3A_2033 = arith.constant 0 : i32
      %dma_wait3A_2034 = tpu.memref_slice %arg12[%dma_wait3A_2030, %dma_wait3A_2031, %dma_wait3A_2032, %dma_wait3A_2033] : memref<4x8x8x128xf32, #tpu.memory_space<vmem>> -> memref<1x8x8x128xf32, #tpu.memory_space<vmem>>
      %dma_wait3A_2035 = tpu.memref_squeeze %dma_wait3A_2034 : memref<1x8x8x128xf32, #tpu.memory_space<vmem>> -> memref<8x8x128xf32, #tpu.memory_space<vmem>>
      %dma_wait3A_2036 = arith.constant 0 : i32
      %dma_wait3A_2037 = arith.constant 0 : i32
      %dma_wait3A_2038 = arith.constant 0 : i32
      %dma_wait3A_2039 = tpu.memref_slice %arg3[%dma_wait3A_2036, %dma_wait3A_2037, %dma_wait3A_2038] : memref<8x8x1000000xf32, #tpu.memory_space<hbm>> -> memref<8x8x128xf32, #tpu.memory_space<hbm>>
      %dma_wait3A_2040 = arith.constant 0 : i32
      %dma_wait3A_2041 = arith.constant 0 : i32
      %dma_wait3A_2042 = arith.constant 0 : i32
      %dma_wait3A_2043 = tpu.memref_slice %arg12[%dma_wait3A_2030, %dma_wait3A_2040, %dma_wait3A_2041, %dma_wait3A_2042] : memref<4x8x8x128xf32, #tpu.memory_space<vmem>> -> memref<1x8x8x128xf32, #tpu.memory_space<vmem>>
      %dma_wait3A_2044 = tpu.memref_squeeze %dma_wait3A_2043 : memref<1x8x8x128xf32, #tpu.memory_space<vmem>> -> memref<8x8x128xf32, #tpu.memory_space<vmem>>
      %dma_wait3A_2045 = arith.constant 0 : i32
      %dma_wait3A_2046 = arith.constant 0 : i32
      %dma_wait3A_2047 = arith.constant 0 : i32
      %dma_wait3A_2048 = tpu.memref_slice %arg3[%dma_wait3A_2045, %dma_wait3A_2046, %dma_wait3A_2047] : memref<8x8x1000000xf32, #tpu.memory_space<hbm>> -> memref<8x8x128xf32, #tpu.memory_space<hbm>>
      tpu.wait_dma2 semaphore(%arg20 : memref<!tpu.dma_semaphore, #tpu.memory_space<semaphore_mem>>) src(%dma_wait3A_2048 : memref<8x8x128xf32, #tpu.memory_space<hbm>>) dst(%dma_wait3A_2044 : memref<8x8x128xf32, #tpu.memory_space<vmem>>)
      %broadcast_in_dim3A_2049 = arith.constant 0 : i32
      %broadcast_in_dim3A_2050 = vector.broadcast %broadcast_in_dim3A_2049 : i32 to vector<16xi32>
      %slice3A_2051 = vector.extract_strided_slice %get3A_501 {offsets = [7], sizes = [1], strides = [1]} : vector<16xi32> to vector<1xi32>
      %squeeze3A_2052 = vector.extract %slice3A_2051[0] : i32 from vector<1xi32>
      %and3A_2053 = arith.constant 127 : i32
      %and3A_2054 = arith.andi %squeeze3A_2052, %and3A_2053 : i32
      %add3A_2055 = vector.broadcast %and3A_2054 : i32 to vector<16xi32>
      %add3A_2056 = arith.addi %broadcast_in_dim3A_2050, %add3A_2055 : vector<16xi32>
      %broadcast_in_dim3A_2057 = arith.constant 0 : i32
      %broadcast_in_dim3A_2058 = vector.broadcast %broadcast_in_dim3A_2057 : i32 to vector<16xi32>
      %slice3A_2059 = vector.extract_strided_slice %get3A_544 {offsets = [7], sizes = [1], strides = [1]} : vector<16xi32> to vector<1xi32>
      %squeeze3A_2060 = vector.extract %slice3A_2059[0] : i32 from vector<1xi32>
      %and3A_2061 = arith.constant 127 : i32
      %and3A_2062 = arith.andi %squeeze3A_2060, %and3A_2061 : i32
      %add3A_2063 = vector.broadcast %and3A_2062 : i32 to vector<16xi32>
      %add3A_2064 = arith.addi %broadcast_in_dim3A_2058, %add3A_2063 : vector<16xi32>
      %add3A_2065 = arith.constant 0 : i32
      %add3A_2066 = vector.broadcast %add3A_2065 : i32 to vector<16xi32>
      %add3A_2067 = arith.addi %shift_right_logical3A_244, %add3A_2066 : vector<16xi32>
      %gather3A_2068 = arith.constant 3 : i32
      %gather3A_2069 = arith.constant 0 : i32
      %gather3A_2070 = arith.constant 0 : i32
      %gather3A_2071 = arith.constant 0 : i32
      %gather3A_2072 = tpu.memref_slice %arg11[%gather3A_2068, %gather3A_2069, %gather3A_2070, %gather3A_2071] : memref<4x8x8x128xf32, #tpu.memory_space<vmem>> -> memref<1x8x8x128xf32, #tpu.memory_space<vmem>>
      %gather3A_2073 = tpu.memref_squeeze %gather3A_2072 : memref<1x8x8x128xf32, #tpu.memory_space<vmem>> -> memref<8x8x128xf32, #tpu.memory_space<vmem>>
      %gather3A_2074 = tpu.vector_load_idx %gather3A_2073[%add3A_2067, %and3A_242, %add3A_2056] : memref<8x8x128xf32, #tpu.memory_space<vmem>>[vector<16xi32>, vector<16xi32>, vector<16xi32>], vector<16xf32>,
      %gather3A_2075 = arith.constant 3 : i32
      %gather3A_2076 = arith.constant 0 : i32
      %gather3A_2077 = arith.constant 0 : i32
      %gather3A_2078 = arith.constant 0 : i32
      %gather3A_2079 = tpu.memref_slice %arg12[%gather3A_2075, %gather3A_2076, %gather3A_2077, %gather3A_2078] : memref<4x8x8x128xf32, #tpu.memory_space<vmem>> -> memref<1x8x8x128xf32, #tpu.memory_space<vmem>>
      %gather3A_2080 = tpu.memref_squeeze %gather3A_2079 : memref<1x8x8x128xf32, #tpu.memory_space<vmem>> -> memref<8x8x128xf32, #tpu.memory_space<vmem>>
      %gather3A_2081 = tpu.vector_load_idx %gather3A_2080[%add3A_2067, %and3A_242, %add3A_2064] : memref<8x8x128xf32, #tpu.memory_space<vmem>>[vector<16xi32>, vector<16xi32>, vector<16xi32>], vector<16xf32>,
      %mul3A_2082 = arith.mulf %gather3A_2074, %gather3A_2081 : vector<16xf32>
      %add3A_2083 = arith.constant 2 : i32
      %add3A_2084 = vector.broadcast %add3A_2083 : i32 to vector<16xi32>
      %add3A_2085 = arith.addi %shift_right_logical3A_244, %add3A_2084 : vector<16xi32>
      %gather3A_2086 = arith.constant 3 : i32
      %gather3A_2087 = arith.constant 0 : i32
      %gather3A_2088 = arith.constant 0 : i32
      %gather3A_2089 = arith.constant 0 : i32
      %gather3A_2090 = tpu.memref_slice %arg11[%gather3A_2086, %gather3A_2087, %gather3A_2088, %gather3A_2089] : memref<4x8x8x128xf32, #tpu.memory_space<vmem>> -> memref<1x8x8x128xf32, #tpu.memory_space<vmem>>
      %gather3A_2091 = tpu.memref_squeeze %gather3A_2090 : memref<1x8x8x128xf32, #tpu.memory_space<vmem>> -> memref<8x8x128xf32, #tpu.memory_space<vmem>>
      %gather3A_2092 = tpu.vector_load_idx %gather3A_2091[%add3A_2085, %and3A_242, %add3A_2056] : memref<8x8x128xf32, #tpu.memory_space<vmem>>[vector<16xi32>, vector<16xi32>, vector<16xi32>], vector<16xf32>,
      %gather3A_2093 = arith.constant 3 : i32
      %gather3A_2094 = arith.constant 0 : i32
      %gather3A_2095 = arith.constant 0 : i32
      %gather3A_2096 = arith.constant 0 : i32
      %gather3A_2097 = tpu.memref_slice %arg12[%gather3A_2093, %gather3A_2094, %gather3A_2095, %gather3A_2096] : memref<4x8x8x128xf32, #tpu.memory_space<vmem>> -> memref<1x8x8x128xf32, #tpu.memory_space<vmem>>
      %gather3A_2098 = tpu.memref_squeeze %gather3A_2097 : memref<1x8x8x128xf32, #tpu.memory_space<vmem>> -> memref<8x8x128xf32, #tpu.memory_space<vmem>>
      %gather3A_2099 = tpu.vector_load_idx %gather3A_2098[%add3A_2085, %and3A_242, %add3A_2064] : memref<8x8x128xf32, #tpu.memory_space<vmem>>[vector<16xi32>, vector<16xi32>, vector<16xi32>], vector<16xf32>,
      %mul3A_2100 = arith.mulf %gather3A_2092, %gather3A_2099 : vector<16xf32>
      %add3A_2101 = arith.addf %mul3A_2082, %mul3A_2100 : vector<16xf32>
      %add3A_2102 = arith.constant 4 : i32
      %add3A_2103 = vector.broadcast %add3A_2102 : i32 to vector<16xi32>
      %add3A_2104 = arith.addi %shift_right_logical3A_244, %add3A_2103 : vector<16xi32>
      %gather3A_2105 = arith.constant 3 : i32
      %gather3A_2106 = arith.constant 0 : i32
      %gather3A_2107 = arith.constant 0 : i32
      %gather3A_2108 = arith.constant 0 : i32
      %gather3A_2109 = tpu.memref_slice %arg11[%gather3A_2105, %gather3A_2106, %gather3A_2107, %gather3A_2108] : memref<4x8x8x128xf32, #tpu.memory_space<vmem>> -> memref<1x8x8x128xf32, #tpu.memory_space<vmem>>
      %gather3A_2110 = tpu.memref_squeeze %gather3A_2109 : memref<1x8x8x128xf32, #tpu.memory_space<vmem>> -> memref<8x8x128xf32, #tpu.memory_space<vmem>>
      %gather3A_2111 = tpu.vector_load_idx %gather3A_2110[%add3A_2104, %and3A_242, %add3A_2056] : memref<8x8x128xf32, #tpu.memory_space<vmem>>[vector<16xi32>, vector<16xi32>, vector<16xi32>], vector<16xf32>,
      %gather3A_2112 = arith.constant 3 : i32
      %gather3A_2113 = arith.constant 0 : i32
      %gather3A_2114 = arith.constant 0 : i32
      %gather3A_2115 = arith.constant 0 : i32
      %gather3A_2116 = tpu.memref_slice %arg12[%gather3A_2112, %gather3A_2113, %gather3A_2114, %gather3A_2115] : memref<4x8x8x128xf32, #tpu.memory_space<vmem>> -> memref<1x8x8x128xf32, #tpu.memory_space<vmem>>
      %gather3A_2117 = tpu.memref_squeeze %gather3A_2116 : memref<1x8x8x128xf32, #tpu.memory_space<vmem>> -> memref<8x8x128xf32, #tpu.memory_space<vmem>>
      %gather3A_2118 = tpu.vector_load_idx %gather3A_2117[%add3A_2104, %and3A_242, %add3A_2064] : memref<8x8x128xf32, #tpu.memory_space<vmem>>[vector<16xi32>, vector<16xi32>, vector<16xi32>], vector<16xf32>,
      %mul3A_2119 = arith.mulf %gather3A_2111, %gather3A_2118 : vector<16xf32>
      %add3A_2120 = arith.addf %add3A_2101, %mul3A_2119 : vector<16xf32>
      %add3A_2121 = arith.constant 6 : i32
      %add3A_2122 = vector.broadcast %add3A_2121 : i32 to vector<16xi32>
      %add3A_2123 = arith.addi %shift_right_logical3A_244, %add3A_2122 : vector<16xi32>
      %gather3A_2124 = arith.constant 3 : i32
      %gather3A_2125 = arith.constant 0 : i32
      %gather3A_2126 = arith.constant 0 : i32
      %gather3A_2127 = arith.constant 0 : i32
      %gather3A_2128 = tpu.memref_slice %arg11[%gather3A_2124, %gather3A_2125, %gather3A_2126, %gather3A_2127] : memref<4x8x8x128xf32, #tpu.memory_space<vmem>> -> memref<1x8x8x128xf32, #tpu.memory_space<vmem>>
      %gather3A_2129 = tpu.memref_squeeze %gather3A_2128 : memref<1x8x8x128xf32, #tpu.memory_space<vmem>> -> memref<8x8x128xf32, #tpu.memory_space<vmem>>
      %gather3A_2130 = tpu.vector_load_idx %gather3A_2129[%add3A_2123, %and3A_242, %add3A_2056] : memref<8x8x128xf32, #tpu.memory_space<vmem>>[vector<16xi32>, vector<16xi32>, vector<16xi32>], vector<16xf32>,
      %gather3A_2131 = arith.constant 3 : i32
      %gather3A_2132 = arith.constant 0 : i32
      %gather3A_2133 = arith.constant 0 : i32
      %gather3A_2134 = arith.constant 0 : i32
      %gather3A_2135 = tpu.memref_slice %arg12[%gather3A_2131, %gather3A_2132, %gather3A_2133, %gather3A_2134] : memref<4x8x8x128xf32, #tpu.memory_space<vmem>> -> memref<1x8x8x128xf32, #tpu.memory_space<vmem>>
      %gather3A_2136 = tpu.memref_squeeze %gather3A_2135 : memref<1x8x8x128xf32, #tpu.memory_space<vmem>> -> memref<8x8x128xf32, #tpu.memory_space<vmem>>
      %gather3A_2137 = tpu.vector_load_idx %gather3A_2136[%add3A_2123, %and3A_242, %add3A_2064] : memref<8x8x128xf32, #tpu.memory_space<vmem>>[vector<16xi32>, vector<16xi32>, vector<16xi32>], vector<16xf32>,
      %mul3A_2138 = arith.mulf %gather3A_2130, %gather3A_2137 : vector<16xf32>
      %add3A_2139 = arith.addf %add3A_2120, %mul3A_2138 : vector<16xf32>
      %eq3A_2140 = arith.constant 7 : i32
      %eq3A_2141 = vector.broadcast %eq3A_2140 : i32 to vector<16xi32>
      %eq3A_2142 = arith.cmpi eq, %iota3A, %eq3A_2141 : vector<16xi32>
      %reduce_sum3A_2143 = arith.constant true
      %reduce_sum3A_2144 = vector.broadcast %reduce_sum3A_2143 : i1 to vector<16xi1>
      %reduce_sum3A_2145 = tpu.scan <sum>, %add3A_2139 masked %reduce_sum3A_2144 : vector<16xf32>, vector<16xi1> -> vector<16xf32>
      %reduce_sum3A_2146 = vector.extract %reduce_sum3A_2145[15] : f32 from vector<16xf32>
      %jit3A_2147 = arith.constant 0.000000e+00 : f32
      %broadcast_in_dim3A_2148 = vector.broadcast %reduce_sum3A_2146 : f32 to vector<16xf32>
      %broadcast_in_dim3A_2149 = vector.broadcast %jit3A_2147 : f32 to vector<16xf32>
      %select_n3A_2150 = arith.select %eq3A_2142, %broadcast_in_dim3A_2148, %broadcast_in_dim3A_2149 : vector<16xi1>, vector<16xf32>
      %add3A_2151 = arith.addf %add3A_1962, %select_n3A_2150 : vector<16xf32>
      %slice3A_2152 = vector.extract_strided_slice %get3A_501 {offsets = [11], sizes = [1], strides = [1]} : vector<16xi32> to vector<1xi32>
      %squeeze3A_2153 = vector.extract %slice3A_2152[0] : i32 from vector<1xi32>
      %shift_right_logical3A_2154 = arith.constant 7 : i32
      %shift_right_logical3A_2155 = arith.shrui %squeeze3A_2153, %shift_right_logical3A_2154 : i32
      %mul3A_2156 = arith.constant 128 : i32
      %mul3A_2157 = arith.muli %shift_right_logical3A_2155, %mul3A_2156 : i32
      %multiple_of3A_2158 = tpu.assume_multiple %mul3A_2157, 128 : i32
      %slice3A_2159 = vector.extract_strided_slice %get3A_544 {offsets = [11], sizes = [1], strides = [1]} : vector<16xi32> to vector<1xi32>
      %squeeze3A_2160 = vector.extract %slice3A_2159[0] : i32 from vector<1xi32>
      %shift_right_logical3A_2161 = arith.constant 7 : i32
      %shift_right_logical3A_2162 = arith.shrui %squeeze3A_2160, %shift_right_logical3A_2161 : i32
      %mul3A_2163 = arith.constant 128 : i32
      %mul3A_2164 = arith.muli %shift_right_logical3A_2162, %mul3A_2163 : i32
      %multiple_of3A_2165 = tpu.assume_multiple %mul3A_2164, 128 : i32
      %dma_start3A_2166 = arith.constant 3 : i32
      %dma_start3A_2167 = arith.constant 0 : i32
      %dma_start3A_2168 = arith.constant 0 : i32
      %dma_start3A_2169 = arith.constant 0 : i32
      %dma_start3A_2170 = tpu.memref_slice %arg11[%dma_start3A_2166, %dma_start3A_2167, %dma_start3A_2168, %dma_start3A_2169] : memref<4x8x8x128xf32, #tpu.memory_space<vmem>> -> memref<1x8x8x128xf32, #tpu.memory_space<vmem>>
      %dma_start3A_2171 = tpu.memref_squeeze %dma_start3A_2170 : memref<1x8x8x128xf32, #tpu.memory_space<vmem>> -> memref<8x8x128xf32, #tpu.memory_space<vmem>>
      %dma_start3A_2172 = arith.constant 0 : i32
      %dma_start3A_2173 = arith.constant 0 : i32
      %dma_start3A_2174 = tpu.memref_slice %arg2[%dma_start3A_2172, %dma_start3A_2173, %multiple_of3A_2158] : memref<8x8x1000000xf32, #tpu.memory_space<hbm>> -> memref<8x8x128xf32, #tpu.memory_space<hbm>>
      %dma_start3A_2175 = arith.constant 0 : i32
      %dma_start3A_2176 = arith.constant 0 : i32
      %dma_start3A_2177 = arith.constant 0 : i32
      %dma_start3A_2178 = tpu.memref_slice %arg11[%dma_start3A_2166, %dma_start3A_2175, %dma_start3A_2176, %dma_start3A_2177] : memref<4x8x8x128xf32, #tpu.memory_space<vmem>> -> memref<1x8x8x128xf32, #tpu.memory_space<vmem>>
      %dma_start3A_2179 = tpu.memref_squeeze %dma_start3A_2178 : memref<1x8x8x128xf32, #tpu.memory_space<vmem>> -> memref<8x8x128xf32, #tpu.memory_space<vmem>>
      %dma_start3A_2180 = arith.constant 0 : i32
      %dma_start3A_2181 = arith.constant 0 : i32
      %dma_start3A_2182 = tpu.memref_slice %arg2[%dma_start3A_2180, %dma_start3A_2181, %multiple_of3A_2158] : memref<8x8x1000000xf32, #tpu.memory_space<hbm>> -> memref<8x8x128xf32, #tpu.memory_space<hbm>>
      tpu.enqueue_dma source(%dma_start3A_2182 : memref<8x8x128xf32, #tpu.memory_space<hbm>>) target(%dma_start3A_2179 : memref<8x8x128xf32, #tpu.memory_space<vmem>>) target_semaphore(%arg20 : memref<!tpu.dma_semaphore, #tpu.memory_space<semaphore_mem>>)
      %dma_start3A_2183 = arith.constant 3 : i32
      %dma_start3A_2184 = arith.constant 0 : i32
      %dma_start3A_2185 = arith.constant 0 : i32
      %dma_start3A_2186 = arith.constant 0 : i32
      %dma_start3A_2187 = tpu.memref_slice %arg12[%dma_start3A_2183, %dma_start3A_2184, %dma_start3A_2185, %dma_start3A_2186] : memref<4x8x8x128xf32, #tpu.memory_space<vmem>> -> memref<1x8x8x128xf32, #tpu.memory_space<vmem>>
      %dma_start3A_2188 = tpu.memref_squeeze %dma_start3A_2187 : memref<1x8x8x128xf32, #tpu.memory_space<vmem>> -> memref<8x8x128xf32, #tpu.memory_space<vmem>>
      %dma_start3A_2189 = arith.constant 0 : i32
      %dma_start3A_2190 = arith.constant 0 : i32
      %dma_start3A_2191 = tpu.memref_slice %arg3[%dma_start3A_2189, %dma_start3A_2190, %multiple_of3A_2165] : memref<8x8x1000000xf32, #tpu.memory_space<hbm>> -> memref<8x8x128xf32, #tpu.memory_space<hbm>>
      %dma_start3A_2192 = arith.constant 0 : i32
      %dma_start3A_2193 = arith.constant 0 : i32
      %dma_start3A_2194 = arith.constant 0 : i32
      %dma_start3A_2195 = tpu.memref_slice %arg12[%dma_start3A_2183, %dma_start3A_2192, %dma_start3A_2193, %dma_start3A_2194] : memref<4x8x8x128xf32, #tpu.memory_space<vmem>> -> memref<1x8x8x128xf32, #tpu.memory_space<vmem>>
      %dma_start3A_2196 = tpu.memref_squeeze %dma_start3A_2195 : memref<1x8x8x128xf32, #tpu.memory_space<vmem>> -> memref<8x8x128xf32, #tpu.memory_space<vmem>>
      %dma_start3A_2197 = arith.constant 0 : i32
      %dma_start3A_2198 = arith.constant 0 : i32
      %dma_start3A_2199 = tpu.memref_slice %arg3[%dma_start3A_2197, %dma_start3A_2198, %multiple_of3A_2165] : memref<8x8x1000000xf32, #tpu.memory_space<hbm>> -> memref<8x8x128xf32, #tpu.memory_space<hbm>>
      tpu.enqueue_dma source(%dma_start3A_2199 : memref<8x8x128xf32, #tpu.memory_space<hbm>>) target(%dma_start3A_2196 : memref<8x8x128xf32, #tpu.memory_space<vmem>>) target_semaphore(%arg20 : memref<!tpu.dma_semaphore, #tpu.memory_space<semaphore_mem>>)
      %dma_wait3A_2200 = arith.constant 0 : i32
      %dma_wait3A_2201 = arith.constant 0 : i32
      %dma_wait3A_2202 = arith.constant 0 : i32
      %dma_wait3A_2203 = arith.constant 0 : i32
      %dma_wait3A_2204 = tpu.memref_slice %arg11[%dma_wait3A_2200, %dma_wait3A_2201, %dma_wait3A_2202, %dma_wait3A_2203] : memref<4x8x8x128xf32, #tpu.memory_space<vmem>> -> memref<1x8x8x128xf32, #tpu.memory_space<vmem>>
      %dma_wait3A_2205 = tpu.memref_squeeze %dma_wait3A_2204 : memref<1x8x8x128xf32, #tpu.memory_space<vmem>> -> memref<8x8x128xf32, #tpu.memory_space<vmem>>
      %dma_wait3A_2206 = arith.constant 0 : i32
      %dma_wait3A_2207 = arith.constant 0 : i32
      %dma_wait3A_2208 = arith.constant 0 : i32
      %dma_wait3A_2209 = tpu.memref_slice %arg2[%dma_wait3A_2206, %dma_wait3A_2207, %dma_wait3A_2208] : memref<8x8x1000000xf32, #tpu.memory_space<hbm>> -> memref<8x8x128xf32, #tpu.memory_space<hbm>>
      %dma_wait3A_2210 = arith.constant 0 : i32
      %dma_wait3A_2211 = arith.constant 0 : i32
      %dma_wait3A_2212 = arith.constant 0 : i32
      %dma_wait3A_2213 = tpu.memref_slice %arg11[%dma_wait3A_2200, %dma_wait3A_2210, %dma_wait3A_2211, %dma_wait3A_2212] : memref<4x8x8x128xf32, #tpu.memory_space<vmem>> -> memref<1x8x8x128xf32, #tpu.memory_space<vmem>>
      %dma_wait3A_2214 = tpu.memref_squeeze %dma_wait3A_2213 : memref<1x8x8x128xf32, #tpu.memory_space<vmem>> -> memref<8x8x128xf32, #tpu.memory_space<vmem>>
      %dma_wait3A_2215 = arith.constant 0 : i32
      %dma_wait3A_2216 = arith.constant 0 : i32
      %dma_wait3A_2217 = arith.constant 0 : i32
      %dma_wait3A_2218 = tpu.memref_slice %arg2[%dma_wait3A_2215, %dma_wait3A_2216, %dma_wait3A_2217] : memref<8x8x1000000xf32, #tpu.memory_space<hbm>> -> memref<8x8x128xf32, #tpu.memory_space<hbm>>
      tpu.wait_dma2 semaphore(%arg17 : memref<!tpu.dma_semaphore, #tpu.memory_space<semaphore_mem>>) src(%dma_wait3A_2218 : memref<8x8x128xf32, #tpu.memory_space<hbm>>) dst(%dma_wait3A_2214 : memref<8x8x128xf32, #tpu.memory_space<vmem>>)
      %dma_wait3A_2219 = arith.constant 0 : i32
      %dma_wait3A_2220 = arith.constant 0 : i32
      %dma_wait3A_2221 = arith.constant 0 : i32
      %dma_wait3A_2222 = arith.constant 0 : i32
      %dma_wait3A_2223 = tpu.memref_slice %arg12[%dma_wait3A_2219, %dma_wait3A_2220, %dma_wait3A_2221, %dma_wait3A_2222] : memref<4x8x8x128xf32, #tpu.memory_space<vmem>> -> memref<1x8x8x128xf32, #tpu.memory_space<vmem>>
      %dma_wait3A_2224 = tpu.memref_squeeze %dma_wait3A_2223 : memref<1x8x8x128xf32, #tpu.memory_space<vmem>> -> memref<8x8x128xf32, #tpu.memory_space<vmem>>
      %dma_wait3A_2225 = arith.constant 0 : i32
      %dma_wait3A_2226 = arith.constant 0 : i32
      %dma_wait3A_2227 = arith.constant 0 : i32
      %dma_wait3A_2228 = tpu.memref_slice %arg3[%dma_wait3A_2225, %dma_wait3A_2226, %dma_wait3A_2227] : memref<8x8x1000000xf32, #tpu.memory_space<hbm>> -> memref<8x8x128xf32, #tpu.memory_space<hbm>>
      %dma_wait3A_2229 = arith.constant 0 : i32
      %dma_wait3A_2230 = arith.constant 0 : i32
      %dma_wait3A_2231 = arith.constant 0 : i32
      %dma_wait3A_2232 = tpu.memref_slice %arg12[%dma_wait3A_2219, %dma_wait3A_2229, %dma_wait3A_2230, %dma_wait3A_2231] : memref<4x8x8x128xf32, #tpu.memory_space<vmem>> -> memref<1x8x8x128xf32, #tpu.memory_space<vmem>>
      %dma_wait3A_2233 = tpu.memref_squeeze %dma_wait3A_2232 : memref<1x8x8x128xf32, #tpu.memory_space<vmem>> -> memref<8x8x128xf32, #tpu.memory_space<vmem>>
      %dma_wait3A_2234 = arith.constant 0 : i32
      %dma_wait3A_2235 = arith.constant 0 : i32
      %dma_wait3A_2236 = arith.constant 0 : i32
      %dma_wait3A_2237 = tpu.memref_slice %arg3[%dma_wait3A_2234, %dma_wait3A_2235, %dma_wait3A_2236] : memref<8x8x1000000xf32, #tpu.memory_space<hbm>> -> memref<8x8x128xf32, #tpu.memory_space<hbm>>
      tpu.wait_dma2 semaphore(%arg17 : memref<!tpu.dma_semaphore, #tpu.memory_space<semaphore_mem>>) src(%dma_wait3A_2237 : memref<8x8x128xf32, #tpu.memory_space<hbm>>) dst(%dma_wait3A_2233 : memref<8x8x128xf32, #tpu.memory_space<vmem>>)
      %broadcast_in_dim3A_2238 = arith.constant 0 : i32
      %broadcast_in_dim3A_2239 = vector.broadcast %broadcast_in_dim3A_2238 : i32 to vector<16xi32>
      %slice3A_2240 = vector.extract_strided_slice %get3A_501 {offsets = [8], sizes = [1], strides = [1]} : vector<16xi32> to vector<1xi32>
      %squeeze3A_2241 = vector.extract %slice3A_2240[0] : i32 from vector<1xi32>
      %and3A_2242 = arith.constant 127 : i32
      %and3A_2243 = arith.andi %squeeze3A_2241, %and3A_2242 : i32
      %add3A_2244 = vector.broadcast %and3A_2243 : i32 to vector<16xi32>
      %add3A_2245 = arith.addi %broadcast_in_dim3A_2239, %add3A_2244 : vector<16xi32>
      %broadcast_in_dim3A_2246 = arith.constant 0 : i32
      %broadcast_in_dim3A_2247 = vector.broadcast %broadcast_in_dim3A_2246 : i32 to vector<16xi32>
      %slice3A_2248 = vector.extract_strided_slice %get3A_544 {offsets = [8], sizes = [1], strides = [1]} : vector<16xi32> to vector<1xi32>
      %squeeze3A_2249 = vector.extract %slice3A_2248[0] : i32 from vector<1xi32>
      %and3A_2250 = arith.constant 127 : i32
      %and3A_2251 = arith.andi %squeeze3A_2249, %and3A_2250 : i32
      %add3A_2252 = vector.broadcast %and3A_2251 : i32 to vector<16xi32>
      %add3A_2253 = arith.addi %broadcast_in_dim3A_2247, %add3A_2252 : vector<16xi32>
      %add3A_2254 = arith.constant 0 : i32
      %add3A_2255 = vector.broadcast %add3A_2254 : i32 to vector<16xi32>
      %add3A_2256 = arith.addi %shift_right_logical3A_244, %add3A_2255 : vector<16xi32>
      %gather3A_2257 = arith.constant 0 : i32
      %gather3A_2258 = arith.constant 0 : i32
      %gather3A_2259 = arith.constant 0 : i32
      %gather3A_2260 = arith.constant 0 : i32
      %gather3A_2261 = tpu.memref_slice %arg11[%gather3A_2257, %gather3A_2258, %gather3A_2259, %gather3A_2260] : memref<4x8x8x128xf32, #tpu.memory_space<vmem>> -> memref<1x8x8x128xf32, #tpu.memory_space<vmem>>
      %gather3A_2262 = tpu.memref_squeeze %gather3A_2261 : memref<1x8x8x128xf32, #tpu.memory_space<vmem>> -> memref<8x8x128xf32, #tpu.memory_space<vmem>>
      %gather3A_2263 = tpu.vector_load_idx %gather3A_2262[%add3A_2256, %and3A_242, %add3A_2245] : memref<8x8x128xf32, #tpu.memory_space<vmem>>[vector<16xi32>, vector<16xi32>, vector<16xi32>], vector<16xf32>,
      %gather3A_2264 = arith.constant 0 : i32
      %gather3A_2265 = arith.constant 0 : i32
      %gather3A_2266 = arith.constant 0 : i32
      %gather3A_2267 = arith.constant 0 : i32
      %gather3A_2268 = tpu.memref_slice %arg12[%gather3A_2264, %gather3A_2265, %gather3A_2266, %gather3A_2267] : memref<4x8x8x128xf32, #tpu.memory_space<vmem>> -> memref<1x8x8x128xf32, #tpu.memory_space<vmem>>
      %gather3A_2269 = tpu.memref_squeeze %gather3A_2268 : memref<1x8x8x128xf32, #tpu.memory_space<vmem>> -> memref<8x8x128xf32, #tpu.memory_space<vmem>>
      %gather3A_2270 = tpu.vector_load_idx %gather3A_2269[%add3A_2256, %and3A_242, %add3A_2253] : memref<8x8x128xf32, #tpu.memory_space<vmem>>[vector<16xi32>, vector<16xi32>, vector<16xi32>], vector<16xf32>,
      %mul3A_2271 = arith.mulf %gather3A_2263, %gather3A_2270 : vector<16xf32>
      %add3A_2272 = arith.constant 2 : i32
      %add3A_2273 = vector.broadcast %add3A_2272 : i32 to vector<16xi32>
      %add3A_2274 = arith.addi %shift_right_logical3A_244, %add3A_2273 : vector<16xi32>
      %gather3A_2275 = arith.constant 0 : i32
      %gather3A_2276 = arith.constant 0 : i32
      %gather3A_2277 = arith.constant 0 : i32
      %gather3A_2278 = arith.constant 0 : i32
      %gather3A_2279 = tpu.memref_slice %arg11[%gather3A_2275, %gather3A_2276, %gather3A_2277, %gather3A_2278] : memref<4x8x8x128xf32, #tpu.memory_space<vmem>> -> memref<1x8x8x128xf32, #tpu.memory_space<vmem>>
      %gather3A_2280 = tpu.memref_squeeze %gather3A_2279 : memref<1x8x8x128xf32, #tpu.memory_space<vmem>> -> memref<8x8x128xf32, #tpu.memory_space<vmem>>
      %gather3A_2281 = tpu.vector_load_idx %gather3A_2280[%add3A_2274, %and3A_242, %add3A_2245] : memref<8x8x128xf32, #tpu.memory_space<vmem>>[vector<16xi32>, vector<16xi32>, vector<16xi32>], vector<16xf32>,
      %gather3A_2282 = arith.constant 0 : i32
      %gather3A_2283 = arith.constant 0 : i32
      %gather3A_2284 = arith.constant 0 : i32
      %gather3A_2285 = arith.constant 0 : i32
      %gather3A_2286 = tpu.memref_slice %arg12[%gather3A_2282, %gather3A_2283, %gather3A_2284, %gather3A_2285] : memref<4x8x8x128xf32, #tpu.memory_space<vmem>> -> memref<1x8x8x128xf32, #tpu.memory_space<vmem>>
      %gather3A_2287 = tpu.memref_squeeze %gather3A_2286 : memref<1x8x8x128xf32, #tpu.memory_space<vmem>> -> memref<8x8x128xf32, #tpu.memory_space<vmem>>
      %gather3A_2288 = tpu.vector_load_idx %gather3A_2287[%add3A_2274, %and3A_242, %add3A_2253] : memref<8x8x128xf32, #tpu.memory_space<vmem>>[vector<16xi32>, vector<16xi32>, vector<16xi32>], vector<16xf32>,
      %mul3A_2289 = arith.mulf %gather3A_2281, %gather3A_2288 : vector<16xf32>
      %add3A_2290 = arith.addf %mul3A_2271, %mul3A_2289 : vector<16xf32>
      %add3A_2291 = arith.constant 4 : i32
      %add3A_2292 = vector.broadcast %add3A_2291 : i32 to vector<16xi32>
      %add3A_2293 = arith.addi %shift_right_logical3A_244, %add3A_2292 : vector<16xi32>
      %gather3A_2294 = arith.constant 0 : i32
      %gather3A_2295 = arith.constant 0 : i32
      %gather3A_2296 = arith.constant 0 : i32
      %gather3A_2297 = arith.constant 0 : i32
      %gather3A_2298 = tpu.memref_slice %arg11[%gather3A_2294, %gather3A_2295, %gather3A_2296, %gather3A_2297] : memref<4x8x8x128xf32, #tpu.memory_space<vmem>> -> memref<1x8x8x128xf32, #tpu.memory_space<vmem>>
      %gather3A_2299 = tpu.memref_squeeze %gather3A_2298 : memref<1x8x8x128xf32, #tpu.memory_space<vmem>> -> memref<8x8x128xf32, #tpu.memory_space<vmem>>
      %gather3A_2300 = tpu.vector_load_idx %gather3A_2299[%add3A_2293, %and3A_242, %add3A_2245] : memref<8x8x128xf32, #tpu.memory_space<vmem>>[vector<16xi32>, vector<16xi32>, vector<16xi32>], vector<16xf32>,
      %gather3A_2301 = arith.constant 0 : i32
      %gather3A_2302 = arith.constant 0 : i32
      %gather3A_2303 = arith.constant 0 : i32
      %gather3A_2304 = arith.constant 0 : i32
      %gather3A_2305 = tpu.memref_slice %arg12[%gather3A_2301, %gather3A_2302, %gather3A_2303, %gather3A_2304] : memref<4x8x8x128xf32, #tpu.memory_space<vmem>> -> memref<1x8x8x128xf32, #tpu.memory_space<vmem>>
      %gather3A_2306 = tpu.memref_squeeze %gather3A_2305 : memref<1x8x8x128xf32, #tpu.memory_space<vmem>> -> memref<8x8x128xf32, #tpu.memory_space<vmem>>
      %gather3A_2307 = tpu.vector_load_idx %gather3A_2306[%add3A_2293, %and3A_242, %add3A_2253] : memref<8x8x128xf32, #tpu.memory_space<vmem>>[vector<16xi32>, vector<16xi32>, vector<16xi32>], vector<16xf32>,
      %mul3A_2308 = arith.mulf %gather3A_2300, %gather3A_2307 : vector<16xf32>
      %add3A_2309 = arith.addf %add3A_2290, %mul3A_2308 : vector<16xf32>
      %add3A_2310 = arith.constant 6 : i32
      %add3A_2311 = vector.broadcast %add3A_2310 : i32 to vector<16xi32>
      %add3A_2312 = arith.addi %shift_right_logical3A_244, %add3A_2311 : vector<16xi32>
      %gather3A_2313 = arith.constant 0 : i32
      %gather3A_2314 = arith.constant 0 : i32
      %gather3A_2315 = arith.constant 0 : i32
      %gather3A_2316 = arith.constant 0 : i32
      %gather3A_2317 = tpu.memref_slice %arg11[%gather3A_2313, %gather3A_2314, %gather3A_2315, %gather3A_2316] : memref<4x8x8x128xf32, #tpu.memory_space<vmem>> -> memref<1x8x8x128xf32, #tpu.memory_space<vmem>>
      %gather3A_2318 = tpu.memref_squeeze %gather3A_2317 : memref<1x8x8x128xf32, #tpu.memory_space<vmem>> -> memref<8x8x128xf32, #tpu.memory_space<vmem>>
      %gather3A_2319 = tpu.vector_load_idx %gather3A_2318[%add3A_2312, %and3A_242, %add3A_2245] : memref<8x8x128xf32, #tpu.memory_space<vmem>>[vector<16xi32>, vector<16xi32>, vector<16xi32>], vector<16xf32>,
      %gather3A_2320 = arith.constant 0 : i32
      %gather3A_2321 = arith.constant 0 : i32
      %gather3A_2322 = arith.constant 0 : i32
      %gather3A_2323 = arith.constant 0 : i32
      %gather3A_2324 = tpu.memref_slice %arg12[%gather3A_2320, %gather3A_2321, %gather3A_2322, %gather3A_2323] : memref<4x8x8x128xf32, #tpu.memory_space<vmem>> -> memref<1x8x8x128xf32, #tpu.memory_space<vmem>>
      %gather3A_2325 = tpu.memref_squeeze %gather3A_2324 : memref<1x8x8x128xf32, #tpu.memory_space<vmem>> -> memref<8x8x128xf32, #tpu.memory_space<vmem>>
      %gather3A_2326 = tpu.vector_load_idx %gather3A_2325[%add3A_2312, %and3A_242, %add3A_2253] : memref<8x8x128xf32, #tpu.memory_space<vmem>>[vector<16xi32>, vector<16xi32>, vector<16xi32>], vector<16xf32>,
      %mul3A_2327 = arith.mulf %gather3A_2319, %gather3A_2326 : vector<16xf32>
      %add3A_2328 = arith.addf %add3A_2309, %mul3A_2327 : vector<16xf32>
      %eq3A_2329 = arith.constant 8 : i32
      %eq3A_2330 = vector.broadcast %eq3A_2329 : i32 to vector<16xi32>
      %eq3A_2331 = arith.cmpi eq, %iota3A, %eq3A_2330 : vector<16xi32>
      %reduce_sum3A_2332 = arith.constant true
      %reduce_sum3A_2333 = vector.broadcast %reduce_sum3A_2332 : i1 to vector<16xi1>
      %reduce_sum3A_2334 = tpu.scan <sum>, %add3A_2328 masked %reduce_sum3A_2333 : vector<16xf32>, vector<16xi1> -> vector<16xf32>
      %reduce_sum3A_2335 = vector.extract %reduce_sum3A_2334[15] : f32 from vector<16xf32>
      %jit3A_2336 = arith.constant 0.000000e+00 : f32
      %broadcast_in_dim3A_2337 = vector.broadcast %reduce_sum3A_2335 : f32 to vector<16xf32>
      %broadcast_in_dim3A_2338 = vector.broadcast %jit3A_2336 : f32 to vector<16xf32>
      %select_n3A_2339 = arith.select %eq3A_2331, %broadcast_in_dim3A_2337, %broadcast_in_dim3A_2338 : vector<16xi1>, vector<16xf32>
      %add3A_2340 = arith.addf %add3A_2151, %select_n3A_2339 : vector<16xf32>
      %slice3A_2341 = vector.extract_strided_slice %get3A_501 {offsets = [12], sizes = [1], strides = [1]} : vector<16xi32> to vector<1xi32>
      %squeeze3A_2342 = vector.extract %slice3A_2341[0] : i32 from vector<1xi32>
      %shift_right_logical3A_2343 = arith.constant 7 : i32
      %shift_right_logical3A_2344 = arith.shrui %squeeze3A_2342, %shift_right_logical3A_2343 : i32
      %mul3A_2345 = arith.constant 128 : i32
      %mul3A_2346 = arith.muli %shift_right_logical3A_2344, %mul3A_2345 : i32
      %multiple_of3A_2347 = tpu.assume_multiple %mul3A_2346, 128 : i32
      %slice3A_2348 = vector.extract_strided_slice %get3A_544 {offsets = [12], sizes = [1], strides = [1]} : vector<16xi32> to vector<1xi32>
      %squeeze3A_2349 = vector.extract %slice3A_2348[0] : i32 from vector<1xi32>
      %shift_right_logical3A_2350 = arith.constant 7 : i32
      %shift_right_logical3A_2351 = arith.shrui %squeeze3A_2349, %shift_right_logical3A_2350 : i32
      %mul3A_2352 = arith.constant 128 : i32
      %mul3A_2353 = arith.muli %shift_right_logical3A_2351, %mul3A_2352 : i32
      %multiple_of3A_2354 = tpu.assume_multiple %mul3A_2353, 128 : i32
      %dma_start3A_2355 = arith.constant 0 : i32
      %dma_start3A_2356 = arith.constant 0 : i32
      %dma_start3A_2357 = arith.constant 0 : i32
      %dma_start3A_2358 = arith.constant 0 : i32
      %dma_start3A_2359 = tpu.memref_slice %arg11[%dma_start3A_2355, %dma_start3A_2356, %dma_start3A_2357, %dma_start3A_2358] : memref<4x8x8x128xf32, #tpu.memory_space<vmem>> -> memref<1x8x8x128xf32, #tpu.memory_space<vmem>>
      %dma_start3A_2360 = tpu.memref_squeeze %dma_start3A_2359 : memref<1x8x8x128xf32, #tpu.memory_space<vmem>> -> memref<8x8x128xf32, #tpu.memory_space<vmem>>
      %dma_start3A_2361 = arith.constant 0 : i32
      %dma_start3A_2362 = arith.constant 0 : i32
      %dma_start3A_2363 = tpu.memref_slice %arg2[%dma_start3A_2361, %dma_start3A_2362, %multiple_of3A_2347] : memref<8x8x1000000xf32, #tpu.memory_space<hbm>> -> memref<8x8x128xf32, #tpu.memory_space<hbm>>
      %dma_start3A_2364 = arith.constant 0 : i32
      %dma_start3A_2365 = arith.constant 0 : i32
      %dma_start3A_2366 = arith.constant 0 : i32
      %dma_start3A_2367 = tpu.memref_slice %arg11[%dma_start3A_2355, %dma_start3A_2364, %dma_start3A_2365, %dma_start3A_2366] : memref<4x8x8x128xf32, #tpu.memory_space<vmem>> -> memref<1x8x8x128xf32, #tpu.memory_space<vmem>>
      %dma_start3A_2368 = tpu.memref_squeeze %dma_start3A_2367 : memref<1x8x8x128xf32, #tpu.memory_space<vmem>> -> memref<8x8x128xf32, #tpu.memory_space<vmem>>
      %dma_start3A_2369 = arith.constant 0 : i32
      %dma_start3A_2370 = arith.constant 0 : i32
      %dma_start3A_2371 = tpu.memref_slice %arg2[%dma_start3A_2369, %dma_start3A_2370, %multiple_of3A_2347] : memref<8x8x1000000xf32, #tpu.memory_space<hbm>> -> memref<8x8x128xf32, #tpu.memory_space<hbm>>
      tpu.enqueue_dma source(%dma_start3A_2371 : memref<8x8x128xf32, #tpu.memory_space<hbm>>) target(%dma_start3A_2368 : memref<8x8x128xf32, #tpu.memory_space<vmem>>) target_semaphore(%arg17 : memref<!tpu.dma_semaphore, #tpu.memory_space<semaphore_mem>>)
      %dma_start3A_2372 = arith.constant 0 : i32
      %dma_start3A_2373 = arith.constant 0 : i32
      %dma_start3A_2374 = arith.constant 0 : i32
      %dma_start3A_2375 = arith.constant 0 : i32
      %dma_start3A_2376 = tpu.memref_slice %arg12[%dma_start3A_2372, %dma_start3A_2373, %dma_start3A_2374, %dma_start3A_2375] : memref<4x8x8x128xf32, #tpu.memory_space<vmem>> -> memref<1x8x8x128xf32, #tpu.memory_space<vmem>>
      %dma_start3A_2377 = tpu.memref_squeeze %dma_start3A_2376 : memref<1x8x8x128xf32, #tpu.memory_space<vmem>> -> memref<8x8x128xf32, #tpu.memory_space<vmem>>
      %dma_start3A_2378 = arith.constant 0 : i32
      %dma_start3A_2379 = arith.constant 0 : i32
      %dma_start3A_2380 = tpu.memref_slice %arg3[%dma_start3A_2378, %dma_start3A_2379, %multiple_of3A_2354] : memref<8x8x1000000xf32, #tpu.memory_space<hbm>> -> memref<8x8x128xf32, #tpu.memory_space<hbm>>
      %dma_start3A_2381 = arith.constant 0 : i32
      %dma_start3A_2382 = arith.constant 0 : i32
      %dma_start3A_2383 = arith.constant 0 : i32
      %dma_start3A_2384 = tpu.memref_slice %arg12[%dma_start3A_2372, %dma_start3A_2381, %dma_start3A_2382, %dma_start3A_2383] : memref<4x8x8x128xf32, #tpu.memory_space<vmem>> -> memref<1x8x8x128xf32, #tpu.memory_space<vmem>>
      %dma_start3A_2385 = tpu.memref_squeeze %dma_start3A_2384 : memref<1x8x8x128xf32, #tpu.memory_space<vmem>> -> memref<8x8x128xf32, #tpu.memory_space<vmem>>
      %dma_start3A_2386 = arith.constant 0 : i32
      %dma_start3A_2387 = arith.constant 0 : i32
      %dma_start3A_2388 = tpu.memref_slice %arg3[%dma_start3A_2386, %dma_start3A_2387, %multiple_of3A_2354] : memref<8x8x1000000xf32, #tpu.memory_space<hbm>> -> memref<8x8x128xf32, #tpu.memory_space<hbm>>
      tpu.enqueue_dma source(%dma_start3A_2388 : memref<8x8x128xf32, #tpu.memory_space<hbm>>) target(%dma_start3A_2385 : memref<8x8x128xf32, #tpu.memory_space<vmem>>) target_semaphore(%arg17 : memref<!tpu.dma_semaphore, #tpu.memory_space<semaphore_mem>>)
      %dma_wait3A_2389 = arith.constant 1 : i32
      %dma_wait3A_2390 = arith.constant 0 : i32
      %dma_wait3A_2391 = arith.constant 0 : i32
      %dma_wait3A_2392 = arith.constant 0 : i32
      %dma_wait3A_2393 = tpu.memref_slice %arg11[%dma_wait3A_2389, %dma_wait3A_2390, %dma_wait3A_2391, %dma_wait3A_2392] : memref<4x8x8x128xf32, #tpu.memory_space<vmem>> -> memref<1x8x8x128xf32, #tpu.memory_space<vmem>>
      %dma_wait3A_2394 = tpu.memref_squeeze %dma_wait3A_2393 : memref<1x8x8x128xf32, #tpu.memory_space<vmem>> -> memref<8x8x128xf32, #tpu.memory_space<vmem>>
      %dma_wait3A_2395 = arith.constant 0 : i32
      %dma_wait3A_2396 = arith.constant 0 : i32
      %dma_wait3A_2397 = arith.constant 0 : i32
      %dma_wait3A_2398 = tpu.memref_slice %arg2[%dma_wait3A_2395, %dma_wait3A_2396, %dma_wait3A_2397] : memref<8x8x1000000xf32, #tpu.memory_space<hbm>> -> memref<8x8x128xf32, #tpu.memory_space<hbm>>
      %dma_wait3A_2399 = arith.constant 0 : i32
      %dma_wait3A_2400 = arith.constant 0 : i32
      %dma_wait3A_2401 = arith.constant 0 : i32
      %dma_wait3A_2402 = tpu.memref_slice %arg11[%dma_wait3A_2389, %dma_wait3A_2399, %dma_wait3A_2400, %dma_wait3A_2401] : memref<4x8x8x128xf32, #tpu.memory_space<vmem>> -> memref<1x8x8x128xf32, #tpu.memory_space<vmem>>
      %dma_wait3A_2403 = tpu.memref_squeeze %dma_wait3A_2402 : memref<1x8x8x128xf32, #tpu.memory_space<vmem>> -> memref<8x8x128xf32, #tpu.memory_space<vmem>>
      %dma_wait3A_2404 = arith.constant 0 : i32
      %dma_wait3A_2405 = arith.constant 0 : i32
      %dma_wait3A_2406 = arith.constant 0 : i32
      %dma_wait3A_2407 = tpu.memref_slice %arg2[%dma_wait3A_2404, %dma_wait3A_2405, %dma_wait3A_2406] : memref<8x8x1000000xf32, #tpu.memory_space<hbm>> -> memref<8x8x128xf32, #tpu.memory_space<hbm>>
      tpu.wait_dma2 semaphore(%arg18 : memref<!tpu.dma_semaphore, #tpu.memory_space<semaphore_mem>>) src(%dma_wait3A_2407 : memref<8x8x128xf32, #tpu.memory_space<hbm>>) dst(%dma_wait3A_2403 : memref<8x8x128xf32, #tpu.memory_space<vmem>>)
      %dma_wait3A_2408 = arith.constant 1 : i32
      %dma_wait3A_2409 = arith.constant 0 : i32
      %dma_wait3A_2410 = arith.constant 0 : i32
      %dma_wait3A_2411 = arith.constant 0 : i32
      %dma_wait3A_2412 = tpu.memref_slice %arg12[%dma_wait3A_2408, %dma_wait3A_2409, %dma_wait3A_2410, %dma_wait3A_2411] : memref<4x8x8x128xf32, #tpu.memory_space<vmem>> -> memref<1x8x8x128xf32, #tpu.memory_space<vmem>>
      %dma_wait3A_2413 = tpu.memref_squeeze %dma_wait3A_2412 : memref<1x8x8x128xf32, #tpu.memory_space<vmem>> -> memref<8x8x128xf32, #tpu.memory_space<vmem>>
      %dma_wait3A_2414 = arith.constant 0 : i32
      %dma_wait3A_2415 = arith.constant 0 : i32
      %dma_wait3A_2416 = arith.constant 0 : i32
      %dma_wait3A_2417 = tpu.memref_slice %arg3[%dma_wait3A_2414, %dma_wait3A_2415, %dma_wait3A_2416] : memref<8x8x1000000xf32, #tpu.memory_space<hbm>> -> memref<8x8x128xf32, #tpu.memory_space<hbm>>
      %dma_wait3A_2418 = arith.constant 0 : i32
      %dma_wait3A_2419 = arith.constant 0 : i32
      %dma_wait3A_2420 = arith.constant 0 : i32
      %dma_wait3A_2421 = tpu.memref_slice %arg12[%dma_wait3A_2408, %dma_wait3A_2418, %dma_wait3A_2419, %dma_wait3A_2420] : memref<4x8x8x128xf32, #tpu.memory_space<vmem>> -> memref<1x8x8x128xf32, #tpu.memory_space<vmem>>
      %dma_wait3A_2422 = tpu.memref_squeeze %dma_wait3A_2421 : memref<1x8x8x128xf32, #tpu.memory_space<vmem>> -> memref<8x8x128xf32, #tpu.memory_space<vmem>>
      %dma_wait3A_2423 = arith.constant 0 : i32
      %dma_wait3A_2424 = arith.constant 0 : i32
      %dma_wait3A_2425 = arith.constant 0 : i32
      %dma_wait3A_2426 = tpu.memref_slice %arg3[%dma_wait3A_2423, %dma_wait3A_2424, %dma_wait3A_2425] : memref<8x8x1000000xf32, #tpu.memory_space<hbm>> -> memref<8x8x128xf32, #tpu.memory_space<hbm>>
      tpu.wait_dma2 semaphore(%arg18 : memref<!tpu.dma_semaphore, #tpu.memory_space<semaphore_mem>>) src(%dma_wait3A_2426 : memref<8x8x128xf32, #tpu.memory_space<hbm>>) dst(%dma_wait3A_2422 : memref<8x8x128xf32, #tpu.memory_space<vmem>>)
      %broadcast_in_dim3A_2427 = arith.constant 0 : i32
      %broadcast_in_dim3A_2428 = vector.broadcast %broadcast_in_dim3A_2427 : i32 to vector<16xi32>
      %slice3A_2429 = vector.extract_strided_slice %get3A_501 {offsets = [9], sizes = [1], strides = [1]} : vector<16xi32> to vector<1xi32>
      %squeeze3A_2430 = vector.extract %slice3A_2429[0] : i32 from vector<1xi32>
      %and3A_2431 = arith.constant 127 : i32
      %and3A_2432 = arith.andi %squeeze3A_2430, %and3A_2431 : i32
      %add3A_2433 = vector.broadcast %and3A_2432 : i32 to vector<16xi32>
      %add3A_2434 = arith.addi %broadcast_in_dim3A_2428, %add3A_2433 : vector<16xi32>
      %broadcast_in_dim3A_2435 = arith.constant 0 : i32
      %broadcast_in_dim3A_2436 = vector.broadcast %broadcast_in_dim3A_2435 : i32 to vector<16xi32>
      %slice3A_2437 = vector.extract_strided_slice %get3A_544 {offsets = [9], sizes = [1], strides = [1]} : vector<16xi32> to vector<1xi32>
      %squeeze3A_2438 = vector.extract %slice3A_2437[0] : i32 from vector<1xi32>
      %and3A_2439 = arith.constant 127 : i32
      %and3A_2440 = arith.andi %squeeze3A_2438, %and3A_2439 : i32
      %add3A_2441 = vector.broadcast %and3A_2440 : i32 to vector<16xi32>
      %add3A_2442 = arith.addi %broadcast_in_dim3A_2436, %add3A_2441 : vector<16xi32>
      %add3A_2443 = arith.constant 0 : i32
      %add3A_2444 = vector.broadcast %add3A_2443 : i32 to vector<16xi32>
      %add3A_2445 = arith.addi %shift_right_logical3A_244, %add3A_2444 : vector<16xi32>
      %gather3A_2446 = arith.constant 1 : i32
      %gather3A_2447 = arith.constant 0 : i32
      %gather3A_2448 = arith.constant 0 : i32
      %gather3A_2449 = arith.constant 0 : i32
      %gather3A_2450 = tpu.memref_slice %arg11[%gather3A_2446, %gather3A_2447, %gather3A_2448, %gather3A_2449] : memref<4x8x8x128xf32, #tpu.memory_space<vmem>> -> memref<1x8x8x128xf32, #tpu.memory_space<vmem>>
      %gather3A_2451 = tpu.memref_squeeze %gather3A_2450 : memref<1x8x8x128xf32, #tpu.memory_space<vmem>> -> memref<8x8x128xf32, #tpu.memory_space<vmem>>
      %gather3A_2452 = tpu.vector_load_idx %gather3A_2451[%add3A_2445, %and3A_242, %add3A_2434] : memref<8x8x128xf32, #tpu.memory_space<vmem>>[vector<16xi32>, vector<16xi32>, vector<16xi32>], vector<16xf32>,
      %gather3A_2453 = arith.constant 1 : i32
      %gather3A_2454 = arith.constant 0 : i32
      %gather3A_2455 = arith.constant 0 : i32
      %gather3A_2456 = arith.constant 0 : i32
      %gather3A_2457 = tpu.memref_slice %arg12[%gather3A_2453, %gather3A_2454, %gather3A_2455, %gather3A_2456] : memref<4x8x8x128xf32, #tpu.memory_space<vmem>> -> memref<1x8x8x128xf32, #tpu.memory_space<vmem>>
      %gather3A_2458 = tpu.memref_squeeze %gather3A_2457 : memref<1x8x8x128xf32, #tpu.memory_space<vmem>> -> memref<8x8x128xf32, #tpu.memory_space<vmem>>
      %gather3A_2459 = tpu.vector_load_idx %gather3A_2458[%add3A_2445, %and3A_242, %add3A_2442] : memref<8x8x128xf32, #tpu.memory_space<vmem>>[vector<16xi32>, vector<16xi32>, vector<16xi32>], vector<16xf32>,
      %mul3A_2460 = arith.mulf %gather3A_2452, %gather3A_2459 : vector<16xf32>
      %add3A_2461 = arith.constant 2 : i32
      %add3A_2462 = vector.broadcast %add3A_2461 : i32 to vector<16xi32>
      %add3A_2463 = arith.addi %shift_right_logical3A_244, %add3A_2462 : vector<16xi32>
      %gather3A_2464 = arith.constant 1 : i32
      %gather3A_2465 = arith.constant 0 : i32
      %gather3A_2466 = arith.constant 0 : i32
      %gather3A_2467 = arith.constant 0 : i32
      %gather3A_2468 = tpu.memref_slice %arg11[%gather3A_2464, %gather3A_2465, %gather3A_2466, %gather3A_2467] : memref<4x8x8x128xf32, #tpu.memory_space<vmem>> -> memref<1x8x8x128xf32, #tpu.memory_space<vmem>>
      %gather3A_2469 = tpu.memref_squeeze %gather3A_2468 : memref<1x8x8x128xf32, #tpu.memory_space<vmem>> -> memref<8x8x128xf32, #tpu.memory_space<vmem>>
      %gather3A_2470 = tpu.vector_load_idx %gather3A_2469[%add3A_2463, %and3A_242, %add3A_2434] : memref<8x8x128xf32, #tpu.memory_space<vmem>>[vector<16xi32>, vector<16xi32>, vector<16xi32>], vector<16xf32>,
      %gather3A_2471 = arith.constant 1 : i32
      %gather3A_2472 = arith.constant 0 : i32
      %gather3A_2473 = arith.constant 0 : i32
      %gather3A_2474 = arith.constant 0 : i32
      %gather3A_2475 = tpu.memref_slice %arg12[%gather3A_2471, %gather3A_2472, %gather3A_2473, %gather3A_2474] : memref<4x8x8x128xf32, #tpu.memory_space<vmem>> -> memref<1x8x8x128xf32, #tpu.memory_space<vmem>>
      %gather3A_2476 = tpu.memref_squeeze %gather3A_2475 : memref<1x8x8x128xf32, #tpu.memory_space<vmem>> -> memref<8x8x128xf32, #tpu.memory_space<vmem>>
      %gather3A_2477 = tpu.vector_load_idx %gather3A_2476[%add3A_2463, %and3A_242, %add3A_2442] : memref<8x8x128xf32, #tpu.memory_space<vmem>>[vector<16xi32>, vector<16xi32>, vector<16xi32>], vector<16xf32>,
      %mul3A_2478 = arith.mulf %gather3A_2470, %gather3A_2477 : vector<16xf32>
      %add3A_2479 = arith.addf %mul3A_2460, %mul3A_2478 : vector<16xf32>
      %add3A_2480 = arith.constant 4 : i32
      %add3A_2481 = vector.broadcast %add3A_2480 : i32 to vector<16xi32>
      %add3A_2482 = arith.addi %shift_right_logical3A_244, %add3A_2481 : vector<16xi32>
      %gather3A_2483 = arith.constant 1 : i32
      %gather3A_2484 = arith.constant 0 : i32
      %gather3A_2485 = arith.constant 0 : i32
      %gather3A_2486 = arith.constant 0 : i32
      %gather3A_2487 = tpu.memref_slice %arg11[%gather3A_2483, %gather3A_2484, %gather3A_2485, %gather3A_2486] : memref<4x8x8x128xf32, #tpu.memory_space<vmem>> -> memref<1x8x8x128xf32, #tpu.memory_space<vmem>>
      %gather3A_2488 = tpu.memref_squeeze %gather3A_2487 : memref<1x8x8x128xf32, #tpu.memory_space<vmem>> -> memref<8x8x128xf32, #tpu.memory_space<vmem>>
      %gather3A_2489 = tpu.vector_load_idx %gather3A_2488[%add3A_2482, %and3A_242, %add3A_2434] : memref<8x8x128xf32, #tpu.memory_space<vmem>>[vector<16xi32>, vector<16xi32>, vector<16xi32>], vector<16xf32>,
      %gather3A_2490 = arith.constant 1 : i32
      %gather3A_2491 = arith.constant 0 : i32
      %gather3A_2492 = arith.constant 0 : i32
      %gather3A_2493 = arith.constant 0 : i32
      %gather3A_2494 = tpu.memref_slice %arg12[%gather3A_2490, %gather3A_2491, %gather3A_2492, %gather3A_2493] : memref<4x8x8x128xf32, #tpu.memory_space<vmem>> -> memref<1x8x8x128xf32, #tpu.memory_space<vmem>>
      %gather3A_2495 = tpu.memref_squeeze %gather3A_2494 : memref<1x8x8x128xf32, #tpu.memory_space<vmem>> -> memref<8x8x128xf32, #tpu.memory_space<vmem>>
      %gather3A_2496 = tpu.vector_load_idx %gather3A_2495[%add3A_2482, %and3A_242, %add3A_2442] : memref<8x8x128xf32, #tpu.memory_space<vmem>>[vector<16xi32>, vector<16xi32>, vector<16xi32>], vector<16xf32>,
      %mul3A_2497 = arith.mulf %gather3A_2489, %gather3A_2496 : vector<16xf32>
      %add3A_2498 = arith.addf %add3A_2479, %mul3A_2497 : vector<16xf32>
      %add3A_2499 = arith.constant 6 : i32
      %add3A_2500 = vector.broadcast %add3A_2499 : i32 to vector<16xi32>
      %add3A_2501 = arith.addi %shift_right_logical3A_244, %add3A_2500 : vector<16xi32>
      %gather3A_2502 = arith.constant 1 : i32
      %gather3A_2503 = arith.constant 0 : i32
      %gather3A_2504 = arith.constant 0 : i32
      %gather3A_2505 = arith.constant 0 : i32
      %gather3A_2506 = tpu.memref_slice %arg11[%gather3A_2502, %gather3A_2503, %gather3A_2504, %gather3A_2505] : memref<4x8x8x128xf32, #tpu.memory_space<vmem>> -> memref<1x8x8x128xf32, #tpu.memory_space<vmem>>
      %gather3A_2507 = tpu.memref_squeeze %gather3A_2506 : memref<1x8x8x128xf32, #tpu.memory_space<vmem>> -> memref<8x8x128xf32, #tpu.memory_space<vmem>>
      %gather3A_2508 = tpu.vector_load_idx %gather3A_2507[%add3A_2501, %and3A_242, %add3A_2434] : memref<8x8x128xf32, #tpu.memory_space<vmem>>[vector<16xi32>, vector<16xi32>, vector<16xi32>], vector<16xf32>,
      %gather3A_2509 = arith.constant 1 : i32
      %gather3A_2510 = arith.constant 0 : i32
      %gather3A_2511 = arith.constant 0 : i32
      %gather3A_2512 = arith.constant 0 : i32
      %gather3A_2513 = tpu.memref_slice %arg12[%gather3A_2509, %gather3A_2510, %gather3A_2511, %gather3A_2512] : memref<4x8x8x128xf32, #tpu.memory_space<vmem>> -> memref<1x8x8x128xf32, #tpu.memory_space<vmem>>
      %gather3A_2514 = tpu.memref_squeeze %gather3A_2513 : memref<1x8x8x128xf32, #tpu.memory_space<vmem>> -> memref<8x8x128xf32, #tpu.memory_space<vmem>>
      %gather3A_2515 = tpu.vector_load_idx %gather3A_2514[%add3A_2501, %and3A_242, %add3A_2442] : memref<8x8x128xf32, #tpu.memory_space<vmem>>[vector<16xi32>, vector<16xi32>, vector<16xi32>], vector<16xf32>,
      %mul3A_2516 = arith.mulf %gather3A_2508, %gather3A_2515 : vector<16xf32>
      %add3A_2517 = arith.addf %add3A_2498, %mul3A_2516 : vector<16xf32>
      %eq3A_2518 = arith.constant 9 : i32
      %eq3A_2519 = vector.broadcast %eq3A_2518 : i32 to vector<16xi32>
      %eq3A_2520 = arith.cmpi eq, %iota3A, %eq3A_2519 : vector<16xi32>
      %reduce_sum3A_2521 = arith.constant true
      %reduce_sum3A_2522 = vector.broadcast %reduce_sum3A_2521 : i1 to vector<16xi1>
      %reduce_sum3A_2523 = tpu.scan <sum>, %add3A_2517 masked %reduce_sum3A_2522 : vector<16xf32>, vector<16xi1> -> vector<16xf32>
      %reduce_sum3A_2524 = vector.extract %reduce_sum3A_2523[15] : f32 from vector<16xf32>
      %jit3A_2525 = arith.constant 0.000000e+00 : f32
      %broadcast_in_dim3A_2526 = vector.broadcast %reduce_sum3A_2524 : f32 to vector<16xf32>
      %broadcast_in_dim3A_2527 = vector.broadcast %jit3A_2525 : f32 to vector<16xf32>
      %select_n3A_2528 = arith.select %eq3A_2520, %broadcast_in_dim3A_2526, %broadcast_in_dim3A_2527 : vector<16xi1>, vector<16xf32>
      %add3A_2529 = arith.addf %add3A_2340, %select_n3A_2528 : vector<16xf32>
      %slice3A_2530 = vector.extract_strided_slice %get3A_501 {offsets = [13], sizes = [1], strides = [1]} : vector<16xi32> to vector<1xi32>
      %squeeze3A_2531 = vector.extract %slice3A_2530[0] : i32 from vector<1xi32>
      %shift_right_logical3A_2532 = arith.constant 7 : i32
      %shift_right_logical3A_2533 = arith.shrui %squeeze3A_2531, %shift_right_logical3A_2532 : i32
      %mul3A_2534 = arith.constant 128 : i32
      %mul3A_2535 = arith.muli %shift_right_logical3A_2533, %mul3A_2534 : i32
      %multiple_of3A_2536 = tpu.assume_multiple %mul3A_2535, 128 : i32
      %slice3A_2537 = vector.extract_strided_slice %get3A_544 {offsets = [13], sizes = [1], strides = [1]} : vector<16xi32> to vector<1xi32>
      %squeeze3A_2538 = vector.extract %slice3A_2537[0] : i32 from vector<1xi32>
      %shift_right_logical3A_2539 = arith.constant 7 : i32
      %shift_right_logical3A_2540 = arith.shrui %squeeze3A_2538, %shift_right_logical3A_2539 : i32
      %mul3A_2541 = arith.constant 128 : i32
      %mul3A_2542 = arith.muli %shift_right_logical3A_2540, %mul3A_2541 : i32
      %multiple_of3A_2543 = tpu.assume_multiple %mul3A_2542, 128 : i32
      %dma_start3A_2544 = arith.constant 1 : i32
      %dma_start3A_2545 = arith.constant 0 : i32
      %dma_start3A_2546 = arith.constant 0 : i32
      %dma_start3A_2547 = arith.constant 0 : i32
      %dma_start3A_2548 = tpu.memref_slice %arg11[%dma_start3A_2544, %dma_start3A_2545, %dma_start3A_2546, %dma_start3A_2547] : memref<4x8x8x128xf32, #tpu.memory_space<vmem>> -> memref<1x8x8x128xf32, #tpu.memory_space<vmem>>
      %dma_start3A_2549 = tpu.memref_squeeze %dma_start3A_2548 : memref<1x8x8x128xf32, #tpu.memory_space<vmem>> -> memref<8x8x128xf32, #tpu.memory_space<vmem>>
      %dma_start3A_2550 = arith.constant 0 : i32
      %dma_start3A_2551 = arith.constant 0 : i32
      %dma_start3A_2552 = tpu.memref_slice %arg2[%dma_start3A_2550, %dma_start3A_2551, %multiple_of3A_2536] : memref<8x8x1000000xf32, #tpu.memory_space<hbm>> -> memref<8x8x128xf32, #tpu.memory_space<hbm>>
      %dma_start3A_2553 = arith.constant 0 : i32
      %dma_start3A_2554 = arith.constant 0 : i32
      %dma_start3A_2555 = arith.constant 0 : i32
      %dma_start3A_2556 = tpu.memref_slice %arg11[%dma_start3A_2544, %dma_start3A_2553, %dma_start3A_2554, %dma_start3A_2555] : memref<4x8x8x128xf32, #tpu.memory_space<vmem>> -> memref<1x8x8x128xf32, #tpu.memory_space<vmem>>
      %dma_start3A_2557 = tpu.memref_squeeze %dma_start3A_2556 : memref<1x8x8x128xf32, #tpu.memory_space<vmem>> -> memref<8x8x128xf32, #tpu.memory_space<vmem>>
      %dma_start3A_2558 = arith.constant 0 : i32
      %dma_start3A_2559 = arith.constant 0 : i32
      %dma_start3A_2560 = tpu.memref_slice %arg2[%dma_start3A_2558, %dma_start3A_2559, %multiple_of3A_2536] : memref<8x8x1000000xf32, #tpu.memory_space<hbm>> -> memref<8x8x128xf32, #tpu.memory_space<hbm>>
      tpu.enqueue_dma source(%dma_start3A_2560 : memref<8x8x128xf32, #tpu.memory_space<hbm>>) target(%dma_start3A_2557 : memref<8x8x128xf32, #tpu.memory_space<vmem>>) target_semaphore(%arg18 : memref<!tpu.dma_semaphore, #tpu.memory_space<semaphore_mem>>)
      %dma_start3A_2561 = arith.constant 1 : i32
      %dma_start3A_2562 = arith.constant 0 : i32
      %dma_start3A_2563 = arith.constant 0 : i32
      %dma_start3A_2564 = arith.constant 0 : i32
      %dma_start3A_2565 = tpu.memref_slice %arg12[%dma_start3A_2561, %dma_start3A_2562, %dma_start3A_2563, %dma_start3A_2564] : memref<4x8x8x128xf32, #tpu.memory_space<vmem>> -> memref<1x8x8x128xf32, #tpu.memory_space<vmem>>
      %dma_start3A_2566 = tpu.memref_squeeze %dma_start3A_2565 : memref<1x8x8x128xf32, #tpu.memory_space<vmem>> -> memref<8x8x128xf32, #tpu.memory_space<vmem>>
      %dma_start3A_2567 = arith.constant 0 : i32
      %dma_start3A_2568 = arith.constant 0 : i32
      %dma_start3A_2569 = tpu.memref_slice %arg3[%dma_start3A_2567, %dma_start3A_2568, %multiple_of3A_2543] : memref<8x8x1000000xf32, #tpu.memory_space<hbm>> -> memref<8x8x128xf32, #tpu.memory_space<hbm>>
      %dma_start3A_2570 = arith.constant 0 : i32
      %dma_start3A_2571 = arith.constant 0 : i32
      %dma_start3A_2572 = arith.constant 0 : i32
      %dma_start3A_2573 = tpu.memref_slice %arg12[%dma_start3A_2561, %dma_start3A_2570, %dma_start3A_2571, %dma_start3A_2572] : memref<4x8x8x128xf32, #tpu.memory_space<vmem>> -> memref<1x8x8x128xf32, #tpu.memory_space<vmem>>
      %dma_start3A_2574 = tpu.memref_squeeze %dma_start3A_2573 : memref<1x8x8x128xf32, #tpu.memory_space<vmem>> -> memref<8x8x128xf32, #tpu.memory_space<vmem>>
      %dma_start3A_2575 = arith.constant 0 : i32
      %dma_start3A_2576 = arith.constant 0 : i32
      %dma_start3A_2577 = tpu.memref_slice %arg3[%dma_start3A_2575, %dma_start3A_2576, %multiple_of3A_2543] : memref<8x8x1000000xf32, #tpu.memory_space<hbm>> -> memref<8x8x128xf32, #tpu.memory_space<hbm>>
      tpu.enqueue_dma source(%dma_start3A_2577 : memref<8x8x128xf32, #tpu.memory_space<hbm>>) target(%dma_start3A_2574 : memref<8x8x128xf32, #tpu.memory_space<vmem>>) target_semaphore(%arg18 : memref<!tpu.dma_semaphore, #tpu.memory_space<semaphore_mem>>)
      %dma_wait3A_2578 = arith.constant 2 : i32
      %dma_wait3A_2579 = arith.constant 0 : i32
      %dma_wait3A_2580 = arith.constant 0 : i32
      %dma_wait3A_2581 = arith.constant 0 : i32
      %dma_wait3A_2582 = tpu.memref_slice %arg11[%dma_wait3A_2578, %dma_wait3A_2579, %dma_wait3A_2580, %dma_wait3A_2581] : memref<4x8x8x128xf32, #tpu.memory_space<vmem>> -> memref<1x8x8x128xf32, #tpu.memory_space<vmem>>
      %dma_wait3A_2583 = tpu.memref_squeeze %dma_wait3A_2582 : memref<1x8x8x128xf32, #tpu.memory_space<vmem>> -> memref<8x8x128xf32, #tpu.memory_space<vmem>>
      %dma_wait3A_2584 = arith.constant 0 : i32
      %dma_wait3A_2585 = arith.constant 0 : i32
      %dma_wait3A_2586 = arith.constant 0 : i32
      %dma_wait3A_2587 = tpu.memref_slice %arg2[%dma_wait3A_2584, %dma_wait3A_2585, %dma_wait3A_2586] : memref<8x8x1000000xf32, #tpu.memory_space<hbm>> -> memref<8x8x128xf32, #tpu.memory_space<hbm>>
      %dma_wait3A_2588 = arith.constant 0 : i32
      %dma_wait3A_2589 = arith.constant 0 : i32
      %dma_wait3A_2590 = arith.constant 0 : i32
      %dma_wait3A_2591 = tpu.memref_slice %arg11[%dma_wait3A_2578, %dma_wait3A_2588, %dma_wait3A_2589, %dma_wait3A_2590] : memref<4x8x8x128xf32, #tpu.memory_space<vmem>> -> memref<1x8x8x128xf32, #tpu.memory_space<vmem>>
      %dma_wait3A_2592 = tpu.memref_squeeze %dma_wait3A_2591 : memref<1x8x8x128xf32, #tpu.memory_space<vmem>> -> memref<8x8x128xf32, #tpu.memory_space<vmem>>
      %dma_wait3A_2593 = arith.constant 0 : i32
      %dma_wait3A_2594 = arith.constant 0 : i32
      %dma_wait3A_2595 = arith.constant 0 : i32
      %dma_wait3A_2596 = tpu.memref_slice %arg2[%dma_wait3A_2593, %dma_wait3A_2594, %dma_wait3A_2595] : memref<8x8x1000000xf32, #tpu.memory_space<hbm>> -> memref<8x8x128xf32, #tpu.memory_space<hbm>>
      tpu.wait_dma2 semaphore(%arg19 : memref<!tpu.dma_semaphore, #tpu.memory_space<semaphore_mem>>) src(%dma_wait3A_2596 : memref<8x8x128xf32, #tpu.memory_space<hbm>>) dst(%dma_wait3A_2592 : memref<8x8x128xf32, #tpu.memory_space<vmem>>)
      %dma_wait3A_2597 = arith.constant 2 : i32
      %dma_wait3A_2598 = arith.constant 0 : i32
      %dma_wait3A_2599 = arith.constant 0 : i32
      %dma_wait3A_2600 = arith.constant 0 : i32
      %dma_wait3A_2601 = tpu.memref_slice %arg12[%dma_wait3A_2597, %dma_wait3A_2598, %dma_wait3A_2599, %dma_wait3A_2600] : memref<4x8x8x128xf32, #tpu.memory_space<vmem>> -> memref<1x8x8x128xf32, #tpu.memory_space<vmem>>
      %dma_wait3A_2602 = tpu.memref_squeeze %dma_wait3A_2601 : memref<1x8x8x128xf32, #tpu.memory_space<vmem>> -> memref<8x8x128xf32, #tpu.memory_space<vmem>>
      %dma_wait3A_2603 = arith.constant 0 : i32
      %dma_wait3A_2604 = arith.constant 0 : i32
      %dma_wait3A_2605 = arith.constant 0 : i32
      %dma_wait3A_2606 = tpu.memref_slice %arg3[%dma_wait3A_2603, %dma_wait3A_2604, %dma_wait3A_2605] : memref<8x8x1000000xf32, #tpu.memory_space<hbm>> -> memref<8x8x128xf32, #tpu.memory_space<hbm>>
      %dma_wait3A_2607 = arith.constant 0 : i32
      %dma_wait3A_2608 = arith.constant 0 : i32
      %dma_wait3A_2609 = arith.constant 0 : i32
      %dma_wait3A_2610 = tpu.memref_slice %arg12[%dma_wait3A_2597, %dma_wait3A_2607, %dma_wait3A_2608, %dma_wait3A_2609] : memref<4x8x8x128xf32, #tpu.memory_space<vmem>> -> memref<1x8x8x128xf32, #tpu.memory_space<vmem>>
      %dma_wait3A_2611 = tpu.memref_squeeze %dma_wait3A_2610 : memref<1x8x8x128xf32, #tpu.memory_space<vmem>> -> memref<8x8x128xf32, #tpu.memory_space<vmem>>
      %dma_wait3A_2612 = arith.constant 0 : i32
      %dma_wait3A_2613 = arith.constant 0 : i32
      %dma_wait3A_2614 = arith.constant 0 : i32
      %dma_wait3A_2615 = tpu.memref_slice %arg3[%dma_wait3A_2612, %dma_wait3A_2613, %dma_wait3A_2614] : memref<8x8x1000000xf32, #tpu.memory_space<hbm>> -> memref<8x8x128xf32, #tpu.memory_space<hbm>>
      tpu.wait_dma2 semaphore(%arg19 : memref<!tpu.dma_semaphore, #tpu.memory_space<semaphore_mem>>) src(%dma_wait3A_2615 : memref<8x8x128xf32, #tpu.memory_space<hbm>>) dst(%dma_wait3A_2611 : memref<8x8x128xf32, #tpu.memory_space<vmem>>)
      %broadcast_in_dim3A_2616 = arith.constant 0 : i32
      %broadcast_in_dim3A_2617 = vector.broadcast %broadcast_in_dim3A_2616 : i32 to vector<16xi32>
      %slice3A_2618 = vector.extract_strided_slice %get3A_501 {offsets = [10], sizes = [1], strides = [1]} : vector<16xi32> to vector<1xi32>
      %squeeze3A_2619 = vector.extract %slice3A_2618[0] : i32 from vector<1xi32>
      %and3A_2620 = arith.constant 127 : i32
      %and3A_2621 = arith.andi %squeeze3A_2619, %and3A_2620 : i32
      %add3A_2622 = vector.broadcast %and3A_2621 : i32 to vector<16xi32>
      %add3A_2623 = arith.addi %broadcast_in_dim3A_2617, %add3A_2622 : vector<16xi32>
      %broadcast_in_dim3A_2624 = arith.constant 0 : i32
      %broadcast_in_dim3A_2625 = vector.broadcast %broadcast_in_dim3A_2624 : i32 to vector<16xi32>
      %slice3A_2626 = vector.extract_strided_slice %get3A_544 {offsets = [10], sizes = [1], strides = [1]} : vector<16xi32> to vector<1xi32>
      %squeeze3A_2627 = vector.extract %slice3A_2626[0] : i32 from vector<1xi32>
      %and3A_2628 = arith.constant 127 : i32
      %and3A_2629 = arith.andi %squeeze3A_2627, %and3A_2628 : i32
      %add3A_2630 = vector.broadcast %and3A_2629 : i32 to vector<16xi32>
      %add3A_2631 = arith.addi %broadcast_in_dim3A_2625, %add3A_2630 : vector<16xi32>
      %add3A_2632 = arith.constant 0 : i32
      %add3A_2633 = vector.broadcast %add3A_2632 : i32 to vector<16xi32>
      %add3A_2634 = arith.addi %shift_right_logical3A_244, %add3A_2633 : vector<16xi32>
      %gather3A_2635 = arith.constant 2 : i32
      %gather3A_2636 = arith.constant 0 : i32
      %gather3A_2637 = arith.constant 0 : i32
      %gather3A_2638 = arith.constant 0 : i32
      %gather3A_2639 = tpu.memref_slice %arg11[%gather3A_2635, %gather3A_2636, %gather3A_2637, %gather3A_2638] : memref<4x8x8x128xf32, #tpu.memory_space<vmem>> -> memref<1x8x8x128xf32, #tpu.memory_space<vmem>>
      %gather3A_2640 = tpu.memref_squeeze %gather3A_2639 : memref<1x8x8x128xf32, #tpu.memory_space<vmem>> -> memref<8x8x128xf32, #tpu.memory_space<vmem>>
      %gather3A_2641 = tpu.vector_load_idx %gather3A_2640[%add3A_2634, %and3A_242, %add3A_2623] : memref<8x8x128xf32, #tpu.memory_space<vmem>>[vector<16xi32>, vector<16xi32>, vector<16xi32>], vector<16xf32>,
      %gather3A_2642 = arith.constant 2 : i32
      %gather3A_2643 = arith.constant 0 : i32
      %gather3A_2644 = arith.constant 0 : i32
      %gather3A_2645 = arith.constant 0 : i32
      %gather3A_2646 = tpu.memref_slice %arg12[%gather3A_2642, %gather3A_2643, %gather3A_2644, %gather3A_2645] : memref<4x8x8x128xf32, #tpu.memory_space<vmem>> -> memref<1x8x8x128xf32, #tpu.memory_space<vmem>>
      %gather3A_2647 = tpu.memref_squeeze %gather3A_2646 : memref<1x8x8x128xf32, #tpu.memory_space<vmem>> -> memref<8x8x128xf32, #tpu.memory_space<vmem>>
      %gather3A_2648 = tpu.vector_load_idx %gather3A_2647[%add3A_2634, %and3A_242, %add3A_2631] : memref<8x8x128xf32, #tpu.memory_space<vmem>>[vector<16xi32>, vector<16xi32>, vector<16xi32>], vector<16xf32>,
      %mul3A_2649 = arith.mulf %gather3A_2641, %gather3A_2648 : vector<16xf32>
      %add3A_2650 = arith.constant 2 : i32
      %add3A_2651 = vector.broadcast %add3A_2650 : i32 to vector<16xi32>
      %add3A_2652 = arith.addi %shift_right_logical3A_244, %add3A_2651 : vector<16xi32>
      %gather3A_2653 = arith.constant 2 : i32
      %gather3A_2654 = arith.constant 0 : i32
      %gather3A_2655 = arith.constant 0 : i32
      %gather3A_2656 = arith.constant 0 : i32
      %gather3A_2657 = tpu.memref_slice %arg11[%gather3A_2653, %gather3A_2654, %gather3A_2655, %gather3A_2656] : memref<4x8x8x128xf32, #tpu.memory_space<vmem>> -> memref<1x8x8x128xf32, #tpu.memory_space<vmem>>
      %gather3A_2658 = tpu.memref_squeeze %gather3A_2657 : memref<1x8x8x128xf32, #tpu.memory_space<vmem>> -> memref<8x8x128xf32, #tpu.memory_space<vmem>>
      %gather3A_2659 = tpu.vector_load_idx %gather3A_2658[%add3A_2652, %and3A_242, %add3A_2623] : memref<8x8x128xf32, #tpu.memory_space<vmem>>[vector<16xi32>, vector<16xi32>, vector<16xi32>], vector<16xf32>,
      %gather3A_2660 = arith.constant 2 : i32
      %gather3A_2661 = arith.constant 0 : i32
      %gather3A_2662 = arith.constant 0 : i32
      %gather3A_2663 = arith.constant 0 : i32
      %gather3A_2664 = tpu.memref_slice %arg12[%gather3A_2660, %gather3A_2661, %gather3A_2662, %gather3A_2663] : memref<4x8x8x128xf32, #tpu.memory_space<vmem>> -> memref<1x8x8x128xf32, #tpu.memory_space<vmem>>
      %gather3A_2665 = tpu.memref_squeeze %gather3A_2664 : memref<1x8x8x128xf32, #tpu.memory_space<vmem>> -> memref<8x8x128xf32, #tpu.memory_space<vmem>>
      %gather3A_2666 = tpu.vector_load_idx %gather3A_2665[%add3A_2652, %and3A_242, %add3A_2631] : memref<8x8x128xf32, #tpu.memory_space<vmem>>[vector<16xi32>, vector<16xi32>, vector<16xi32>], vector<16xf32>,
      %mul3A_2667 = arith.mulf %gather3A_2659, %gather3A_2666 : vector<16xf32>
      %add3A_2668 = arith.addf %mul3A_2649, %mul3A_2667 : vector<16xf32>
      %add3A_2669 = arith.constant 4 : i32
      %add3A_2670 = vector.broadcast %add3A_2669 : i32 to vector<16xi32>
      %add3A_2671 = arith.addi %shift_right_logical3A_244, %add3A_2670 : vector<16xi32>
      %gather3A_2672 = arith.constant 2 : i32
      %gather3A_2673 = arith.constant 0 : i32
      %gather3A_2674 = arith.constant 0 : i32
      %gather3A_2675 = arith.constant 0 : i32
      %gather3A_2676 = tpu.memref_slice %arg11[%gather3A_2672, %gather3A_2673, %gather3A_2674, %gather3A_2675] : memref<4x8x8x128xf32, #tpu.memory_space<vmem>> -> memref<1x8x8x128xf32, #tpu.memory_space<vmem>>
      %gather3A_2677 = tpu.memref_squeeze %gather3A_2676 : memref<1x8x8x128xf32, #tpu.memory_space<vmem>> -> memref<8x8x128xf32, #tpu.memory_space<vmem>>
      %gather3A_2678 = tpu.vector_load_idx %gather3A_2677[%add3A_2671, %and3A_242, %add3A_2623] : memref<8x8x128xf32, #tpu.memory_space<vmem>>[vector<16xi32>, vector<16xi32>, vector<16xi32>], vector<16xf32>,
      %gather3A_2679 = arith.constant 2 : i32
      %gather3A_2680 = arith.constant 0 : i32
      %gather3A_2681 = arith.constant 0 : i32
      %gather3A_2682 = arith.constant 0 : i32
      %gather3A_2683 = tpu.memref_slice %arg12[%gather3A_2679, %gather3A_2680, %gather3A_2681, %gather3A_2682] : memref<4x8x8x128xf32, #tpu.memory_space<vmem>> -> memref<1x8x8x128xf32, #tpu.memory_space<vmem>>
      %gather3A_2684 = tpu.memref_squeeze %gather3A_2683 : memref<1x8x8x128xf32, #tpu.memory_space<vmem>> -> memref<8x8x128xf32, #tpu.memory_space<vmem>>
      %gather3A_2685 = tpu.vector_load_idx %gather3A_2684[%add3A_2671, %and3A_242, %add3A_2631] : memref<8x8x128xf32, #tpu.memory_space<vmem>>[vector<16xi32>, vector<16xi32>, vector<16xi32>], vector<16xf32>,
      %mul3A_2686 = arith.mulf %gather3A_2678, %gather3A_2685 : vector<16xf32>
      %add3A_2687 = arith.addf %add3A_2668, %mul3A_2686 : vector<16xf32>
      %add3A_2688 = arith.constant 6 : i32
      %add3A_2689 = vector.broadcast %add3A_2688 : i32 to vector<16xi32>
      %add3A_2690 = arith.addi %shift_right_logical3A_244, %add3A_2689 : vector<16xi32>
      %gather3A_2691 = arith.constant 2 : i32
      %gather3A_2692 = arith.constant 0 : i32
      %gather3A_2693 = arith.constant 0 : i32
      %gather3A_2694 = arith.constant 0 : i32
      %gather3A_2695 = tpu.memref_slice %arg11[%gather3A_2691, %gather3A_2692, %gather3A_2693, %gather3A_2694] : memref<4x8x8x128xf32, #tpu.memory_space<vmem>> -> memref<1x8x8x128xf32, #tpu.memory_space<vmem>>
      %gather3A_2696 = tpu.memref_squeeze %gather3A_2695 : memref<1x8x8x128xf32, #tpu.memory_space<vmem>> -> memref<8x8x128xf32, #tpu.memory_space<vmem>>
      %gather3A_2697 = tpu.vector_load_idx %gather3A_2696[%add3A_2690, %and3A_242, %add3A_2623] : memref<8x8x128xf32, #tpu.memory_space<vmem>>[vector<16xi32>, vector<16xi32>, vector<16xi32>], vector<16xf32>,
      %gather3A_2698 = arith.constant 2 : i32
      %gather3A_2699 = arith.constant 0 : i32
      %gather3A_2700 = arith.constant 0 : i32
      %gather3A_2701 = arith.constant 0 : i32
      %gather3A_2702 = tpu.memref_slice %arg12[%gather3A_2698, %gather3A_2699, %gather3A_2700, %gather3A_2701] : memref<4x8x8x128xf32, #tpu.memory_space<vmem>> -> memref<1x8x8x128xf32, #tpu.memory_space<vmem>>
      %gather3A_2703 = tpu.memref_squeeze %gather3A_2702 : memref<1x8x8x128xf32, #tpu.memory_space<vmem>> -> memref<8x8x128xf32, #tpu.memory_space<vmem>>
      %gather3A_2704 = tpu.vector_load_idx %gather3A_2703[%add3A_2690, %and3A_242, %add3A_2631] : memref<8x8x128xf32, #tpu.memory_space<vmem>>[vector<16xi32>, vector<16xi32>, vector<16xi32>], vector<16xf32>,
      %mul3A_2705 = arith.mulf %gather3A_2697, %gather3A_2704 : vector<16xf32>
      %add3A_2706 = arith.addf %add3A_2687, %mul3A_2705 : vector<16xf32>
      %eq3A_2707 = arith.constant 10 : i32
      %eq3A_2708 = vector.broadcast %eq3A_2707 : i32 to vector<16xi32>
      %eq3A_2709 = arith.cmpi eq, %iota3A, %eq3A_2708 : vector<16xi32>
      %reduce_sum3A_2710 = arith.constant true
      %reduce_sum3A_2711 = vector.broadcast %reduce_sum3A_2710 : i1 to vector<16xi1>
      %reduce_sum3A_2712 = tpu.scan <sum>, %add3A_2706 masked %reduce_sum3A_2711 : vector<16xf32>, vector<16xi1> -> vector<16xf32>
      %reduce_sum3A_2713 = vector.extract %reduce_sum3A_2712[15] : f32 from vector<16xf32>
      %jit3A_2714 = arith.constant 0.000000e+00 : f32
      %broadcast_in_dim3A_2715 = vector.broadcast %reduce_sum3A_2713 : f32 to vector<16xf32>
      %broadcast_in_dim3A_2716 = vector.broadcast %jit3A_2714 : f32 to vector<16xf32>
      %select_n3A_2717 = arith.select %eq3A_2709, %broadcast_in_dim3A_2715, %broadcast_in_dim3A_2716 : vector<16xi1>, vector<16xf32>
      %add3A_2718 = arith.addf %add3A_2529, %select_n3A_2717 : vector<16xf32>
      %slice3A_2719 = vector.extract_strided_slice %get3A_501 {offsets = [14], sizes = [1], strides = [1]} : vector<16xi32> to vector<1xi32>
      %squeeze3A_2720 = vector.extract %slice3A_2719[0] : i32 from vector<1xi32>
      %shift_right_logical3A_2721 = arith.constant 7 : i32
      %shift_right_logical3A_2722 = arith.shrui %squeeze3A_2720, %shift_right_logical3A_2721 : i32
      %mul3A_2723 = arith.constant 128 : i32
      %mul3A_2724 = arith.muli %shift_right_logical3A_2722, %mul3A_2723 : i32
      %multiple_of3A_2725 = tpu.assume_multiple %mul3A_2724, 128 : i32
      %slice3A_2726 = vector.extract_strided_slice %get3A_544 {offsets = [14], sizes = [1], strides = [1]} : vector<16xi32> to vector<1xi32>
      %squeeze3A_2727 = vector.extract %slice3A_2726[0] : i32 from vector<1xi32>
      %shift_right_logical3A_2728 = arith.constant 7 : i32
      %shift_right_logical3A_2729 = arith.shrui %squeeze3A_2727, %shift_right_logical3A_2728 : i32
      %mul3A_2730 = arith.constant 128 : i32
      %mul3A_2731 = arith.muli %shift_right_logical3A_2729, %mul3A_2730 : i32
      %multiple_of3A_2732 = tpu.assume_multiple %mul3A_2731, 128 : i32
      %dma_start3A_2733 = arith.constant 2 : i32
      %dma_start3A_2734 = arith.constant 0 : i32
      %dma_start3A_2735 = arith.constant 0 : i32
      %dma_start3A_2736 = arith.constant 0 : i32
      %dma_start3A_2737 = tpu.memref_slice %arg11[%dma_start3A_2733, %dma_start3A_2734, %dma_start3A_2735, %dma_start3A_2736] : memref<4x8x8x128xf32, #tpu.memory_space<vmem>> -> memref<1x8x8x128xf32, #tpu.memory_space<vmem>>
      %dma_start3A_2738 = tpu.memref_squeeze %dma_start3A_2737 : memref<1x8x8x128xf32, #tpu.memory_space<vmem>> -> memref<8x8x128xf32, #tpu.memory_space<vmem>>
      %dma_start3A_2739 = arith.constant 0 : i32
      %dma_start3A_2740 = arith.constant 0 : i32
      %dma_start3A_2741 = tpu.memref_slice %arg2[%dma_start3A_2739, %dma_start3A_2740, %multiple_of3A_2725] : memref<8x8x1000000xf32, #tpu.memory_space<hbm>> -> memref<8x8x128xf32, #tpu.memory_space<hbm>>
      %dma_start3A_2742 = arith.constant 0 : i32
      %dma_start3A_2743 = arith.constant 0 : i32
      %dma_start3A_2744 = arith.constant 0 : i32
      %dma_start3A_2745 = tpu.memref_slice %arg11[%dma_start3A_2733, %dma_start3A_2742, %dma_start3A_2743, %dma_start3A_2744] : memref<4x8x8x128xf32, #tpu.memory_space<vmem>> -> memref<1x8x8x128xf32, #tpu.memory_space<vmem>>
      %dma_start3A_2746 = tpu.memref_squeeze %dma_start3A_2745 : memref<1x8x8x128xf32, #tpu.memory_space<vmem>> -> memref<8x8x128xf32, #tpu.memory_space<vmem>>
      %dma_start3A_2747 = arith.constant 0 : i32
      %dma_start3A_2748 = arith.constant 0 : i32
      %dma_start3A_2749 = tpu.memref_slice %arg2[%dma_start3A_2747, %dma_start3A_2748, %multiple_of3A_2725] : memref<8x8x1000000xf32, #tpu.memory_space<hbm>> -> memref<8x8x128xf32, #tpu.memory_space<hbm>>
      tpu.enqueue_dma source(%dma_start3A_2749 : memref<8x8x128xf32, #tpu.memory_space<hbm>>) target(%dma_start3A_2746 : memref<8x8x128xf32, #tpu.memory_space<vmem>>) target_semaphore(%arg19 : memref<!tpu.dma_semaphore, #tpu.memory_space<semaphore_mem>>)
      %dma_start3A_2750 = arith.constant 2 : i32
      %dma_start3A_2751 = arith.constant 0 : i32
      %dma_start3A_2752 = arith.constant 0 : i32
      %dma_start3A_2753 = arith.constant 0 : i32
      %dma_start3A_2754 = tpu.memref_slice %arg12[%dma_start3A_2750, %dma_start3A_2751, %dma_start3A_2752, %dma_start3A_2753] : memref<4x8x8x128xf32, #tpu.memory_space<vmem>> -> memref<1x8x8x128xf32, #tpu.memory_space<vmem>>
      %dma_start3A_2755 = tpu.memref_squeeze %dma_start3A_2754 : memref<1x8x8x128xf32, #tpu.memory_space<vmem>> -> memref<8x8x128xf32, #tpu.memory_space<vmem>>
      %dma_start3A_2756 = arith.constant 0 : i32
      %dma_start3A_2757 = arith.constant 0 : i32
      %dma_start3A_2758 = tpu.memref_slice %arg3[%dma_start3A_2756, %dma_start3A_2757, %multiple_of3A_2732] : memref<8x8x1000000xf32, #tpu.memory_space<hbm>> -> memref<8x8x128xf32, #tpu.memory_space<hbm>>
      %dma_start3A_2759 = arith.constant 0 : i32
      %dma_start3A_2760 = arith.constant 0 : i32
      %dma_start3A_2761 = arith.constant 0 : i32
      %dma_start3A_2762 = tpu.memref_slice %arg12[%dma_start3A_2750, %dma_start3A_2759, %dma_start3A_2760, %dma_start3A_2761] : memref<4x8x8x128xf32, #tpu.memory_space<vmem>> -> memref<1x8x8x128xf32, #tpu.memory_space<vmem>>
      %dma_start3A_2763 = tpu.memref_squeeze %dma_start3A_2762 : memref<1x8x8x128xf32, #tpu.memory_space<vmem>> -> memref<8x8x128xf32, #tpu.memory_space<vmem>>
      %dma_start3A_2764 = arith.constant 0 : i32
      %dma_start3A_2765 = arith.constant 0 : i32
      %dma_start3A_2766 = tpu.memref_slice %arg3[%dma_start3A_2764, %dma_start3A_2765, %multiple_of3A_2732] : memref<8x8x1000000xf32, #tpu.memory_space<hbm>> -> memref<8x8x128xf32, #tpu.memory_space<hbm>>
      tpu.enqueue_dma source(%dma_start3A_2766 : memref<8x8x128xf32, #tpu.memory_space<hbm>>) target(%dma_start3A_2763 : memref<8x8x128xf32, #tpu.memory_space<vmem>>) target_semaphore(%arg19 : memref<!tpu.dma_semaphore, #tpu.memory_space<semaphore_mem>>)
      %dma_wait3A_2767 = arith.constant 3 : i32
      %dma_wait3A_2768 = arith.constant 0 : i32
      %dma_wait3A_2769 = arith.constant 0 : i32
      %dma_wait3A_2770 = arith.constant 0 : i32
      %dma_wait3A_2771 = tpu.memref_slice %arg11[%dma_wait3A_2767, %dma_wait3A_2768, %dma_wait3A_2769, %dma_wait3A_2770] : memref<4x8x8x128xf32, #tpu.memory_space<vmem>> -> memref<1x8x8x128xf32, #tpu.memory_space<vmem>>
      %dma_wait3A_2772 = tpu.memref_squeeze %dma_wait3A_2771 : memref<1x8x8x128xf32, #tpu.memory_space<vmem>> -> memref<8x8x128xf32, #tpu.memory_space<vmem>>
      %dma_wait3A_2773 = arith.constant 0 : i32
      %dma_wait3A_2774 = arith.constant 0 : i32
      %dma_wait3A_2775 = arith.constant 0 : i32
      %dma_wait3A_2776 = tpu.memref_slice %arg2[%dma_wait3A_2773, %dma_wait3A_2774, %dma_wait3A_2775] : memref<8x8x1000000xf32, #tpu.memory_space<hbm>> -> memref<8x8x128xf32, #tpu.memory_space<hbm>>
      %dma_wait3A_2777 = arith.constant 0 : i32
      %dma_wait3A_2778 = arith.constant 0 : i32
      %dma_wait3A_2779 = arith.constant 0 : i32
      %dma_wait3A_2780 = tpu.memref_slice %arg11[%dma_wait3A_2767, %dma_wait3A_2777, %dma_wait3A_2778, %dma_wait3A_2779] : memref<4x8x8x128xf32, #tpu.memory_space<vmem>> -> memref<1x8x8x128xf32, #tpu.memory_space<vmem>>
      %dma_wait3A_2781 = tpu.memref_squeeze %dma_wait3A_2780 : memref<1x8x8x128xf32, #tpu.memory_space<vmem>> -> memref<8x8x128xf32, #tpu.memory_space<vmem>>
      %dma_wait3A_2782 = arith.constant 0 : i32
      %dma_wait3A_2783 = arith.constant 0 : i32
      %dma_wait3A_2784 = arith.constant 0 : i32
      %dma_wait3A_2785 = tpu.memref_slice %arg2[%dma_wait3A_2782, %dma_wait3A_2783, %dma_wait3A_2784] : memref<8x8x1000000xf32, #tpu.memory_space<hbm>> -> memref<8x8x128xf32, #tpu.memory_space<hbm>>
      tpu.wait_dma2 semaphore(%arg20 : memref<!tpu.dma_semaphore, #tpu.memory_space<semaphore_mem>>) src(%dma_wait3A_2785 : memref<8x8x128xf32, #tpu.memory_space<hbm>>) dst(%dma_wait3A_2781 : memref<8x8x128xf32, #tpu.memory_space<vmem>>)
      %dma_wait3A_2786 = arith.constant 3 : i32
      %dma_wait3A_2787 = arith.constant 0 : i32
      %dma_wait3A_2788 = arith.constant 0 : i32
      %dma_wait3A_2789 = arith.constant 0 : i32
      %dma_wait3A_2790 = tpu.memref_slice %arg12[%dma_wait3A_2786, %dma_wait3A_2787, %dma_wait3A_2788, %dma_wait3A_2789] : memref<4x8x8x128xf32, #tpu.memory_space<vmem>> -> memref<1x8x8x128xf32, #tpu.memory_space<vmem>>
      %dma_wait3A_2791 = tpu.memref_squeeze %dma_wait3A_2790 : memref<1x8x8x128xf32, #tpu.memory_space<vmem>> -> memref<8x8x128xf32, #tpu.memory_space<vmem>>
      %dma_wait3A_2792 = arith.constant 0 : i32
      %dma_wait3A_2793 = arith.constant 0 : i32
      %dma_wait3A_2794 = arith.constant 0 : i32
      %dma_wait3A_2795 = tpu.memref_slice %arg3[%dma_wait3A_2792, %dma_wait3A_2793, %dma_wait3A_2794] : memref<8x8x1000000xf32, #tpu.memory_space<hbm>> -> memref<8x8x128xf32, #tpu.memory_space<hbm>>
      %dma_wait3A_2796 = arith.constant 0 : i32
      %dma_wait3A_2797 = arith.constant 0 : i32
      %dma_wait3A_2798 = arith.constant 0 : i32
      %dma_wait3A_2799 = tpu.memref_slice %arg12[%dma_wait3A_2786, %dma_wait3A_2796, %dma_wait3A_2797, %dma_wait3A_2798] : memref<4x8x8x128xf32, #tpu.memory_space<vmem>> -> memref<1x8x8x128xf32, #tpu.memory_space<vmem>>
      %dma_wait3A_2800 = tpu.memref_squeeze %dma_wait3A_2799 : memref<1x8x8x128xf32, #tpu.memory_space<vmem>> -> memref<8x8x128xf32, #tpu.memory_space<vmem>>
      %dma_wait3A_2801 = arith.constant 0 : i32
      %dma_wait3A_2802 = arith.constant 0 : i32
      %dma_wait3A_2803 = arith.constant 0 : i32
      %dma_wait3A_2804 = tpu.memref_slice %arg3[%dma_wait3A_2801, %dma_wait3A_2802, %dma_wait3A_2803] : memref<8x8x1000000xf32, #tpu.memory_space<hbm>> -> memref<8x8x128xf32, #tpu.memory_space<hbm>>
      tpu.wait_dma2 semaphore(%arg20 : memref<!tpu.dma_semaphore, #tpu.memory_space<semaphore_mem>>) src(%dma_wait3A_2804 : memref<8x8x128xf32, #tpu.memory_space<hbm>>) dst(%dma_wait3A_2800 : memref<8x8x128xf32, #tpu.memory_space<vmem>>)
      %broadcast_in_dim3A_2805 = arith.constant 0 : i32
      %broadcast_in_dim3A_2806 = vector.broadcast %broadcast_in_dim3A_2805 : i32 to vector<16xi32>
      %slice3A_2807 = vector.extract_strided_slice %get3A_501 {offsets = [11], sizes = [1], strides = [1]} : vector<16xi32> to vector<1xi32>
      %squeeze3A_2808 = vector.extract %slice3A_2807[0] : i32 from vector<1xi32>
      %and3A_2809 = arith.constant 127 : i32
      %and3A_2810 = arith.andi %squeeze3A_2808, %and3A_2809 : i32
      %add3A_2811 = vector.broadcast %and3A_2810 : i32 to vector<16xi32>
      %add3A_2812 = arith.addi %broadcast_in_dim3A_2806, %add3A_2811 : vector<16xi32>
      %broadcast_in_dim3A_2813 = arith.constant 0 : i32
      %broadcast_in_dim3A_2814 = vector.broadcast %broadcast_in_dim3A_2813 : i32 to vector<16xi32>
      %slice3A_2815 = vector.extract_strided_slice %get3A_544 {offsets = [11], sizes = [1], strides = [1]} : vector<16xi32> to vector<1xi32>
      %squeeze3A_2816 = vector.extract %slice3A_2815[0] : i32 from vector<1xi32>
      %and3A_2817 = arith.constant 127 : i32
      %and3A_2818 = arith.andi %squeeze3A_2816, %and3A_2817 : i32
      %add3A_2819 = vector.broadcast %and3A_2818 : i32 to vector<16xi32>
      %add3A_2820 = arith.addi %broadcast_in_dim3A_2814, %add3A_2819 : vector<16xi32>
      %add3A_2821 = arith.constant 0 : i32
      %add3A_2822 = vector.broadcast %add3A_2821 : i32 to vector<16xi32>
      %add3A_2823 = arith.addi %shift_right_logical3A_244, %add3A_2822 : vector<16xi32>
      %gather3A_2824 = arith.constant 3 : i32
      %gather3A_2825 = arith.constant 0 : i32
      %gather3A_2826 = arith.constant 0 : i32
      %gather3A_2827 = arith.constant 0 : i32
      %gather3A_2828 = tpu.memref_slice %arg11[%gather3A_2824, %gather3A_2825, %gather3A_2826, %gather3A_2827] : memref<4x8x8x128xf32, #tpu.memory_space<vmem>> -> memref<1x8x8x128xf32, #tpu.memory_space<vmem>>
      %gather3A_2829 = tpu.memref_squeeze %gather3A_2828 : memref<1x8x8x128xf32, #tpu.memory_space<vmem>> -> memref<8x8x128xf32, #tpu.memory_space<vmem>>
      %gather3A_2830 = tpu.vector_load_idx %gather3A_2829[%add3A_2823, %and3A_242, %add3A_2812] : memref<8x8x128xf32, #tpu.memory_space<vmem>>[vector<16xi32>, vector<16xi32>, vector<16xi32>], vector<16xf32>,
      %gather3A_2831 = arith.constant 3 : i32
      %gather3A_2832 = arith.constant 0 : i32
      %gather3A_2833 = arith.constant 0 : i32
      %gather3A_2834 = arith.constant 0 : i32
      %gather3A_2835 = tpu.memref_slice %arg12[%gather3A_2831, %gather3A_2832, %gather3A_2833, %gather3A_2834] : memref<4x8x8x128xf32, #tpu.memory_space<vmem>> -> memref<1x8x8x128xf32, #tpu.memory_space<vmem>>
      %gather3A_2836 = tpu.memref_squeeze %gather3A_2835 : memref<1x8x8x128xf32, #tpu.memory_space<vmem>> -> memref<8x8x128xf32, #tpu.memory_space<vmem>>
      %gather3A_2837 = tpu.vector_load_idx %gather3A_2836[%add3A_2823, %and3A_242, %add3A_2820] : memref<8x8x128xf32, #tpu.memory_space<vmem>>[vector<16xi32>, vector<16xi32>, vector<16xi32>], vector<16xf32>,
      %mul3A_2838 = arith.mulf %gather3A_2830, %gather3A_2837 : vector<16xf32>
      %add3A_2839 = arith.constant 2 : i32
      %add3A_2840 = vector.broadcast %add3A_2839 : i32 to vector<16xi32>
      %add3A_2841 = arith.addi %shift_right_logical3A_244, %add3A_2840 : vector<16xi32>
      %gather3A_2842 = arith.constant 3 : i32
      %gather3A_2843 = arith.constant 0 : i32
      %gather3A_2844 = arith.constant 0 : i32
      %gather3A_2845 = arith.constant 0 : i32
      %gather3A_2846 = tpu.memref_slice %arg11[%gather3A_2842, %gather3A_2843, %gather3A_2844, %gather3A_2845] : memref<4x8x8x128xf32, #tpu.memory_space<vmem>> -> memref<1x8x8x128xf32, #tpu.memory_space<vmem>>
      %gather3A_2847 = tpu.memref_squeeze %gather3A_2846 : memref<1x8x8x128xf32, #tpu.memory_space<vmem>> -> memref<8x8x128xf32, #tpu.memory_space<vmem>>
      %gather3A_2848 = tpu.vector_load_idx %gather3A_2847[%add3A_2841, %and3A_242, %add3A_2812] : memref<8x8x128xf32, #tpu.memory_space<vmem>>[vector<16xi32>, vector<16xi32>, vector<16xi32>], vector<16xf32>,
      %gather3A_2849 = arith.constant 3 : i32
      %gather3A_2850 = arith.constant 0 : i32
      %gather3A_2851 = arith.constant 0 : i32
      %gather3A_2852 = arith.constant 0 : i32
      %gather3A_2853 = tpu.memref_slice %arg12[%gather3A_2849, %gather3A_2850, %gather3A_2851, %gather3A_2852] : memref<4x8x8x128xf32, #tpu.memory_space<vmem>> -> memref<1x8x8x128xf32, #tpu.memory_space<vmem>>
      %gather3A_2854 = tpu.memref_squeeze %gather3A_2853 : memref<1x8x8x128xf32, #tpu.memory_space<vmem>> -> memref<8x8x128xf32, #tpu.memory_space<vmem>>
      %gather3A_2855 = tpu.vector_load_idx %gather3A_2854[%add3A_2841, %and3A_242, %add3A_2820] : memref<8x8x128xf32, #tpu.memory_space<vmem>>[vector<16xi32>, vector<16xi32>, vector<16xi32>], vector<16xf32>,
      %mul3A_2856 = arith.mulf %gather3A_2848, %gather3A_2855 : vector<16xf32>
      %add3A_2857 = arith.addf %mul3A_2838, %mul3A_2856 : vector<16xf32>
      %add3A_2858 = arith.constant 4 : i32
      %add3A_2859 = vector.broadcast %add3A_2858 : i32 to vector<16xi32>
      %add3A_2860 = arith.addi %shift_right_logical3A_244, %add3A_2859 : vector<16xi32>
      %gather3A_2861 = arith.constant 3 : i32
      %gather3A_2862 = arith.constant 0 : i32
      %gather3A_2863 = arith.constant 0 : i32
      %gather3A_2864 = arith.constant 0 : i32
      %gather3A_2865 = tpu.memref_slice %arg11[%gather3A_2861, %gather3A_2862, %gather3A_2863, %gather3A_2864] : memref<4x8x8x128xf32, #tpu.memory_space<vmem>> -> memref<1x8x8x128xf32, #tpu.memory_space<vmem>>
      %gather3A_2866 = tpu.memref_squeeze %gather3A_2865 : memref<1x8x8x128xf32, #tpu.memory_space<vmem>> -> memref<8x8x128xf32, #tpu.memory_space<vmem>>
      %gather3A_2867 = tpu.vector_load_idx %gather3A_2866[%add3A_2860, %and3A_242, %add3A_2812] : memref<8x8x128xf32, #tpu.memory_space<vmem>>[vector<16xi32>, vector<16xi32>, vector<16xi32>], vector<16xf32>,
      %gather3A_2868 = arith.constant 3 : i32
      %gather3A_2869 = arith.constant 0 : i32
      %gather3A_2870 = arith.constant 0 : i32
      %gather3A_2871 = arith.constant 0 : i32
      %gather3A_2872 = tpu.memref_slice %arg12[%gather3A_2868, %gather3A_2869, %gather3A_2870, %gather3A_2871] : memref<4x8x8x128xf32, #tpu.memory_space<vmem>> -> memref<1x8x8x128xf32, #tpu.memory_space<vmem>>
      %gather3A_2873 = tpu.memref_squeeze %gather3A_2872 : memref<1x8x8x128xf32, #tpu.memory_space<vmem>> -> memref<8x8x128xf32, #tpu.memory_space<vmem>>
      %gather3A_2874 = tpu.vector_load_idx %gather3A_2873[%add3A_2860, %and3A_242, %add3A_2820] : memref<8x8x128xf32, #tpu.memory_space<vmem>>[vector<16xi32>, vector<16xi32>, vector<16xi32>], vector<16xf32>,
      %mul3A_2875 = arith.mulf %gather3A_2867, %gather3A_2874 : vector<16xf32>
      %add3A_2876 = arith.addf %add3A_2857, %mul3A_2875 : vector<16xf32>
      %add3A_2877 = arith.constant 6 : i32
      %add3A_2878 = vector.broadcast %add3A_2877 : i32 to vector<16xi32>
      %add3A_2879 = arith.addi %shift_right_logical3A_244, %add3A_2878 : vector<16xi32>
      %gather3A_2880 = arith.constant 3 : i32
      %gather3A_2881 = arith.constant 0 : i32
      %gather3A_2882 = arith.constant 0 : i32
      %gather3A_2883 = arith.constant 0 : i32
      %gather3A_2884 = tpu.memref_slice %arg11[%gather3A_2880, %gather3A_2881, %gather3A_2882, %gather3A_2883] : memref<4x8x8x128xf32, #tpu.memory_space<vmem>> -> memref<1x8x8x128xf32, #tpu.memory_space<vmem>>
      %gather3A_2885 = tpu.memref_squeeze %gather3A_2884 : memref<1x8x8x128xf32, #tpu.memory_space<vmem>> -> memref<8x8x128xf32, #tpu.memory_space<vmem>>
      %gather3A_2886 = tpu.vector_load_idx %gather3A_2885[%add3A_2879, %and3A_242, %add3A_2812] : memref<8x8x128xf32, #tpu.memory_space<vmem>>[vector<16xi32>, vector<16xi32>, vector<16xi32>], vector<16xf32>,
      %gather3A_2887 = arith.constant 3 : i32
      %gather3A_2888 = arith.constant 0 : i32
      %gather3A_2889 = arith.constant 0 : i32
      %gather3A_2890 = arith.constant 0 : i32
      %gather3A_2891 = tpu.memref_slice %arg12[%gather3A_2887, %gather3A_2888, %gather3A_2889, %gather3A_2890] : memref<4x8x8x128xf32, #tpu.memory_space<vmem>> -> memref<1x8x8x128xf32, #tpu.memory_space<vmem>>
      %gather3A_2892 = tpu.memref_squeeze %gather3A_2891 : memref<1x8x8x128xf32, #tpu.memory_space<vmem>> -> memref<8x8x128xf32, #tpu.memory_space<vmem>>
      %gather3A_2893 = tpu.vector_load_idx %gather3A_2892[%add3A_2879, %and3A_242, %add3A_2820] : memref<8x8x128xf32, #tpu.memory_space<vmem>>[vector<16xi32>, vector<16xi32>, vector<16xi32>], vector<16xf32>,
      %mul3A_2894 = arith.mulf %gather3A_2886, %gather3A_2893 : vector<16xf32>
      %add3A_2895 = arith.addf %add3A_2876, %mul3A_2894 : vector<16xf32>
      %eq3A_2896 = arith.constant 11 : i32
      %eq3A_2897 = vector.broadcast %eq3A_2896 : i32 to vector<16xi32>
      %eq3A_2898 = arith.cmpi eq, %iota3A, %eq3A_2897 : vector<16xi32>
      %reduce_sum3A_2899 = arith.constant true
      %reduce_sum3A_2900 = vector.broadcast %reduce_sum3A_2899 : i1 to vector<16xi1>
      %reduce_sum3A_2901 = tpu.scan <sum>, %add3A_2895 masked %reduce_sum3A_2900 : vector<16xf32>, vector<16xi1> -> vector<16xf32>
      %reduce_sum3A_2902 = vector.extract %reduce_sum3A_2901[15] : f32 from vector<16xf32>
      %jit3A_2903 = arith.constant 0.000000e+00 : f32
      %broadcast_in_dim3A_2904 = vector.broadcast %reduce_sum3A_2902 : f32 to vector<16xf32>
      %broadcast_in_dim3A_2905 = vector.broadcast %jit3A_2903 : f32 to vector<16xf32>
      %select_n3A_2906 = arith.select %eq3A_2898, %broadcast_in_dim3A_2904, %broadcast_in_dim3A_2905 : vector<16xi1>, vector<16xf32>
      %add3A_2907 = arith.addf %add3A_2718, %select_n3A_2906 : vector<16xf32>
      %slice3A_2908 = vector.extract_strided_slice %get3A_501 {offsets = [15], sizes = [1], strides = [1]} : vector<16xi32> to vector<1xi32>
      %squeeze3A_2909 = vector.extract %slice3A_2908[0] : i32 from vector<1xi32>
      %shift_right_logical3A_2910 = arith.constant 7 : i32
      %shift_right_logical3A_2911 = arith.shrui %squeeze3A_2909, %shift_right_logical3A_2910 : i32
      %mul3A_2912 = arith.constant 128 : i32
      %mul3A_2913 = arith.muli %shift_right_logical3A_2911, %mul3A_2912 : i32
      %multiple_of3A_2914 = tpu.assume_multiple %mul3A_2913, 128 : i32
      %slice3A_2915 = vector.extract_strided_slice %get3A_544 {offsets = [15], sizes = [1], strides = [1]} : vector<16xi32> to vector<1xi32>
      %squeeze3A_2916 = vector.extract %slice3A_2915[0] : i32 from vector<1xi32>
      %shift_right_logical3A_2917 = arith.constant 7 : i32
      %shift_right_logical3A_2918 = arith.shrui %squeeze3A_2916, %shift_right_logical3A_2917 : i32
      %mul3A_2919 = arith.constant 128 : i32
      %mul3A_2920 = arith.muli %shift_right_logical3A_2918, %mul3A_2919 : i32
      %multiple_of3A_2921 = tpu.assume_multiple %mul3A_2920, 128 : i32
      %dma_start3A_2922 = arith.constant 3 : i32
      %dma_start3A_2923 = arith.constant 0 : i32
      %dma_start3A_2924 = arith.constant 0 : i32
      %dma_start3A_2925 = arith.constant 0 : i32
      %dma_start3A_2926 = tpu.memref_slice %arg11[%dma_start3A_2922, %dma_start3A_2923, %dma_start3A_2924, %dma_start3A_2925] : memref<4x8x8x128xf32, #tpu.memory_space<vmem>> -> memref<1x8x8x128xf32, #tpu.memory_space<vmem>>
      %dma_start3A_2927 = tpu.memref_squeeze %dma_start3A_2926 : memref<1x8x8x128xf32, #tpu.memory_space<vmem>> -> memref<8x8x128xf32, #tpu.memory_space<vmem>>
      %dma_start3A_2928 = arith.constant 0 : i32
      %dma_start3A_2929 = arith.constant 0 : i32
      %dma_start3A_2930 = tpu.memref_slice %arg2[%dma_start3A_2928, %dma_start3A_2929, %multiple_of3A_2914] : memref<8x8x1000000xf32, #tpu.memory_space<hbm>> -> memref<8x8x128xf32, #tpu.memory_space<hbm>>
      %dma_start3A_2931 = arith.constant 0 : i32
      %dma_start3A_2932 = arith.constant 0 : i32
      %dma_start3A_2933 = arith.constant 0 : i32
      %dma_start3A_2934 = tpu.memref_slice %arg11[%dma_start3A_2922, %dma_start3A_2931, %dma_start3A_2932, %dma_start3A_2933] : memref<4x8x8x128xf32, #tpu.memory_space<vmem>> -> memref<1x8x8x128xf32, #tpu.memory_space<vmem>>
      %dma_start3A_2935 = tpu.memref_squeeze %dma_start3A_2934 : memref<1x8x8x128xf32, #tpu.memory_space<vmem>> -> memref<8x8x128xf32, #tpu.memory_space<vmem>>
      %dma_start3A_2936 = arith.constant 0 : i32
      %dma_start3A_2937 = arith.constant 0 : i32
      %dma_start3A_2938 = tpu.memref_slice %arg2[%dma_start3A_2936, %dma_start3A_2937, %multiple_of3A_2914] : memref<8x8x1000000xf32, #tpu.memory_space<hbm>> -> memref<8x8x128xf32, #tpu.memory_space<hbm>>
      tpu.enqueue_dma source(%dma_start3A_2938 : memref<8x8x128xf32, #tpu.memory_space<hbm>>) target(%dma_start3A_2935 : memref<8x8x128xf32, #tpu.memory_space<vmem>>) target_semaphore(%arg20 : memref<!tpu.dma_semaphore, #tpu.memory_space<semaphore_mem>>)
      %dma_start3A_2939 = arith.constant 3 : i32
      %dma_start3A_2940 = arith.constant 0 : i32
      %dma_start3A_2941 = arith.constant 0 : i32
      %dma_start3A_2942 = arith.constant 0 : i32
      %dma_start3A_2943 = tpu.memref_slice %arg12[%dma_start3A_2939, %dma_start3A_2940, %dma_start3A_2941, %dma_start3A_2942] : memref<4x8x8x128xf32, #tpu.memory_space<vmem>> -> memref<1x8x8x128xf32, #tpu.memory_space<vmem>>
      %dma_start3A_2944 = tpu.memref_squeeze %dma_start3A_2943 : memref<1x8x8x128xf32, #tpu.memory_space<vmem>> -> memref<8x8x128xf32, #tpu.memory_space<vmem>>
      %dma_start3A_2945 = arith.constant 0 : i32
      %dma_start3A_2946 = arith.constant 0 : i32
      %dma_start3A_2947 = tpu.memref_slice %arg3[%dma_start3A_2945, %dma_start3A_2946, %multiple_of3A_2921] : memref<8x8x1000000xf32, #tpu.memory_space<hbm>> -> memref<8x8x128xf32, #tpu.memory_space<hbm>>
      %dma_start3A_2948 = arith.constant 0 : i32
      %dma_start3A_2949 = arith.constant 0 : i32
      %dma_start3A_2950 = arith.constant 0 : i32
      %dma_start3A_2951 = tpu.memref_slice %arg12[%dma_start3A_2939, %dma_start3A_2948, %dma_start3A_2949, %dma_start3A_2950] : memref<4x8x8x128xf32, #tpu.memory_space<vmem>> -> memref<1x8x8x128xf32, #tpu.memory_space<vmem>>
      %dma_start3A_2952 = tpu.memref_squeeze %dma_start3A_2951 : memref<1x8x8x128xf32, #tpu.memory_space<vmem>> -> memref<8x8x128xf32, #tpu.memory_space<vmem>>
      %dma_start3A_2953 = arith.constant 0 : i32
      %dma_start3A_2954 = arith.constant 0 : i32
      %dma_start3A_2955 = tpu.memref_slice %arg3[%dma_start3A_2953, %dma_start3A_2954, %multiple_of3A_2921] : memref<8x8x1000000xf32, #tpu.memory_space<hbm>> -> memref<8x8x128xf32, #tpu.memory_space<hbm>>
      tpu.enqueue_dma source(%dma_start3A_2955 : memref<8x8x128xf32, #tpu.memory_space<hbm>>) target(%dma_start3A_2952 : memref<8x8x128xf32, #tpu.memory_space<vmem>>) target_semaphore(%arg20 : memref<!tpu.dma_semaphore, #tpu.memory_space<semaphore_mem>>)
      %dma_wait3A_2956 = arith.constant 0 : i32
      %dma_wait3A_2957 = arith.constant 0 : i32
      %dma_wait3A_2958 = arith.constant 0 : i32
      %dma_wait3A_2959 = arith.constant 0 : i32
      %dma_wait3A_2960 = tpu.memref_slice %arg11[%dma_wait3A_2956, %dma_wait3A_2957, %dma_wait3A_2958, %dma_wait3A_2959] : memref<4x8x8x128xf32, #tpu.memory_space<vmem>> -> memref<1x8x8x128xf32, #tpu.memory_space<vmem>>
      %dma_wait3A_2961 = tpu.memref_squeeze %dma_wait3A_2960 : memref<1x8x8x128xf32, #tpu.memory_space<vmem>> -> memref<8x8x128xf32, #tpu.memory_space<vmem>>
      %dma_wait3A_2962 = arith.constant 0 : i32
      %dma_wait3A_2963 = arith.constant 0 : i32
      %dma_wait3A_2964 = arith.constant 0 : i32
      %dma_wait3A_2965 = tpu.memref_slice %arg2[%dma_wait3A_2962, %dma_wait3A_2963, %dma_wait3A_2964] : memref<8x8x1000000xf32, #tpu.memory_space<hbm>> -> memref<8x8x128xf32, #tpu.memory_space<hbm>>
      %dma_wait3A_2966 = arith.constant 0 : i32
      %dma_wait3A_2967 = arith.constant 0 : i32
      %dma_wait3A_2968 = arith.constant 0 : i32
      %dma_wait3A_2969 = tpu.memref_slice %arg11[%dma_wait3A_2956, %dma_wait3A_2966, %dma_wait3A_2967, %dma_wait3A_2968] : memref<4x8x8x128xf32, #tpu.memory_space<vmem>> -> memref<1x8x8x128xf32, #tpu.memory_space<vmem>>
      %dma_wait3A_2970 = tpu.memref_squeeze %dma_wait3A_2969 : memref<1x8x8x128xf32, #tpu.memory_space<vmem>> -> memref<8x8x128xf32, #tpu.memory_space<vmem>>
      %dma_wait3A_2971 = arith.constant 0 : i32
      %dma_wait3A_2972 = arith.constant 0 : i32
      %dma_wait3A_2973 = arith.constant 0 : i32
      %dma_wait3A_2974 = tpu.memref_slice %arg2[%dma_wait3A_2971, %dma_wait3A_2972, %dma_wait3A_2973] : memref<8x8x1000000xf32, #tpu.memory_space<hbm>> -> memref<8x8x128xf32, #tpu.memory_space<hbm>>
      tpu.wait_dma2 semaphore(%arg17 : memref<!tpu.dma_semaphore, #tpu.memory_space<semaphore_mem>>) src(%dma_wait3A_2974 : memref<8x8x128xf32, #tpu.memory_space<hbm>>) dst(%dma_wait3A_2970 : memref<8x8x128xf32, #tpu.memory_space<vmem>>)
      %dma_wait3A_2975 = arith.constant 0 : i32
      %dma_wait3A_2976 = arith.constant 0 : i32
      %dma_wait3A_2977 = arith.constant 0 : i32
      %dma_wait3A_2978 = arith.constant 0 : i32
      %dma_wait3A_2979 = tpu.memref_slice %arg12[%dma_wait3A_2975, %dma_wait3A_2976, %dma_wait3A_2977, %dma_wait3A_2978] : memref<4x8x8x128xf32, #tpu.memory_space<vmem>> -> memref<1x8x8x128xf32, #tpu.memory_space<vmem>>
      %dma_wait3A_2980 = tpu.memref_squeeze %dma_wait3A_2979 : memref<1x8x8x128xf32, #tpu.memory_space<vmem>> -> memref<8x8x128xf32, #tpu.memory_space<vmem>>
      %dma_wait3A_2981 = arith.constant 0 : i32
      %dma_wait3A_2982 = arith.constant 0 : i32
      %dma_wait3A_2983 = arith.constant 0 : i32
      %dma_wait3A_2984 = tpu.memref_slice %arg3[%dma_wait3A_2981, %dma_wait3A_2982, %dma_wait3A_2983] : memref<8x8x1000000xf32, #tpu.memory_space<hbm>> -> memref<8x8x128xf32, #tpu.memory_space<hbm>>
      %dma_wait3A_2985 = arith.constant 0 : i32
      %dma_wait3A_2986 = arith.constant 0 : i32
      %dma_wait3A_2987 = arith.constant 0 : i32
      %dma_wait3A_2988 = tpu.memref_slice %arg12[%dma_wait3A_2975, %dma_wait3A_2985, %dma_wait3A_2986, %dma_wait3A_2987] : memref<4x8x8x128xf32, #tpu.memory_space<vmem>> -> memref<1x8x8x128xf32, #tpu.memory_space<vmem>>
      %dma_wait3A_2989 = tpu.memref_squeeze %dma_wait3A_2988 : memref<1x8x8x128xf32, #tpu.memory_space<vmem>> -> memref<8x8x128xf32, #tpu.memory_space<vmem>>
      %dma_wait3A_2990 = arith.constant 0 : i32
      %dma_wait3A_2991 = arith.constant 0 : i32
      %dma_wait3A_2992 = arith.constant 0 : i32
      %dma_wait3A_2993 = tpu.memref_slice %arg3[%dma_wait3A_2990, %dma_wait3A_2991, %dma_wait3A_2992] : memref<8x8x1000000xf32, #tpu.memory_space<hbm>> -> memref<8x8x128xf32, #tpu.memory_space<hbm>>
      tpu.wait_dma2 semaphore(%arg17 : memref<!tpu.dma_semaphore, #tpu.memory_space<semaphore_mem>>) src(%dma_wait3A_2993 : memref<8x8x128xf32, #tpu.memory_space<hbm>>) dst(%dma_wait3A_2989 : memref<8x8x128xf32, #tpu.memory_space<vmem>>)
      %broadcast_in_dim3A_2994 = arith.constant 0 : i32
      %broadcast_in_dim3A_2995 = vector.broadcast %broadcast_in_dim3A_2994 : i32 to vector<16xi32>
      %slice3A_2996 = vector.extract_strided_slice %get3A_501 {offsets = [12], sizes = [1], strides = [1]} : vector<16xi32> to vector<1xi32>
      %squeeze3A_2997 = vector.extract %slice3A_2996[0] : i32 from vector<1xi32>
      %and3A_2998 = arith.constant 127 : i32
      %and3A_2999 = arith.andi %squeeze3A_2997, %and3A_2998 : i32
      %add3A_3000 = vector.broadcast %and3A_2999 : i32 to vector<16xi32>
      %add3A_3001 = arith.addi %broadcast_in_dim3A_2995, %add3A_3000 : vector<16xi32>
      %broadcast_in_dim3A_3002 = arith.constant 0 : i32
      %broadcast_in_dim3A_3003 = vector.broadcast %broadcast_in_dim3A_3002 : i32 to vector<16xi32>
      %slice3A_3004 = vector.extract_strided_slice %get3A_544 {offsets = [12], sizes = [1], strides = [1]} : vector<16xi32> to vector<1xi32>
      %squeeze3A_3005 = vector.extract %slice3A_3004[0] : i32 from vector<1xi32>
      %and3A_3006 = arith.constant 127 : i32
      %and3A_3007 = arith.andi %squeeze3A_3005, %and3A_3006 : i32
      %add3A_3008 = vector.broadcast %and3A_3007 : i32 to vector<16xi32>
      %add3A_3009 = arith.addi %broadcast_in_dim3A_3003, %add3A_3008 : vector<16xi32>
      %add3A_3010 = arith.constant 0 : i32
      %add3A_3011 = vector.broadcast %add3A_3010 : i32 to vector<16xi32>
      %add3A_3012 = arith.addi %shift_right_logical3A_244, %add3A_3011 : vector<16xi32>
      %gather3A_3013 = arith.constant 0 : i32
      %gather3A_3014 = arith.constant 0 : i32
      %gather3A_3015 = arith.constant 0 : i32
      %gather3A_3016 = arith.constant 0 : i32
      %gather3A_3017 = tpu.memref_slice %arg11[%gather3A_3013, %gather3A_3014, %gather3A_3015, %gather3A_3016] : memref<4x8x8x128xf32, #tpu.memory_space<vmem>> -> memref<1x8x8x128xf32, #tpu.memory_space<vmem>>
      %gather3A_3018 = tpu.memref_squeeze %gather3A_3017 : memref<1x8x8x128xf32, #tpu.memory_space<vmem>> -> memref<8x8x128xf32, #tpu.memory_space<vmem>>
      %gather3A_3019 = tpu.vector_load_idx %gather3A_3018[%add3A_3012, %and3A_242, %add3A_3001] : memref<8x8x128xf32, #tpu.memory_space<vmem>>[vector<16xi32>, vector<16xi32>, vector<16xi32>], vector<16xf32>,
      %gather3A_3020 = arith.constant 0 : i32
      %gather3A_3021 = arith.constant 0 : i32
      %gather3A_3022 = arith.constant 0 : i32
      %gather3A_3023 = arith.constant 0 : i32
      %gather3A_3024 = tpu.memref_slice %arg12[%gather3A_3020, %gather3A_3021, %gather3A_3022, %gather3A_3023] : memref<4x8x8x128xf32, #tpu.memory_space<vmem>> -> memref<1x8x8x128xf32, #tpu.memory_space<vmem>>
      %gather3A_3025 = tpu.memref_squeeze %gather3A_3024 : memref<1x8x8x128xf32, #tpu.memory_space<vmem>> -> memref<8x8x128xf32, #tpu.memory_space<vmem>>
      %gather3A_3026 = tpu.vector_load_idx %gather3A_3025[%add3A_3012, %and3A_242, %add3A_3009] : memref<8x8x128xf32, #tpu.memory_space<vmem>>[vector<16xi32>, vector<16xi32>, vector<16xi32>], vector<16xf32>,
      %mul3A_3027 = arith.mulf %gather3A_3019, %gather3A_3026 : vector<16xf32>
      %add3A_3028 = arith.constant 2 : i32
      %add3A_3029 = vector.broadcast %add3A_3028 : i32 to vector<16xi32>
      %add3A_3030 = arith.addi %shift_right_logical3A_244, %add3A_3029 : vector<16xi32>
      %gather3A_3031 = arith.constant 0 : i32
      %gather3A_3032 = arith.constant 0 : i32
      %gather3A_3033 = arith.constant 0 : i32
      %gather3A_3034 = arith.constant 0 : i32
      %gather3A_3035 = tpu.memref_slice %arg11[%gather3A_3031, %gather3A_3032, %gather3A_3033, %gather3A_3034] : memref<4x8x8x128xf32, #tpu.memory_space<vmem>> -> memref<1x8x8x128xf32, #tpu.memory_space<vmem>>
      %gather3A_3036 = tpu.memref_squeeze %gather3A_3035 : memref<1x8x8x128xf32, #tpu.memory_space<vmem>> -> memref<8x8x128xf32, #tpu.memory_space<vmem>>
      %gather3A_3037 = tpu.vector_load_idx %gather3A_3036[%add3A_3030, %and3A_242, %add3A_3001] : memref<8x8x128xf32, #tpu.memory_space<vmem>>[vector<16xi32>, vector<16xi32>, vector<16xi32>], vector<16xf32>,
      %gather3A_3038 = arith.constant 0 : i32
      %gather3A_3039 = arith.constant 0 : i32
      %gather3A_3040 = arith.constant 0 : i32
      %gather3A_3041 = arith.constant 0 : i32
      %gather3A_3042 = tpu.memref_slice %arg12[%gather3A_3038, %gather3A_3039, %gather3A_3040, %gather3A_3041] : memref<4x8x8x128xf32, #tpu.memory_space<vmem>> -> memref<1x8x8x128xf32, #tpu.memory_space<vmem>>
      %gather3A_3043 = tpu.memref_squeeze %gather3A_3042 : memref<1x8x8x128xf32, #tpu.memory_space<vmem>> -> memref<8x8x128xf32, #tpu.memory_space<vmem>>
      %gather3A_3044 = tpu.vector_load_idx %gather3A_3043[%add3A_3030, %and3A_242, %add3A_3009] : memref<8x8x128xf32, #tpu.memory_space<vmem>>[vector<16xi32>, vector<16xi32>, vector<16xi32>], vector<16xf32>,
      %mul3A_3045 = arith.mulf %gather3A_3037, %gather3A_3044 : vector<16xf32>
      %add3A_3046 = arith.addf %mul3A_3027, %mul3A_3045 : vector<16xf32>
      %add3A_3047 = arith.constant 4 : i32
      %add3A_3048 = vector.broadcast %add3A_3047 : i32 to vector<16xi32>
      %add3A_3049 = arith.addi %shift_right_logical3A_244, %add3A_3048 : vector<16xi32>
      %gather3A_3050 = arith.constant 0 : i32
      %gather3A_3051 = arith.constant 0 : i32
      %gather3A_3052 = arith.constant 0 : i32
      %gather3A_3053 = arith.constant 0 : i32
      %gather3A_3054 = tpu.memref_slice %arg11[%gather3A_3050, %gather3A_3051, %gather3A_3052, %gather3A_3053] : memref<4x8x8x128xf32, #tpu.memory_space<vmem>> -> memref<1x8x8x128xf32, #tpu.memory_space<vmem>>
      %gather3A_3055 = tpu.memref_squeeze %gather3A_3054 : memref<1x8x8x128xf32, #tpu.memory_space<vmem>> -> memref<8x8x128xf32, #tpu.memory_space<vmem>>
      %gather3A_3056 = tpu.vector_load_idx %gather3A_3055[%add3A_3049, %and3A_242, %add3A_3001] : memref<8x8x128xf32, #tpu.memory_space<vmem>>[vector<16xi32>, vector<16xi32>, vector<16xi32>], vector<16xf32>,
      %gather3A_3057 = arith.constant 0 : i32
      %gather3A_3058 = arith.constant 0 : i32
      %gather3A_3059 = arith.constant 0 : i32
      %gather3A_3060 = arith.constant 0 : i32
      %gather3A_3061 = tpu.memref_slice %arg12[%gather3A_3057, %gather3A_3058, %gather3A_3059, %gather3A_3060] : memref<4x8x8x128xf32, #tpu.memory_space<vmem>> -> memref<1x8x8x128xf32, #tpu.memory_space<vmem>>
      %gather3A_3062 = tpu.memref_squeeze %gather3A_3061 : memref<1x8x8x128xf32, #tpu.memory_space<vmem>> -> memref<8x8x128xf32, #tpu.memory_space<vmem>>
      %gather3A_3063 = tpu.vector_load_idx %gather3A_3062[%add3A_3049, %and3A_242, %add3A_3009] : memref<8x8x128xf32, #tpu.memory_space<vmem>>[vector<16xi32>, vector<16xi32>, vector<16xi32>], vector<16xf32>,
      %mul3A_3064 = arith.mulf %gather3A_3056, %gather3A_3063 : vector<16xf32>
      %add3A_3065 = arith.addf %add3A_3046, %mul3A_3064 : vector<16xf32>
      %add3A_3066 = arith.constant 6 : i32
      %add3A_3067 = vector.broadcast %add3A_3066 : i32 to vector<16xi32>
      %add3A_3068 = arith.addi %shift_right_logical3A_244, %add3A_3067 : vector<16xi32>
      %gather3A_3069 = arith.constant 0 : i32
      %gather3A_3070 = arith.constant 0 : i32
      %gather3A_3071 = arith.constant 0 : i32
      %gather3A_3072 = arith.constant 0 : i32
      %gather3A_3073 = tpu.memref_slice %arg11[%gather3A_3069, %gather3A_3070, %gather3A_3071, %gather3A_3072] : memref<4x8x8x128xf32, #tpu.memory_space<vmem>> -> memref<1x8x8x128xf32, #tpu.memory_space<vmem>>
      %gather3A_3074 = tpu.memref_squeeze %gather3A_3073 : memref<1x8x8x128xf32, #tpu.memory_space<vmem>> -> memref<8x8x128xf32, #tpu.memory_space<vmem>>
      %gather3A_3075 = tpu.vector_load_idx %gather3A_3074[%add3A_3068, %and3A_242, %add3A_3001] : memref<8x8x128xf32, #tpu.memory_space<vmem>>[vector<16xi32>, vector<16xi32>, vector<16xi32>], vector<16xf32>,
      %gather3A_3076 = arith.constant 0 : i32
      %gather3A_3077 = arith.constant 0 : i32
      %gather3A_3078 = arith.constant 0 : i32
      %gather3A_3079 = arith.constant 0 : i32
      %gather3A_3080 = tpu.memref_slice %arg12[%gather3A_3076, %gather3A_3077, %gather3A_3078, %gather3A_3079] : memref<4x8x8x128xf32, #tpu.memory_space<vmem>> -> memref<1x8x8x128xf32, #tpu.memory_space<vmem>>
      %gather3A_3081 = tpu.memref_squeeze %gather3A_3080 : memref<1x8x8x128xf32, #tpu.memory_space<vmem>> -> memref<8x8x128xf32, #tpu.memory_space<vmem>>
      %gather3A_3082 = tpu.vector_load_idx %gather3A_3081[%add3A_3068, %and3A_242, %add3A_3009] : memref<8x8x128xf32, #tpu.memory_space<vmem>>[vector<16xi32>, vector<16xi32>, vector<16xi32>], vector<16xf32>,
      %mul3A_3083 = arith.mulf %gather3A_3075, %gather3A_3082 : vector<16xf32>
      %add3A_3084 = arith.addf %add3A_3065, %mul3A_3083 : vector<16xf32>
      %eq3A_3085 = arith.constant 12 : i32
      %eq3A_3086 = vector.broadcast %eq3A_3085 : i32 to vector<16xi32>
      %eq3A_3087 = arith.cmpi eq, %iota3A, %eq3A_3086 : vector<16xi32>
      %reduce_sum3A_3088 = arith.constant true
      %reduce_sum3A_3089 = vector.broadcast %reduce_sum3A_3088 : i1 to vector<16xi1>
      %reduce_sum3A_3090 = tpu.scan <sum>, %add3A_3084 masked %reduce_sum3A_3089 : vector<16xf32>, vector<16xi1> -> vector<16xf32>
      %reduce_sum3A_3091 = vector.extract %reduce_sum3A_3090[15] : f32 from vector<16xf32>
      %jit3A_3092 = arith.constant 0.000000e+00 : f32
      %broadcast_in_dim3A_3093 = vector.broadcast %reduce_sum3A_3091 : f32 to vector<16xf32>
      %broadcast_in_dim3A_3094 = vector.broadcast %jit3A_3092 : f32 to vector<16xf32>
      %select_n3A_3095 = arith.select %eq3A_3087, %broadcast_in_dim3A_3093, %broadcast_in_dim3A_3094 : vector<16xi1>, vector<16xf32>
      %add3A_3096 = arith.addf %add3A_2907, %select_n3A_3095 : vector<16xf32>
      %add3A_3097 = arith.constant 1 : i32
      %add3A_3098 = arith.addi %add3A_465, %add3A_3097 : i32
      %lt3A_3099 = arith.constant 32 : i32
      %lt3A_3100 = arith.cmpi slt, %add3A_3098, %lt3A_3099 : i32
      %convert_element_type3A = arith.extui %lt3A_3100 : i1 to i32
      %cond3A = arith.constant 0 : i32
      %cond3A_3101 = arith.cmpi ne, %convert_element_type3A, %cond3A : i32
      scf.if %cond3A_3101 {
        %slice3A_3540 = vector.extract_strided_slice %get3A_592 {offsets = [0], sizes = [1], strides = [1]} : vector<16xi32> to vector<1xi32>
        %squeeze3A_3541 = vector.extract %slice3A_3540[0] : i32 from vector<1xi32>
        %shift_right_logical3A_3542 = arith.constant 7 : i32
        %shift_right_logical3A_3543 = arith.shrui %squeeze3A_3541, %shift_right_logical3A_3542 : i32
        %mul3A_3544 = arith.constant 128 : i32
        %mul3A_3545 = arith.muli %shift_right_logical3A_3543, %mul3A_3544 : i32
        %multiple_of3A_3546 = tpu.assume_multiple %mul3A_3545, 128 : i32
        %slice3A_3547 = vector.extract_strided_slice %get3A_635 {offsets = [0], sizes = [1], strides = [1]} : vector<16xi32> to vector<1xi32>
        %squeeze3A_3548 = vector.extract %slice3A_3547[0] : i32 from vector<1xi32>
        %shift_right_logical3A_3549 = arith.constant 7 : i32
        %shift_right_logical3A_3550 = arith.shrui %squeeze3A_3548, %shift_right_logical3A_3549 : i32
        %mul3A_3551 = arith.constant 128 : i32
        %mul3A_3552 = arith.muli %shift_right_logical3A_3550, %mul3A_3551 : i32
        %multiple_of3A_3553 = tpu.assume_multiple %mul3A_3552, 128 : i32
        %dma_start3A_3554 = arith.constant 0 : i32
        %dma_start3A_3555 = arith.constant 0 : i32
        %dma_start3A_3556 = arith.constant 0 : i32
        %dma_start3A_3557 = arith.constant 0 : i32
        %dma_start3A_3558 = tpu.memref_slice %arg11[%dma_start3A_3554, %dma_start3A_3555, %dma_start3A_3556, %dma_start3A_3557] : memref<4x8x8x128xf32, #tpu.memory_space<vmem>> -> memref<1x8x8x128xf32, #tpu.memory_space<vmem>>
        %dma_start3A_3559 = tpu.memref_squeeze %dma_start3A_3558 : memref<1x8x8x128xf32, #tpu.memory_space<vmem>> -> memref<8x8x128xf32, #tpu.memory_space<vmem>>
        %dma_start3A_3560 = arith.constant 0 : i32
        %dma_start3A_3561 = arith.constant 0 : i32
        %dma_start3A_3562 = tpu.memref_slice %arg2[%dma_start3A_3560, %dma_start3A_3561, %multiple_of3A_3546] : memref<8x8x1000000xf32, #tpu.memory_space<hbm>> -> memref<8x8x128xf32, #tpu.memory_space<hbm>>
        %dma_start3A_3563 = arith.constant 0 : i32
        %dma_start3A_3564 = arith.constant 0 : i32
        %dma_start3A_3565 = arith.constant 0 : i32
        %dma_start3A_3566 = tpu.memref_slice %arg11[%dma_start3A_3554, %dma_start3A_3563, %dma_start3A_3564, %dma_start3A_3565] : memref<4x8x8x128xf32, #tpu.memory_space<vmem>> -> memref<1x8x8x128xf32, #tpu.memory_space<vmem>>
        %dma_start3A_3567 = tpu.memref_squeeze %dma_start3A_3566 : memref<1x8x8x128xf32, #tpu.memory_space<vmem>> -> memref<8x8x128xf32, #tpu.memory_space<vmem>>
        %dma_start3A_3568 = arith.constant 0 : i32
        %dma_start3A_3569 = arith.constant 0 : i32
        %dma_start3A_3570 = tpu.memref_slice %arg2[%dma_start3A_3568, %dma_start3A_3569, %multiple_of3A_3546] : memref<8x8x1000000xf32, #tpu.memory_space<hbm>> -> memref<8x8x128xf32, #tpu.memory_space<hbm>>
        tpu.enqueue_dma source(%dma_start3A_3570 : memref<8x8x128xf32, #tpu.memory_space<hbm>>) target(%dma_start3A_3567 : memref<8x8x128xf32, #tpu.memory_space<vmem>>) target_semaphore(%arg17 : memref<!tpu.dma_semaphore, #tpu.memory_space<semaphore_mem>>)
        %dma_start3A_3571 = arith.constant 0 : i32
        %dma_start3A_3572 = arith.constant 0 : i32
        %dma_start3A_3573 = arith.constant 0 : i32
        %dma_start3A_3574 = arith.constant 0 : i32
        %dma_start3A_3575 = tpu.memref_slice %arg12[%dma_start3A_3571, %dma_start3A_3572, %dma_start3A_3573, %dma_start3A_3574] : memref<4x8x8x128xf32, #tpu.memory_space<vmem>> -> memref<1x8x8x128xf32, #tpu.memory_space<vmem>>
        %dma_start3A_3576 = tpu.memref_squeeze %dma_start3A_3575 : memref<1x8x8x128xf32, #tpu.memory_space<vmem>> -> memref<8x8x128xf32, #tpu.memory_space<vmem>>
        %dma_start3A_3577 = arith.constant 0 : i32
        %dma_start3A_3578 = arith.constant 0 : i32
        %dma_start3A_3579 = tpu.memref_slice %arg3[%dma_start3A_3577, %dma_start3A_3578, %multiple_of3A_3553] : memref<8x8x1000000xf32, #tpu.memory_space<hbm>> -> memref<8x8x128xf32, #tpu.memory_space<hbm>>
        %dma_start3A_3580 = arith.constant 0 : i32
        %dma_start3A_3581 = arith.constant 0 : i32
        %dma_start3A_3582 = arith.constant 0 : i32
        %dma_start3A_3583 = tpu.memref_slice %arg12[%dma_start3A_3571, %dma_start3A_3580, %dma_start3A_3581, %dma_start3A_3582] : memref<4x8x8x128xf32, #tpu.memory_space<vmem>> -> memref<1x8x8x128xf32, #tpu.memory_space<vmem>>
        %dma_start3A_3584 = tpu.memref_squeeze %dma_start3A_3583 : memref<1x8x8x128xf32, #tpu.memory_space<vmem>> -> memref<8x8x128xf32, #tpu.memory_space<vmem>>
        %dma_start3A_3585 = arith.constant 0 : i32
        %dma_start3A_3586 = arith.constant 0 : i32
        %dma_start3A_3587 = tpu.memref_slice %arg3[%dma_start3A_3585, %dma_start3A_3586, %multiple_of3A_3553] : memref<8x8x1000000xf32, #tpu.memory_space<hbm>> -> memref<8x8x128xf32, #tpu.memory_space<hbm>>
        tpu.enqueue_dma source(%dma_start3A_3587 : memref<8x8x128xf32, #tpu.memory_space<hbm>>) target(%dma_start3A_3584 : memref<8x8x128xf32, #tpu.memory_space<vmem>>) target_semaphore(%arg17 : memref<!tpu.dma_semaphore, #tpu.memory_space<semaphore_mem>>)
      } else {
      }
      %dma_wait3A_3102 = arith.constant 1 : i32
      %dma_wait3A_3103 = arith.constant 0 : i32
      %dma_wait3A_3104 = arith.constant 0 : i32
      %dma_wait3A_3105 = arith.constant 0 : i32
      %dma_wait3A_3106 = tpu.memref_slice %arg11[%dma_wait3A_3102, %dma_wait3A_3103, %dma_wait3A_3104, %dma_wait3A_3105] : memref<4x8x8x128xf32, #tpu.memory_space<vmem>> -> memref<1x8x8x128xf32, #tpu.memory_space<vmem>>
      %dma_wait3A_3107 = tpu.memref_squeeze %dma_wait3A_3106 : memref<1x8x8x128xf32, #tpu.memory_space<vmem>> -> memref<8x8x128xf32, #tpu.memory_space<vmem>>
      %dma_wait3A_3108 = arith.constant 0 : i32
      %dma_wait3A_3109 = arith.constant 0 : i32
      %dma_wait3A_3110 = arith.constant 0 : i32
      %dma_wait3A_3111 = tpu.memref_slice %arg2[%dma_wait3A_3108, %dma_wait3A_3109, %dma_wait3A_3110] : memref<8x8x1000000xf32, #tpu.memory_space<hbm>> -> memref<8x8x128xf32, #tpu.memory_space<hbm>>
      %dma_wait3A_3112 = arith.constant 0 : i32
      %dma_wait3A_3113 = arith.constant 0 : i32
      %dma_wait3A_3114 = arith.constant 0 : i32
      %dma_wait3A_3115 = tpu.memref_slice %arg11[%dma_wait3A_3102, %dma_wait3A_3112, %dma_wait3A_3113, %dma_wait3A_3114] : memref<4x8x8x128xf32, #tpu.memory_space<vmem>> -> memref<1x8x8x128xf32, #tpu.memory_space<vmem>>
      %dma_wait3A_3116 = tpu.memref_squeeze %dma_wait3A_3115 : memref<1x8x8x128xf32, #tpu.memory_space<vmem>> -> memref<8x8x128xf32, #tpu.memory_space<vmem>>
      %dma_wait3A_3117 = arith.constant 0 : i32
      %dma_wait3A_3118 = arith.constant 0 : i32
      %dma_wait3A_3119 = arith.constant 0 : i32
      %dma_wait3A_3120 = tpu.memref_slice %arg2[%dma_wait3A_3117, %dma_wait3A_3118, %dma_wait3A_3119] : memref<8x8x1000000xf32, #tpu.memory_space<hbm>> -> memref<8x8x128xf32, #tpu.memory_space<hbm>>
      tpu.wait_dma2 semaphore(%arg18 : memref<!tpu.dma_semaphore, #tpu.memory_space<semaphore_mem>>) src(%dma_wait3A_3120 : memref<8x8x128xf32, #tpu.memory_space<hbm>>) dst(%dma_wait3A_3116 : memref<8x8x128xf32, #tpu.memory_space<vmem>>)
      %dma_wait3A_3121 = arith.constant 1 : i32
      %dma_wait3A_3122 = arith.constant 0 : i32
      %dma_wait3A_3123 = arith.constant 0 : i32
      %dma_wait3A_3124 = arith.constant 0 : i32
      %dma_wait3A_3125 = tpu.memref_slice %arg12[%dma_wait3A_3121, %dma_wait3A_3122, %dma_wait3A_3123, %dma_wait3A_3124] : memref<4x8x8x128xf32, #tpu.memory_space<vmem>> -> memref<1x8x8x128xf32, #tpu.memory_space<vmem>>
      %dma_wait3A_3126 = tpu.memref_squeeze %dma_wait3A_3125 : memref<1x8x8x128xf32, #tpu.memory_space<vmem>> -> memref<8x8x128xf32, #tpu.memory_space<vmem>>
      %dma_wait3A_3127 = arith.constant 0 : i32
      %dma_wait3A_3128 = arith.constant 0 : i32
      %dma_wait3A_3129 = arith.constant 0 : i32
      %dma_wait3A_3130 = tpu.memref_slice %arg3[%dma_wait3A_3127, %dma_wait3A_3128, %dma_wait3A_3129] : memref<8x8x1000000xf32, #tpu.memory_space<hbm>> -> memref<8x8x128xf32, #tpu.memory_space<hbm>>
      %dma_wait3A_3131 = arith.constant 0 : i32
      %dma_wait3A_3132 = arith.constant 0 : i32
      %dma_wait3A_3133 = arith.constant 0 : i32
      %dma_wait3A_3134 = tpu.memref_slice %arg12[%dma_wait3A_3121, %dma_wait3A_3131, %dma_wait3A_3132, %dma_wait3A_3133] : memref<4x8x8x128xf32, #tpu.memory_space<vmem>> -> memref<1x8x8x128xf32, #tpu.memory_space<vmem>>
      %dma_wait3A_3135 = tpu.memref_squeeze %dma_wait3A_3134 : memref<1x8x8x128xf32, #tpu.memory_space<vmem>> -> memref<8x8x128xf32, #tpu.memory_space<vmem>>
      %dma_wait3A_3136 = arith.constant 0 : i32
      %dma_wait3A_3137 = arith.constant 0 : i32
      %dma_wait3A_3138 = arith.constant 0 : i32
      %dma_wait3A_3139 = tpu.memref_slice %arg3[%dma_wait3A_3136, %dma_wait3A_3137, %dma_wait3A_3138] : memref<8x8x1000000xf32, #tpu.memory_space<hbm>> -> memref<8x8x128xf32, #tpu.memory_space<hbm>>
      tpu.wait_dma2 semaphore(%arg18 : memref<!tpu.dma_semaphore, #tpu.memory_space<semaphore_mem>>) src(%dma_wait3A_3139 : memref<8x8x128xf32, #tpu.memory_space<hbm>>) dst(%dma_wait3A_3135 : memref<8x8x128xf32, #tpu.memory_space<vmem>>)
      %broadcast_in_dim3A_3140 = arith.constant 0 : i32
      %broadcast_in_dim3A_3141 = vector.broadcast %broadcast_in_dim3A_3140 : i32 to vector<16xi32>
      %slice3A_3142 = vector.extract_strided_slice %get3A_501 {offsets = [13], sizes = [1], strides = [1]} : vector<16xi32> to vector<1xi32>
      %squeeze3A_3143 = vector.extract %slice3A_3142[0] : i32 from vector<1xi32>
      %and3A_3144 = arith.constant 127 : i32
      %and3A_3145 = arith.andi %squeeze3A_3143, %and3A_3144 : i32
      %add3A_3146 = vector.broadcast %and3A_3145 : i32 to vector<16xi32>
      %add3A_3147 = arith.addi %broadcast_in_dim3A_3141, %add3A_3146 : vector<16xi32>
      %broadcast_in_dim3A_3148 = arith.constant 0 : i32
      %broadcast_in_dim3A_3149 = vector.broadcast %broadcast_in_dim3A_3148 : i32 to vector<16xi32>
      %slice3A_3150 = vector.extract_strided_slice %get3A_544 {offsets = [13], sizes = [1], strides = [1]} : vector<16xi32> to vector<1xi32>
      %squeeze3A_3151 = vector.extract %slice3A_3150[0] : i32 from vector<1xi32>
      %and3A_3152 = arith.constant 127 : i32
      %and3A_3153 = arith.andi %squeeze3A_3151, %and3A_3152 : i32
      %add3A_3154 = vector.broadcast %and3A_3153 : i32 to vector<16xi32>
      %add3A_3155 = arith.addi %broadcast_in_dim3A_3149, %add3A_3154 : vector<16xi32>
      %add3A_3156 = arith.constant 0 : i32
      %add3A_3157 = vector.broadcast %add3A_3156 : i32 to vector<16xi32>
      %add3A_3158 = arith.addi %shift_right_logical3A_244, %add3A_3157 : vector<16xi32>
      %gather3A_3159 = arith.constant 1 : i32
      %gather3A_3160 = arith.constant 0 : i32
      %gather3A_3161 = arith.constant 0 : i32
      %gather3A_3162 = arith.constant 0 : i32
      %gather3A_3163 = tpu.memref_slice %arg11[%gather3A_3159, %gather3A_3160, %gather3A_3161, %gather3A_3162] : memref<4x8x8x128xf32, #tpu.memory_space<vmem>> -> memref<1x8x8x128xf32, #tpu.memory_space<vmem>>
      %gather3A_3164 = tpu.memref_squeeze %gather3A_3163 : memref<1x8x8x128xf32, #tpu.memory_space<vmem>> -> memref<8x8x128xf32, #tpu.memory_space<vmem>>
      %gather3A_3165 = tpu.vector_load_idx %gather3A_3164[%add3A_3158, %and3A_242, %add3A_3147] : memref<8x8x128xf32, #tpu.memory_space<vmem>>[vector<16xi32>, vector<16xi32>, vector<16xi32>], vector<16xf32>,
      %gather3A_3166 = arith.constant 1 : i32
      %gather3A_3167 = arith.constant 0 : i32
      %gather3A_3168 = arith.constant 0 : i32
      %gather3A_3169 = arith.constant 0 : i32
      %gather3A_3170 = tpu.memref_slice %arg12[%gather3A_3166, %gather3A_3167, %gather3A_3168, %gather3A_3169] : memref<4x8x8x128xf32, #tpu.memory_space<vmem>> -> memref<1x8x8x128xf32, #tpu.memory_space<vmem>>
      %gather3A_3171 = tpu.memref_squeeze %gather3A_3170 : memref<1x8x8x128xf32, #tpu.memory_space<vmem>> -> memref<8x8x128xf32, #tpu.memory_space<vmem>>
      %gather3A_3172 = tpu.vector_load_idx %gather3A_3171[%add3A_3158, %and3A_242, %add3A_3155] : memref<8x8x128xf32, #tpu.memory_space<vmem>>[vector<16xi32>, vector<16xi32>, vector<16xi32>], vector<16xf32>,
      %mul3A_3173 = arith.mulf %gather3A_3165, %gather3A_3172 : vector<16xf32>
      %add3A_3174 = arith.constant 2 : i32
      %add3A_3175 = vector.broadcast %add3A_3174 : i32 to vector<16xi32>
      %add3A_3176 = arith.addi %shift_right_logical3A_244, %add3A_3175 : vector<16xi32>
      %gather3A_3177 = arith.constant 1 : i32
      %gather3A_3178 = arith.constant 0 : i32
      %gather3A_3179 = arith.constant 0 : i32
      %gather3A_3180 = arith.constant 0 : i32
      %gather3A_3181 = tpu.memref_slice %arg11[%gather3A_3177, %gather3A_3178, %gather3A_3179, %gather3A_3180] : memref<4x8x8x128xf32, #tpu.memory_space<vmem>> -> memref<1x8x8x128xf32, #tpu.memory_space<vmem>>
      %gather3A_3182 = tpu.memref_squeeze %gather3A_3181 : memref<1x8x8x128xf32, #tpu.memory_space<vmem>> -> memref<8x8x128xf32, #tpu.memory_space<vmem>>
      %gather3A_3183 = tpu.vector_load_idx %gather3A_3182[%add3A_3176, %and3A_242, %add3A_3147] : memref<8x8x128xf32, #tpu.memory_space<vmem>>[vector<16xi32>, vector<16xi32>, vector<16xi32>], vector<16xf32>,
      %gather3A_3184 = arith.constant 1 : i32
      %gather3A_3185 = arith.constant 0 : i32
      %gather3A_3186 = arith.constant 0 : i32
      %gather3A_3187 = arith.constant 0 : i32
      %gather3A_3188 = tpu.memref_slice %arg12[%gather3A_3184, %gather3A_3185, %gather3A_3186, %gather3A_3187] : memref<4x8x8x128xf32, #tpu.memory_space<vmem>> -> memref<1x8x8x128xf32, #tpu.memory_space<vmem>>
      %gather3A_3189 = tpu.memref_squeeze %gather3A_3188 : memref<1x8x8x128xf32, #tpu.memory_space<vmem>> -> memref<8x8x128xf32, #tpu.memory_space<vmem>>
      %gather3A_3190 = tpu.vector_load_idx %gather3A_3189[%add3A_3176, %and3A_242, %add3A_3155] : memref<8x8x128xf32, #tpu.memory_space<vmem>>[vector<16xi32>, vector<16xi32>, vector<16xi32>], vector<16xf32>,
      %mul3A_3191 = arith.mulf %gather3A_3183, %gather3A_3190 : vector<16xf32>
      %add3A_3192 = arith.addf %mul3A_3173, %mul3A_3191 : vector<16xf32>
      %add3A_3193 = arith.constant 4 : i32
      %add3A_3194 = vector.broadcast %add3A_3193 : i32 to vector<16xi32>
      %add3A_3195 = arith.addi %shift_right_logical3A_244, %add3A_3194 : vector<16xi32>
      %gather3A_3196 = arith.constant 1 : i32
      %gather3A_3197 = arith.constant 0 : i32
      %gather3A_3198 = arith.constant 0 : i32
      %gather3A_3199 = arith.constant 0 : i32
      %gather3A_3200 = tpu.memref_slice %arg11[%gather3A_3196, %gather3A_3197, %gather3A_3198, %gather3A_3199] : memref<4x8x8x128xf32, #tpu.memory_space<vmem>> -> memref<1x8x8x128xf32, #tpu.memory_space<vmem>>
      %gather3A_3201 = tpu.memref_squeeze %gather3A_3200 : memref<1x8x8x128xf32, #tpu.memory_space<vmem>> -> memref<8x8x128xf32, #tpu.memory_space<vmem>>
      %gather3A_3202 = tpu.vector_load_idx %gather3A_3201[%add3A_3195, %and3A_242, %add3A_3147] : memref<8x8x128xf32, #tpu.memory_space<vmem>>[vector<16xi32>, vector<16xi32>, vector<16xi32>], vector<16xf32>,
      %gather3A_3203 = arith.constant 1 : i32
      %gather3A_3204 = arith.constant 0 : i32
      %gather3A_3205 = arith.constant 0 : i32
      %gather3A_3206 = arith.constant 0 : i32
      %gather3A_3207 = tpu.memref_slice %arg12[%gather3A_3203, %gather3A_3204, %gather3A_3205, %gather3A_3206] : memref<4x8x8x128xf32, #tpu.memory_space<vmem>> -> memref<1x8x8x128xf32, #tpu.memory_space<vmem>>
      %gather3A_3208 = tpu.memref_squeeze %gather3A_3207 : memref<1x8x8x128xf32, #tpu.memory_space<vmem>> -> memref<8x8x128xf32, #tpu.memory_space<vmem>>
      %gather3A_3209 = tpu.vector_load_idx %gather3A_3208[%add3A_3195, %and3A_242, %add3A_3155] : memref<8x8x128xf32, #tpu.memory_space<vmem>>[vector<16xi32>, vector<16xi32>, vector<16xi32>], vector<16xf32>,
      %mul3A_3210 = arith.mulf %gather3A_3202, %gather3A_3209 : vector<16xf32>
      %add3A_3211 = arith.addf %add3A_3192, %mul3A_3210 : vector<16xf32>
      %add3A_3212 = arith.constant 6 : i32
      %add3A_3213 = vector.broadcast %add3A_3212 : i32 to vector<16xi32>
      %add3A_3214 = arith.addi %shift_right_logical3A_244, %add3A_3213 : vector<16xi32>
      %gather3A_3215 = arith.constant 1 : i32
      %gather3A_3216 = arith.constant 0 : i32
      %gather3A_3217 = arith.constant 0 : i32
      %gather3A_3218 = arith.constant 0 : i32
      %gather3A_3219 = tpu.memref_slice %arg11[%gather3A_3215, %gather3A_3216, %gather3A_3217, %gather3A_3218] : memref<4x8x8x128xf32, #tpu.memory_space<vmem>> -> memref<1x8x8x128xf32, #tpu.memory_space<vmem>>
      %gather3A_3220 = tpu.memref_squeeze %gather3A_3219 : memref<1x8x8x128xf32, #tpu.memory_space<vmem>> -> memref<8x8x128xf32, #tpu.memory_space<vmem>>
      %gather3A_3221 = tpu.vector_load_idx %gather3A_3220[%add3A_3214, %and3A_242, %add3A_3147] : memref<8x8x128xf32, #tpu.memory_space<vmem>>[vector<16xi32>, vector<16xi32>, vector<16xi32>], vector<16xf32>,
      %gather3A_3222 = arith.constant 1 : i32
      %gather3A_3223 = arith.constant 0 : i32
      %gather3A_3224 = arith.constant 0 : i32
      %gather3A_3225 = arith.constant 0 : i32
      %gather3A_3226 = tpu.memref_slice %arg12[%gather3A_3222, %gather3A_3223, %gather3A_3224, %gather3A_3225] : memref<4x8x8x128xf32, #tpu.memory_space<vmem>> -> memref<1x8x8x128xf32, #tpu.memory_space<vmem>>
      %gather3A_3227 = tpu.memref_squeeze %gather3A_3226 : memref<1x8x8x128xf32, #tpu.memory_space<vmem>> -> memref<8x8x128xf32, #tpu.memory_space<vmem>>
      %gather3A_3228 = tpu.vector_load_idx %gather3A_3227[%add3A_3214, %and3A_242, %add3A_3155] : memref<8x8x128xf32, #tpu.memory_space<vmem>>[vector<16xi32>, vector<16xi32>, vector<16xi32>], vector<16xf32>,
      %mul3A_3229 = arith.mulf %gather3A_3221, %gather3A_3228 : vector<16xf32>
      %add3A_3230 = arith.addf %add3A_3211, %mul3A_3229 : vector<16xf32>
      %eq3A_3231 = arith.constant 13 : i32
      %eq3A_3232 = vector.broadcast %eq3A_3231 : i32 to vector<16xi32>
      %eq3A_3233 = arith.cmpi eq, %iota3A, %eq3A_3232 : vector<16xi32>
      %reduce_sum3A_3234 = arith.constant true
      %reduce_sum3A_3235 = vector.broadcast %reduce_sum3A_3234 : i1 to vector<16xi1>
      %reduce_sum3A_3236 = tpu.scan <sum>, %add3A_3230 masked %reduce_sum3A_3235 : vector<16xf32>, vector<16xi1> -> vector<16xf32>
      %reduce_sum3A_3237 = vector.extract %reduce_sum3A_3236[15] : f32 from vector<16xf32>
      %jit3A_3238 = arith.constant 0.000000e+00 : f32
      %broadcast_in_dim3A_3239 = vector.broadcast %reduce_sum3A_3237 : f32 to vector<16xf32>
      %broadcast_in_dim3A_3240 = vector.broadcast %jit3A_3238 : f32 to vector<16xf32>
      %select_n3A_3241 = arith.select %eq3A_3233, %broadcast_in_dim3A_3239, %broadcast_in_dim3A_3240 : vector<16xi1>, vector<16xf32>
      %add3A_3242 = arith.addf %add3A_3096, %select_n3A_3241 : vector<16xf32>
      %add3A_3243 = arith.constant 1 : i32
      %add3A_3244 = arith.addi %add3A_465, %add3A_3243 : i32
      %lt3A_3245 = arith.constant 32 : i32
      %lt3A_3246 = arith.cmpi slt, %add3A_3244, %lt3A_3245 : i32
      %convert_element_type3A_3247 = arith.extui %lt3A_3246 : i1 to i32
      %cond3A_3248 = arith.constant 0 : i32
      %cond3A_3249 = arith.cmpi ne, %convert_element_type3A_3247, %cond3A_3248 : i32
      scf.if %cond3A_3249 {
        %slice3A_3540 = vector.extract_strided_slice %get3A_592 {offsets = [1], sizes = [1], strides = [1]} : vector<16xi32> to vector<1xi32>
        %squeeze3A_3541 = vector.extract %slice3A_3540[0] : i32 from vector<1xi32>
        %shift_right_logical3A_3542 = arith.constant 7 : i32
        %shift_right_logical3A_3543 = arith.shrui %squeeze3A_3541, %shift_right_logical3A_3542 : i32
        %mul3A_3544 = arith.constant 128 : i32
        %mul3A_3545 = arith.muli %shift_right_logical3A_3543, %mul3A_3544 : i32
        %multiple_of3A_3546 = tpu.assume_multiple %mul3A_3545, 128 : i32
        %slice3A_3547 = vector.extract_strided_slice %get3A_635 {offsets = [1], sizes = [1], strides = [1]} : vector<16xi32> to vector<1xi32>
        %squeeze3A_3548 = vector.extract %slice3A_3547[0] : i32 from vector<1xi32>
        %shift_right_logical3A_3549 = arith.constant 7 : i32
        %shift_right_logical3A_3550 = arith.shrui %squeeze3A_3548, %shift_right_logical3A_3549 : i32
        %mul3A_3551 = arith.constant 128 : i32
        %mul3A_3552 = arith.muli %shift_right_logical3A_3550, %mul3A_3551 : i32
        %multiple_of3A_3553 = tpu.assume_multiple %mul3A_3552, 128 : i32
        %dma_start3A_3554 = arith.constant 1 : i32
        %dma_start3A_3555 = arith.constant 0 : i32
        %dma_start3A_3556 = arith.constant 0 : i32
        %dma_start3A_3557 = arith.constant 0 : i32
        %dma_start3A_3558 = tpu.memref_slice %arg11[%dma_start3A_3554, %dma_start3A_3555, %dma_start3A_3556, %dma_start3A_3557] : memref<4x8x8x128xf32, #tpu.memory_space<vmem>> -> memref<1x8x8x128xf32, #tpu.memory_space<vmem>>
        %dma_start3A_3559 = tpu.memref_squeeze %dma_start3A_3558 : memref<1x8x8x128xf32, #tpu.memory_space<vmem>> -> memref<8x8x128xf32, #tpu.memory_space<vmem>>
        %dma_start3A_3560 = arith.constant 0 : i32
        %dma_start3A_3561 = arith.constant 0 : i32
        %dma_start3A_3562 = tpu.memref_slice %arg2[%dma_start3A_3560, %dma_start3A_3561, %multiple_of3A_3546] : memref<8x8x1000000xf32, #tpu.memory_space<hbm>> -> memref<8x8x128xf32, #tpu.memory_space<hbm>>
        %dma_start3A_3563 = arith.constant 0 : i32
        %dma_start3A_3564 = arith.constant 0 : i32
        %dma_start3A_3565 = arith.constant 0 : i32
        %dma_start3A_3566 = tpu.memref_slice %arg11[%dma_start3A_3554, %dma_start3A_3563, %dma_start3A_3564, %dma_start3A_3565] : memref<4x8x8x128xf32, #tpu.memory_space<vmem>> -> memref<1x8x8x128xf32, #tpu.memory_space<vmem>>
        %dma_start3A_3567 = tpu.memref_squeeze %dma_start3A_3566 : memref<1x8x8x128xf32, #tpu.memory_space<vmem>> -> memref<8x8x128xf32, #tpu.memory_space<vmem>>
        %dma_start3A_3568 = arith.constant 0 : i32
        %dma_start3A_3569 = arith.constant 0 : i32
        %dma_start3A_3570 = tpu.memref_slice %arg2[%dma_start3A_3568, %dma_start3A_3569, %multiple_of3A_3546] : memref<8x8x1000000xf32, #tpu.memory_space<hbm>> -> memref<8x8x128xf32, #tpu.memory_space<hbm>>
        tpu.enqueue_dma source(%dma_start3A_3570 : memref<8x8x128xf32, #tpu.memory_space<hbm>>) target(%dma_start3A_3567 : memref<8x8x128xf32, #tpu.memory_space<vmem>>) target_semaphore(%arg18 : memref<!tpu.dma_semaphore, #tpu.memory_space<semaphore_mem>>)
        %dma_start3A_3571 = arith.constant 1 : i32
        %dma_start3A_3572 = arith.constant 0 : i32
        %dma_start3A_3573 = arith.constant 0 : i32
        %dma_start3A_3574 = arith.constant 0 : i32
        %dma_start3A_3575 = tpu.memref_slice %arg12[%dma_start3A_3571, %dma_start3A_3572, %dma_start3A_3573, %dma_start3A_3574] : memref<4x8x8x128xf32, #tpu.memory_space<vmem>> -> memref<1x8x8x128xf32, #tpu.memory_space<vmem>>
        %dma_start3A_3576 = tpu.memref_squeeze %dma_start3A_3575 : memref<1x8x8x128xf32, #tpu.memory_space<vmem>> -> memref<8x8x128xf32, #tpu.memory_space<vmem>>
        %dma_start3A_3577 = arith.constant 0 : i32
        %dma_start3A_3578 = arith.constant 0 : i32
        %dma_start3A_3579 = tpu.memref_slice %arg3[%dma_start3A_3577, %dma_start3A_3578, %multiple_of3A_3553] : memref<8x8x1000000xf32, #tpu.memory_space<hbm>> -> memref<8x8x128xf32, #tpu.memory_space<hbm>>
        %dma_start3A_3580 = arith.constant 0 : i32
        %dma_start3A_3581 = arith.constant 0 : i32
        %dma_start3A_3582 = arith.constant 0 : i32
        %dma_start3A_3583 = tpu.memref_slice %arg12[%dma_start3A_3571, %dma_start3A_3580, %dma_start3A_3581, %dma_start3A_3582] : memref<4x8x8x128xf32, #tpu.memory_space<vmem>> -> memref<1x8x8x128xf32, #tpu.memory_space<vmem>>
        %dma_start3A_3584 = tpu.memref_squeeze %dma_start3A_3583 : memref<1x8x8x128xf32, #tpu.memory_space<vmem>> -> memref<8x8x128xf32, #tpu.memory_space<vmem>>
        %dma_start3A_3585 = arith.constant 0 : i32
        %dma_start3A_3586 = arith.constant 0 : i32
        %dma_start3A_3587 = tpu.memref_slice %arg3[%dma_start3A_3585, %dma_start3A_3586, %multiple_of3A_3553] : memref<8x8x1000000xf32, #tpu.memory_space<hbm>> -> memref<8x8x128xf32, #tpu.memory_space<hbm>>
        tpu.enqueue_dma source(%dma_start3A_3587 : memref<8x8x128xf32, #tpu.memory_space<hbm>>) target(%dma_start3A_3584 : memref<8x8x128xf32, #tpu.memory_space<vmem>>) target_semaphore(%arg18 : memref<!tpu.dma_semaphore, #tpu.memory_space<semaphore_mem>>)
      } else {
      }
      %dma_wait3A_3250 = arith.constant 2 : i32
      %dma_wait3A_3251 = arith.constant 0 : i32
      %dma_wait3A_3252 = arith.constant 0 : i32
      %dma_wait3A_3253 = arith.constant 0 : i32
      %dma_wait3A_3254 = tpu.memref_slice %arg11[%dma_wait3A_3250, %dma_wait3A_3251, %dma_wait3A_3252, %dma_wait3A_3253] : memref<4x8x8x128xf32, #tpu.memory_space<vmem>> -> memref<1x8x8x128xf32, #tpu.memory_space<vmem>>
      %dma_wait3A_3255 = tpu.memref_squeeze %dma_wait3A_3254 : memref<1x8x8x128xf32, #tpu.memory_space<vmem>> -> memref<8x8x128xf32, #tpu.memory_space<vmem>>
      %dma_wait3A_3256 = arith.constant 0 : i32
      %dma_wait3A_3257 = arith.constant 0 : i32
      %dma_wait3A_3258 = arith.constant 0 : i32
      %dma_wait3A_3259 = tpu.memref_slice %arg2[%dma_wait3A_3256, %dma_wait3A_3257, %dma_wait3A_3258] : memref<8x8x1000000xf32, #tpu.memory_space<hbm>> -> memref<8x8x128xf32, #tpu.memory_space<hbm>>
      %dma_wait3A_3260 = arith.constant 0 : i32
      %dma_wait3A_3261 = arith.constant 0 : i32
      %dma_wait3A_3262 = arith.constant 0 : i32
      %dma_wait3A_3263 = tpu.memref_slice %arg11[%dma_wait3A_3250, %dma_wait3A_3260, %dma_wait3A_3261, %dma_wait3A_3262] : memref<4x8x8x128xf32, #tpu.memory_space<vmem>> -> memref<1x8x8x128xf32, #tpu.memory_space<vmem>>
      %dma_wait3A_3264 = tpu.memref_squeeze %dma_wait3A_3263 : memref<1x8x8x128xf32, #tpu.memory_space<vmem>> -> memref<8x8x128xf32, #tpu.memory_space<vmem>>
      %dma_wait3A_3265 = arith.constant 0 : i32
      %dma_wait3A_3266 = arith.constant 0 : i32
      %dma_wait3A_3267 = arith.constant 0 : i32
      %dma_wait3A_3268 = tpu.memref_slice %arg2[%dma_wait3A_3265, %dma_wait3A_3266, %dma_wait3A_3267] : memref<8x8x1000000xf32, #tpu.memory_space<hbm>> -> memref<8x8x128xf32, #tpu.memory_space<hbm>>
      tpu.wait_dma2 semaphore(%arg19 : memref<!tpu.dma_semaphore, #tpu.memory_space<semaphore_mem>>) src(%dma_wait3A_3268 : memref<8x8x128xf32, #tpu.memory_space<hbm>>) dst(%dma_wait3A_3264 : memref<8x8x128xf32, #tpu.memory_space<vmem>>)
      %dma_wait3A_3269 = arith.constant 2 : i32
      %dma_wait3A_3270 = arith.constant 0 : i32
      %dma_wait3A_3271 = arith.constant 0 : i32
      %dma_wait3A_3272 = arith.constant 0 : i32
      %dma_wait3A_3273 = tpu.memref_slice %arg12[%dma_wait3A_3269, %dma_wait3A_3270, %dma_wait3A_3271, %dma_wait3A_3272] : memref<4x8x8x128xf32, #tpu.memory_space<vmem>> -> memref<1x8x8x128xf32, #tpu.memory_space<vmem>>
      %dma_wait3A_3274 = tpu.memref_squeeze %dma_wait3A_3273 : memref<1x8x8x128xf32, #tpu.memory_space<vmem>> -> memref<8x8x128xf32, #tpu.memory_space<vmem>>
      %dma_wait3A_3275 = arith.constant 0 : i32
      %dma_wait3A_3276 = arith.constant 0 : i32
      %dma_wait3A_3277 = arith.constant 0 : i32
      %dma_wait3A_3278 = tpu.memref_slice %arg3[%dma_wait3A_3275, %dma_wait3A_3276, %dma_wait3A_3277] : memref<8x8x1000000xf32, #tpu.memory_space<hbm>> -> memref<8x8x128xf32, #tpu.memory_space<hbm>>
      %dma_wait3A_3279 = arith.constant 0 : i32
      %dma_wait3A_3280 = arith.constant 0 : i32
      %dma_wait3A_3281 = arith.constant 0 : i32
      %dma_wait3A_3282 = tpu.memref_slice %arg12[%dma_wait3A_3269, %dma_wait3A_3279, %dma_wait3A_3280, %dma_wait3A_3281] : memref<4x8x8x128xf32, #tpu.memory_space<vmem>> -> memref<1x8x8x128xf32, #tpu.memory_space<vmem>>
      %dma_wait3A_3283 = tpu.memref_squeeze %dma_wait3A_3282 : memref<1x8x8x128xf32, #tpu.memory_space<vmem>> -> memref<8x8x128xf32, #tpu.memory_space<vmem>>
      %dma_wait3A_3284 = arith.constant 0 : i32
      %dma_wait3A_3285 = arith.constant 0 : i32
      %dma_wait3A_3286 = arith.constant 0 : i32
      %dma_wait3A_3287 = tpu.memref_slice %arg3[%dma_wait3A_3284, %dma_wait3A_3285, %dma_wait3A_3286] : memref<8x8x1000000xf32, #tpu.memory_space<hbm>> -> memref<8x8x128xf32, #tpu.memory_space<hbm>>
      tpu.wait_dma2 semaphore(%arg19 : memref<!tpu.dma_semaphore, #tpu.memory_space<semaphore_mem>>) src(%dma_wait3A_3287 : memref<8x8x128xf32, #tpu.memory_space<hbm>>) dst(%dma_wait3A_3283 : memref<8x8x128xf32, #tpu.memory_space<vmem>>)
      %broadcast_in_dim3A_3288 = arith.constant 0 : i32
      %broadcast_in_dim3A_3289 = vector.broadcast %broadcast_in_dim3A_3288 : i32 to vector<16xi32>
      %slice3A_3290 = vector.extract_strided_slice %get3A_501 {offsets = [14], sizes = [1], strides = [1]} : vector<16xi32> to vector<1xi32>
      %squeeze3A_3291 = vector.extract %slice3A_3290[0] : i32 from vector<1xi32>
      %and3A_3292 = arith.constant 127 : i32
      %and3A_3293 = arith.andi %squeeze3A_3291, %and3A_3292 : i32
      %add3A_3294 = vector.broadcast %and3A_3293 : i32 to vector<16xi32>
      %add3A_3295 = arith.addi %broadcast_in_dim3A_3289, %add3A_3294 : vector<16xi32>
      %broadcast_in_dim3A_3296 = arith.constant 0 : i32
      %broadcast_in_dim3A_3297 = vector.broadcast %broadcast_in_dim3A_3296 : i32 to vector<16xi32>
      %slice3A_3298 = vector.extract_strided_slice %get3A_544 {offsets = [14], sizes = [1], strides = [1]} : vector<16xi32> to vector<1xi32>
      %squeeze3A_3299 = vector.extract %slice3A_3298[0] : i32 from vector<1xi32>
      %and3A_3300 = arith.constant 127 : i32
      %and3A_3301 = arith.andi %squeeze3A_3299, %and3A_3300 : i32
      %add3A_3302 = vector.broadcast %and3A_3301 : i32 to vector<16xi32>
      %add3A_3303 = arith.addi %broadcast_in_dim3A_3297, %add3A_3302 : vector<16xi32>
      %add3A_3304 = arith.constant 0 : i32
      %add3A_3305 = vector.broadcast %add3A_3304 : i32 to vector<16xi32>
      %add3A_3306 = arith.addi %shift_right_logical3A_244, %add3A_3305 : vector<16xi32>
      %gather3A_3307 = arith.constant 2 : i32
      %gather3A_3308 = arith.constant 0 : i32
      %gather3A_3309 = arith.constant 0 : i32
      %gather3A_3310 = arith.constant 0 : i32
      %gather3A_3311 = tpu.memref_slice %arg11[%gather3A_3307, %gather3A_3308, %gather3A_3309, %gather3A_3310] : memref<4x8x8x128xf32, #tpu.memory_space<vmem>> -> memref<1x8x8x128xf32, #tpu.memory_space<vmem>>
      %gather3A_3312 = tpu.memref_squeeze %gather3A_3311 : memref<1x8x8x128xf32, #tpu.memory_space<vmem>> -> memref<8x8x128xf32, #tpu.memory_space<vmem>>
      %gather3A_3313 = tpu.vector_load_idx %gather3A_3312[%add3A_3306, %and3A_242, %add3A_3295] : memref<8x8x128xf32, #tpu.memory_space<vmem>>[vector<16xi32>, vector<16xi32>, vector<16xi32>], vector<16xf32>,
      %gather3A_3314 = arith.constant 2 : i32
      %gather3A_3315 = arith.constant 0 : i32
      %gather3A_3316 = arith.constant 0 : i32
      %gather3A_3317 = arith.constant 0 : i32
      %gather3A_3318 = tpu.memref_slice %arg12[%gather3A_3314, %gather3A_3315, %gather3A_3316, %gather3A_3317] : memref<4x8x8x128xf32, #tpu.memory_space<vmem>> -> memref<1x8x8x128xf32, #tpu.memory_space<vmem>>
      %gather3A_3319 = tpu.memref_squeeze %gather3A_3318 : memref<1x8x8x128xf32, #tpu.memory_space<vmem>> -> memref<8x8x128xf32, #tpu.memory_space<vmem>>
      %gather3A_3320 = tpu.vector_load_idx %gather3A_3319[%add3A_3306, %and3A_242, %add3A_3303] : memref<8x8x128xf32, #tpu.memory_space<vmem>>[vector<16xi32>, vector<16xi32>, vector<16xi32>], vector<16xf32>,
      %mul3A_3321 = arith.mulf %gather3A_3313, %gather3A_3320 : vector<16xf32>
      %add3A_3322 = arith.constant 2 : i32
      %add3A_3323 = vector.broadcast %add3A_3322 : i32 to vector<16xi32>
      %add3A_3324 = arith.addi %shift_right_logical3A_244, %add3A_3323 : vector<16xi32>
      %gather3A_3325 = arith.constant 2 : i32
      %gather3A_3326 = arith.constant 0 : i32
      %gather3A_3327 = arith.constant 0 : i32
      %gather3A_3328 = arith.constant 0 : i32
      %gather3A_3329 = tpu.memref_slice %arg11[%gather3A_3325, %gather3A_3326, %gather3A_3327, %gather3A_3328] : memref<4x8x8x128xf32, #tpu.memory_space<vmem>> -> memref<1x8x8x128xf32, #tpu.memory_space<vmem>>
      %gather3A_3330 = tpu.memref_squeeze %gather3A_3329 : memref<1x8x8x128xf32, #tpu.memory_space<vmem>> -> memref<8x8x128xf32, #tpu.memory_space<vmem>>
      %gather3A_3331 = tpu.vector_load_idx %gather3A_3330[%add3A_3324, %and3A_242, %add3A_3295] : memref<8x8x128xf32, #tpu.memory_space<vmem>>[vector<16xi32>, vector<16xi32>, vector<16xi32>], vector<16xf32>,
      %gather3A_3332 = arith.constant 2 : i32
      %gather3A_3333 = arith.constant 0 : i32
      %gather3A_3334 = arith.constant 0 : i32
      %gather3A_3335 = arith.constant 0 : i32
      %gather3A_3336 = tpu.memref_slice %arg12[%gather3A_3332, %gather3A_3333, %gather3A_3334, %gather3A_3335] : memref<4x8x8x128xf32, #tpu.memory_space<vmem>> -> memref<1x8x8x128xf32, #tpu.memory_space<vmem>>
      %gather3A_3337 = tpu.memref_squeeze %gather3A_3336 : memref<1x8x8x128xf32, #tpu.memory_space<vmem>> -> memref<8x8x128xf32, #tpu.memory_space<vmem>>
      %gather3A_3338 = tpu.vector_load_idx %gather3A_3337[%add3A_3324, %and3A_242, %add3A_3303] : memref<8x8x128xf32, #tpu.memory_space<vmem>>[vector<16xi32>, vector<16xi32>, vector<16xi32>], vector<16xf32>,
      %mul3A_3339 = arith.mulf %gather3A_3331, %gather3A_3338 : vector<16xf32>
      %add3A_3340 = arith.addf %mul3A_3321, %mul3A_3339 : vector<16xf32>
      %add3A_3341 = arith.constant 4 : i32
      %add3A_3342 = vector.broadcast %add3A_3341 : i32 to vector<16xi32>
      %add3A_3343 = arith.addi %shift_right_logical3A_244, %add3A_3342 : vector<16xi32>
      %gather3A_3344 = arith.constant 2 : i32
      %gather3A_3345 = arith.constant 0 : i32
      %gather3A_3346 = arith.constant 0 : i32
      %gather3A_3347 = arith.constant 0 : i32
      %gather3A_3348 = tpu.memref_slice %arg11[%gather3A_3344, %gather3A_3345, %gather3A_3346, %gather3A_3347] : memref<4x8x8x128xf32, #tpu.memory_space<vmem>> -> memref<1x8x8x128xf32, #tpu.memory_space<vmem>>
      %gather3A_3349 = tpu.memref_squeeze %gather3A_3348 : memref<1x8x8x128xf32, #tpu.memory_space<vmem>> -> memref<8x8x128xf32, #tpu.memory_space<vmem>>
      %gather3A_3350 = tpu.vector_load_idx %gather3A_3349[%add3A_3343, %and3A_242, %add3A_3295] : memref<8x8x128xf32, #tpu.memory_space<vmem>>[vector<16xi32>, vector<16xi32>, vector<16xi32>], vector<16xf32>,
      %gather3A_3351 = arith.constant 2 : i32
      %gather3A_3352 = arith.constant 0 : i32
      %gather3A_3353 = arith.constant 0 : i32
      %gather3A_3354 = arith.constant 0 : i32
      %gather3A_3355 = tpu.memref_slice %arg12[%gather3A_3351, %gather3A_3352, %gather3A_3353, %gather3A_3354] : memref<4x8x8x128xf32, #tpu.memory_space<vmem>> -> memref<1x8x8x128xf32, #tpu.memory_space<vmem>>
      %gather3A_3356 = tpu.memref_squeeze %gather3A_3355 : memref<1x8x8x128xf32, #tpu.memory_space<vmem>> -> memref<8x8x128xf32, #tpu.memory_space<vmem>>
      %gather3A_3357 = tpu.vector_load_idx %gather3A_3356[%add3A_3343, %and3A_242, %add3A_3303] : memref<8x8x128xf32, #tpu.memory_space<vmem>>[vector<16xi32>, vector<16xi32>, vector<16xi32>], vector<16xf32>,
      %mul3A_3358 = arith.mulf %gather3A_3350, %gather3A_3357 : vector<16xf32>
      %add3A_3359 = arith.addf %add3A_3340, %mul3A_3358 : vector<16xf32>
      %add3A_3360 = arith.constant 6 : i32
      %add3A_3361 = vector.broadcast %add3A_3360 : i32 to vector<16xi32>
      %add3A_3362 = arith.addi %shift_right_logical3A_244, %add3A_3361 : vector<16xi32>
      %gather3A_3363 = arith.constant 2 : i32
      %gather3A_3364 = arith.constant 0 : i32
      %gather3A_3365 = arith.constant 0 : i32
      %gather3A_3366 = arith.constant 0 : i32
      %gather3A_3367 = tpu.memref_slice %arg11[%gather3A_3363, %gather3A_3364, %gather3A_3365, %gather3A_3366] : memref<4x8x8x128xf32, #tpu.memory_space<vmem>> -> memref<1x8x8x128xf32, #tpu.memory_space<vmem>>
      %gather3A_3368 = tpu.memref_squeeze %gather3A_3367 : memref<1x8x8x128xf32, #tpu.memory_space<vmem>> -> memref<8x8x128xf32, #tpu.memory_space<vmem>>
      %gather3A_3369 = tpu.vector_load_idx %gather3A_3368[%add3A_3362, %and3A_242, %add3A_3295] : memref<8x8x128xf32, #tpu.memory_space<vmem>>[vector<16xi32>, vector<16xi32>, vector<16xi32>], vector<16xf32>,
      %gather3A_3370 = arith.constant 2 : i32
      %gather3A_3371 = arith.constant 0 : i32
      %gather3A_3372 = arith.constant 0 : i32
      %gather3A_3373 = arith.constant 0 : i32
      %gather3A_3374 = tpu.memref_slice %arg12[%gather3A_3370, %gather3A_3371, %gather3A_3372, %gather3A_3373] : memref<4x8x8x128xf32, #tpu.memory_space<vmem>> -> memref<1x8x8x128xf32, #tpu.memory_space<vmem>>
      %gather3A_3375 = tpu.memref_squeeze %gather3A_3374 : memref<1x8x8x128xf32, #tpu.memory_space<vmem>> -> memref<8x8x128xf32, #tpu.memory_space<vmem>>
      %gather3A_3376 = tpu.vector_load_idx %gather3A_3375[%add3A_3362, %and3A_242, %add3A_3303] : memref<8x8x128xf32, #tpu.memory_space<vmem>>[vector<16xi32>, vector<16xi32>, vector<16xi32>], vector<16xf32>,
      %mul3A_3377 = arith.mulf %gather3A_3369, %gather3A_3376 : vector<16xf32>
      %add3A_3378 = arith.addf %add3A_3359, %mul3A_3377 : vector<16xf32>
      %eq3A_3379 = arith.constant 14 : i32
      %eq3A_3380 = vector.broadcast %eq3A_3379 : i32 to vector<16xi32>
      %eq3A_3381 = arith.cmpi eq, %iota3A, %eq3A_3380 : vector<16xi32>
      %reduce_sum3A_3382 = arith.constant true
      %reduce_sum3A_3383 = vector.broadcast %reduce_sum3A_3382 : i1 to vector<16xi1>
      %reduce_sum3A_3384 = tpu.scan <sum>, %add3A_3378 masked %reduce_sum3A_3383 : vector<16xf32>, vector<16xi1> -> vector<16xf32>
      %reduce_sum3A_3385 = vector.extract %reduce_sum3A_3384[15] : f32 from vector<16xf32>
      %jit3A_3386 = arith.constant 0.000000e+00 : f32
      %broadcast_in_dim3A_3387 = vector.broadcast %reduce_sum3A_3385 : f32 to vector<16xf32>
      %broadcast_in_dim3A_3388 = vector.broadcast %jit3A_3386 : f32 to vector<16xf32>
      %select_n3A_3389 = arith.select %eq3A_3381, %broadcast_in_dim3A_3387, %broadcast_in_dim3A_3388 : vector<16xi1>, vector<16xf32>
      %add3A_3390 = arith.addf %add3A_3242, %select_n3A_3389 : vector<16xf32>
      %add3A_3391 = arith.constant 1 : i32
      %add3A_3392 = arith.addi %add3A_465, %add3A_3391 : i32
      %lt3A_3393 = arith.constant 32 : i32
      %lt3A_3394 = arith.cmpi slt, %add3A_3392, %lt3A_3393 : i32
      %convert_element_type3A_3395 = arith.extui %lt3A_3394 : i1 to i32
      %cond3A_3396 = arith.constant 0 : i32
      %cond3A_3397 = arith.cmpi ne, %convert_element_type3A_3395, %cond3A_3396 : i32
      scf.if %cond3A_3397 {
        %slice3A_3540 = vector.extract_strided_slice %get3A_592 {offsets = [2], sizes = [1], strides = [1]} : vector<16xi32> to vector<1xi32>
        %squeeze3A_3541 = vector.extract %slice3A_3540[0] : i32 from vector<1xi32>
        %shift_right_logical3A_3542 = arith.constant 7 : i32
        %shift_right_logical3A_3543 = arith.shrui %squeeze3A_3541, %shift_right_logical3A_3542 : i32
        %mul3A_3544 = arith.constant 128 : i32
        %mul3A_3545 = arith.muli %shift_right_logical3A_3543, %mul3A_3544 : i32
        %multiple_of3A_3546 = tpu.assume_multiple %mul3A_3545, 128 : i32
        %slice3A_3547 = vector.extract_strided_slice %get3A_635 {offsets = [2], sizes = [1], strides = [1]} : vector<16xi32> to vector<1xi32>
        %squeeze3A_3548 = vector.extract %slice3A_3547[0] : i32 from vector<1xi32>
        %shift_right_logical3A_3549 = arith.constant 7 : i32
        %shift_right_logical3A_3550 = arith.shrui %squeeze3A_3548, %shift_right_logical3A_3549 : i32
        %mul3A_3551 = arith.constant 128 : i32
        %mul3A_3552 = arith.muli %shift_right_logical3A_3550, %mul3A_3551 : i32
        %multiple_of3A_3553 = tpu.assume_multiple %mul3A_3552, 128 : i32
        %dma_start3A_3554 = arith.constant 2 : i32
        %dma_start3A_3555 = arith.constant 0 : i32
        %dma_start3A_3556 = arith.constant 0 : i32
        %dma_start3A_3557 = arith.constant 0 : i32
        %dma_start3A_3558 = tpu.memref_slice %arg11[%dma_start3A_3554, %dma_start3A_3555, %dma_start3A_3556, %dma_start3A_3557] : memref<4x8x8x128xf32, #tpu.memory_space<vmem>> -> memref<1x8x8x128xf32, #tpu.memory_space<vmem>>
        %dma_start3A_3559 = tpu.memref_squeeze %dma_start3A_3558 : memref<1x8x8x128xf32, #tpu.memory_space<vmem>> -> memref<8x8x128xf32, #tpu.memory_space<vmem>>
        %dma_start3A_3560 = arith.constant 0 : i32
        %dma_start3A_3561 = arith.constant 0 : i32
        %dma_start3A_3562 = tpu.memref_slice %arg2[%dma_start3A_3560, %dma_start3A_3561, %multiple_of3A_3546] : memref<8x8x1000000xf32, #tpu.memory_space<hbm>> -> memref<8x8x128xf32, #tpu.memory_space<hbm>>
        %dma_start3A_3563 = arith.constant 0 : i32
        %dma_start3A_3564 = arith.constant 0 : i32
        %dma_start3A_3565 = arith.constant 0 : i32
        %dma_start3A_3566 = tpu.memref_slice %arg11[%dma_start3A_3554, %dma_start3A_3563, %dma_start3A_3564, %dma_start3A_3565] : memref<4x8x8x128xf32, #tpu.memory_space<vmem>> -> memref<1x8x8x128xf32, #tpu.memory_space<vmem>>
        %dma_start3A_3567 = tpu.memref_squeeze %dma_start3A_3566 : memref<1x8x8x128xf32, #tpu.memory_space<vmem>> -> memref<8x8x128xf32, #tpu.memory_space<vmem>>
        %dma_start3A_3568 = arith.constant 0 : i32
        %dma_start3A_3569 = arith.constant 0 : i32
        %dma_start3A_3570 = tpu.memref_slice %arg2[%dma_start3A_3568, %dma_start3A_3569, %multiple_of3A_3546] : memref<8x8x1000000xf32, #tpu.memory_space<hbm>> -> memref<8x8x128xf32, #tpu.memory_space<hbm>>
        tpu.enqueue_dma source(%dma_start3A_3570 : memref<8x8x128xf32, #tpu.memory_space<hbm>>) target(%dma_start3A_3567 : memref<8x8x128xf32, #tpu.memory_space<vmem>>) target_semaphore(%arg19 : memref<!tpu.dma_semaphore, #tpu.memory_space<semaphore_mem>>)
        %dma_start3A_3571 = arith.constant 2 : i32
        %dma_start3A_3572 = arith.constant 0 : i32
        %dma_start3A_3573 = arith.constant 0 : i32
        %dma_start3A_3574 = arith.constant 0 : i32
        %dma_start3A_3575 = tpu.memref_slice %arg12[%dma_start3A_3571, %dma_start3A_3572, %dma_start3A_3573, %dma_start3A_3574] : memref<4x8x8x128xf32, #tpu.memory_space<vmem>> -> memref<1x8x8x128xf32, #tpu.memory_space<vmem>>
        %dma_start3A_3576 = tpu.memref_squeeze %dma_start3A_3575 : memref<1x8x8x128xf32, #tpu.memory_space<vmem>> -> memref<8x8x128xf32, #tpu.memory_space<vmem>>
        %dma_start3A_3577 = arith.constant 0 : i32
        %dma_start3A_3578 = arith.constant 0 : i32
        %dma_start3A_3579 = tpu.memref_slice %arg3[%dma_start3A_3577, %dma_start3A_3578, %multiple_of3A_3553] : memref<8x8x1000000xf32, #tpu.memory_space<hbm>> -> memref<8x8x128xf32, #tpu.memory_space<hbm>>
        %dma_start3A_3580 = arith.constant 0 : i32
        %dma_start3A_3581 = arith.constant 0 : i32
        %dma_start3A_3582 = arith.constant 0 : i32
        %dma_start3A_3583 = tpu.memref_slice %arg12[%dma_start3A_3571, %dma_start3A_3580, %dma_start3A_3581, %dma_start3A_3582] : memref<4x8x8x128xf32, #tpu.memory_space<vmem>> -> memref<1x8x8x128xf32, #tpu.memory_space<vmem>>
        %dma_start3A_3584 = tpu.memref_squeeze %dma_start3A_3583 : memref<1x8x8x128xf32, #tpu.memory_space<vmem>> -> memref<8x8x128xf32, #tpu.memory_space<vmem>>
        %dma_start3A_3585 = arith.constant 0 : i32
        %dma_start3A_3586 = arith.constant 0 : i32
        %dma_start3A_3587 = tpu.memref_slice %arg3[%dma_start3A_3585, %dma_start3A_3586, %multiple_of3A_3553] : memref<8x8x1000000xf32, #tpu.memory_space<hbm>> -> memref<8x8x128xf32, #tpu.memory_space<hbm>>
        tpu.enqueue_dma source(%dma_start3A_3587 : memref<8x8x128xf32, #tpu.memory_space<hbm>>) target(%dma_start3A_3584 : memref<8x8x128xf32, #tpu.memory_space<vmem>>) target_semaphore(%arg19 : memref<!tpu.dma_semaphore, #tpu.memory_space<semaphore_mem>>)
      } else {
      }
      %dma_wait3A_3398 = arith.constant 3 : i32
      %dma_wait3A_3399 = arith.constant 0 : i32
      %dma_wait3A_3400 = arith.constant 0 : i32
      %dma_wait3A_3401 = arith.constant 0 : i32
      %dma_wait3A_3402 = tpu.memref_slice %arg11[%dma_wait3A_3398, %dma_wait3A_3399, %dma_wait3A_3400, %dma_wait3A_3401] : memref<4x8x8x128xf32, #tpu.memory_space<vmem>> -> memref<1x8x8x128xf32, #tpu.memory_space<vmem>>
      %dma_wait3A_3403 = tpu.memref_squeeze %dma_wait3A_3402 : memref<1x8x8x128xf32, #tpu.memory_space<vmem>> -> memref<8x8x128xf32, #tpu.memory_space<vmem>>
      %dma_wait3A_3404 = arith.constant 0 : i32
      %dma_wait3A_3405 = arith.constant 0 : i32
      %dma_wait3A_3406 = arith.constant 0 : i32
      %dma_wait3A_3407 = tpu.memref_slice %arg2[%dma_wait3A_3404, %dma_wait3A_3405, %dma_wait3A_3406] : memref<8x8x1000000xf32, #tpu.memory_space<hbm>> -> memref<8x8x128xf32, #tpu.memory_space<hbm>>
      %dma_wait3A_3408 = arith.constant 0 : i32
      %dma_wait3A_3409 = arith.constant 0 : i32
      %dma_wait3A_3410 = arith.constant 0 : i32
      %dma_wait3A_3411 = tpu.memref_slice %arg11[%dma_wait3A_3398, %dma_wait3A_3408, %dma_wait3A_3409, %dma_wait3A_3410] : memref<4x8x8x128xf32, #tpu.memory_space<vmem>> -> memref<1x8x8x128xf32, #tpu.memory_space<vmem>>
      %dma_wait3A_3412 = tpu.memref_squeeze %dma_wait3A_3411 : memref<1x8x8x128xf32, #tpu.memory_space<vmem>> -> memref<8x8x128xf32, #tpu.memory_space<vmem>>
      %dma_wait3A_3413 = arith.constant 0 : i32
      %dma_wait3A_3414 = arith.constant 0 : i32
      %dma_wait3A_3415 = arith.constant 0 : i32
      %dma_wait3A_3416 = tpu.memref_slice %arg2[%dma_wait3A_3413, %dma_wait3A_3414, %dma_wait3A_3415] : memref<8x8x1000000xf32, #tpu.memory_space<hbm>> -> memref<8x8x128xf32, #tpu.memory_space<hbm>>
      tpu.wait_dma2 semaphore(%arg20 : memref<!tpu.dma_semaphore, #tpu.memory_space<semaphore_mem>>) src(%dma_wait3A_3416 : memref<8x8x128xf32, #tpu.memory_space<hbm>>) dst(%dma_wait3A_3412 : memref<8x8x128xf32, #tpu.memory_space<vmem>>)
      %dma_wait3A_3417 = arith.constant 3 : i32
      %dma_wait3A_3418 = arith.constant 0 : i32
      %dma_wait3A_3419 = arith.constant 0 : i32
      %dma_wait3A_3420 = arith.constant 0 : i32
      %dma_wait3A_3421 = tpu.memref_slice %arg12[%dma_wait3A_3417, %dma_wait3A_3418, %dma_wait3A_3419, %dma_wait3A_3420] : memref<4x8x8x128xf32, #tpu.memory_space<vmem>> -> memref<1x8x8x128xf32, #tpu.memory_space<vmem>>
      %dma_wait3A_3422 = tpu.memref_squeeze %dma_wait3A_3421 : memref<1x8x8x128xf32, #tpu.memory_space<vmem>> -> memref<8x8x128xf32, #tpu.memory_space<vmem>>
      %dma_wait3A_3423 = arith.constant 0 : i32
      %dma_wait3A_3424 = arith.constant 0 : i32
      %dma_wait3A_3425 = arith.constant 0 : i32
      %dma_wait3A_3426 = tpu.memref_slice %arg3[%dma_wait3A_3423, %dma_wait3A_3424, %dma_wait3A_3425] : memref<8x8x1000000xf32, #tpu.memory_space<hbm>> -> memref<8x8x128xf32, #tpu.memory_space<hbm>>
      %dma_wait3A_3427 = arith.constant 0 : i32
      %dma_wait3A_3428 = arith.constant 0 : i32
      %dma_wait3A_3429 = arith.constant 0 : i32
      %dma_wait3A_3430 = tpu.memref_slice %arg12[%dma_wait3A_3417, %dma_wait3A_3427, %dma_wait3A_3428, %dma_wait3A_3429] : memref<4x8x8x128xf32, #tpu.memory_space<vmem>> -> memref<1x8x8x128xf32, #tpu.memory_space<vmem>>
      %dma_wait3A_3431 = tpu.memref_squeeze %dma_wait3A_3430 : memref<1x8x8x128xf32, #tpu.memory_space<vmem>> -> memref<8x8x128xf32, #tpu.memory_space<vmem>>
      %dma_wait3A_3432 = arith.constant 0 : i32
      %dma_wait3A_3433 = arith.constant 0 : i32
      %dma_wait3A_3434 = arith.constant 0 : i32
      %dma_wait3A_3435 = tpu.memref_slice %arg3[%dma_wait3A_3432, %dma_wait3A_3433, %dma_wait3A_3434] : memref<8x8x1000000xf32, #tpu.memory_space<hbm>> -> memref<8x8x128xf32, #tpu.memory_space<hbm>>
      tpu.wait_dma2 semaphore(%arg20 : memref<!tpu.dma_semaphore, #tpu.memory_space<semaphore_mem>>) src(%dma_wait3A_3435 : memref<8x8x128xf32, #tpu.memory_space<hbm>>) dst(%dma_wait3A_3431 : memref<8x8x128xf32, #tpu.memory_space<vmem>>)
      %broadcast_in_dim3A_3436 = arith.constant 0 : i32
      %broadcast_in_dim3A_3437 = vector.broadcast %broadcast_in_dim3A_3436 : i32 to vector<16xi32>
      %slice3A_3438 = vector.extract_strided_slice %get3A_501 {offsets = [15], sizes = [1], strides = [1]} : vector<16xi32> to vector<1xi32>
      %squeeze3A_3439 = vector.extract %slice3A_3438[0] : i32 from vector<1xi32>
      %and3A_3440 = arith.constant 127 : i32
      %and3A_3441 = arith.andi %squeeze3A_3439, %and3A_3440 : i32
      %add3A_3442 = vector.broadcast %and3A_3441 : i32 to vector<16xi32>
      %add3A_3443 = arith.addi %broadcast_in_dim3A_3437, %add3A_3442 : vector<16xi32>
      %broadcast_in_dim3A_3444 = arith.constant 0 : i32
      %broadcast_in_dim3A_3445 = vector.broadcast %broadcast_in_dim3A_3444 : i32 to vector<16xi32>
      %slice3A_3446 = vector.extract_strided_slice %get3A_544 {offsets = [15], sizes = [1], strides = [1]} : vector<16xi32> to vector<1xi32>
      %squeeze3A_3447 = vector.extract %slice3A_3446[0] : i32 from vector<1xi32>
      %and3A_3448 = arith.constant 127 : i32
      %and3A_3449 = arith.andi %squeeze3A_3447, %and3A_3448 : i32
      %add3A_3450 = vector.broadcast %and3A_3449 : i32 to vector<16xi32>
      %add3A_3451 = arith.addi %broadcast_in_dim3A_3445, %add3A_3450 : vector<16xi32>
      %add3A_3452 = arith.constant 0 : i32
      %add3A_3453 = vector.broadcast %add3A_3452 : i32 to vector<16xi32>
      %add3A_3454 = arith.addi %shift_right_logical3A_244, %add3A_3453 : vector<16xi32>
      %gather3A_3455 = arith.constant 3 : i32
      %gather3A_3456 = arith.constant 0 : i32
      %gather3A_3457 = arith.constant 0 : i32
      %gather3A_3458 = arith.constant 0 : i32
      %gather3A_3459 = tpu.memref_slice %arg11[%gather3A_3455, %gather3A_3456, %gather3A_3457, %gather3A_3458] : memref<4x8x8x128xf32, #tpu.memory_space<vmem>> -> memref<1x8x8x128xf32, #tpu.memory_space<vmem>>
      %gather3A_3460 = tpu.memref_squeeze %gather3A_3459 : memref<1x8x8x128xf32, #tpu.memory_space<vmem>> -> memref<8x8x128xf32, #tpu.memory_space<vmem>>
      %gather3A_3461 = tpu.vector_load_idx %gather3A_3460[%add3A_3454, %and3A_242, %add3A_3443] : memref<8x8x128xf32, #tpu.memory_space<vmem>>[vector<16xi32>, vector<16xi32>, vector<16xi32>], vector<16xf32>,
      %gather3A_3462 = arith.constant 3 : i32
      %gather3A_3463 = arith.constant 0 : i32
      %gather3A_3464 = arith.constant 0 : i32
      %gather3A_3465 = arith.constant 0 : i32
      %gather3A_3466 = tpu.memref_slice %arg12[%gather3A_3462, %gather3A_3463, %gather3A_3464, %gather3A_3465] : memref<4x8x8x128xf32, #tpu.memory_space<vmem>> -> memref<1x8x8x128xf32, #tpu.memory_space<vmem>>
      %gather3A_3467 = tpu.memref_squeeze %gather3A_3466 : memref<1x8x8x128xf32, #tpu.memory_space<vmem>> -> memref<8x8x128xf32, #tpu.memory_space<vmem>>
      %gather3A_3468 = tpu.vector_load_idx %gather3A_3467[%add3A_3454, %and3A_242, %add3A_3451] : memref<8x8x128xf32, #tpu.memory_space<vmem>>[vector<16xi32>, vector<16xi32>, vector<16xi32>], vector<16xf32>,
      %mul3A_3469 = arith.mulf %gather3A_3461, %gather3A_3468 : vector<16xf32>
      %add3A_3470 = arith.constant 2 : i32
      %add3A_3471 = vector.broadcast %add3A_3470 : i32 to vector<16xi32>
      %add3A_3472 = arith.addi %shift_right_logical3A_244, %add3A_3471 : vector<16xi32>
      %gather3A_3473 = arith.constant 3 : i32
      %gather3A_3474 = arith.constant 0 : i32
      %gather3A_3475 = arith.constant 0 : i32
      %gather3A_3476 = arith.constant 0 : i32
      %gather3A_3477 = tpu.memref_slice %arg11[%gather3A_3473, %gather3A_3474, %gather3A_3475, %gather3A_3476] : memref<4x8x8x128xf32, #tpu.memory_space<vmem>> -> memref<1x8x8x128xf32, #tpu.memory_space<vmem>>
      %gather3A_3478 = tpu.memref_squeeze %gather3A_3477 : memref<1x8x8x128xf32, #tpu.memory_space<vmem>> -> memref<8x8x128xf32, #tpu.memory_space<vmem>>
      %gather3A_3479 = tpu.vector_load_idx %gather3A_3478[%add3A_3472, %and3A_242, %add3A_3443] : memref<8x8x128xf32, #tpu.memory_space<vmem>>[vector<16xi32>, vector<16xi32>, vector<16xi32>], vector<16xf32>,
      %gather3A_3480 = arith.constant 3 : i32
      %gather3A_3481 = arith.constant 0 : i32
      %gather3A_3482 = arith.constant 0 : i32
      %gather3A_3483 = arith.constant 0 : i32
      %gather3A_3484 = tpu.memref_slice %arg12[%gather3A_3480, %gather3A_3481, %gather3A_3482, %gather3A_3483] : memref<4x8x8x128xf32, #tpu.memory_space<vmem>> -> memref<1x8x8x128xf32, #tpu.memory_space<vmem>>
      %gather3A_3485 = tpu.memref_squeeze %gather3A_3484 : memref<1x8x8x128xf32, #tpu.memory_space<vmem>> -> memref<8x8x128xf32, #tpu.memory_space<vmem>>
      %gather3A_3486 = tpu.vector_load_idx %gather3A_3485[%add3A_3472, %and3A_242, %add3A_3451] : memref<8x8x128xf32, #tpu.memory_space<vmem>>[vector<16xi32>, vector<16xi32>, vector<16xi32>], vector<16xf32>,
      %mul3A_3487 = arith.mulf %gather3A_3479, %gather3A_3486 : vector<16xf32>
      %add3A_3488 = arith.addf %mul3A_3469, %mul3A_3487 : vector<16xf32>
      %add3A_3489 = arith.constant 4 : i32
      %add3A_3490 = vector.broadcast %add3A_3489 : i32 to vector<16xi32>
      %add3A_3491 = arith.addi %shift_right_logical3A_244, %add3A_3490 : vector<16xi32>
      %gather3A_3492 = arith.constant 3 : i32
      %gather3A_3493 = arith.constant 0 : i32
      %gather3A_3494 = arith.constant 0 : i32
      %gather3A_3495 = arith.constant 0 : i32
      %gather3A_3496 = tpu.memref_slice %arg11[%gather3A_3492, %gather3A_3493, %gather3A_3494, %gather3A_3495] : memref<4x8x8x128xf32, #tpu.memory_space<vmem>> -> memref<1x8x8x128xf32, #tpu.memory_space<vmem>>
      %gather3A_3497 = tpu.memref_squeeze %gather3A_3496 : memref<1x8x8x128xf32, #tpu.memory_space<vmem>> -> memref<8x8x128xf32, #tpu.memory_space<vmem>>
      %gather3A_3498 = tpu.vector_load_idx %gather3A_3497[%add3A_3491, %and3A_242, %add3A_3443] : memref<8x8x128xf32, #tpu.memory_space<vmem>>[vector<16xi32>, vector<16xi32>, vector<16xi32>], vector<16xf32>,
      %gather3A_3499 = arith.constant 3 : i32
      %gather3A_3500 = arith.constant 0 : i32
      %gather3A_3501 = arith.constant 0 : i32
      %gather3A_3502 = arith.constant 0 : i32
      %gather3A_3503 = tpu.memref_slice %arg12[%gather3A_3499, %gather3A_3500, %gather3A_3501, %gather3A_3502] : memref<4x8x8x128xf32, #tpu.memory_space<vmem>> -> memref<1x8x8x128xf32, #tpu.memory_space<vmem>>
      %gather3A_3504 = tpu.memref_squeeze %gather3A_3503 : memref<1x8x8x128xf32, #tpu.memory_space<vmem>> -> memref<8x8x128xf32, #tpu.memory_space<vmem>>
      %gather3A_3505 = tpu.vector_load_idx %gather3A_3504[%add3A_3491, %and3A_242, %add3A_3451] : memref<8x8x128xf32, #tpu.memory_space<vmem>>[vector<16xi32>, vector<16xi32>, vector<16xi32>], vector<16xf32>,
      %mul3A_3506 = arith.mulf %gather3A_3498, %gather3A_3505 : vector<16xf32>
      %add3A_3507 = arith.addf %add3A_3488, %mul3A_3506 : vector<16xf32>
      %add3A_3508 = arith.constant 6 : i32
      %add3A_3509 = vector.broadcast %add3A_3508 : i32 to vector<16xi32>
      %add3A_3510 = arith.addi %shift_right_logical3A_244, %add3A_3509 : vector<16xi32>
      %gather3A_3511 = arith.constant 3 : i32
      %gather3A_3512 = arith.constant 0 : i32
      %gather3A_3513 = arith.constant 0 : i32
      %gather3A_3514 = arith.constant 0 : i32
      %gather3A_3515 = tpu.memref_slice %arg11[%gather3A_3511, %gather3A_3512, %gather3A_3513, %gather3A_3514] : memref<4x8x8x128xf32, #tpu.memory_space<vmem>> -> memref<1x8x8x128xf32, #tpu.memory_space<vmem>>
      %gather3A_3516 = tpu.memref_squeeze %gather3A_3515 : memref<1x8x8x128xf32, #tpu.memory_space<vmem>> -> memref<8x8x128xf32, #tpu.memory_space<vmem>>
      %gather3A_3517 = tpu.vector_load_idx %gather3A_3516[%add3A_3510, %and3A_242, %add3A_3443] : memref<8x8x128xf32, #tpu.memory_space<vmem>>[vector<16xi32>, vector<16xi32>, vector<16xi32>], vector<16xf32>,
      %gather3A_3518 = arith.constant 3 : i32
      %gather3A_3519 = arith.constant 0 : i32
      %gather3A_3520 = arith.constant 0 : i32
      %gather3A_3521 = arith.constant 0 : i32
      %gather3A_3522 = tpu.memref_slice %arg12[%gather3A_3518, %gather3A_3519, %gather3A_3520, %gather3A_3521] : memref<4x8x8x128xf32, #tpu.memory_space<vmem>> -> memref<1x8x8x128xf32, #tpu.memory_space<vmem>>
      %gather3A_3523 = tpu.memref_squeeze %gather3A_3522 : memref<1x8x8x128xf32, #tpu.memory_space<vmem>> -> memref<8x8x128xf32, #tpu.memory_space<vmem>>
      %gather3A_3524 = tpu.vector_load_idx %gather3A_3523[%add3A_3510, %and3A_242, %add3A_3451] : memref<8x8x128xf32, #tpu.memory_space<vmem>>[vector<16xi32>, vector<16xi32>, vector<16xi32>], vector<16xf32>,
      %mul3A_3525 = arith.mulf %gather3A_3517, %gather3A_3524 : vector<16xf32>
      %add3A_3526 = arith.addf %add3A_3507, %mul3A_3525 : vector<16xf32>
      %eq3A_3527 = arith.constant 15 : i32
      %eq3A_3528 = vector.broadcast %eq3A_3527 : i32 to vector<16xi32>
      %eq3A_3529 = arith.cmpi eq, %iota3A, %eq3A_3528 : vector<16xi32>
      %reduce_sum3A_3530 = arith.constant true
      %reduce_sum3A_3531 = vector.broadcast %reduce_sum3A_3530 : i1 to vector<16xi1>
      %reduce_sum3A_3532 = tpu.scan <sum>, %add3A_3526 masked %reduce_sum3A_3531 : vector<16xf32>, vector<16xi1> -> vector<16xf32>
      %reduce_sum3A_3533 = vector.extract %reduce_sum3A_3532[15] : f32 from vector<16xf32>
      %jit3A_3534 = arith.constant 0.000000e+00 : f32
      %broadcast_in_dim3A_3535 = vector.broadcast %reduce_sum3A_3533 : f32 to vector<16xf32>
      %broadcast_in_dim3A_3536 = vector.broadcast %jit3A_3534 : f32 to vector<16xf32>
      %select_n3A_3537 = arith.select %eq3A_3529, %broadcast_in_dim3A_3535, %broadcast_in_dim3A_3536 : vector<16xi1>, vector<16xf32>
      %add3A_3538 = arith.addf %add3A_3390, %select_n3A_3537 : vector<16xf32>
      %swap3A = arith.index_cast %mul3A_637 : i32 to index
      %swap3A_3539 = tpu.vector_load %arg16[%swap3A] {strides = array<i32>} : memref<512xf32, #tpu.memory_space<vmem>>, vector<16xf32>,
      tpu.vector_store %arg16[%swap3A], %add3A_3538 {strides = array<i32>} : memref<512xf32, #tpu.memory_space<vmem>>, vector<16xf32>,
    }
    %scan3A_460 = arith.constant 32 : i32
    "tpu.region"() ({
      %run_scoped3A = tpu.sem_alloc : memref<!tpu.dma_semaphore, #tpu.memory_space<semaphore_mem>>
      %dma_start3A_461 = tpu.memref_slice %arg8[%mul3A_2] : memref<16384xf32, #tpu.memory_space<hbm>> -> memref<512xf32, #tpu.memory_space<hbm>>
      %dma_start3A_462 = tpu.memref_slice %arg8[%mul3A_2] : memref<16384xf32, #tpu.memory_space<hbm>> -> memref<512xf32, #tpu.memory_space<hbm>>
      tpu.enqueue_dma source(%arg16 : memref<512xf32, #tpu.memory_space<vmem>>) target(%dma_start3A_462 : memref<512xf32, #tpu.memory_space<hbm>>) target_semaphore(%run_scoped3A : memref<!tpu.dma_semaphore, #tpu.memory_space<semaphore_mem>>)
      %dma_wait3A_463 = tpu.memref_slice %arg8[%mul3A_2] : memref<16384xf32, #tpu.memory_space<hbm>> -> memref<512xf32, #tpu.memory_space<hbm>>
      %dma_wait3A_464 = tpu.memref_slice %arg8[%mul3A_2] : memref<16384xf32, #tpu.memory_space<hbm>> -> memref<512xf32, #tpu.memory_space<hbm>>
      tpu.wait_dma2 semaphore(%run_scoped3A : memref<!tpu.dma_semaphore, #tpu.memory_space<semaphore_mem>>) src(%arg16 : memref<512xf32, #tpu.memory_space<vmem>>) dst(%dma_wait3A_464 : memref<512xf32, #tpu.memory_space<hbm>>)
      tpu.yield
    }) : () -> ()
    return
  }
}

</mosaic_0001>

<sc_bundles>
// kernel: kernel.3.cloned.1.call-start
scs
__scs_entry_jumppad:
0x0: {  	(pc) =	sbr.rel $0x88, $3  }
0x1: {  	(tag) =	ssettag $0x0;
	lr =	simm.s32 $0x1  }
0x2: {  	[smem:$0x3F9B] =	sst lr;
	_ =	strace $0xD0000000  }
0x3: {  	_ = 	snop  }
0x4: {  	_ = 	snop  }
0x5: {  	_ = 	snop  }
0x6: {  	_ = 	snop  }
0x7: {  	_ = 	snop  }
__scs_overlays_trampoline_lowered:
0x8: {  	[smem:$0x3FAA] =	sst s0  }
0x9: {  	[smem:$0x3FAB] =	sst s1  }
0xa: {  	[smem:$0x3FAC] =	sst s2  }
0xb: {  	[smem:$0x3FAD] =	sst s3  }
0xc: {  	[smem:$0x3FAE] =	sst s4  }
0xd: {  	[smem:$0x3FAF] =	sst s5  }
0xe: {  	[smem:$0x3FB0] =	sst s6  }
0xf: {  	[smem:$0x3FB1] =	sst s7  }
0x10: {  	[smem:$0x3FB2] =	sst s8  }
0x11: {  	[smem:$0x3FB3] =	sst s9;
	s0 =	simm.s32 @!p0 $0x0  }
0x12: {  	s1 =	sld [smem:$0x3F99];
	s0 =	simm.s32 @p0 $0x1  }
0x13: {  	[smem:$0x3FB4] =	sst s0;
	s0 =	simm.s32 @!p1 $0x0  }
0x14: {  	s2 =	sld [smem:$0x3F98];
	s0 =	simm.s32 @p1 $0x1  }
0x15: {  	[smem:$0x3FB5] =	sst s0;
	s0 =	simm.s32 @!p2 $0x0  }
0x16: {  	s3 =	sld [smem:$0x3FDB];
	s0 =	simm.s32 @p2 $0x1  }
0x17: {  	s4 =	simm.s32 $0x1BF5;
	[smem:$0x3FB7] =	sst s0  }
0x18: {  	s0 =	sld [smem:$0x3F9A];
	_ =	swait.ge [sflag:s4], $0x0  }
0x19: {  	s7 =	sld [smem:$0x3F9B]  }
0x1a: {  	s8 =	sadd.s32 $0xFFFFE003, lr  }
0x1b: {  	s9 =	sadd.s32 $0xFFFFFEF7, lr;
	s5 =	simm.s32 $0xFFFFFFFF;
	p2 =	slt.u32 s8, $0xFFFFF086  }
0x1c: {  	p1 =	slt.u32 s9, $0xF7A;
	s5 =	simm.s32 @!p2 $0x0  }
0x1d: {  	s5 =	simm.s32 @p1 $0x1;
	p0 =	seq.s32 s7, s2  }
0x1e: {  	s7 =	smul.u32 @!p0 $0xF7A, s2;
	p2 =	seq.s32 @!p0 s5, $0x0  }
0x1f: {  	s9 =	smul.u32 $0xF7A, s1;
	s8 =	simm.s32 @!p0 $0x1BF5;
	p2 =	por !p2, p0  }
0x20: {  	[sflag:s8] =	ssyncset.s32 @!p0 $0xFFFFF086;
	s6 =	sadd.s32 @!p0 s3, s7;
	s7 =	simm.s32 @!p0 $0x108  }
0x21: {  	s3 =	sadd.s32 s3, s9;
	s6 =	sadd.s32 @!p0 $0x88, s6;
	s7 =	simm.s32 @p2 $0x1082  }
0x22: {  	[simem:s7], [sflag:s8] =	dma.local @!p0 [hbm:s6], $0xF7A  }
0x23: {  	s9 =	sor.u32 $0xD0000000, s2;
	s6 =	simm.s32 $0x108;
	_ =	swait.ge @!p0 [sflag:s8], $0x0  }
0x24: {  	s3 =	sadd.s32 $0x88, s3;
	s6 =	simm.s32 @!p1 $0x1082;
	[sflag:s4] =	ssyncset.s32 $0xFFFFF086  }
0x25: {  	[simem:s6], [sflag:s4] =	dma.local [hbm:s3], $0xF7A  }
0x26: {  	[smem:$0x3F9B] =	sst s1;
	(tag) =	ssettag s2;
	_ =	strace s9  }
0x27: {  	s1 =	sld [smem:$0x3FAB]  }
0x28: {  	s2 =	sld [smem:$0x3FAC]  }
0x29: {  	s4 =	sld [smem:$0x3FAE]  }
0x2a: {  	p0 =	seq.s32 s5, $0x0;
	s5 =	sld [smem:$0x3FAF]  }
0x2b: {  	s6 =	sld [smem:$0x3FB0]  }
0x2c: {  	s7 =	sld [smem:$0x3FB1]  }
0x2d: {  	s3 =	simm.s32 $0x108;
	s8 =	sld [smem:$0x3FB2]  }
0x2e: {  	s3 =	simm.s32 @!p0 $0x1082;
	s9 =	sld [smem:$0x3FB3]  }
0x2f: {  	lr =	sadd.s32 s0, s3;
	s0 =	sld [smem:$0x3FAA]  }
0x30: {  	s3 =	sld [smem:$0x3FAD]  }
0x31: {  	[smem:$0x3FB6] =	sst s10  }
0x32: {  	s10 =	sld [smem:$0x3FB4];
	_ =	sdelay $0x3  }
0x33: {  	p0 =	seq.s32 s10, $0x1;
	s10 =	sld [smem:$0x3FB6];
	_ =	sdelay $0x3  }
0x34: {  	[smem:$0x3FB6] =	sst s10  }
0x35: {  	s10 =	sld [smem:$0x3FB5];
	_ =	sdelay $0x3  }
0x36: {  	p1 =	seq.s32 s10, $0x1;
	s10 =	sld [smem:$0x3FB6];
	_ =	sdelay $0x3  }
0x37: {  	[smem:$0x3FB6] =	sst s10  }
0x38: {  	s10 =	sld [smem:$0x3FB7]  }
0x39: {  	_ = 	snop;
	(pc) =	sbr.ind lr, $3  }
0x3a: {  	_ = 	snop  }
0x3b: {  	_ = 	snop  }
0x3c: {  	p2 =	seq.s32 s10, $0x1;
	s10 =	sld [smem:$0x3FB6]  }
0x3d: {  	_ =	shalt  }
0x3e: {  	_ =	shalt  }
0x3f: {  	_ =	shalt  }
0x40: {  	_ =	shalt  }
0x41: {  	_ =	shalt  }
0x42: {  	_ =	shalt  }
0x43: {  	_ =	shalt  }
0x44: {  	_ =	shalt  }
0x45: {  	_ =	shalt  }
0x46: {  	_ =	shalt  }
0x47: {  	_ =	shalt  }
0x48: {  	_ =	shalt  }
0x49: {  	_ =	shalt  }
0x4a: {  	_ =	shalt  }
0x4b: {  	_ =	shalt  }
0x4c: {  	_ =	shalt  }
0x4d: {  	_ =	shalt  }
0x4e: {  	_ =	shalt  }
0x4f: {  	_ =	shalt  }
0x50: {  	_ =	shalt  }
0x51: {  	_ =	shalt  }
0x52: {  	_ =	shalt  }
0x53: {  	_ =	shalt  }
0x54: {  	_ =	shalt  }
0x55: {  	_ =	shalt  }
0x56: {  	_ =	shalt  }
0x57: {  	_ =	shalt  }
0x58: {  	_ =	shalt  }
0x59: {  	_ =	shalt  }
0x5a: {  	_ =	shalt  }
0x5b: {  	_ =	shalt  }
0x5c: {  	_ =	shalt  }
0x5d: {  	_ =	shalt  }
0x5e: {  	_ =	shalt  }
0x5f: {  	_ =	shalt  }
0x60: {  	_ =	shalt  }
0x61: {  	_ =	shalt  }
0x62: {  	_ =	shalt  }
0x63: {  	_ =	shalt  }
0x64: {  	_ =	shalt  }
0x65: {  	_ =	shalt  }
0x66: {  	_ =	shalt  }
0x67: {  	_ =	shalt  }
0x68: {  	_ =	shalt  }
0x69: {  	_ =	shalt  }
0x6a: {  	_ =	shalt  }
0x6b: {  	_ =	shalt  }
0x6c: {  	_ =	shalt  }
0x6d: {  	_ =	shalt  }
0x6e: {  	_ =	shalt  }
0x6f: {  	_ =	shalt  }
0x70: {  	_ =	shalt  }
0x71: {  	_ =	shalt  }
0x72: {  	_ =	shalt  }
0x73: {  	_ =	shalt  }
0x74: {  	_ =	shalt  }
0x75: {  	_ =	shalt  }
0x76: {  	_ =	shalt  }
0x77: {  	_ =	shalt  }
0x78: {  	_ =	shalt  }
0x79: {  	_ =	shalt  }
0x7a: {  	_ =	shalt  }
0x7b: {  	_ =	shalt  }
0x7c: {  	_ =	shalt  }
0x7d: {  	_ =	shalt  }
0x7e: {  	_ =	shalt  }
0x7f: {  	_ =	shalt  }
0x80: {  	_ =	shalt  }
0x81: {  	_ =	shalt  }
0x82: {  	_ =	shalt  }
0x83: {  	_ =	shalt  }
0x84: {  	_ =	shalt  }
0x85: {  	_ =	shalt  }
0x86: {  	_ =	shalt  }
0x87: {  	_ =	shalt  }
.Lfunc_end0:
.L_simem_size_0:
called_computation_lowered:
.L_overlay_start_0:
0x88: {  	s2 =	sld [smem:$0x3FD9]  }
0x89: {  	s3 =	sld [smem:$0x3FFE];
	_ =	sdelay $0x1  }
0x8a: {  	s1 =	srdreg.scid  }
0x8b: {  	s0 =	sand.u32 $0x1, s1  }
0x8c: {  	s17 =	sshll.u32 s0, $0xA;
	s2 =	sadd.s32 s3, s2  }
0x8d: {  	s2 =	sadd.s32 s2, s17  }
0x8e: {  	[smem:$0x3FC2] =	sst s2  }
0x8f: {  	_ = 	snop  }
0x90: {  	s2 =	sld [smem:$0x3FC9]  }
0x91: {  	s18 =	sld [smem:$0x3FC8]  }
0x92: {  	s4 =	sld [smem:$0x3FC5]  }
0x93: {  	s5 =	sld [smem:$0x3FC4]  }
0x94: {  	s6 =	sld [smem:$0x3FD0];
	(tm) =	ssettm $0x1  }
0x95: {  	s7 =	sld [smem:$0x3FFB];
	_ =	sdelay $0x3  }
0x96: {  	_ =	strace s7  }
0x97: {  	s7 =	sld [smem:$0x3FFC];
	_ =	sdelay $0x3  }
0x98: {  	_ =	strace s7  }
0x99: {  	s7 =	sld [smem:$0x3FFD];
	_ =	sdelay $0x3  }
0x9a: {  	_ =	strace s7  }
0x9b: {  	_ =	strace $0x8FFFFFFF  }
0x9c: {  	s19 =	sld [smem:$0x3FDB];
	_ =	sdelay $0x1  }
0x9d: {  	s8 =	simm.s32 $_scs_section_size  }
0x9e: {  	s9 =	simm.s32 $_size__tile_overlayer_lowered;
	s10 =	simm.s32 $_tile_overlayer_lowered  }
0x9f: {  	s22 =	simm.s32 $0x1BFF;
	s21 =	sshll.u32 s10, $0x1;
	s7 =	sadd.s32 s8, s19  }
0xa0: {  	s11 =	simm.s32 $0x0;
	s20 =	sshll.u32 s9, $0x1;
	s9 =	sadd.s32 s21, s7  }
0xa1: {  	[timem:s11], [sflag:s22] =	dma.local [hbm:s9], s20  }
0xa2: {  	_ =	swait.ge [sflag:s22], s20  }
0xa3: {  	s8 =	ssub.s32 $0x0, s20;
	[sflag:s22] =	ssyncset.done $0x0  }
0xa4: {  	[sflag:s22] =	ssyncadd.s32 s8;
	_ =	sdelay $0x1  }
0xa5: {  	s23 =	simm.s32 $0x1B8B  }
0xa6: {  	_ =	swait.ge [sflag:s23], $0x1  }
0xa7: {  	[sflag:s23] =	ssyncset.done $0x0  }
0xa8: {  	s25 =	simm.s32 $0x1B8E;
	s24 =	sld [smem:$0x3FFE];
	[sflag:s23] =	ssyncadd.s32 $0xFFFFFFFF  }
0xa9: {  	s26 =	simm.s32 $execute0_lowered;
	[smem:$0x3FD2] =	sst s25  }
0xaa: {  	s9 =	sshll.u32 s26, $0x1;
	_ =	strace $0x80000046;
	[dreg:$0x1] =	wrdreg $0xFFFFFFFF  }
0xab: {  	s28 =	simm.s32 $_size_execute0_lowered;
	s7 =	sadd.s32 s7, s9;
	[dreg:$0x0] =	wrdreg $0x0  }
0xac: {  	s9 =	sshll.u32 s28, $0x1;
	[dreg:$0x2] =	wrdreg s7  }
0xad: {  	[dreg:$0x3] =	wrdreg s9  }
0xae: {  	[dreg:$0x4] =	wrdreg $0xC0  }
0xaf: {  	_ =	task [dreg:s11], $0x5FFFF  }
0xb0: {  	[dreg:$0x1] =	wrdreg $0xFFFFFFFF  }
0xb1: {  	[dreg:$0x0] =	wrdreg $0x60  }
0xb2: {  	[dreg:$0x2] =	wrdreg s2  }
0xb3: {  	[dreg:$0x3] =	wrdreg s18  }
0xb4: {  	[dreg:$0x4] =	wrdreg s24  }
0xb5: {  	[dreg:$0x5] =	wrdreg s4  }
0xb6: {  	[dreg:$0x6] =	wrdreg s5  }
0xb7: {  	[dreg:$0x7] =	wrdreg s6  }
0xb8: {  	[dreg:$0x8] =	wrdreg $0x9  }
0xb9: {  	_ =	task.clear_ibuf [dreg:s11], $0x9FFFF;
	_ =	strace $0x90000046  }
0xba: {  	s29 =	simm.s32 $0x9;
	_ =	strace $0x80000048  }
0xbb: {  	_ =	swait.ge [sflag:s29], $0x1  }
0xbc: {  	[sflag:s29] =	ssyncadd.s32 $0xFFFFFFFF  }
0xbd: {  	_ =	strace $0x90000048  }
0xbe: {  	_ =	sfence  }
0xbf: {  	s30 =	sld [smem:$0x0];
	_ =	sdelay $0x2  }
0xc0: {  	s31 =	sshll.u32 s1, $0xD;
	s1 =	sshrl.u32 s1, $0x2  }
0xc1: {  	s3 =	sand.u32 $0x4000, s31;
	s1 =	sadd.s32 s1, s30  }
0xc2: {  	s0 =	sor.u32 s3, s0;
	s1 =	sshll.u32 s1, $0x11  }
0xc3: {  	s0 =	sor.u32 s1, s0  }
0xc4: {  	s0 =	sadd.s32 $0x8F2B, s0  }
0xc5: {  	[sflag:s0] =	ssyncadd.remote.s32 $0x1  }
0xc6: {  	_ =	sfence.sel $0xFFFF  }
0xc7: {  	[dreg:$0x0] =	wrdreg $0xFFFFFFFF;
	(pc) =	sbr.abs _section_cstart, $3  }
0xc8: {  	[dreg:$0x1] =	wrdreg $0xFFFFFFFF  }
0xc9: {  	_ =	task.clear_ibuf [dreg:s11], $0x2FFFF;
	_ =	strace $0x9FFFFFFF  }
0xca: {  	(tm) =	ssettm $0x7FFFFFFF  }
0xcb: {  	_ =	shalt  }
tec
execute0_lowered:
.L_overlay_start_1:
0x0: {  	(tag) =	ssettag $0x1  }
0x1: {  	s1 =	rddreg [dreg:$0x0]  }
0x2: {  	s2 =	rddreg [dreg:$0x1]  }
0x3: {  	s10 =	rddreg [dreg:$0x2]  }
0x4: {  	s0 =	rddreg [dreg:$0x3]  }
0x5: {  	s3 =	rddreg [dreg:$0x4]  }
0x6: {  	s5 =	rddreg [dreg:$0x5];
	s4 =	simm.s32 $0x0  }
0x7: {  	s6 =	srdreg.scid;
	s9 =	stileid.u32;
	s28 =	simm.s32 $0x8400  }
0x8: {  	s29 =	simm.s32 $0x2400;
	s30 =	simm.s32 $0xA400;
	s31 =	simm.s32 $0x4400  }
0x9: {  	[smem:$0x7FF] =	sst s4;
	s6 =	sand.u32 $0x1, s6;
	s9 =	sshll.u32 s9, $0x7  }
0xa: {  	s10 =	sadd.s32 $0x1EA00, s10;
	s7 =	ssub.s32 $0x2, s6;
	s6 =	sshll.u32 s6, $0x6  }
0xb: {  	_ =	strace $0x80000047;
	[dreg:$0x7] =	wrdreg s10;
	s6 =	sor.u32 s6, s9  }
0xc: {  	s8 =	sshrl.u32 s7, $0x1;
	s9 =	simm.s32 $0x0;
	s17 =	sadd.s32 s0, s6  }
0xd: {  	s7 =	ssub.s32 s7, s8;
	s18 =	sadd.s32 s3, s6;
	[dreg:$0x8] =	wrdreg s17  }
0xe: {  	s19 =	sor.u32 $0x10, s6;
	s25 =	sadd.s32 s5, s6;
	[dreg:$0x9] =	wrdreg s18  }
0xf: {  	s21 =	sor.u32 $0x20, s6;
	s20 =	sadd.s32 s0, s19;
	[dreg:$0x10] =	wrdreg s25  }
0x10: {  	s23 =	sor.u32 $0x30, s6;
	s8 =	sadd.s32 s3, s19;
	[dreg:$0xa] =	wrdreg s20  }
0x11: {  	v0 =	vlaneseq.u32;
	vm0 =	vmmov $0x1;
	vm1 =	vcmask $0x704;
	s5 =	simm.s32 $0x6400;
	s22 =	sadd.s32 s0, s21;
	[dreg:$0xb] =	wrdreg s8  }
0x12: {  	vm2 =	vcmask $0xB08;
	vm3 =	vcmask $0xF0C;
	vm4 =	vcmask $0x1310;
	s0 =	sadd.s32 s0, s23;
	s24 =	sadd.s32 s3, s23;
	[dreg:$0xc] =	wrdreg s22  }
0x13: {  	vm5 =	vcmask $0x1714;
	vm6 =	vcmask $0x1B18;
	vm7 =	vcmask $0x1F1C;
	s26 =	smax.u32 s7, $0x1;
	s25 =	simm.s32 $0x7A1400;
	[dreg:$0xe] =	wrdreg s0  }
0x14: {  	vm8 =	vcmask $0x2320;
	vm9 =	vcmask $0x2724;
	vm10 =	vcmask $0x2B28;
	s17 =	simm.s32 $0xE400;
	s7 =	simm.s32 $0x1;
	[dreg:$0xf] =	wrdreg s24  }
0x15: {  	vm11 =	vcmask $0x2F2C;
	vm12 =	vcmask $0x3330;
	v0 =	vmul.u32 $0x80, v0;
	s19 =	simm.s32 $0x2;
	s8 =	sadd.s32 s3, s21;
	[dreg:$0x11] =	wrdreg s26  }
0x16: {  	vm13 =	vcmask $0x3734;
	vm14 =	vcmask $0x3B38;
	vm15 =	vmmov $0x7fff;
	s24 =	simm.s32 $0x5;
	s26 =	simm.s32 $0x400;
	s0 =	simm.s32 $0xC400  }
0x17: {  	v1 =	vor.u32 $0x800, v0;
	v2 =	vor.u32 $0x1000, v0;
	v3 =	vor.u32 $0x1800, v0;
	s20 =	simm.s32 $0x4;
	[dreg:$0xd] =	wrdreg s8;
	s8 =	simm.s32 $0x3  }
.LBB2_1:
0x18: {  	s3 =	rddreg [dreg:$0x8]  }
0x19: {  	[tilespmem:s4], [sflag:$0x5] =	stream.linear.gather [hbm4b:s3+s4], $0x80, $0x38;
	[tilespmem:$0x10A00] =	vst v63  }
0x1a: {  	s13 =	rddreg [dreg:$0x9];
	s10 =	simm.s32 $0x200  }
0x1b: {  	[tilespmem:s10], [sflag:$0x5] =	stream.linear.gather [hbm4b:s13+s4], $0x80, $0x38;
	[tilespmem:$0x10A00] =	vst v63  }
0x1c: {  	s14 =	rddreg [dreg:$0xa];
	s11 =	simm.s32 $0x80  }
0x1d: {  	[tilespmem:s11], [sflag:$0x5] =	stream.linear.gather [hbm4b:s14+s4], $0x80, $0x38;
	[tilespmem:$0x10A00] =	vst v63  }
0x1e: {  	s15 =	rddreg [dreg:$0xb];
	s12 =	simm.s32 $0x280  }
0x1f: {  	[tilespmem:s12], [sflag:$0x5] =	stream.linear.gather [hbm4b:s15+s4], $0x80, $0x38;
	[tilespmem:$0x10A00] =	vst v63  }
0x20: {  	s16 =	rddreg [dreg:$0xc];
	s13 =	simm.s32 $0x100  }
0x21: {  	[tilespmem:s13], [sflag:$0x5] =	stream.linear.gather [hbm4b:s16+s4], $0x80, $0x38;
	[tilespmem:$0x10A00] =	vst v63  }
0x22: {  	s18 =	rddreg [dreg:$0xd];
	s14 =	simm.s32 $0x300  }
0x23: {  	[tilespmem:s14], [sflag:$0x5] =	stream.linear.gather [hbm4b:s18+s4], $0x80, $0x38;
	[tilespmem:$0x10A00] =	vst v63  }
0x24: {  	s21 =	rddreg [dreg:$0xe];
	s15 =	simm.s32 $0x180  }
0x25: {  	[tilespmem:s15], [sflag:$0x5] =	stream.linear.gather [hbm4b:s21+s4], $0x80, $0x38;
	[tilespmem:$0x10A00] =	vst v63  }
0x26: {  	s22 =	rddreg [dreg:$0xf];
	s16 =	simm.s32 $0x380  }
0x27: {  	[tilespmem:s16], [sflag:$0x5] =	stream.linear.gather [hbm4b:s22+s4], $0x80, $0x38;
	[tilespmem:$0x10A00] =	vst v63  }
0x28: {  	_ =	swait.ge [sflag:s24], $0x80  }
0x29: {  	[sflag:s24] =	ssyncset.done $0x0  }
0x2a: {  	[sflag:s24] =	ssyncadd.s32 $0xFFFFFF80  }
0x2b: {  	_ =	swait.ge [sflag:s24], $0x80  }
0x2c: {  	[sflag:s24] =	ssyncset.done $0x0  }
0x2d: {  	[sflag:s24] =	ssyncadd.s32 $0xFFFFFF80  }
0x2e: {  	_ =	swait.ge [sflag:s24], $0x80  }
0x2f: {  	[sflag:s24] =	ssyncset.done $0x0  }
0x30: {  	[sflag:s24] =	ssyncadd.s32 $0xFFFFFF80  }
0x31: {  	_ =	swait.ge [sflag:s24], $0x80  }
0x32: {  	[sflag:s24] =	ssyncset.done $0x0  }
0x33: {  	[sflag:s24] =	ssyncadd.s32 $0xFFFFFF80  }
0x34: {  	_ =	swait.ge [sflag:s24], $0x80  }
0x35: {  	[sflag:s24] =	ssyncset.done $0x0  }
0x36: {  	[sflag:s24] =	ssyncadd.s32 $0xFFFFFF80  }
0x37: {  	_ =	swait.ge [sflag:s24], $0x80  }
0x38: {  	[sflag:s24] =	ssyncset.done $0x0  }
0x39: {  	[sflag:s24] =	ssyncadd.s32 $0xFFFFFF80  }
0x3a: {  	_ =	swait.ge [sflag:s24], $0x80  }
0x3b: {  	[sflag:s24] =	ssyncset.done $0x0  }
0x3c: {  	[sflag:s24] =	ssyncadd.s32 $0xFFFFFF80  }
0x3d: {  	_ =	swait.ge [sflag:s24], $0x80  }
0x3e: {  	[sflag:s24] =	ssyncset.done $0x0  }
0x3f: {  	[sflag:s24] =	ssyncadd.s32 $0xFFFFFF80  }
0x40: {  	s6 =	simm.s32 $0x10400;
	s3 =	rddreg [dreg:$0x2]  }
0x41: {  	[tilespmem:s6], [sflag:$0x5] =	stream.indirect.gather [hbm4b:s3+s11], $0x1, s4, s11, $0xb8;
	[tilespmem:$0x10A00] =	vst v63  }
0x42: {  	s18 =	simm.s32 $0x10600;
	s6 =	rddreg [dreg:$0x7]  }
0x43: {  	[tilespmem:s18], [sflag:$0x5] =	stream.indirect.gather [hbm4b:s6+s11], $0x1, s10, s11, $0xb8;
	[tilespmem:$0x10A00] =	vst v63  }
0x44: {  	s23 =	simm.s32 $0x10480  }
0x45: {  	[tilespmem:s23], [sflag:$0x5] =	stream.indirect.gather [hbm4b:s3+s11], $0x1, s11, s11, $0xb8;
	[tilespmem:$0x10A00] =	vst v63  }
0x46: {  	s18 =	simm.s32 $0x10680  }
0x47: {  	[tilespmem:s18], [sflag:$0x5] =	stream.indirect.gather [hbm4b:s6+s11], $0x1, s12, s11, $0xb8;
	[tilespmem:$0x10A00] =	vst v63  }
0x48: {  	s21 =	simm.s32 $0x10500  }
0x49: {  	[tilespmem:s21], [sflag:$0x5] =	stream.indirect.gather [hbm4b:s3+s11], $0x1, s13, s11, $0xb8;
	[tilespmem:$0x10A00] =	vst v63  }
0x4a: {  	s22 =	simm.s32 $0x10700  }
0x4b: {  	[tilespmem:s22], [sflag:$0x5] =	stream.indirect.gather [hbm4b:s6+s11], $0x1, s14, s11, $0xb8;
	[tilespmem:$0x10A00] =	vst v63  }
0x4c: {  	s23 =	simm.s32 $0x10580  }
0x4d: {  	[tilespmem:s23], [sflag:$0x5] =	stream.indirect.gather [hbm4b:s3+s11], $0x1, s15, s11, $0xb8;
	[tilespmem:$0x10A00] =	vst v63  }
0x4e: {  	s10 =	simm.s32 $0x10780  }
0x4f: {  	[tilespmem:s10], [sflag:$0x5] =	stream.indirect.gather [hbm4b:s6+s11], $0x1, s16, s11, $0xb8;
	[tilespmem:$0x10A00] =	vst v63  }
0x50: {  	v4 =	vld [tilespmem:$0x0];
	_ =	sdelay $0x3  }
0x51: {  	v5 =	vld [tilespmem:$0x200]  }
0x52: {  	(v2sf) =	vpush v4, $0x0;
	_ =	sdelay $0x3  }
0x53: {  	(v2sf) =	vpush v5, $0x0  }
0x54: {  	(v2sf) =	vpush v4, $0x1;
	_ =	sdelay $0x1  }
0x55: {  	(v2sf) =	vpush v5, $0x1;
	_ =	sdelay $0x1  }
0x56: {  	(v2sf) =	vpush v4, $0x2;
	_ =	sdelay $0x5  }
0x57: {  	s11 =	spop (v2sf);
	(v2sf) =	vpush v5, $0x2;
	_ =	sdelay $0x3  }
0x58: {  	s3 =	sand.u32 $0xFFFFF80, s11;
	s12 =	spop (v2sf)  }
0x59: {  	s3 =	sadd.s32 s1, s3;
	s13 =	sand.u32 $0xFFFFF80, s12;
	s14 =	spop (v2sf)  }
0x5a: {  	[tilespmem:s26], [sflag:$0x1] =	stream.strided.gather [hbm4b:s3+s26], $0x2000, s25, s26, $0x38;
	[tilespmem:$0x10A00] =	vst v63  }
0x5b: {  	s3 =	sadd.s32 s2, s13;
	s15 =	sand.u32 $0xFFFFF80, s14;
	s16 =	spop (v2sf)  }
0x5c: {  	[tilespmem:s28], [sflag:$0x1] =	stream.strided.gather [hbm4b:s3+s26], $0x2000, s25, s26, $0x38;
	[tilespmem:$0x10A00] =	vst v63  }
0x5d: {  	s18 =	sand.u32 $0xFFFFF80, s16;
	s21 =	spop (v2sf);
	s3 =	sadd.s32 s1, s15  }
0x5e: {  	[tilespmem:s29], [sflag:$0x2] =	stream.strided.gather [hbm4b:s3+s26], $0x2000, s25, s26, $0x38;
	[tilespmem:$0x10A00] =	vst v63  }
0x5f: {  	s22 =	sand.u32 $0xFFFFF80, s21;
	s3 =	sadd.s32 s2, s18  }
0x60: {  	[tilespmem:s30], [sflag:$0x2] =	stream.strided.gather [hbm4b:s3+s26], $0x2000, s25, s26, $0x38;
	[tilespmem:$0x10A00] =	vst v63  }
0x61: {  	s3 =	sadd.s32 s1, s22  }
0x62: {  	[tilespmem:s31], [sflag:$0x3] =	stream.strided.gather [hbm4b:s3+s26], $0x2000, s25, s26, $0x38;
	[tilespmem:$0x10A00] =	vst v63  }
0x63: {  	s23 =	spop (v2sf)  }
0x64: {  	s3 =	sand.u32 $0xFFFFF80, s23  }
0x65: {  	s3 =	sadd.s32 s2, s3  }
0x66: {  	[tilespmem:s0], [sflag:$0x3] =	stream.strided.gather [hbm4b:s3+s26], $0x2000, s25, s26, $0x38;
	[tilespmem:$0x10A00] =	vst v63  }
0x67: {  	_ =	swait.ge [sflag:s24], $0x80  }
0x68: {  	[sflag:s24] =	ssyncset.done $0x0  }
0x69: {  	[sflag:s24] =	ssyncadd.s32 $0xFFFFFF80  }
0x6a: {  	_ =	swait.ge [sflag:s24], $0x80  }
0x6b: {  	[sflag:s24] =	ssyncset.done $0x0  }
0x6c: {  	[sflag:s24] =	ssyncadd.s32 $0xFFFFFF80  }
0x6d: {  	_ =	swait.ge [sflag:s24], $0x80  }
0x6e: {  	[sflag:s24] =	ssyncset.done $0x0  }
0x6f: {  	[sflag:s24] =	ssyncadd.s32 $0xFFFFFF80  }
0x70: {  	_ =	swait.ge [sflag:s24], $0x80  }
0x71: {  	[sflag:s24] =	ssyncset.done $0x0  }
0x72: {  	[sflag:s24] =	ssyncadd.s32 $0xFFFFFF80  }
0x73: {  	_ =	swait.ge [sflag:s24], $0x80  }
0x74: {  	[sflag:s24] =	ssyncset.done $0x0  }
0x75: {  	[sflag:s24] =	ssyncadd.s32 $0xFFFFFF80  }
0x76: {  	_ =	swait.ge [sflag:s24], $0x80  }
0x77: {  	[sflag:s24] =	ssyncset.done $0x0  }
0x78: {  	[sflag:s24] =	ssyncadd.s32 $0xFFFFFF80  }
0x79: {  	_ =	swait.ge [sflag:s24], $0x80  }
0x7a: {  	[sflag:s24] =	ssyncset.done $0x0  }
0x7b: {  	[sflag:s24] =	ssyncadd.s32 $0xFFFFFF80  }
0x7c: {  	_ =	swait.ge [sflag:s24], $0x80  }
0x7d: {  	[sflag:s24] =	ssyncset.done $0x0  }
0x7e: {  	s10 =	simm.s32 $0x1;
	s22 =	simm.s32 $0x0;
	[sflag:s24] =	ssyncadd.s32 $0xFFFFFF80  }
.LBB2_2:
0x7f: {  	s23 =	sshra.s32 s22, $0x2  }
0x80: {  	v12 =	vld [tilespmem:s23+$0x0]  }
0x81: {  	v11 =	vld [tilespmem:s23+$0x200];
	_ =	sdelay $0x3  }
0x82: {  	(v2sf) =	vpush v12, $0x3  }
0x83: {  	(v2sf) =	vpush v11, $0x3;
	_ =	sdelay $0xc  }
0x84: {  	s3 =	smin.u32 s10, $0x1F  }
0x85: {  	s3 =	sshll.u32 s3, $0x4;
	v4 =	vld [tilespmem:s23+$0x10400];
	s11 =	spop (v2sf)  }
0x86: {  	v7 =	vld [tilespmem:s3+$0x0];
	s16 =	sand.u32 $0xFFFFF80, s11;
	s12 =	spop (v2sf)  }
0x87: {  	v6 =	vld [tilespmem:s3+$0x200];
	s3 =	sadd.s32 s1, s16;
	s18 =	sand.u32 $0xFFFFF80, s12  }
0x88: {  	v5 =	vld [tilespmem:s23+$0x10600];
	[tilespmem:s5], [sflag:$0x4] =	stream.strided.gather [hbm4b:s3+s26], $0x2000, s25, s26, $0x38  }
0x89: {  	s3 =	sadd.s32 s2, s18  }
0x8a: {  	[tilespmem:s17], [sflag:$0x4] =	stream.strided.gather [hbm4b:s3+s26], $0x2000, s25, s26, $0x38;
	[tilespmem:$0x10A00] =	vst v63  }
0x8b: {  	_ =	swait.ge [sflag:s7], $0x2000  }
0x8c: {  	[sflag:s7] =	ssyncset.done $0x0  }
0x8d: {  	[sflag:s7] =	ssyncadd.s32 $0xFFFFE000  }
0x8e: {  	_ =	swait.ge [sflag:s7], $0x2000  }
0x8f: {  	(v2sf) =	vpush v12, $0x0;
	_ =	sdelay $0x1  }
0x90: {  	(v2sf) =	vpush v11, $0x0;
	_ =	sdelay $0xc  }
0x91: {  	s21 =	spop (v2sf)  }
0x92: {  	s3 =	sand.u32 $0x7F, s21  }
0x93: {  	s6 =	spop (v2sf);
	v8 =	vor.u32 s3, v0  }
0x94: {  	s6 =	sand.u32 $0x7F, s6;
	v10 =	vor.u32 s3, v1  }
0x95: {  	v9 =	vor.u32 s6, v0  }
0x96: {  	[sflag:s7] =	ssyncset.done $0x0;
	v13 =	vor.u32 s6, v1  }
0x97: {  	[sflag:s7] =	ssyncadd.s32 $0xFFFFE000;
	v14 =	vor.u32 s3, v2  }
0x98: {  	v15 =	vor.u32 s6, v2;
	v8 =	vld.idx.msk [tilespmem:v8+s26+$0x0], $0xffff  }
0x99: {  	v16 =	vor.u32 s3, v3;
	v10 =	vld.idx.msk [tilespmem:v10+s26+$0x0], $0xffff  }
0x9a: {  	v17 =	vor.u32 s6, v3;
	v9 =	vld.idx.msk [tilespmem:v9+s28+$0x0], $0xffff  }
0x9b: {  	v13 =	vld.idx.msk [tilespmem:v13+s28+$0x0], $0xffff  }
0x9c: {  	v14 =	vld.idx.msk [tilespmem:v14+s26+$0x0], $0xffff  }
0x9d: {  	v15 =	vld.idx.msk [tilespmem:v15+s28+$0x0], $0xffff  }
0x9e: {  	(v2sf) =	vpush v12, $0x4;
	v16 =	vld.idx.msk [tilespmem:v16+s26+$0x0], $0xffff  }
0x9f: {  	(v2sf) =	vpush v11, $0x4;
	v17 =	vld.idx.msk [tilespmem:v17+s28+$0x0], $0xffff  }
0xa0: {  	v8 =	vmul.f32 v9, v8;
	v34 =	vmul.f32 v13, v10;
	_ =	sdelay $0x1  }
0xa1: {  	v35 =	vmul.f32 v15, v14;
	v8 =	vadd.f32 v34, v8;
	_ =	sdelay $0x1  }
0xa2: {  	v36 =	vmul.f32 v17, v16;
	v8 =	vadd.f32 v35, v8;
	_ =	sdelay $0x1  }
0xa3: {  	v8 =	vadd.f32 v36, v8;
	_ =	sdelay $0x1  }
0xa4: {  	(xrf2) =	vadd.scan.msk.f32 $0xffff, v8;
	_ =	sdelay $0x4  }
0xa5: {  	s13 =	spop (v2sf)  }
0xa6: {  	s6 =	sand.u32 $0xFFFFF80, s13;
	s14 =	spop (v2sf)  }
0xa7: {  	s3 =	sadd.s32 s1, s6;
	s15 =	sand.u32 $0xFFFFF80, s14  }
0xa8: {  	[tilespmem:s26], [sflag:$0x1] =	stream.strided.gather [hbm4b:s3+s26], $0x2000, s25, s26, $0x38;
	[tilespmem:$0x10A00] =	vst v63  }
0xa9: {  	s3 =	sadd.s32 s2, s15  }
0xaa: {  	[tilespmem:s28], [sflag:$0x1] =	stream.strided.gather [hbm4b:s3+s26], $0x2000, s25, s26, $0x38;
	v8, _, _ =	vpop (xrf2);
	[tilespmem:$0x10A00] =	vst v63  }
0xab: {  	_ =	swait.ge [sflag:s19], $0x2000  }
0xac: {  	[sflag:s19] =	ssyncset.done $0x0  }
0xad: {  	[sflag:s19] =	ssyncadd.s32 $0xFFFFE000  }
0xae: {  	_ =	swait.ge [sflag:s19], $0x2000  }
0xaf: {  	(v2sf) =	vpush v12, $0x1;
	_ =	sdelay $0x1  }
0xb0: {  	(v2sf) =	vpush v11, $0x1;
	_ =	sdelay $0xc  }
0xb1: {  	s16 =	spop (v2sf)  }
0xb2: {  	s3 =	sand.u32 $0x7F, s16  }
0xb3: {  	s18 =	spop (v2sf);
	v37 =	vor.u32 s3, v0  }
0xb4: {  	s6 =	sand.u32 $0x7F, s18;
	v39 =	vor.u32 s3, v1  }
0xb5: {  	v38 =	vor.u32 s6, v0  }
0xb6: {  	[sflag:s19] =	ssyncset.done $0x0;
	v40 =	vor.u32 s6, v1  }
0xb7: {  	[sflag:s19] =	ssyncadd.s32 $0xFFFFE000;
	v41 =	vor.u32 s3, v2  }
0xb8: {  	v42 =	vor.u32 s6, v2;
	v9 =	vld.idx.msk [tilespmem:v37+s29+$0x0], $0xffff  }
0xb9: {  	v43 =	vor.u32 s3, v3;
	v13 =	vld.idx.msk [tilespmem:v39+s29+$0x0], $0xffff  }
0xba: {  	v18 =	vor.u32 s6, v3;
	v10 =	vld.idx.msk [tilespmem:v38+s30+$0x0], $0xffff  }
0xbb: {  	v14 =	vld.idx.msk [tilespmem:v40+s30+$0x0], $0xffff  }
0xbc: {  	v15 =	vld.idx.msk [tilespmem:v41+s29+$0x0], $0xffff  }
0xbd: {  	v16 =	vld.idx.msk [tilespmem:v42+s30+$0x0], $0xffff  }
0xbe: {  	(v2sf) =	vpush v12, $0x5;
	v17 =	vld.idx.msk [tilespmem:v43+s29+$0x0], $0xffff  }
0xbf: {  	(v2sf) =	vpush v11, $0x5;
	v18 =	vld.idx.msk [tilespmem:v18+s30+$0x0], $0xffff  }
0xc0: {  	v9 =	vmul.f32 v10, v9;
	v44 =	vmul.f32 v14, v13;
	_ =	sdelay $0x1  }
0xc1: {  	v45 =	vmul.f32 v16, v15;
	v9 =	vadd.f32 v44, v9;
	_ =	sdelay $0x1  }
0xc2: {  	v46 =	vmul.f32 v18, v17;
	v9 =	vadd.f32 v45, v9;
	_ =	sdelay $0x1  }
0xc3: {  	v9 =	vadd.f32 v46, v9;
	_ =	sdelay $0x1  }
0xc4: {  	(xrf2) =	vadd.scan.msk.f32 $0xffff, v9;
	_ =	sdelay $0x4  }
0xc5: {  	s15 =	spop (v2sf)  }
0xc6: {  	s21 =	sand.u32 $0xFFFFF80, s15;
	s16 =	spop (v2sf)  }
0xc7: {  	s3 =	sadd.s32 s1, s21;
	s6 =	sand.u32 $0xFFFFF80, s16  }
0xc8: {  	[tilespmem:s29], [sflag:$0x2] =	stream.strided.gather [hbm4b:s3+s26], $0x2000, s25, s26, $0x38;
	[tilespmem:$0x10A00] =	vst v63  }
0xc9: {  	s3 =	sadd.s32 s2, s6  }
0xca: {  	[tilespmem:s30], [sflag:$0x2] =	stream.strided.gather [hbm4b:s3+s26], $0x2000, s25, s26, $0x38;
	v9, _, _ =	vpop (xrf2);
	[tilespmem:$0x10A00] =	vst v63  }
0xcb: {  	_ =	swait.ge [sflag:s8], $0x2000  }
0xcc: {  	[sflag:s8] =	ssyncset.done $0x0  }
0xcd: {  	[sflag:s8] =	ssyncadd.s32 $0xFFFFE000  }
0xce: {  	_ =	swait.ge [sflag:s8], $0x2000  }
0xcf: {  	(v2sf) =	vpush v12, $0x2;
	_ =	sdelay $0x1  }
0xd0: {  	(v2sf) =	vpush v11, $0x2;
	_ =	sdelay $0xc  }
0xd1: {  	s18 =	spop (v2sf)  }
0xd2: {  	s3 =	sand.u32 $0x7F, s18  }
0xd3: {  	s21 =	spop (v2sf);
	v47 =	vor.u32 s3, v0  }
0xd4: {  	s6 =	sand.u32 $0x7F, s21;
	v49 =	vor.u32 s3, v1  }
0xd5: {  	v48 =	vor.u32 s6, v0  }
0xd6: {  	[sflag:s8] =	ssyncset.done $0x0;
	v50 =	vor.u32 s6, v1  }
0xd7: {  	[sflag:s8] =	ssyncadd.s32 $0xFFFFE000;
	v51 =	vor.u32 s3, v2  }
0xd8: {  	v52 =	vor.u32 s6, v2;
	v10 =	vld.idx.msk [tilespmem:v47+s31+$0x0], $0xffff  }
0xd9: {  	v53 =	vor.u32 s3, v3;
	v14 =	vld.idx.msk [tilespmem:v49+s31+$0x0], $0xffff  }
0xda: {  	v19 =	vor.u32 s6, v3;
	v13 =	vld.idx.msk [tilespmem:v48+s0+$0x0], $0xffff  }
0xdb: {  	v15 =	vld.idx.msk [tilespmem:v50+s0+$0x0], $0xffff  }
0xdc: {  	v16 =	vld.idx.msk [tilespmem:v51+s31+$0x0], $0xffff  }
0xdd: {  	v17 =	vld.idx.msk [tilespmem:v52+s0+$0x0], $0xffff  }
0xde: {  	(v2sf) =	vpush v12, $0x6;
	v18 =	vld.idx.msk [tilespmem:v53+s31+$0x0], $0xffff  }
0xdf: {  	(v2sf) =	vpush v11, $0x6;
	v19 =	vld.idx.msk [tilespmem:v19+s0+$0x0], $0xffff  }
0xe0: {  	v10 =	vmul.f32 v13, v10;
	v54 =	vmul.f32 v15, v14;
	_ =	sdelay $0x1  }
0xe1: {  	v55 =	vmul.f32 v17, v16;
	v10 =	vadd.f32 v54, v10;
	_ =	sdelay $0x1  }
0xe2: {  	v56 =	vmul.f32 v19, v18;
	v10 =	vadd.f32 v55, v10;
	_ =	sdelay $0x1  }
0xe3: {  	v10 =	vadd.f32 v56, v10;
	_ =	sdelay $0x1  }
0xe4: {  	(xrf2) =	vadd.scan.msk.f32 $0xffff, v10;
	_ =	sdelay $0x4  }
0xe5: {  	s21 =	spop (v2sf)  }
0xe6: {  	s18 =	sand.u32 $0xFFFFF80, s21;
	s3 =	spop (v2sf)  }
0xe7: {  	s6 =	sadd.s32 s1, s18;
	s18 =	sand.u32 $0xFFFFF80, s3  }
0xe8: {  	[tilespmem:s31], [sflag:$0x3] =	stream.strided.gather [hbm4b:s6+s26], $0x2000, s25, s26, $0x38;
	[tilespmem:$0x10A00] =	vst v63  }
0xe9: {  	s6 =	sadd.s32 s2, s18  }
0xea: {  	[tilespmem:s0], [sflag:$0x3] =	stream.strided.gather [hbm4b:s6+s26], $0x2000, s25, s26, $0x38;
	v10, _, _ =	vpop (xrf2);
	[tilespmem:$0x10A00] =	vst v63  }
0xeb: {  	s11 =	sand.u32 $0x7F, s11;
	_ =	swait.ge [sflag:s20], $0x2000  }
0xec: {  	s12 =	sand.u32 $0x7F, s12;
	v57 =	vor.u32 s11, v0;
	[sflag:s20] =	ssyncset.done $0x0  }
0xed: {  	v58 =	vor.u32 s12, v0;
	[sflag:s20] =	ssyncadd.s32 $0xFFFFE000  }
0xee: {  	v59 =	vor.u32 s11, v1;
	_ =	swait.ge [sflag:s20], $0x2000  }
0xef: {  	v60 =	vor.u32 s12, v1;
	[sflag:s20] =	ssyncset.done $0x0  }
0xf0: {  	v61 =	vor.u32 s11, v2;
	[sflag:s20] =	ssyncadd.s32 $0xFFFFE000  }
0xf1: {  	v62 =	vor.u32 s12, v2;
	v13 =	vld.idx.msk [tilespmem:v57+s5+$0x0], $0xffff  }
0xf2: {  	v63 =	vor.u32 s11, v3;
	v14 =	vld.idx.msk [tilespmem:v58+s17+$0x0], $0xffff  }
0xf3: {  	v20 =	vor.u32 s12, v3;
	v15 =	vld.idx.msk [tilespmem:v59+s5+$0x0], $0xffff  }
0xf4: {  	v16 =	vld.idx.msk [tilespmem:v60+s17+$0x0], $0xffff  }
0xf5: {  	v17 =	vld.idx.msk [tilespmem:v61+s5+$0x0], $0xffff  }
0xf6: {  	v18 =	vld.idx.msk [tilespmem:v62+s17+$0x0], $0xffff  }
0xf7: {  	(v2sf) =	vpush v12, $0x7;
	v19 =	vld.idx.msk [tilespmem:v63+s5+$0x0], $0xffff  }
0xf8: {  	(v2sf) =	vpush v11, $0x7;
	v20 =	vld.idx.msk [tilespmem:v20+s17+$0x0], $0xffff  }
0xf9: {  	v13 =	vmul.f32 v14, v13;
	v23 =	vmul.f32 v16, v15;
	_ =	sdelay $0x1  }
0xfa: {  	v24 =	vmul.f32 v18, v17;
	v13 =	vadd.f32 v23, v13;
	_ =	sdelay $0x1  }
0xfb: {  	v25 =	vmul.f32 v20, v19;
	v13 =	vadd.f32 v24, v13;
	_ =	sdelay $0x1  }
0xfc: {  	v13 =	vadd.f32 v25, v13;
	_ =	sdelay $0x1  }
0xfd: {  	(xrf2) =	vadd.scan.msk.f32 $0xffff, v13;
	_ =	sdelay $0x4  }
0xfe: {  	s11 =	spop (v2sf)  }
0xff: {  	s18 =	sand.u32 $0xFFFFF80, s11;
	s12 =	spop (v2sf)  }
0x100: {  	s6 =	sadd.s32 s1, s18;
	s18 =	sand.u32 $0xFFFFF80, s12  }
0x101: {  	[tilespmem:s5], [sflag:$0x4] =	stream.strided.gather [hbm4b:s6+s26], $0x2000, s25, s26, $0x38;
	[tilespmem:$0x10A00] =	vst v63  }
0x102: {  	s6 =	sadd.s32 s2, s18  }
0x103: {  	[tilespmem:s17], [sflag:$0x4] =	stream.strided.gather [hbm4b:s6+s26], $0x2000, s25, s26, $0x38;
	v13, _, _ =	vpop (xrf2);
	[tilespmem:$0x10A00] =	vst v63  }
0x104: {  	s13 =	sand.u32 $0x7F, s13;
	_ =	swait.ge [sflag:s7], $0x2000  }
0x105: {  	s14 =	sand.u32 $0x7F, s14;
	v26 =	vor.u32 s13, v0;
	[sflag:s7] =	ssyncset.done $0x0  }
0x106: {  	v27 =	vor.u32 s14, v0;
	[sflag:s7] =	ssyncadd.s32 $0xFFFFE000  }
0x107: {  	v28 =	vor.u32 s13, v1;
	_ =	swait.ge [sflag:s7], $0x2000  }
0x108: {  	v29 =	vor.u32 s14, v1;
	[sflag:s7] =	ssyncset.done $0x0  }
0x109: {  	v30 =	vor.u32 s13, v2;
	[sflag:s7] =	ssyncadd.s32 $0xFFFFE000  }
0x10a: {  	v31 =	vor.u32 s14, v2;
	v14 =	vld.idx.msk [tilespmem:v26+s26+$0x0], $0xffff  }
0x10b: {  	v32 =	vor.u32 s13, v3;
	v15 =	vld.idx.msk [tilespmem:v27+s28+$0x0], $0xffff  }
0x10c: {  	v21 =	vor.u32 s14, v3;
	v16 =	vld.idx.msk [tilespmem:v28+s26+$0x0], $0xffff  }
0x10d: {  	v17 =	vld.idx.msk [tilespmem:v29+s28+$0x0], $0xffff  }
0x10e: {  	v18 =	vld.idx.msk [tilespmem:v30+s26+$0x0], $0xffff  }
0x10f: {  	v19 =	vld.idx.msk [tilespmem:v31+s28+$0x0], $0xffff  }
0x110: {  	(v2sf) =	vpush v12, $0x8;
	v20 =	vld.idx.msk [tilespmem:v32+s26+$0x0], $0xffff  }
0x111: {  	(v2sf) =	vpush v11, $0x8;
	v21 =	vld.idx.msk [tilespmem:v21+s28+$0x0], $0xffff  }
0x112: {  	v14 =	vmul.f32 v15, v14;
	v33 =	vmul.f32 v17, v16;
	_ =	sdelay $0x1  }
0x113: {  	v34 =	vmul.f32 v19, v18;
	v14 =	vadd.f32 v33, v14;
	_ =	sdelay $0x1  }
0x114: {  	v35 =	vmul.f32 v21, v20;
	v14 =	vadd.f32 v34, v14;
	_ =	sdelay $0x1  }
0x115: {  	v14 =	vadd.f32 v35, v14;
	_ =	sdelay $0x1  }
0x116: {  	(xrf2) =	vadd.scan.msk.f32 $0xffff, v14;
	_ =	sdelay $0x4  }
0x117: {  	s13 =	spop (v2sf)  }
0x118: {  	s18 =	sand.u32 $0xFFFFF80, s13;
	s14 =	spop (v2sf)  }
0x119: {  	s6 =	sadd.s32 s1, s18;
	s18 =	sand.u32 $0xFFFFF80, s14  }
0x11a: {  	[tilespmem:s26], [sflag:$0x1] =	stream.strided.gather [hbm4b:s6+s26], $0x2000, s25, s26, $0x38;
	[tilespmem:$0x10A00] =	vst v63  }
0x11b: {  	s6 =	sadd.s32 s2, s18  }
0x11c: {  	[tilespmem:s28], [sflag:$0x1] =	stream.strided.gather [hbm4b:s6+s26], $0x2000, s25, s26, $0x38;
	v14, _, _ =	vpop (xrf2);
	[tilespmem:$0x10A00] =	vst v63  }
0x11d: {  	s15 =	sand.u32 $0x7F, s15;
	_ =	swait.ge [sflag:s19], $0x2000  }
0x11e: {  	s16 =	sand.u32 $0x7F, s16;
	v36 =	vor.u32 s15, v0;
	[sflag:s19] =	ssyncset.done $0x0  }
0x11f: {  	v37 =	vor.u32 s16, v0;
	[sflag:s19] =	ssyncadd.s32 $0xFFFFE000  }
0x120: {  	v38 =	vor.u32 s15, v1;
	_ =	swait.ge [sflag:s19], $0x2000  }
0x121: {  	v39 =	vor.u32 s16, v1;
	[sflag:s19] =	ssyncset.done $0x0  }
0x122: {  	v40 =	vor.u32 s15, v2;
	[sflag:s19] =	ssyncadd.s32 $0xFFFFE000  }
0x123: {  	v41 =	vor.u32 s16, v2;
	v15 =	vld.idx.msk [tilespmem:v36+s29+$0x0], $0xffff  }
0x124: {  	v42 =	vor.u32 s15, v3;
	v16 =	vld.idx.msk [tilespmem:v37+s30+$0x0], $0xffff  }
0x125: {  	v22 =	vor.u32 s16, v3;
	v17 =	vld.idx.msk [tilespmem:v38+s29+$0x0], $0xffff  }
0x126: {  	v18 =	vld.idx.msk [tilespmem:v39+s30+$0x0], $0xffff  }
0x127: {  	v19 =	vld.idx.msk [tilespmem:v40+s29+$0x0], $0xffff  }
0x128: {  	v20 =	vld.idx.msk [tilespmem:v41+s30+$0x0], $0xffff  }
0x129: {  	(v2sf) =	vpush v12, $0x9;
	v21 =	vld.idx.msk [tilespmem:v42+s29+$0x0], $0xffff  }
0x12a: {  	(v2sf) =	vpush v11, $0x9;
	v22 =	vld.idx.msk [tilespmem:v22+s30+$0x0], $0xffff  }
0x12b: {  	v15 =	vmul.f32 v16, v15;
	v43 =	vmul.f32 v18, v17;
	_ =	sdelay $0x1  }
0x12c: {  	v44 =	vmul.f32 v20, v19;
	v15 =	vadd.f32 v43, v15;
	_ =	sdelay $0x1  }
0x12d: {  	v45 =	vmul.f32 v22, v21;
	v15 =	vadd.f32 v44, v15;
	_ =	sdelay $0x1  }
0x12e: {  	v15 =	vadd.f32 v45, v15;
	_ =	sdelay $0x1  }
0x12f: {  	(xrf2) =	vadd.scan.msk.f32 $0xffff, v15;
	_ =	sdelay $0x4  }
0x130: {  	s15 =	spop (v2sf)  }
0x131: {  	s18 =	sand.u32 $0xFFFFF80, s15;
	s16 =	spop (v2sf)  }
0x132: {  	s6 =	sadd.s32 s1, s18;
	s18 =	sand.u32 $0xFFFFF80, s16  }
0x133: {  	[tilespmem:s29], [sflag:$0x2] =	stream.strided.gather [hbm4b:s6+s26], $0x2000, s25, s26, $0x38;
	[tilespmem:$0x10A00] =	vst v63  }
0x134: {  	s6 =	sadd.s32 s2, s18  }
0x135: {  	[tilespmem:s30], [sflag:$0x2] =	stream.strided.gather [hbm4b:s6+s26], $0x2000, s25, s26, $0x38;
	v15, _, _ =	vpop (xrf2);
	[tilespmem:$0x10A00] =	vst v63  }
0x136: {  	s21 =	sand.u32 $0x7F, s21;
	_ =	swait.ge [sflag:s8], $0x2000  }
0x137: {  	s3 =	sand.u32 $0x7F, s3;
	v46 =	vor.u32 s21, v0;
	[sflag:s8] =	ssyncset.done $0x0  }
0x138: {  	v47 =	vor.u32 s3, v0;
	[sflag:s8] =	ssyncadd.s32 $0xFFFFE000  }
0x139: {  	v48 =	vor.u32 s21, v1;
	_ =	swait.ge [sflag:s8], $0x2000  }
0x13a: {  	v49 =	vor.u32 s3, v1;
	[sflag:s8] =	ssyncset.done $0x0  }
0x13b: {  	v50 =	vor.u32 s21, v2;
	[sflag:s8] =	ssyncadd.s32 $0xFFFFE000  }
0x13c: {  	v51 =	vor.u32 s3, v2;
	v16 =	vld.idx.msk [tilespmem:v46+s31+$0x0], $0xffff  }
0x13d: {  	v52 =	vor.u32 s21, v3;
	v17 =	vld.idx.msk [tilespmem:v47+s0+$0x0], $0xffff  }
0x13e: {  	v23 =	vor.u32 s3, v3;
	v18 =	vld.idx.msk [tilespmem:v48+s31+$0x0], $0xffff  }
0x13f: {  	v19 =	vld.idx.msk [tilespmem:v49+s0+$0x0], $0xffff  }
0x140: {  	v20 =	vld.idx.msk [tilespmem:v50+s31+$0x0], $0xffff  }
0x141: {  	v21 =	vld.idx.msk [tilespmem:v51+s0+$0x0], $0xffff  }
0x142: {  	(v2sf) =	vpush v12, $0xA;
	v22 =	vld.idx.msk [tilespmem:v52+s31+$0x0], $0xffff  }
0x143: {  	(v2sf) =	vpush v11, $0xA;
	v23 =	vld.idx.msk [tilespmem:v23+s0+$0x0], $0xffff  }
0x144: {  	v16 =	vmul.f32 v17, v16;
	v53 =	vmul.f32 v19, v18;
	_ =	sdelay $0x1  }
0x145: {  	v54 =	vmul.f32 v21, v20;
	v16 =	vadd.f32 v53, v16;
	_ =	sdelay $0x1  }
0x146: {  	v55 =	vmul.f32 v23, v22;
	v16 =	vadd.f32 v54, v16;
	_ =	sdelay $0x1  }
0x147: {  	v16 =	vadd.f32 v55, v16;
	_ =	sdelay $0x1  }
0x148: {  	(xrf2) =	vadd.scan.msk.f32 $0xffff, v16;
	_ =	sdelay $0x4  }
0x149: {  	s3 =	spop (v2sf)  }
0x14a: {  	s18 =	sand.u32 $0xFFFFF80, s3;
	s21 =	spop (v2sf)  }
0x14b: {  	s6 =	sadd.s32 s1, s18;
	s18 =	sand.u32 $0xFFFFF80, s21  }
0x14c: {  	[tilespmem:s31], [sflag:$0x3] =	stream.strided.gather [hbm4b:s6+s26], $0x2000, s25, s26, $0x38;
	[tilespmem:$0x10A00] =	vst v63  }
0x14d: {  	s6 =	sadd.s32 s2, s18  }
0x14e: {  	[tilespmem:s0], [sflag:$0x3] =	stream.strided.gather [hbm4b:s6+s26], $0x2000, s25, s26, $0x38;
	v16, _, _ =	vpop (xrf2);
	[tilespmem:$0x10A00] =	vst v63  }
0x14f: {  	s11 =	sand.u32 $0x7F, s11;
	_ =	swait.ge [sflag:s20], $0x2000  }
0x150: {  	s12 =	sand.u32 $0x7F, s12;
	v56 =	vor.u32 s11, v0;
	[sflag:s20] =	ssyncset.done $0x0  }
0x151: {  	v57 =	vor.u32 s12, v0;
	[sflag:s20] =	ssyncadd.s32 $0xFFFFE000  }
0x152: {  	v58 =	vor.u32 s11, v1;
	_ =	swait.ge [sflag:s20], $0x2000  }
0x153: {  	v59 =	vor.u32 s12, v1;
	[sflag:s20] =	ssyncset.done $0x0  }
0x154: {  	v60 =	vor.u32 s11, v2;
	[sflag:s20] =	ssyncadd.s32 $0xFFFFE000  }
0x155: {  	v61 =	vor.u32 s12, v2;
	v17 =	vld.idx.msk [tilespmem:v56+s5+$0x0], $0xffff  }
0x156: {  	v62 =	vor.u32 s11, v3;
	v18 =	vld.idx.msk [tilespmem:v57+s17+$0x0], $0xffff  }
0x157: {  	v24 =	vor.u32 s12, v3;
	v19 =	vld.idx.msk [tilespmem:v58+s5+$0x0], $0xffff  }
0x158: {  	v20 =	vld.idx.msk [tilespmem:v59+s17+$0x0], $0xffff  }
0x159: {  	v21 =	vld.idx.msk [tilespmem:v60+s5+$0x0], $0xffff  }
0x15a: {  	v22 =	vld.idx.msk [tilespmem:v61+s17+$0x0], $0xffff  }
0x15b: {  	(v2sf) =	vpush v12, $0xB;
	v23 =	vld.idx.msk [tilespmem:v62+s5+$0x0], $0xffff  }
0x15c: {  	(v2sf) =	vpush v11, $0xB;
	v24 =	vld.idx.msk [tilespmem:v24+s17+$0x0], $0xffff  }
0x15d: {  	v17 =	vmul.f32 v18, v17;
	v63 =	vmul.f32 v20, v19;
	_ =	sdelay $0x1  }
0x15e: {  	v25 =	vmul.f32 v22, v21;
	v17 =	vadd.f32 v63, v17;
	_ =	sdelay $0x1  }
0x15f: {  	v26 =	vmul.f32 v24, v23;
	v17 =	vadd.f32 v25, v17;
	_ =	sdelay $0x1  }
0x160: {  	v17 =	vadd.f32 v26, v17;
	_ =	sdelay $0x1  }
0x161: {  	(xrf2) =	vadd.scan.msk.f32 $0xffff, v17;
	_ =	sdelay $0x4  }
0x162: {  	s11 =	spop (v2sf)  }
0x163: {  	s18 =	sand.u32 $0xFFFFF80, s11;
	s12 =	spop (v2sf)  }
0x164: {  	s6 =	sadd.s32 s1, s18;
	s18 =	sand.u32 $0xFFFFF80, s12  }
0x165: {  	[tilespmem:s5], [sflag:$0x4] =	stream.strided.gather [hbm4b:s6+s26], $0x2000, s25, s26, $0x38;
	[tilespmem:$0x10A00] =	vst v63  }
0x166: {  	s6 =	sadd.s32 s2, s18  }
0x167: {  	[tilespmem:s17], [sflag:$0x4] =	stream.strided.gather [hbm4b:s6+s26], $0x2000, s25, s26, $0x38;
	v17, _, _ =	vpop (xrf2);
	[tilespmem:$0x10A00] =	vst v63  }
0x168: {  	s13 =	sand.u32 $0x7F, s13;
	_ =	swait.ge [sflag:s7], $0x2000  }
0x169: {  	v27 =	vor.u32 s13, v0;
	s18 =	sand.u32 $0x7F, s14;
	[sflag:s7] =	ssyncset.done $0x0  }
0x16a: {  	v28 =	vor.u32 s18, v0;
	[sflag:s7] =	ssyncadd.s32 $0xFFFFE000  }
0x16b: {  	v29 =	vor.u32 s13, v1;
	_ =	swait.ge [sflag:s7], $0x2000  }
0x16c: {  	v30 =	vor.u32 s18, v1;
	[sflag:s7] =	ssyncset.done $0x0  }
0x16d: {  	v31 =	vor.u32 s13, v2;
	[sflag:s7] =	ssyncadd.s32 $0xFFFFE000  }
0x16e: {  	v32 =	vor.u32 s18, v2;
	v18 =	vld.idx.msk [tilespmem:v27+s26+$0x0], $0xffff  }
0x16f: {  	v33 =	vor.u32 s13, v3;
	v19 =	vld.idx.msk [tilespmem:v28+s28+$0x0], $0xffff  }
0x170: {  	v25 =	vor.u32 s18, v3;
	v20 =	vld.idx.msk [tilespmem:v29+s26+$0x0], $0xffff  }
0x171: {  	v21 =	vld.idx.msk [tilespmem:v30+s28+$0x0], $0xffff  }
0x172: {  	v22 =	vld.idx.msk [tilespmem:v31+s26+$0x0], $0xffff  }
0x173: {  	v23 =	vld.idx.msk [tilespmem:v32+s28+$0x0], $0xffff  }
0x174: {  	(v2sf) =	vpush v12, $0xC;
	v24 =	vld.idx.msk [tilespmem:v33+s26+$0x0], $0xffff  }
0x175: {  	(v2sf) =	vpush v11, $0xC;
	v25 =	vld.idx.msk [tilespmem:v25+s28+$0x0], $0xffff  }
0x176: {  	v18 =	vmul.f32 v19, v18;
	v34 =	vmul.f32 v21, v20;
	_ =	sdelay $0x1  }
0x177: {  	v35 =	vmul.f32 v23, v22;
	v18 =	vadd.f32 v34, v18;
	_ =	sdelay $0x1  }
0x178: {  	v36 =	vmul.f32 v25, v24;
	v18 =	vadd.f32 v35, v18;
	_ =	sdelay $0x1  }
0x179: {  	v18 =	vadd.f32 v36, v18;
	_ =	sdelay $0x1  }
0x17a: {  	(xrf2) =	vadd.scan.msk.f32 $0xffff, v18;
	_ =	sdelay $0x4  }
0x17b: {  	s6 =	spop (v2sf)  }
0x17c: {  	s14 =	sand.u32 $0xFFFFF80, s6;
	s18 =	spop (v2sf)  }
0x17d: {  	s13 =	sadd.s32 s1, s14;
	s14 =	sand.u32 $0xFFFFF80, s18  }
0x17e: {  	[tilespmem:s26], [sflag:$0x1] =	stream.strided.gather [hbm4b:s13+s26], $0x2000, s25, s26, $0x38;
	[tilespmem:$0x10A00] =	vst v63  }
0x17f: {  	s13 =	sadd.s32 s2, s14  }
0x180: {  	[tilespmem:s28], [sflag:$0x1] =	stream.strided.gather [hbm4b:s13+s26], $0x2000, s25, s26, $0x38;
	v18, _, _ =	vpop (xrf2);
	[tilespmem:$0x10A00] =	vst v63  }
0x181: {  	s15 =	sand.u32 $0x7F, s15;
	_ =	swait.ge [sflag:s19], $0x2000  }
0x182: {  	s16 =	sand.u32 $0x7F, s16;
	v37 =	vor.u32 s15, v0;
	[sflag:s19] =	ssyncset.done $0x0  }
0x183: {  	v38 =	vor.u32 s16, v0;
	[sflag:s19] =	ssyncadd.s32 $0xFFFFE000  }
0x184: {  	v39 =	vor.u32 s15, v1;
	_ =	swait.ge [sflag:s19], $0x2000  }
0x185: {  	v40 =	vor.u32 s16, v1;
	[sflag:s19] =	ssyncset.done $0x0  }
0x186: {  	v41 =	vor.u32 s15, v2;
	[sflag:s19] =	ssyncadd.s32 $0xFFFFE000  }
0x187: {  	v42 =	vor.u32 s16, v2;
	v19 =	vld.idx.msk [tilespmem:v37+s29+$0x0], $0xffff  }
0x188: {  	v43 =	vor.u32 s15, v3;
	v20 =	vld.idx.msk [tilespmem:v38+s30+$0x0], $0xffff  }
0x189: {  	v26 =	vor.u32 s16, v3;
	v21 =	vld.idx.msk [tilespmem:v39+s29+$0x0], $0xffff  }
0x18a: {  	v22 =	vld.idx.msk [tilespmem:v40+s30+$0x0], $0xffff  }
0x18b: {  	v23 =	vld.idx.msk [tilespmem:v41+s29+$0x0], $0xffff  }
0x18c: {  	v24 =	vld.idx.msk [tilespmem:v42+s30+$0x0], $0xffff  }
0x18d: {  	(v2sf) =	vpush v12, $0xD;
	v25 =	vld.idx.msk [tilespmem:v43+s29+$0x0], $0xffff  }
0x18e: {  	(v2sf) =	vpush v11, $0xD;
	v26 =	vld.idx.msk [tilespmem:v26+s30+$0x0], $0xffff  }
0x18f: {  	v19 =	vmul.f32 v20, v19;
	v44 =	vmul.f32 v22, v21;
	_ =	sdelay $0x1  }
0x190: {  	v45 =	vmul.f32 v24, v23;
	v19 =	vadd.f32 v44, v19;
	_ =	sdelay $0x1  }
0x191: {  	v46 =	vmul.f32 v26, v25;
	v19 =	vadd.f32 v45, v19;
	_ =	sdelay $0x1  }
0x192: {  	v19 =	vadd.f32 v46, v19;
	_ =	sdelay $0x1  }
0x193: {  	(xrf2) =	vadd.scan.msk.f32 $0xffff, v19;
	_ =	sdelay $0x4  }
0x194: {  	s15 =	spop (v2sf)  }
0x195: {  	s14 =	sand.u32 $0xFFFFF80, s15;
	s16 =	spop (v2sf)  }
0x196: {  	s13 =	sadd.s32 s1, s14;
	s14 =	sand.u32 $0xFFFFF80, s16  }
0x197: {  	[tilespmem:s29], [sflag:$0x2] =	stream.strided.gather [hbm4b:s13+s26], $0x2000, s25, s26, $0x38;
	[tilespmem:$0x10A00] =	vst v63  }
0x198: {  	s13 =	sadd.s32 s2, s14  }
0x199: {  	[tilespmem:s30], [sflag:$0x2] =	stream.strided.gather [hbm4b:s13+s26], $0x2000, s25, s26, $0x38;
	v19, _, _ =	vpop (xrf2);
	[tilespmem:$0x10A00] =	vst v63  }
0x19a: {  	s3 =	sand.u32 $0x7F, s3;
	_ =	swait.ge [sflag:s8], $0x2000  }
0x19b: {  	v47 =	vor.u32 s3, v0;
	s14 =	sand.u32 $0x7F, s21;
	[sflag:s8] =	ssyncset.done $0x0  }
0x19c: {  	v48 =	vor.u32 s14, v0;
	[sflag:s8] =	ssyncadd.s32 $0xFFFFE000  }
0x19d: {  	v49 =	vor.u32 s3, v1;
	_ =	swait.ge [sflag:s8], $0x2000  }
0x19e: {  	v50 =	vor.u32 s14, v1;
	[sflag:s8] =	ssyncset.done $0x0  }
0x19f: {  	v51 =	vor.u32 s3, v2;
	[sflag:s8] =	ssyncadd.s32 $0xFFFFE000  }
0x1a0: {  	v52 =	vor.u32 s14, v2;
	v20 =	vld.idx.msk [tilespmem:v47+s31+$0x0], $0xffff  }
0x1a1: {  	v53 =	vor.u32 s3, v3;
	v21 =	vld.idx.msk [tilespmem:v48+s0+$0x0], $0xffff  }
0x1a2: {  	v27 =	vor.u32 s14, v3;
	v22 =	vld.idx.msk [tilespmem:v49+s31+$0x0], $0xffff  }
0x1a3: {  	v23 =	vld.idx.msk [tilespmem:v50+s0+$0x0], $0xffff  }
0x1a4: {  	v24 =	vld.idx.msk [tilespmem:v51+s31+$0x0], $0xffff  }
0x1a5: {  	v25 =	vld.idx.msk [tilespmem:v52+s0+$0x0], $0xffff  }
0x1a6: {  	(v2sf) =	vpush v12, $0xE;
	v26 =	vld.idx.msk [tilespmem:v53+s31+$0x0], $0xffff  }
0x1a7: {  	(v2sf) =	vpush v11, $0xE;
	v27 =	vld.idx.msk [tilespmem:v27+s0+$0x0], $0xffff  }
0x1a8: {  	v20 =	vmul.f32 v21, v20;
	v54 =	vmul.f32 v23, v22;
	_ =	sdelay $0x1  }
0x1a9: {  	v55 =	vmul.f32 v25, v24;
	v20 =	vadd.f32 v54, v20;
	_ =	sdelay $0x1  }
0x1aa: {  	v56 =	vmul.f32 v27, v26;
	v20 =	vadd.f32 v55, v20;
	_ =	sdelay $0x1  }
0x1ab: {  	v20 =	vadd.f32 v56, v20;
	_ =	sdelay $0x1  }
0x1ac: {  	(xrf2) =	vadd.scan.msk.f32 $0xffff, v20;
	_ =	sdelay $0x4  }
0x1ad: {  	s13 =	spop (v2sf)  }
0x1ae: {  	s21 =	sand.u32 $0xFFFFF80, s13;
	s14 =	spop (v2sf)  }
0x1af: {  	s3 =	sadd.s32 s1, s21;
	s21 =	sand.u32 $0xFFFFF80, s14  }
0x1b0: {  	[tilespmem:s31], [sflag:$0x3] =	stream.strided.gather [hbm4b:s3+s26], $0x2000, s25, s26, $0x38;
	[tilespmem:$0x10A00] =	vst v63  }
0x1b1: {  	s3 =	sadd.s32 s2, s21  }
0x1b2: {  	[tilespmem:s0], [sflag:$0x3] =	stream.strided.gather [hbm4b:s3+s26], $0x2000, s25, s26, $0x38;
	v20, _, _ =	vpop (xrf2);
	[tilespmem:$0x10A00] =	vst v63  }
0x1b3: {  	s11 =	sand.u32 $0x7F, s11;
	_ =	swait.ge [sflag:s20], $0x2000  }
0x1b4: {  	s12 =	sand.u32 $0x7F, s12;
	v57 =	vor.u32 s11, v0;
	[sflag:s20] =	ssyncset.done $0x0  }
0x1b5: {  	v58 =	vor.u32 s12, v0;
	[sflag:s20] =	ssyncadd.s32 $0xFFFFE000  }
0x1b6: {  	v59 =	vor.u32 s11, v1;
	_ =	swait.ge [sflag:s20], $0x2000  }
0x1b7: {  	v60 =	vor.u32 s12, v1;
	[sflag:s20] =	ssyncset.done $0x0  }
0x1b8: {  	v61 =	vor.u32 s11, v2;
	[sflag:s20] =	ssyncadd.s32 $0xFFFFE000  }
0x1b9: {  	v62 =	vor.u32 s12, v2;
	v21 =	vld.idx.msk [tilespmem:v57+s5+$0x0], $0xffff  }
0x1ba: {  	v63 =	vor.u32 s11, v3;
	v22 =	vld.idx.msk [tilespmem:v58+s17+$0x0], $0xffff  }
0x1bb: {  	v28 =	vor.u32 s12, v3;
	v23 =	vld.idx.msk [tilespmem:v59+s5+$0x0], $0xffff  }
0x1bc: {  	v24 =	vld.idx.msk [tilespmem:v60+s17+$0x0], $0xffff  }
0x1bd: {  	v25 =	vld.idx.msk [tilespmem:v61+s5+$0x0], $0xffff  }
0x1be: {  	v26 =	vld.idx.msk [tilespmem:v62+s17+$0x0], $0xffff  }
0x1bf: {  	(v2sf) =	vpush v12, $0xF;
	v30 =	vld.idx.msk [tilespmem:v63+s5+$0x0], $0xffff  }
0x1c0: {  	(v2sf) =	vpush v11, $0xF;
	v31 =	vld.idx.msk [tilespmem:v28+s17+$0x0], $0xffff  }
0x1c1: {  	v32 =	vmul.f32 v22, v21;
	v33 =	vmul.f32 v24, v23;
	_ =	sdelay $0x1  }
0x1c2: {  	v34 =	vmul.f32 v26, v25;
	v11 =	vadd.f32 v33, v32;
	_ =	sdelay $0x1  }
0x1c3: {  	v12 =	vmul.f32 v31, v30;
	v11 =	vadd.f32 v34, v11;
	_ =	sdelay $0x1  }
0x1c4: {  	v11 =	vadd.f32 v12, v11;
	_ =	sdelay $0x1  }
0x1c5: {  	(xrf2) =	vadd.scan.msk.f32 $0xffff, v11;
	_ =	sdelay $0x4  }
0x1c6: {  	s12 =	spop (v2sf)  }
0x1c7: {  	s21 =	sand.u32 $0xFFFFF80, s12;
	s11 =	spop (v2sf)  }
0x1c8: {  	s3 =	sadd.s32 s1, s21;
	s21 =	sand.u32 $0xFFFFF80, s11  }
0x1c9: {  	[tilespmem:s5], [sflag:$0x4] =	stream.strided.gather [hbm4b:s3+s26], $0x2000, s25, s26, $0x38;
	[tilespmem:$0x10A00] =	vst v63  }
0x1ca: {  	s3 =	sadd.s32 s2, s21  }
0x1cb: {  	[tilespmem:s17], [sflag:$0x4] =	stream.strided.gather [hbm4b:s3+s26], $0x2000, s25, s26, $0x38;
	v11, _, _ =	vpop (xrf2);
	[tilespmem:$0x10A00] =	vst v63  }
0x1cc: {  	s6 =	sand.u32 $0x7F, s6;
	_ =	swait.ge [sflag:s7], $0x2000  }
0x1cd: {  	v35 =	vor.u32 s6, v0;
	s21 =	sand.u32 $0x7F, s18;
	[sflag:s7] =	ssyncset.done $0x0  }
0x1ce: {  	v36 =	vor.u32 s21, v0;
	[sflag:s7] =	ssyncadd.s32 $0xFFFFE000  }
0x1cf: {  	v37 =	vor.u32 s6, v1;
	_ =	swait.ge [sflag:s7], $0x2000  }
0x1d0: {  	v38 =	vor.u32 s21, v1;
	[sflag:s7] =	ssyncset.done $0x0  }
0x1d1: {  	v39 =	vor.u32 s6, v2;
	[sflag:s7] =	ssyncadd.s32 $0xFFFFE000  }
0x1d2: {  	v40 =	vor.u32 s21, v2;
	v12 =	vld.idx.msk [tilespmem:v35+s26+$0x0], $0xffff  }
0x1d3: {  	v41 =	vor.u32 s6, v3;
	v21 =	vld.idx.msk [tilespmem:v36+s28+$0x0], $0xffff  }
0x1d4: {  	v42 =	vor.u32 s21, v3;
	v22 =	vld.idx.msk [tilespmem:v37+s26+$0x0], $0xffff  }
0x1d5: {  	p0 =	seq.s32 s22, $0x7C0;
	v23 =	vld.idx.msk [tilespmem:v38+s28+$0x0], $0xffff  }
0x1d6: {  	(v2sf) =	vpush @!p0 v7, $0x0;
	v24 =	vld.idx.msk [tilespmem:v39+s26+$0x0], $0xffff  }
0x1d7: {  	v25 =	vld.idx.msk [tilespmem:v40+s28+$0x0], $0xffff  }
0x1d8: {  	v26 =	vld.idx.msk [tilespmem:v41+s26+$0x0], $0xffff  }
0x1d9: {  	v27 =	vld.idx.msk [tilespmem:v42+s28+$0x0], $0xffff  }
0x1da: {  	(v2sf) =	vpush @!p0 v6, $0x0;
	v12 =	vmul.f32 v21, v12;
	v43 =	vmul.f32 v23, v22;
	_ =	sdelay $0x1  }
0x1db: {  	v44 =	vmul.f32 v25, v24;
	v12 =	vadd.f32 v43, v12;
	_ =	sdelay $0x1  }
0x1dc: {  	v45 =	vmul.f32 v27, v26;
	v12 =	vadd.f32 v44, v12;
	_ =	sdelay $0x1  }
0x1dd: {  	v12 =	vadd.f32 v45, v12;
	_ =	sdelay $0x1  }
0x1de: {  	(xrf2) =	vadd.scan.msk.f32 $0xffff, v12;
	_ =	sdelay $0x2  }
0x1df: {  	s3 =	spop @!p0 (v2sf)  }
0x1e0: {  	s3 =	sand.u32 @!p0 $0xFFFFF80, s3  }
0x1e1: {  	s6 =	simm.s32 @!p0 $0x400;
	s18 =	sadd.s32 @!p0 s1, s3;
	s3 =	simm.s32 @!p0 $0x7A1400  }
0x1e2: {  	[tilespmem:s6], [sflag:$0x1] =	stream.strided.gather @!p0 [hbm4b:s18+s6], $0x2000, s3, s6, $0x38;
	[tilespmem:$0x10A00] =	vst v63  }
0x1e3: {  	s18 =	spop @!p0 (v2sf)  }
0x1e4: {  	s18 =	sand.u32 @!p0 $0xFFFFF80, s18  }
0x1e5: {  	s21 =	simm.s32 @!p0 $0x8400;
	s18 =	sadd.s32 @!p0 s2, s18  }
0x1e6: {  	[tilespmem:s21], [sflag:$0x1] =	stream.strided.gather @!p0 [hbm4b:s18+s6], $0x2000, s3, s6, $0x38;
	v12, _, _ =	vpop (xrf2);
	[tilespmem:$0x10A00] =	vst v63  }
0x1e7: {  	s15 =	sand.u32 $0x7F, s15;
	_ =	swait.ge [sflag:s19], $0x2000  }
0x1e8: {  	s16 =	sand.u32 $0x7F, s16;
	v46 =	vor.u32 s15, v0;
	[sflag:s19] =	ssyncset.done $0x0  }
0x1e9: {  	v47 =	vor.u32 s16, v0;
	[sflag:s19] =	ssyncadd.s32 $0xFFFFE000  }
0x1ea: {  	v48 =	vor.u32 s15, v1;
	_ =	swait.ge [sflag:s19], $0x2000  }
0x1eb: {  	v49 =	vor.u32 s16, v1;
	[sflag:s19] =	ssyncset.done $0x0  }
0x1ec: {  	v50 =	vor.u32 s15, v2;
	[sflag:s19] =	ssyncadd.s32 $0xFFFFE000  }
0x1ed: {  	v51 =	vor.u32 s16, v2;
	v21 =	vld.idx.msk [tilespmem:v46+s29+$0x0], $0xffff  }
0x1ee: {  	v52 =	vor.u32 s15, v3;
	v22 =	vld.idx.msk [tilespmem:v47+s30+$0x0], $0xffff  }
0x1ef: {  	v53 =	vor.u32 s16, v3;
	v23 =	vld.idx.msk [tilespmem:v48+s29+$0x0], $0xffff  }
0x1f0: {  	v24 =	vld.idx.msk [tilespmem:v49+s30+$0x0], $0xffff  }
0x1f1: {  	(v2sf) =	vpush @!p0 v7, $0x1;
	v25 =	vld.idx.msk [tilespmem:v50+s29+$0x0], $0xffff  }
0x1f2: {  	v26 =	vld.idx.msk [tilespmem:v51+s30+$0x0], $0xffff  }
0x1f3: {  	v27 =	vld.idx.msk [tilespmem:v52+s29+$0x0], $0xffff  }
0x1f4: {  	v28 =	vld.idx.msk [tilespmem:v53+s30+$0x0], $0xffff  }
0x1f5: {  	(v2sf) =	vpush @!p0 v6, $0x1;
	v21 =	vmul.f32 v22, v21;
	v54 =	vmul.f32 v24, v23;
	_ =	sdelay $0x1  }
0x1f6: {  	v55 =	vmul.f32 v26, v25;
	v21 =	vadd.f32 v54, v21;
	_ =	sdelay $0x1  }
0x1f7: {  	v56 =	vmul.f32 v28, v27;
	v21 =	vadd.f32 v55, v21;
	_ =	sdelay $0x1  }
0x1f8: {  	v21 =	vadd.f32 v56, v21;
	_ =	sdelay $0x1  }
0x1f9: {  	(xrf2) =	vadd.scan.msk.f32 $0xffff, v21;
	_ =	sdelay $0x2  }
0x1fa: {  	s15 =	spop @!p0 (v2sf)  }
0x1fb: {  	s15 =	sand.u32 @!p0 $0xFFFFF80, s15  }
0x1fc: {  	s16 =	simm.s32 @!p0 $0x2400;
	s15 =	sadd.s32 @!p0 s1, s15  }
0x1fd: {  	[tilespmem:s16], [sflag:$0x2] =	stream.strided.gather @!p0 [hbm4b:s15+s6], $0x2000, s3, s6, $0x38;
	[tilespmem:$0x10A00] =	vst v63  }
0x1fe: {  	s15 =	spop @!p0 (v2sf)  }
0x1ff: {  	s15 =	sand.u32 @!p0 $0xFFFFF80, s15  }
0x200: {  	s16 =	simm.s32 @!p0 $0xA400;
	s15 =	sadd.s32 @!p0 s2, s15  }
0x201: {  	[tilespmem:s16], [sflag:$0x2] =	stream.strided.gather @!p0 [hbm4b:s15+s6], $0x2000, s3, s6, $0x38;
	v21, _, _ =	vpop (xrf2);
	[tilespmem:$0x10A00] =	vst v63  }
0x202: {  	s13 =	sand.u32 $0x7F, s13;
	_ =	swait.ge [sflag:s8], $0x2000  }
0x203: {  	s14 =	sand.u32 $0x7F, s14;
	v57 =	vor.u32 s13, v0;
	[sflag:s8] =	ssyncset.done $0x0  }
0x204: {  	v58 =	vor.u32 s14, v0;
	[sflag:s8] =	ssyncadd.s32 $0xFFFFE000  }
0x205: {  	v59 =	vor.u32 s13, v1;
	_ =	swait.ge [sflag:s8], $0x2000  }
0x206: {  	v60 =	vor.u32 s14, v1;
	[sflag:s8] =	ssyncset.done $0x0  }
0x207: {  	v61 =	vor.u32 s13, v2;
	[sflag:s8] =	ssyncadd.s32 $0xFFFFE000  }
0x208: {  	v62 =	vor.u32 s14, v2;
	v22 =	vld.idx.msk [tilespmem:v57+s31+$0x0], $0xffff  }
0x209: {  	v63 =	vor.u32 s13, v3;
	v23 =	vld.idx.msk [tilespmem:v58+s0+$0x0], $0xffff  }
0x20a: {  	v29 =	vor.u32 s14, v3;
	v24 =	vld.idx.msk [tilespmem:v59+s31+$0x0], $0xffff  }
0x20b: {  	v25 =	vld.idx.msk [tilespmem:v60+s0+$0x0], $0xffff  }
0x20c: {  	(v2sf) =	vpush @!p0 v7, $0x2;
	v32 =	vld.idx.msk [tilespmem:v61+s31+$0x0], $0xffff  }
0x20d: {  	v33 =	vld.idx.msk [tilespmem:v62+s0+$0x0], $0xffff  }
0x20e: {  	v34 =	vld.idx.msk [tilespmem:v63+s31+$0x0], $0xffff  }
0x20f: {  	v35 =	vld.idx.msk [tilespmem:v29+s0+$0x0], $0xffff  }
0x210: {  	(v2sf) =	vpush @!p0 v6, $0x2;
	v22 =	vmul.f32 v23, v22;
	v36 =	vmul.f32 v25, v24;
	_ =	sdelay $0x1  }
0x211: {  	v7 =	vmul.f32 v33, v32;
	v37 =	vadd.f32 v36, v22;
	_ =	sdelay $0x1  }
0x212: {  	v38 =	vmul.f32 v35, v34;
	v6 =	vadd.f32 v7, v37;
	_ =	sdelay $0x1  }
0x213: {  	v6 =	vadd.f32 v38, v6;
	_ =	sdelay $0x1  }
0x214: {  	(xrf2) =	vadd.scan.msk.f32 $0xffff, v6;
	_ =	sdelay $0x2  }
0x215: {  	s13 =	spop @!p0 (v2sf)  }
0x216: {  	s13 =	sand.u32 @!p0 $0xFFFFF80, s13  }
0x217: {  	s14 =	simm.s32 @!p0 $0x4400;
	s13 =	sadd.s32 @!p0 s1, s13  }
0x218: {  	[tilespmem:s14], [sflag:$0x3] =	stream.strided.gather @!p0 [hbm4b:s13+s6], $0x2000, s3, s6, $0x38;
	[tilespmem:$0x10A00] =	vst v63  }
0x219: {  	s13 =	spop @!p0 (v2sf)  }
0x21a: {  	s13 =	sand.u32 @!p0 $0xFFFFF80, s13  }
0x21b: {  	s14 =	simm.s32 @!p0 $0xC400;
	s13 =	sadd.s32 @!p0 s2, s13  }
0x21c: {  	[tilespmem:s14], [sflag:$0x3] =	stream.strided.gather @!p0 [hbm4b:s13+s6], $0x2000, s3, s6, $0x38;
	v6, _, _ =	vpop (xrf2);
	[tilespmem:$0x10A00] =	vst v63  }
0x21d: {  	v39 =	vbroadcast v8, $0xF;
	s18 =	sand.u32 $0x7F, s12;
	_ =	swait.ge [sflag:s20], $0x2000  }
0x21e: {  	v4 =	vadd.f32 v5, v4;
	s21 =	sand.u32 $0x7F, s11;
	v40 =	vor.u32 s18, v0;
	[sflag:s20] =	ssyncset.done $0x0  }
0x21f: {  	v9 =	vbroadcast v9, $0xF;
	v5 =	vor.u32 s21, v0;
	v7 =	vnsel vm0, $0x0, v39;
	[sflag:s20] =	ssyncadd.s32 $0xFFFFE000  }
0x220: {  	v41 =	vor.u32 s18, v1;
	v4 =	vadd.f32 v7, v4;
	_ =	swait.ge [sflag:s20], $0x2000  }
0x221: {  	v9 =	vnsel vm1, $0x0, v9;
	v10 =	vbroadcast v10, $0xF;
	v42 =	vor.u32 s21, v1;
	[sflag:s20] =	ssyncset.done $0x0  }
0x222: {  	v43 =	vor.u32 s18, v2;
	v4 =	vadd.f32 v9, v4;
	[sflag:s20] =	ssyncadd.s32 $0xFFFFE000  }
0x223: {  	v10 =	vnsel vm2, $0x0, v10;
	v13 =	vbroadcast v13, $0xF;
	v44 =	vor.u32 s21, v2;
	v8 =	vld.idx.msk [tilespmem:v40+s5+$0x0], $0xffff  }
0x224: {  	v45 =	vor.u32 s18, v3;
	v4 =	vadd.f32 v10, v4;
	v5 =	vld.idx.msk [tilespmem:v5+s17+$0x0], $0xffff  }
0x225: {  	v13 =	vnsel vm3, $0x0, v13;
	v14 =	vbroadcast v14, $0xF;
	v46 =	vor.u32 s21, v3;
	v47 =	vld.idx.msk [tilespmem:v41+s5+$0x0], $0xffff  }
0x226: {  	v4 =	vadd.f32 v13, v4;
	v7 =	vld.idx.msk [tilespmem:v42+s17+$0x0], $0xffff  }
0x227: {  	v14 =	vnsel vm4, $0x0, v14;
	v15 =	vbroadcast v15, $0xF;
	v48 =	vld.idx.msk [tilespmem:v43+s5+$0x0], $0xffff  }
0x228: {  	v4 =	vadd.f32 v14, v4;
	v9 =	vld.idx.msk [tilespmem:v44+s17+$0x0], $0xffff  }
0x229: {  	v15 =	vnsel vm5, $0x0, v15;
	v16 =	vbroadcast v16, $0xF;
	v49 =	vld.idx.msk [tilespmem:v45+s5+$0x0], $0xffff  }
0x22a: {  	v52 =	vbroadcast v17, $0xF;
	v4 =	vadd.f32 v15, v4;
	v50 =	vld.idx.msk [tilespmem:v46+s17+$0x0], $0xffff  }
0x22b: {  	v51 =	vnsel vm6, $0x0, v16;
	v5 =	vmul.f32 v5, v8;
	v7 =	vmul.f32 v7, v47  }
0x22c: {  	v55 =	vbroadcast v18, $0xF;
	v4 =	vadd.f32 v51, v4  }
0x22d: {  	v54 =	vnsel vm7, $0x0, v52;
	v53 =	vmul.f32 v9, v48;
	v5 =	vadd.f32 v7, v5  }
0x22e: {  	v57 =	vnsel vm8, $0x0, v55;
	v4 =	vadd.f32 v54, v4  }
0x22f: {  	v58 =	vbroadcast v19, $0xF;
	v56 =	vmul.f32 v50, v49;
	v5 =	vadd.f32 v53, v5  }
0x230: {  	v4 =	vadd.f32 v57, v4  }
0x231: {  	v60 =	vbroadcast v20, $0xF;
	v59 =	vnsel vm9, $0x0, v58;
	v5 =	vadd.f32 v56, v5  }
0x232: {  	v4 =	vadd.f32 v59, v4  }
0x233: {  	v61 =	vbroadcast v11, $0xF;
	(xrf2) =	vadd.scan.msk.f32 $0xffff, v5;
	v5 =	vnsel vm10, $0x0, v60  }
0x234: {  	v4 =	vadd.f32 v5, v4  }
0x235: {  	v62 =	vbroadcast v12, $0xF;
	v5 =	vnsel vm11, $0x0, v61  }
0x236: {  	v4 =	vadd.f32 v5, v4  }
0x237: {  	v63 =	vbroadcast v21, $0xF;
	v5 =	vnsel vm12, $0x0, v62  }
0x238: {  	v6 =	vbroadcast v6, $0xF;
	v4 =	vadd.f32 v5, v4  }
0x239: {  	v5 =	vnsel vm13, $0x0, v63  }
0x23a: {  	v4 =	vadd.f32 v5, v4;
	v5 =	vnsel vm14, $0x0, v6  }
0x23b: {  	s22 =	sadd.s32 $0x40, s22  }
0x23c: {  	p0 =	sne.s32 s22, $0x800  }
.Ltmp0:
0x23d: {  	v4 =	vadd.f32 v5, v4;
	v5, _, _ =	vpop (xrf2);
	(pc) =	sbr.rel @p0 .LBB2_2-.Ltmp0, $3  }
0x23e: {  	v5 =	vsel vm15, $0x0, v5  }
0x23f: {  	v4 =	vadd.f32 v5, v4;
	_ =	sdelay $0x1  }
0x240: {  	s10 =	sadd.s32 $0x1, s10;
	[tilespmem:s23+$0x10800] =	vst v4  }
0x241: {  	s3 =	rddreg [dreg:$0x10];
	s6 =	simm.s32 $0x10800;
	s22 =	simm.s32 $0x6  }
0x242: {  	[hbm4b:s3+s4] =	stream.linear.scatter [tilespmem:s6], [sflag:$0x6], $0x200, $0x38;
	[tilespmem:$0x10A00] =	vst v63  }
0x243: {  	_ =	swait.ge [sflag:s22], $0x200  }
0x244: {  	s9 =	sadd.s32 $0x1, s9;
	s23 =	rddreg [dreg:$0x11]  }
0x245: {  	p0 =	sne.s32 s9, s23  }
.Ltmp1:
0x246: {  	_ = 	snop;
	(pc) =	sbr.rel @p0 .LBB2_1-.Ltmp1, $3  }
0x247: {  	_ =	sdelay $0x1  }
0x248: {  	[sflag:s22] =	ssyncset.done $0x0  }
0x249: {  	[sflag:s22] =	ssyncadd.s32 $0xFFFFFE00  }
0x24a: {  	_ =	sfence.sel $0x180000  }
0x24b: {  	[bflag:$0x0] =	sbarrier.arrive $0xFFFF  }
0x24c: {  	_ =	strace $0x90000047  }
0x24d: {  	s0 =	stileid.u32;
	[bflag:$0x2] =	sbarrier.arrive $0xFFFF  }
0x24e: {  	p0 =	sne.s32 s0, $0x0;
	s0 =	rddreg [dreg:$0x6]  }
0x24f: {  	s0 =	sadd.s32 @!p0 $0x100000, s0  }
0x250: {  	[sflag:s0] =	ssyncadd.tile.s32 @!p0 $0x1;
	_ =	shalt  }
.Lfunc_end2:
_tile_overlayer_lowered:
.L_overlay_start_2:
0x251: {  	(tag) =	ssettag $0x2  }
0x252: {  	s0 =	rddreg [dreg:$0x0];
	s2 =	stileid.u32  }
0x253: {  	s1 =	rddreg [dreg:$0x1];
	p0 =	sne.s32 s2, $0x0  }
0x254: {  	s3 =	rddreg [dreg:$0x2];
	[bflag:$0x3] =	sbarrier.arrive $0xFFFF;
	s2 =	simm.s32 @!p0 $0x1C06  }
0x255: {  	[timem:s3], [sflag:s2] =	dma.local @!p0 [hbm:s0], s1  }
0x256: {  	s0 =	simm.s32 @!p0 $0x6  }
0x257: {  	_ =	swait.ge @!p0 [sflag:s0], s1  }
0x258: {  	s1 =	ssub.s32 @!p0 $0x0, s1;
	[sflag:s0] =	ssyncset.done @!p0 $0x0  }
0x259: {  	[sflag:s0] =	ssyncadd.s32 @!p0 s1  }
0x25a: {  	[bflag:$0x3] =	sbarrier.arrive $0xFFFF  }
0x25b: {  	_ =	shalt  }

</sc_bundles>
